<compile_context>
chip_gen: v7x
topology: tpu7x:2x2x1
jax: 0.10.2.dev20260603
libtpu: 0.0.44.dev20260713+nightly
codegen_flags: <defaults>
</compile_context>

<pallas_src>
import functools

import jax
import jax.numpy as jnp
from jax import lax
from jax.experimental import pallas as pl
from jax.experimental.pallas import tpu as pltpu
from jax.experimental.pallas import tpu_sc as plsc

_NW = 32
_CW = 1536
_NCHUNK = 651
_MAIN_END = _NCHUNK * _CW
_NCH_HI = -(-_NCHUNK // _NW)
_N_HI = _NCHUNK - _NW * (_NCH_HI - 1)
_B = 16384
_LBLK = 2048


def _cstart(w):
    return w * (_NCH_HI - 1) + jnp.minimum(w, _N_HI)


@functools.lru_cache(maxsize=None)
def _build():
    mesh = plsc.VectorSubcoreMesh(core_axis_name="c", subcore_axis_name="s")

    @functools.partial(
        pl.kernel,
        out_type=jax.ShapeDtypeStruct((_NW * 16,), jnp.float32),
        mesh=mesh,
        scratch_types=[
            pltpu.VMEM((16, _CW), jnp.float32),
            pltpu.VMEM((16, _CW), jnp.float32),
            pltpu.VMEM((16, _CW), jnp.float32),
            pltpu.VMEM((_B + 16,), jnp.int32),
            pltpu.VMEM((_B + 16,), jnp.int32),
            pltpu.VMEM((_LBLK,), jnp.int32),
            pltpu.VMEM((_LBLK,), jnp.int32),
            pltpu.VMEM((16, 128), jnp.float32),
            pltpu.VMEM((8, 128), jnp.float32),
            pltpu.VMEM((16,), jnp.float32),
            pltpu.VMEM_SHARED((_B // 8, 128), jnp.float32),
            pltpu.SemaphoreType.DMA,
            pltpu.SemaphoreType.DMA,
        ],
        compiler_params=pltpu.CompilerParams(
            use_tc_tiling_on_sc=True, needs_layout_passes=False),
    )
    def sc_kernel(centerT, label, feat2048, side8, out,
                  buf0, buf1, buf2, mpack, cpack, labv, labv2, frows, side_v, accv,
                  feat_sh, sem_c, sem_f):
        wid = lax.axis_index("s") * 2 + lax.axis_index("c")
        sid = lax.axis_index("s")
        lane = lax.iota(jnp.int32, 16)

        c0 = _cstart(wid)
        lo = c0 * _CW
        hi = jnp.where(wid == _NW - 1, 1000000, _cstart(wid + 1) * _CW)

        def scalar(v):
            return lax.squeeze(lax.slice(v, (0,), (1,)), (0,))

        @pl.when(sid == 0)
        def _():
            pltpu.sync_copy(feat2048, feat_sh)
        pltpu.sync_copy(side8, side_v)

        def cslice(g):
            gl = jnp.minimum((c0 + g) * _CW, _MAIN_END - _CW)
            return centerT.at[:, pl.ds(gl, _CW)]

        pltpu.async_copy(cslice(0), buf0, sem_c)
        pltpu.async_copy(cslice(1), buf1, sem_c)

        def pf_vreg(v, off, base, lref):
            lv = lref[pl.ds(v * 16, 16)]
            pos = base + v * 16 + lane
            m = (lv >= lo) & (lv < hi)
            rel = lv - lo
            plsc.store_compressed(
                mpack.at[pl.ds(off, 16)], (rel << 14) | pos, mask=m)
            return off + scalar(plsc.all_reduce_population_count(m))

        def pf_step(s, off, base, lref):
            off = pf_vreg(s * 2, off, base, lref)
            return pf_vreg(s * 2 + 1, off, base, lref)

        lbufs = (labv, labv2)
        nblk = _B // _LBLK
        copies = [pltpu.async_copy(
            label.at[pl.ds(0, _LBLK)], labv, sem_f)]
        off = jnp.int32(0)
        for blk in range(nblk):
            if blk + 1 < nblk:
                copies.append(pltpu.async_copy(
                    label.at[pl.ds((blk + 1) * _LBLK, _LBLK)],
                    lbufs[(blk + 1) % 2], sem_f))
            copies[blk].wait()
            off = lax.fori_loop(
                0, _LBLK // 32,
                lambda s, o, b=blk * _LBLK, r=lbufs[blk % 2]: pf_step(
                    s, o, b, r), off)
        mcnt = off
        mv = (mcnt + 15) >> 4

        plsc.subcore_barrier()

        def select_matches(rlo, rhi):
            def body(v, o):
                pk = mpack[pl.ds(v * 16, 16)]
                rel = pk >> 14
                valid = (v * 16 + lane) < mcnt
                m = (rel >= rlo) & (rel < rhi) & valid
                plsc.store_compressed(cpack.at[pl.ds(o, 16)], pk, mask=m)
                return o + scalar(plsc.all_reduce_population_count(m))
            return lax.fori_loop(0, mv, body, jnp.int32(0))

        def process_groups(ccnt, rcs, table_load, width, acc):
            def grp(gi, acc):
                pk = cpack[pl.ds(gi * 16, 16)]
                vmask = (gi * 16 + lane) < ccnt
                loc = pk >> 14
                loc = jnp.minimum(jnp.maximum(loc - rcs, 0), width - 1)
                pvec = pk & 16383
                pltpu.async_copy(
                    feat_sh.at[pvec >> 3], frows, sem_f).wait()
                fcol = (pvec & 7) << 4
                ga = jnp.zeros((16,), jnp.float32)
                for c in range(16):
                    cv = table_load(loc, c)
                    fv = plsc.load_gather(frows, [lane, fcol + c])
                    d = cv - fv
                    ga = ga + d * d
                return acc + jnp.where(vmask, ga, 0.0)
            return lax.fori_loop(0, (ccnt + 15) >> 4, grp, acc)

        acc = jnp.zeros((16,), jnp.float32)

        def chunk_iter(g, buf, nxt, acc):
            pltpu.async_copy(cslice(g + 2), nxt, sem_c)
            pltpu.make_async_copy(
                centerT.at[:, pl.ds(0, _CW)], buf, sem_c).wait()
            rcs = g * _CW
            ccnt = select_matches(
                rcs, jnp.minimum(rcs + _CW, _MAIN_END - lo))
            return process_groups(
                ccnt, rcs,
                lambda l, c: plsc.load_gather(
                    buf, [jnp.full((16,), c, jnp.int32), l]),
                _CW, acc)

        def outer(i, acc):
            acc = chunk_iter(3 * i, buf0, buf2, acc)
            acc = chunk_iter(3 * i + 1, buf1, buf0, acc)
            return chunk_iter(3 * i + 2, buf2, buf1, acc)

        acc = lax.fori_loop(0, _NCH_HI // 3, outer, acc)
        for _ in range(2):
            pltpu.make_async_copy(
                centerT.at[:, pl.ds(0, _CW)], buf0, sem_c).wait()

        rts = _MAIN_END - lo
        tcnt = select_matches(rts, jnp.int32(2 ** 18))
        acc = process_groups(
            tcnt, rts,
            lambda l, c: plsc.load_gather(
                side_v, [((l << 4) + c) >> 7, ((l << 4) + c) & 127]),
            64, acc)

        accv[...] = acc
        pltpu.sync_copy(accv, out.at[pl.ds(wid * 16, 16)])

    return sc_kernel


def kernel(feature, label, center):
    B, D = feature.shape
    centerT = center.T
    feat2048 = feature.reshape(B * D // 128, 128)
    side8 = center[_MAIN_END:].reshape(8, 128)
    partials = _build()(centerT, label, feat2048, side8)
    return jnp.sqrt(jnp.sum(partials)) * (0.5 / B)

# --- scband reference (transcript-rebuilt; emitter-appended) ---
"""Pipeline reference for scband-centerloss-71700184039702 (READ-ONLY COPY).

The authoritative reference and input builder live on the scoring server;
editing this copy changes nothing except your own understanding.
"""

import jax, jax.numpy as jnp
import numpy as np

NUM_CLASSES = 1000000
FEAT_DIM = 16
BATCH = 16384


def setup_inputs(seed: int = 0) -> dict:
    key = jax.random.key(seed)
    k1, k2, k3 = jax.random.split(key, 3)
    feature = jax.random.normal(k1, (BATCH, FEAT_DIM), dtype=jnp.float32)
    label = jax.random.randint(k2, (BATCH,), 0, NUM_CLASSES, dtype=jnp.int32)
    # learned parameter: class centers, initialized as 10 * randn like the torch module
    center = 10.0 * jax.random.normal(k3, (NUM_CLASSES, FEAT_DIM), dtype=jnp.float32)
    return {"feature": feature, "label": label, "center": center}


def reference(feature, label, center):
    batch_size = label.shape[0]
    # index_select(dim=0, index=label) -> gather center rows
    nCenter = jnp.take(center, label, axis=0)
    # torch.Tensor.dist default p=2: Frobenius norm of the difference
    diff = feature - nCenter
    distance = jnp.sqrt(jnp.sum(diff * diff))
    loss = (1.0 / 2.0 / batch_size) * distance
    return loss

if __name__ == "__main__":
    import jax
    _d = setup_inputs()
    print(jax.jit(kernel)(*tuple(_d.values())))

</pallas_src>

<mosaic_0001>
#map = affine_map<(d0, d1) -> (0, 0)>
#map1 = affine_map<(d0, d1) -> (0)>
module attributes {stable_mosaic.version = 14 : i64} {
  func.func @sc_kernel(%arg0: i32, %arg1: i32, %arg2: memref<16x1000000xf32, #tpu.memory_space<hbm>>, %arg3: memref<16384xi32, #tpu.memory_space<hbm>>, %arg4: memref<2048x128xf32, #tpu.memory_space<hbm>>, %arg5: memref<8x128xf32, #tpu.memory_space<hbm>>, %arg6: memref<512xf32, #tpu.memory_space<hbm>>, %arg7: memref<16x1536xf32, #tpu.memory_space<vmem>>, %arg8: memref<16x1536xf32, #tpu.memory_space<vmem>>, %arg9: memref<16x1536xf32, #tpu.memory_space<vmem>>, %arg10: memref<16400xi32, #tpu.memory_space<vmem>>, %arg11: memref<16400xi32, #tpu.memory_space<vmem>>, %arg12: memref<2048xi32, #tpu.memory_space<vmem>>, %arg13: memref<2048xi32, #tpu.memory_space<vmem>>, %arg14: memref<16x128xf32, #tpu.memory_space<vmem>>, %arg15: memref<8x128xf32, #tpu.memory_space<vmem>>, %arg16: memref<16xf32, #tpu.memory_space<vmem>>, %arg17: memref<2048x128xf32, #tpu.memory_space<vmem_shared>>, %arg18: memref<!tpu.dma_semaphore, #tpu.memory_space<semaphore_mem>>, %arg19: memref<!tpu.dma_semaphore, #tpu.memory_space<semaphore_mem>>) attributes {dimension_semantics = [#tpu.dimension_semantics<core_parallel>, #tpu.dimension_semantics<subcore_parallel>], iteration_bounds = array<i64: 2, 16>, scalar_prefetch = 0 : i64, scratch_operands = 13 : i64, tpu.core_type = #tpu.core_type<sc_vector_subcore>, window_params = [{transform_indices = #map}, {transform_indices = #map1}, {transform_indices = #map}, {transform_indices = #map}, {transform_indices = #map1}]} {
    %mul3A = arith.constant 2 : i32
    %mul3A_0 = arith.muli %arg1, %mul3A : i32
    %add3A = arith.addi %mul3A_0, %arg0 : i32
    %iota3A = tpu.iota {dimensions = array<i32: 0>} : vector<16xi32>
    %mul3A_1 = arith.constant 20 : i32
    %mul3A_2 = arith.muli %add3A, %mul3A_1 : i32
    %min3A = arith.constant 11 : i32
    %min3A_3 = arith.minsi %add3A, %min3A : i32
    %add3A_4 = arith.addi %mul3A_2, %min3A_3 : i32
    %mul3A_5 = arith.constant 1536 : i32
    %mul3A_6 = arith.muli %add3A_4, %mul3A_5 : i32
    %eq3A = arith.constant 31 : i32
    %eq3A_7 = arith.cmpi eq, %add3A, %eq3A : i32
    %add3A_8 = arith.constant 1 : i32
    %add3A_9 = arith.addi %add3A, %add3A_8 : i32
    %mul3A_10 = arith.constant 20 : i32
    %mul3A_11 = arith.muli %add3A_9, %mul3A_10 : i32
    %min3A_12 = arith.constant 11 : i32
    %min3A_13 = arith.minsi %add3A_9, %min3A_12 : i32
    %add3A_14 = arith.addi %mul3A_11, %min3A_13 : i32
    %mul3A_15 = arith.constant 1536 : i32
    %mul3A_16 = arith.muli %add3A_14, %mul3A_15 : i32
    %jit3A = arith.constant 1000000 : i32
    %select_n3A = arith.select %eq3A_7, %jit3A, %mul3A_16 : i32
    %eq3A_17 = arith.constant 0 : i32
    %eq3A_18 = arith.cmpi eq, %arg1, %eq3A_17 : i32
    %convert_element_type3A = arith.extui %eq3A_18 : i1 to i32
    %cond3A = arith.constant 0 : i32
    %cond3A_19 = arith.cmpi ne, %convert_element_type3A, %cond3A : i32
    scf.if %cond3A_19 {
      "tpu.region"() ({
        %run_scoped3A = tpu.sem_alloc : memref<!tpu.dma_semaphore, #tpu.memory_space<semaphore_mem>>
        tpu.enqueue_dma source(%arg4 : memref<2048x128xf32, #tpu.memory_space<hbm>>) target(%arg17 : memref<2048x128xf32, #tpu.memory_space<vmem_shared>>) target_semaphore(%run_scoped3A : memref<!tpu.dma_semaphore, #tpu.memory_space<semaphore_mem>>)
        tpu.wait_dma2 semaphore(%run_scoped3A : memref<!tpu.dma_semaphore, #tpu.memory_space<semaphore_mem>>) src(%arg4 : memref<2048x128xf32, #tpu.memory_space<hbm>>) dst(%arg17 : memref<2048x128xf32, #tpu.memory_space<vmem_shared>>)
        tpu.yield
      }) : () -> ()
    } else {
    }
    "tpu.region"() ({
      %run_scoped3A = tpu.sem_alloc : memref<!tpu.dma_semaphore, #tpu.memory_space<semaphore_mem>>
      tpu.enqueue_dma source(%arg5 : memref<8x128xf32, #tpu.memory_space<hbm>>) target(%arg15 : memref<8x128xf32, #tpu.memory_space<vmem>>) target_semaphore(%run_scoped3A : memref<!tpu.dma_semaphore, #tpu.memory_space<semaphore_mem>>)
      tpu.wait_dma2 semaphore(%run_scoped3A : memref<!tpu.dma_semaphore, #tpu.memory_space<semaphore_mem>>) src(%arg5 : memref<8x128xf32, #tpu.memory_space<hbm>>) dst(%arg15 : memref<8x128xf32, #tpu.memory_space<vmem>>)
      tpu.yield
    }) : () -> ()
    %add3A_20 = arith.constant 0 : i32
    %add3A_21 = arith.addi %add3A_4, %add3A_20 : i32
    %mul3A_22 = arith.constant 1536 : i32
    %mul3A_23 = arith.muli %add3A_21, %mul3A_22 : i32
    %min3A_24 = arith.constant 998400 : i32
    %min3A_25 = arith.minsi %mul3A_23, %min3A_24 : i32
    %dma_start3A = arith.constant 0 : i32
    %dma_start3A_26 = tpu.memref_slice %arg2[%dma_start3A, %min3A_25] : memref<16x1000000xf32, #tpu.memory_space<hbm>> -> memref<16x1536xf32, #tpu.memory_space<hbm>>
    %dma_start3A_27 = arith.constant 0 : i32
    %dma_start3A_28 = tpu.memref_slice %arg2[%dma_start3A_27, %min3A_25] : memref<16x1000000xf32, #tpu.memory_space<hbm>> -> memref<16x1536xf32, #tpu.memory_space<hbm>>
    tpu.enqueue_dma source(%dma_start3A_28 : memref<16x1536xf32, #tpu.memory_space<hbm>>) target(%arg7 : memref<16x1536xf32, #tpu.memory_space<vmem>>) target_semaphore(%arg18 : memref<!tpu.dma_semaphore, #tpu.memory_space<semaphore_mem>>)
    %add3A_29 = arith.constant 1 : i32
    %add3A_30 = arith.addi %add3A_4, %add3A_29 : i32
    %mul3A_31 = arith.constant 1536 : i32
    %mul3A_32 = arith.muli %add3A_30, %mul3A_31 : i32
    %min3A_33 = arith.constant 998400 : i32
    %min3A_34 = arith.minsi %mul3A_32, %min3A_33 : i32
    %dma_start3A_35 = arith.constant 0 : i32
    %dma_start3A_36 = tpu.memref_slice %arg2[%dma_start3A_35, %min3A_34] : memref<16x1000000xf32, #tpu.memory_space<hbm>> -> memref<16x1536xf32, #tpu.memory_space<hbm>>
    %dma_start3A_37 = arith.constant 0 : i32
    %dma_start3A_38 = tpu.memref_slice %arg2[%dma_start3A_37, %min3A_34] : memref<16x1000000xf32, #tpu.memory_space<hbm>> -> memref<16x1536xf32, #tpu.memory_space<hbm>>
    tpu.enqueue_dma source(%dma_start3A_38 : memref<16x1536xf32, #tpu.memory_space<hbm>>) target(%arg8 : memref<16x1536xf32, #tpu.memory_space<vmem>>) target_semaphore(%arg18 : memref<!tpu.dma_semaphore, #tpu.memory_space<semaphore_mem>>)
    %dma_start3A_39 = arith.constant 0 : i32
    %dma_start3A_40 = tpu.memref_slice %arg3[%dma_start3A_39] : memref<16384xi32, #tpu.memory_space<hbm>> -> memref<2048xi32, #tpu.memory_space<hbm>>
    %dma_start3A_41 = arith.constant 0 : i32
    %dma_start3A_42 = tpu.memref_slice %arg3[%dma_start3A_41] : memref<16384xi32, #tpu.memory_space<hbm>> -> memref<2048xi32, #tpu.memory_space<hbm>>
    tpu.enqueue_dma source(%dma_start3A_42 : memref<2048xi32, #tpu.memory_space<hbm>>) target(%arg12 : memref<2048xi32, #tpu.memory_space<vmem>>) target_semaphore(%arg19 : memref<!tpu.dma_semaphore, #tpu.memory_space<semaphore_mem>>)
    %dma_start3A_43 = arith.constant 2048 : i32
    %dma_start3A_44 = tpu.memref_slice %arg3[%dma_start3A_43] : memref<16384xi32, #tpu.memory_space<hbm>> -> memref<2048xi32, #tpu.memory_space<hbm>>
    %dma_start3A_45 = arith.constant 2048 : i32
    %dma_start3A_46 = tpu.memref_slice %arg3[%dma_start3A_45] : memref<16384xi32, #tpu.memory_space<hbm>> -> memref<2048xi32, #tpu.memory_space<hbm>>
    tpu.enqueue_dma source(%dma_start3A_46 : memref<2048xi32, #tpu.memory_space<hbm>>) target(%arg13 : memref<2048xi32, #tpu.memory_space<vmem>>) target_semaphore(%arg19 : memref<!tpu.dma_semaphore, #tpu.memory_space<semaphore_mem>>)
    %dma_wait3A = arith.constant 0 : i32
    %dma_wait3A_47 = tpu.memref_slice %arg3[%dma_wait3A] : memref<16384xi32, #tpu.memory_space<hbm>> -> memref<2048xi32, #tpu.memory_space<hbm>>
    %dma_wait3A_48 = arith.constant 0 : i32
    %dma_wait3A_49 = tpu.memref_slice %arg3[%dma_wait3A_48] : memref<16384xi32, #tpu.memory_space<hbm>> -> memref<2048xi32, #tpu.memory_space<hbm>>
    tpu.wait_dma2 semaphore(%arg19 : memref<!tpu.dma_semaphore, #tpu.memory_space<semaphore_mem>>) src(%dma_wait3A_49 : memref<2048xi32, #tpu.memory_space<hbm>>) dst(%arg12 : memref<2048xi32, #tpu.memory_space<vmem>>)
    %scan3A = arith.constant 0 : i32
    %scan3A_50 = arith.constant 0 : i32
    %scan3A_51 = arith.constant 64 : i32
    %scan3A_52 = arith.addi %scan3A_50, %scan3A_51 : i32
    %scan3A_53 = arith.constant 1 : i32
    %scan3A_54 = scf.for %scan3A_203 = %scan3A_50 to %scan3A_52 step %scan3A_53 iter_args(%scan3A_204 = %scan3A) -> (i32)  : i32 {
      %mul3A_205 = arith.constant 2 : i32
      %mul3A_206 = arith.muli %scan3A_203, %mul3A_205 : i32
      %mul3A_207 = arith.constant 16 : i32
      %mul3A_208 = arith.muli %mul3A_206, %mul3A_207 : i32
      %get3A = arith.index_cast %mul3A_208 : i32 to index
      %get3A_209 = tpu.vector_load %arg12[%get3A] {strides = array<i32>} : memref<2048xi32, #tpu.memory_space<vmem>>, vector<16xi32>,
      %mul3A_210 = arith.constant 16 : i32
      %mul3A_211 = arith.muli %mul3A_206, %mul3A_210 : i32
      %add3A_212 = arith.constant 0 : i32
      %add3A_213 = arith.addi %add3A_212, %mul3A_211 : i32
      %add3A_214 = vector.broadcast %add3A_213 : i32 to vector<16xi32>
      %add3A_215 = arith.addi %add3A_214, %iota3A : vector<16xi32>
      %ge3A = vector.broadcast %mul3A_6 : i32 to vector<16xi32>
      %ge3A_216 = arith.cmpi sge, %get3A_209, %ge3A : vector<16xi32>
      %lt3A = vector.broadcast %select_n3A : i32 to vector<16xi32>
      %lt3A_217 = arith.cmpi slt, %get3A_209, %lt3A : vector<16xi32>
      %and3A = arith.andi %ge3A_216, %lt3A_217 : vector<16xi1>
      %sub3A_218 = vector.broadcast %mul3A_6 : i32 to vector<16xi32>
      %sub3A_219 = arith.subi %get3A_209, %sub3A_218 : vector<16xi32>
      %shift_left3A = arith.constant 14 : i32
      %shift_left3A_220 = vector.broadcast %shift_left3A : i32 to vector<16xi32>
      %shift_left3A_221 = arith.shli %sub3A_219, %shift_left3A_220 : vector<16xi32>
      %or3A = arith.ori %shift_left3A_221, %add3A_215 : vector<16xi32>
      %swap3A_222 = arith.index_cast %scan3A_204 : i32 to index
      %swap3A_223 = tpu.vector_load %arg10[%swap3A_222] masked %and3A {strides = array<i32>} : memref<16400xi32, #tpu.memory_space<vmem>>, vector<16xi32>, vector<16xi1>
      tpu.vector_store %arg10[%swap3A_222], %or3A masked %and3A {strides = array<i32>} : memref<16400xi32, #tpu.memory_space<vmem>>, vector<16xi32>, vector<16xi1>
      %all_reduce_population_count3A = tpu.all_reduce %and3A {dim = 0 : i64, kind = #tpu.reduction_kind<sum>} : vector<16xi1> -> vector<16xi32>
      %slice3A = vector.extract_strided_slice %all_reduce_population_count3A {offsets = [0], sizes = [1], strides = [1]} : vector<16xi32> to vector<1xi32>
      %squeeze3A = vector.extract %slice3A[0] : i32 from vector<1xi32>
      %add3A_224 = arith.addi %scan3A_204, %squeeze3A : i32
      %mul3A_225 = arith.constant 2 : i32
      %mul3A_226 = arith.muli %scan3A_203, %mul3A_225 : i32
      %add3A_227 = arith.constant 1 : i32
      %add3A_228 = arith.addi %mul3A_226, %add3A_227 : i32
      %mul3A_229 = arith.constant 16 : i32
      %mul3A_230 = arith.muli %add3A_228, %mul3A_229 : i32
      %get3A_231 = arith.index_cast %mul3A_230 : i32 to index
      %get3A_232 = tpu.vector_load %arg12[%get3A_231] {strides = array<i32>} : memref<2048xi32, #tpu.memory_space<vmem>>, vector<16xi32>,
      %mul3A_233 = arith.constant 16 : i32
      %mul3A_234 = arith.muli %add3A_228, %mul3A_233 : i32
      %add3A_235 = arith.constant 0 : i32
      %add3A_236 = arith.addi %add3A_235, %mul3A_234 : i32
      %add3A_237 = vector.broadcast %add3A_236 : i32 to vector<16xi32>
      %add3A_238 = arith.addi %add3A_237, %iota3A : vector<16xi32>
      %ge3A_239 = vector.broadcast %mul3A_6 : i32 to vector<16xi32>
      %ge3A_240 = arith.cmpi sge, %get3A_232, %ge3A_239 : vector<16xi32>
      %lt3A_241 = vector.broadcast %select_n3A : i32 to vector<16xi32>
      %lt3A_242 = arith.cmpi slt, %get3A_232, %lt3A_241 : vector<16xi32>
      %and3A_243 = arith.andi %ge3A_240, %lt3A_242 : vector<16xi1>
      %sub3A_244 = vector.broadcast %mul3A_6 : i32 to vector<16xi32>
      %sub3A_245 = arith.subi %get3A_232, %sub3A_244 : vector<16xi32>
      %shift_left3A_246 = arith.constant 14 : i32
      %shift_left3A_247 = vector.broadcast %shift_left3A_246 : i32 to vector<16xi32>
      %shift_left3A_248 = arith.shli %sub3A_245, %shift_left3A_247 : vector<16xi32>
      %or3A_249 = arith.ori %shift_left3A_248, %add3A_238 : vector<16xi32>
      %swap3A_250 = arith.index_cast %add3A_224 : i32 to index
      %swap3A_251 = tpu.vector_load %arg10[%swap3A_250] masked %and3A_243 {strides = array<i32>} : memref<16400xi32, #tpu.memory_space<vmem>>, vector<16xi32>, vector<16xi1>
      tpu.vector_store %arg10[%swap3A_250], %or3A_249 masked %and3A_243 {strides = array<i32>} : memref<16400xi32, #tpu.memory_space<vmem>>, vector<16xi32>, vector<16xi1>
      %all_reduce_population_count3A_252 = tpu.all_reduce %and3A_243 {dim = 0 : i64, kind = #tpu.reduction_kind<sum>} : vector<16xi1> -> vector<16xi32>
      %slice3A_253 = vector.extract_strided_slice %all_reduce_population_count3A_252 {offsets = [0], sizes = [1], strides = [1]} : vector<16xi32> to vector<1xi32>
      %squeeze3A_254 = vector.extract %slice3A_253[0] : i32 from vector<1xi32>
      %add3A_255 = arith.addi %add3A_224, %squeeze3A_254 : i32
      scf.yield %add3A_255 : i32
    }
    %scan3A_55 = arith.constant 64 : i32
    %dma_start3A_56 = arith.constant 4096 : i32
    %dma_start3A_57 = tpu.memref_slice %arg3[%dma_start3A_56] : memref<16384xi32, #tpu.memory_space<hbm>> -> memref<2048xi32, #tpu.memory_space<hbm>>
    %dma_start3A_58 = arith.constant 4096 : i32
    %dma_start3A_59 = tpu.memref_slice %arg3[%dma_start3A_58] : memref<16384xi32, #tpu.memory_space<hbm>> -> memref<2048xi32, #tpu.memory_space<hbm>>
    tpu.enqueue_dma source(%dma_start3A_59 : memref<2048xi32, #tpu.memory_space<hbm>>) target(%arg12 : memref<2048xi32, #tpu.memory_space<vmem>>) target_semaphore(%arg19 : memref<!tpu.dma_semaphore, #tpu.memory_space<semaphore_mem>>)
    %dma_wait3A_60 = arith.constant 2048 : i32
    %dma_wait3A_61 = tpu.memref_slice %arg3[%dma_wait3A_60] : memref<16384xi32, #tpu.memory_space<hbm>> -> memref<2048xi32, #tpu.memory_space<hbm>>
    %dma_wait3A_62 = arith.constant 2048 : i32
    %dma_wait3A_63 = tpu.memref_slice %arg3[%dma_wait3A_62] : memref<16384xi32, #tpu.memory_space<hbm>> -> memref<2048xi32, #tpu.memory_space<hbm>>
    tpu.wait_dma2 semaphore(%arg19 : memref<!tpu.dma_semaphore, #tpu.memory_space<semaphore_mem>>) src(%dma_wait3A_63 : memref<2048xi32, #tpu.memory_space<hbm>>) dst(%arg13 : memref<2048xi32, #tpu.memory_space<vmem>>)
    %scan3A_64 = arith.constant 0 : i32
    %scan3A_65 = arith.constant 64 : i32
    %scan3A_66 = arith.addi %scan3A_64, %scan3A_65 : i32
    %scan3A_67 = arith.constant 1 : i32
    %scan3A_68 = scf.for %scan3A_203 = %scan3A_64 to %scan3A_66 step %scan3A_67 iter_args(%scan3A_204 = %scan3A_54) -> (i32)  : i32 {
      %mul3A_205 = arith.constant 2 : i32
      %mul3A_206 = arith.muli %scan3A_203, %mul3A_205 : i32
      %mul3A_207 = arith.constant 16 : i32
      %mul3A_208 = arith.muli %mul3A_206, %mul3A_207 : i32
      %get3A = arith.index_cast %mul3A_208 : i32 to index
      %get3A_209 = tpu.vector_load %arg13[%get3A] {strides = array<i32>} : memref<2048xi32, #tpu.memory_space<vmem>>, vector<16xi32>,
      %mul3A_210 = arith.constant 16 : i32
      %mul3A_211 = arith.muli %mul3A_206, %mul3A_210 : i32
      %add3A_212 = arith.constant 2048 : i32
      %add3A_213 = arith.addi %add3A_212, %mul3A_211 : i32
      %add3A_214 = vector.broadcast %add3A_213 : i32 to vector<16xi32>
      %add3A_215 = arith.addi %add3A_214, %iota3A : vector<16xi32>
      %ge3A = vector.broadcast %mul3A_6 : i32 to vector<16xi32>
      %ge3A_216 = arith.cmpi sge, %get3A_209, %ge3A : vector<16xi32>
      %lt3A = vector.broadcast %select_n3A : i32 to vector<16xi32>
      %lt3A_217 = arith.cmpi slt, %get3A_209, %lt3A : vector<16xi32>
      %and3A = arith.andi %ge3A_216, %lt3A_217 : vector<16xi1>
      %sub3A_218 = vector.broadcast %mul3A_6 : i32 to vector<16xi32>
      %sub3A_219 = arith.subi %get3A_209, %sub3A_218 : vector<16xi32>
      %shift_left3A = arith.constant 14 : i32
      %shift_left3A_220 = vector.broadcast %shift_left3A : i32 to vector<16xi32>
      %shift_left3A_221 = arith.shli %sub3A_219, %shift_left3A_220 : vector<16xi32>
      %or3A = arith.ori %shift_left3A_221, %add3A_215 : vector<16xi32>
      %swap3A_222 = arith.index_cast %scan3A_204 : i32 to index
      %swap3A_223 = tpu.vector_load %arg10[%swap3A_222] masked %and3A {strides = array<i32>} : memref<16400xi32, #tpu.memory_space<vmem>>, vector<16xi32>, vector<16xi1>
      tpu.vector_store %arg10[%swap3A_222], %or3A masked %and3A {strides = array<i32>} : memref<16400xi32, #tpu.memory_space<vmem>>, vector<16xi32>, vector<16xi1>
      %all_reduce_population_count3A = tpu.all_reduce %and3A {dim = 0 : i64, kind = #tpu.reduction_kind<sum>} : vector<16xi1> -> vector<16xi32>
      %slice3A = vector.extract_strided_slice %all_reduce_population_count3A {offsets = [0], sizes = [1], strides = [1]} : vector<16xi32> to vector<1xi32>
      %squeeze3A = vector.extract %slice3A[0] : i32 from vector<1xi32>
      %add3A_224 = arith.addi %scan3A_204, %squeeze3A : i32
      %mul3A_225 = arith.constant 2 : i32
      %mul3A_226 = arith.muli %scan3A_203, %mul3A_225 : i32
      %add3A_227 = arith.constant 1 : i32
      %add3A_228 = arith.addi %mul3A_226, %add3A_227 : i32
      %mul3A_229 = arith.constant 16 : i32
      %mul3A_230 = arith.muli %add3A_228, %mul3A_229 : i32
      %get3A_231 = arith.index_cast %mul3A_230 : i32 to index
      %get3A_232 = tpu.vector_load %arg13[%get3A_231] {strides = array<i32>} : memref<2048xi32, #tpu.memory_space<vmem>>, vector<16xi32>,
      %mul3A_233 = arith.constant 16 : i32
      %mul3A_234 = arith.muli %add3A_228, %mul3A_233 : i32
      %add3A_235 = arith.constant 2048 : i32
      %add3A_236 = arith.addi %add3A_235, %mul3A_234 : i32
      %add3A_237 = vector.broadcast %add3A_236 : i32 to vector<16xi32>
      %add3A_238 = arith.addi %add3A_237, %iota3A : vector<16xi32>
      %ge3A_239 = vector.broadcast %mul3A_6 : i32 to vector<16xi32>
      %ge3A_240 = arith.cmpi sge, %get3A_232, %ge3A_239 : vector<16xi32>
      %lt3A_241 = vector.broadcast %select_n3A : i32 to vector<16xi32>
      %lt3A_242 = arith.cmpi slt, %get3A_232, %lt3A_241 : vector<16xi32>
      %and3A_243 = arith.andi %ge3A_240, %lt3A_242 : vector<16xi1>
      %sub3A_244 = vector.broadcast %mul3A_6 : i32 to vector<16xi32>
      %sub3A_245 = arith.subi %get3A_232, %sub3A_244 : vector<16xi32>
      %shift_left3A_246 = arith.constant 14 : i32
      %shift_left3A_247 = vector.broadcast %shift_left3A_246 : i32 to vector<16xi32>
      %shift_left3A_248 = arith.shli %sub3A_245, %shift_left3A_247 : vector<16xi32>
      %or3A_249 = arith.ori %shift_left3A_248, %add3A_238 : vector<16xi32>
      %swap3A_250 = arith.index_cast %add3A_224 : i32 to index
      %swap3A_251 = tpu.vector_load %arg10[%swap3A_250] masked %and3A_243 {strides = array<i32>} : memref<16400xi32, #tpu.memory_space<vmem>>, vector<16xi32>, vector<16xi1>
      tpu.vector_store %arg10[%swap3A_250], %or3A_249 masked %and3A_243 {strides = array<i32>} : memref<16400xi32, #tpu.memory_space<vmem>>, vector<16xi32>, vector<16xi1>
      %all_reduce_population_count3A_252 = tpu.all_reduce %and3A_243 {dim = 0 : i64, kind = #tpu.reduction_kind<sum>} : vector<16xi1> -> vector<16xi32>
      %slice3A_253 = vector.extract_strided_slice %all_reduce_population_count3A_252 {offsets = [0], sizes = [1], strides = [1]} : vector<16xi32> to vector<1xi32>
      %squeeze3A_254 = vector.extract %slice3A_253[0] : i32 from vector<1xi32>
      %add3A_255 = arith.addi %add3A_224, %squeeze3A_254 : i32
      scf.yield %add3A_255 : i32
    }
    %scan3A_69 = arith.constant 64 : i32
    %dma_start3A_70 = arith.constant 6144 : i32
    %dma_start3A_71 = tpu.memref_slice %arg3[%dma_start3A_70] : memref<16384xi32, #tpu.memory_space<hbm>> -> memref<2048xi32, #tpu.memory_space<hbm>>
    %dma_start3A_72 = arith.constant 6144 : i32
    %dma_start3A_73 = tpu.memref_slice %arg3[%dma_start3A_72] : memref<16384xi32, #tpu.memory_space<hbm>> -> memref<2048xi32, #tpu.memory_space<hbm>>
    tpu.enqueue_dma source(%dma_start3A_73 : memref<2048xi32, #tpu.memory_space<hbm>>) target(%arg13 : memref<2048xi32, #tpu.memory_space<vmem>>) target_semaphore(%arg19 : memref<!tpu.dma_semaphore, #tpu.memory_space<semaphore_mem>>)
    %dma_wait3A_74 = arith.constant 4096 : i32
    %dma_wait3A_75 = tpu.memref_slice %arg3[%dma_wait3A_74] : memref<16384xi32, #tpu.memory_space<hbm>> -> memref<2048xi32, #tpu.memory_space<hbm>>
    %dma_wait3A_76 = arith.constant 4096 : i32
    %dma_wait3A_77 = tpu.memref_slice %arg3[%dma_wait3A_76] : memref<16384xi32, #tpu.memory_space<hbm>> -> memref<2048xi32, #tpu.memory_space<hbm>>
    tpu.wait_dma2 semaphore(%arg19 : memref<!tpu.dma_semaphore, #tpu.memory_space<semaphore_mem>>) src(%dma_wait3A_77 : memref<2048xi32, #tpu.memory_space<hbm>>) dst(%arg12 : memref<2048xi32, #tpu.memory_space<vmem>>)
    %scan3A_78 = arith.constant 0 : i32
    %scan3A_79 = arith.constant 64 : i32
    %scan3A_80 = arith.addi %scan3A_78, %scan3A_79 : i32
    %scan3A_81 = arith.constant 1 : i32
    %scan3A_82 = scf.for %scan3A_203 = %scan3A_78 to %scan3A_80 step %scan3A_81 iter_args(%scan3A_204 = %scan3A_68) -> (i32)  : i32 {
      %mul3A_205 = arith.constant 2 : i32
      %mul3A_206 = arith.muli %scan3A_203, %mul3A_205 : i32
      %mul3A_207 = arith.constant 16 : i32
      %mul3A_208 = arith.muli %mul3A_206, %mul3A_207 : i32
      %get3A = arith.index_cast %mul3A_208 : i32 to index
      %get3A_209 = tpu.vector_load %arg12[%get3A] {strides = array<i32>} : memref<2048xi32, #tpu.memory_space<vmem>>, vector<16xi32>,
      %mul3A_210 = arith.constant 16 : i32
      %mul3A_211 = arith.muli %mul3A_206, %mul3A_210 : i32
      %add3A_212 = arith.constant 4096 : i32
      %add3A_213 = arith.addi %add3A_212, %mul3A_211 : i32
      %add3A_214 = vector.broadcast %add3A_213 : i32 to vector<16xi32>
      %add3A_215 = arith.addi %add3A_214, %iota3A : vector<16xi32>
      %ge3A = vector.broadcast %mul3A_6 : i32 to vector<16xi32>
      %ge3A_216 = arith.cmpi sge, %get3A_209, %ge3A : vector<16xi32>
      %lt3A = vector.broadcast %select_n3A : i32 to vector<16xi32>
      %lt3A_217 = arith.cmpi slt, %get3A_209, %lt3A : vector<16xi32>
      %and3A = arith.andi %ge3A_216, %lt3A_217 : vector<16xi1>
      %sub3A_218 = vector.broadcast %mul3A_6 : i32 to vector<16xi32>
      %sub3A_219 = arith.subi %get3A_209, %sub3A_218 : vector<16xi32>
      %shift_left3A = arith.constant 14 : i32
      %shift_left3A_220 = vector.broadcast %shift_left3A : i32 to vector<16xi32>
      %shift_left3A_221 = arith.shli %sub3A_219, %shift_left3A_220 : vector<16xi32>
      %or3A = arith.ori %shift_left3A_221, %add3A_215 : vector<16xi32>
      %swap3A_222 = arith.index_cast %scan3A_204 : i32 to index
      %swap3A_223 = tpu.vector_load %arg10[%swap3A_222] masked %and3A {strides = array<i32>} : memref<16400xi32, #tpu.memory_space<vmem>>, vector<16xi32>, vector<16xi1>
      tpu.vector_store %arg10[%swap3A_222], %or3A masked %and3A {strides = array<i32>} : memref<16400xi32, #tpu.memory_space<vmem>>, vector<16xi32>, vector<16xi1>
      %all_reduce_population_count3A = tpu.all_reduce %and3A {dim = 0 : i64, kind = #tpu.reduction_kind<sum>} : vector<16xi1> -> vector<16xi32>
      %slice3A = vector.extract_strided_slice %all_reduce_population_count3A {offsets = [0], sizes = [1], strides = [1]} : vector<16xi32> to vector<1xi32>
      %squeeze3A = vector.extract %slice3A[0] : i32 from vector<1xi32>
      %add3A_224 = arith.addi %scan3A_204, %squeeze3A : i32
      %mul3A_225 = arith.constant 2 : i32
      %mul3A_226 = arith.muli %scan3A_203, %mul3A_225 : i32
      %add3A_227 = arith.constant 1 : i32
      %add3A_228 = arith.addi %mul3A_226, %add3A_227 : i32
      %mul3A_229 = arith.constant 16 : i32
      %mul3A_230 = arith.muli %add3A_228, %mul3A_229 : i32
      %get3A_231 = arith.index_cast %mul3A_230 : i32 to index
      %get3A_232 = tpu.vector_load %arg12[%get3A_231] {strides = array<i32>} : memref<2048xi32, #tpu.memory_space<vmem>>, vector<16xi32>,
      %mul3A_233 = arith.constant 16 : i32
      %mul3A_234 = arith.muli %add3A_228, %mul3A_233 : i32
      %add3A_235 = arith.constant 4096 : i32
      %add3A_236 = arith.addi %add3A_235, %mul3A_234 : i32
      %add3A_237 = vector.broadcast %add3A_236 : i32 to vector<16xi32>
      %add3A_238 = arith.addi %add3A_237, %iota3A : vector<16xi32>
      %ge3A_239 = vector.broadcast %mul3A_6 : i32 to vector<16xi32>
      %ge3A_240 = arith.cmpi sge, %get3A_232, %ge3A_239 : vector<16xi32>
      %lt3A_241 = vector.broadcast %select_n3A : i32 to vector<16xi32>
      %lt3A_242 = arith.cmpi slt, %get3A_232, %lt3A_241 : vector<16xi32>
      %and3A_243 = arith.andi %ge3A_240, %lt3A_242 : vector<16xi1>
      %sub3A_244 = vector.broadcast %mul3A_6 : i32 to vector<16xi32>
      %sub3A_245 = arith.subi %get3A_232, %sub3A_244 : vector<16xi32>
      %shift_left3A_246 = arith.constant 14 : i32
      %shift_left3A_247 = vector.broadcast %shift_left3A_246 : i32 to vector<16xi32>
      %shift_left3A_248 = arith.shli %sub3A_245, %shift_left3A_247 : vector<16xi32>
      %or3A_249 = arith.ori %shift_left3A_248, %add3A_238 : vector<16xi32>
      %swap3A_250 = arith.index_cast %add3A_224 : i32 to index
      %swap3A_251 = tpu.vector_load %arg10[%swap3A_250] masked %and3A_243 {strides = array<i32>} : memref<16400xi32, #tpu.memory_space<vmem>>, vector<16xi32>, vector<16xi1>
      tpu.vector_store %arg10[%swap3A_250], %or3A_249 masked %and3A_243 {strides = array<i32>} : memref<16400xi32, #tpu.memory_space<vmem>>, vector<16xi32>, vector<16xi1>
      %all_reduce_population_count3A_252 = tpu.all_reduce %and3A_243 {dim = 0 : i64, kind = #tpu.reduction_kind<sum>} : vector<16xi1> -> vector<16xi32>
      %slice3A_253 = vector.extract_strided_slice %all_reduce_population_count3A_252 {offsets = [0], sizes = [1], strides = [1]} : vector<16xi32> to vector<1xi32>
      %squeeze3A_254 = vector.extract %slice3A_253[0] : i32 from vector<1xi32>
      %add3A_255 = arith.addi %add3A_224, %squeeze3A_254 : i32
      scf.yield %add3A_255 : i32
    }
    %scan3A_83 = arith.constant 64 : i32
    %dma_start3A_84 = arith.constant 8192 : i32
    %dma_start3A_85 = tpu.memref_slice %arg3[%dma_start3A_84] : memref<16384xi32, #tpu.memory_space<hbm>> -> memref<2048xi32, #tpu.memory_space<hbm>>
    %dma_start3A_86 = arith.constant 8192 : i32
    %dma_start3A_87 = tpu.memref_slice %arg3[%dma_start3A_86] : memref<16384xi32, #tpu.memory_space<hbm>> -> memref<2048xi32, #tpu.memory_space<hbm>>
    tpu.enqueue_dma source(%dma_start3A_87 : memref<2048xi32, #tpu.memory_space<hbm>>) target(%arg12 : memref<2048xi32, #tpu.memory_space<vmem>>) target_semaphore(%arg19 : memref<!tpu.dma_semaphore, #tpu.memory_space<semaphore_mem>>)
    %dma_wait3A_88 = arith.constant 6144 : i32
    %dma_wait3A_89 = tpu.memref_slice %arg3[%dma_wait3A_88] : memref<16384xi32, #tpu.memory_space<hbm>> -> memref<2048xi32, #tpu.memory_space<hbm>>
    %dma_wait3A_90 = arith.constant 6144 : i32
    %dma_wait3A_91 = tpu.memref_slice %arg3[%dma_wait3A_90] : memref<16384xi32, #tpu.memory_space<hbm>> -> memref<2048xi32, #tpu.memory_space<hbm>>
    tpu.wait_dma2 semaphore(%arg19 : memref<!tpu.dma_semaphore, #tpu.memory_space<semaphore_mem>>) src(%dma_wait3A_91 : memref<2048xi32, #tpu.memory_space<hbm>>) dst(%arg13 : memref<2048xi32, #tpu.memory_space<vmem>>)
    %scan3A_92 = arith.constant 0 : i32
    %scan3A_93 = arith.constant 64 : i32
    %scan3A_94 = arith.addi %scan3A_92, %scan3A_93 : i32
    %scan3A_95 = arith.constant 1 : i32
    %scan3A_96 = scf.for %scan3A_203 = %scan3A_92 to %scan3A_94 step %scan3A_95 iter_args(%scan3A_204 = %scan3A_82) -> (i32)  : i32 {
      %mul3A_205 = arith.constant 2 : i32
      %mul3A_206 = arith.muli %scan3A_203, %mul3A_205 : i32
      %mul3A_207 = arith.constant 16 : i32
      %mul3A_208 = arith.muli %mul3A_206, %mul3A_207 : i32
      %get3A = arith.index_cast %mul3A_208 : i32 to index
      %get3A_209 = tpu.vector_load %arg13[%get3A] {strides = array<i32>} : memref<2048xi32, #tpu.memory_space<vmem>>, vector<16xi32>,
      %mul3A_210 = arith.constant 16 : i32
      %mul3A_211 = arith.muli %mul3A_206, %mul3A_210 : i32
      %add3A_212 = arith.constant 6144 : i32
      %add3A_213 = arith.addi %add3A_212, %mul3A_211 : i32
      %add3A_214 = vector.broadcast %add3A_213 : i32 to vector<16xi32>
      %add3A_215 = arith.addi %add3A_214, %iota3A : vector<16xi32>
      %ge3A = vector.broadcast %mul3A_6 : i32 to vector<16xi32>
      %ge3A_216 = arith.cmpi sge, %get3A_209, %ge3A : vector<16xi32>
      %lt3A = vector.broadcast %select_n3A : i32 to vector<16xi32>
      %lt3A_217 = arith.cmpi slt, %get3A_209, %lt3A : vector<16xi32>
      %and3A = arith.andi %ge3A_216, %lt3A_217 : vector<16xi1>
      %sub3A_218 = vector.broadcast %mul3A_6 : i32 to vector<16xi32>
      %sub3A_219 = arith.subi %get3A_209, %sub3A_218 : vector<16xi32>
      %shift_left3A = arith.constant 14 : i32
      %shift_left3A_220 = vector.broadcast %shift_left3A : i32 to vector<16xi32>
      %shift_left3A_221 = arith.shli %sub3A_219, %shift_left3A_220 : vector<16xi32>
      %or3A = arith.ori %shift_left3A_221, %add3A_215 : vector<16xi32>
      %swap3A_222 = arith.index_cast %scan3A_204 : i32 to index
      %swap3A_223 = tpu.vector_load %arg10[%swap3A_222] masked %and3A {strides = array<i32>} : memref<16400xi32, #tpu.memory_space<vmem>>, vector<16xi32>, vector<16xi1>
      tpu.vector_store %arg10[%swap3A_222], %or3A masked %and3A {strides = array<i32>} : memref<16400xi32, #tpu.memory_space<vmem>>, vector<16xi32>, vector<16xi1>
      %all_reduce_population_count3A = tpu.all_reduce %and3A {dim = 0 : i64, kind = #tpu.reduction_kind<sum>} : vector<16xi1> -> vector<16xi32>
      %slice3A = vector.extract_strided_slice %all_reduce_population_count3A {offsets = [0], sizes = [1], strides = [1]} : vector<16xi32> to vector<1xi32>
      %squeeze3A = vector.extract %slice3A[0] : i32 from vector<1xi32>
      %add3A_224 = arith.addi %scan3A_204, %squeeze3A : i32
      %mul3A_225 = arith.constant 2 : i32
      %mul3A_226 = arith.muli %scan3A_203, %mul3A_225 : i32
      %add3A_227 = arith.constant 1 : i32
      %add3A_228 = arith.addi %mul3A_226, %add3A_227 : i32
      %mul3A_229 = arith.constant 16 : i32
      %mul3A_230 = arith.muli %add3A_228, %mul3A_229 : i32
      %get3A_231 = arith.index_cast %mul3A_230 : i32 to index
      %get3A_232 = tpu.vector_load %arg13[%get3A_231] {strides = array<i32>} : memref<2048xi32, #tpu.memory_space<vmem>>, vector<16xi32>,
      %mul3A_233 = arith.constant 16 : i32
      %mul3A_234 = arith.muli %add3A_228, %mul3A_233 : i32
      %add3A_235 = arith.constant 6144 : i32
      %add3A_236 = arith.addi %add3A_235, %mul3A_234 : i32
      %add3A_237 = vector.broadcast %add3A_236 : i32 to vector<16xi32>
      %add3A_238 = arith.addi %add3A_237, %iota3A : vector<16xi32>
      %ge3A_239 = vector.broadcast %mul3A_6 : i32 to vector<16xi32>
      %ge3A_240 = arith.cmpi sge, %get3A_232, %ge3A_239 : vector<16xi32>
      %lt3A_241 = vector.broadcast %select_n3A : i32 to vector<16xi32>
      %lt3A_242 = arith.cmpi slt, %get3A_232, %lt3A_241 : vector<16xi32>
      %and3A_243 = arith.andi %ge3A_240, %lt3A_242 : vector<16xi1>
      %sub3A_244 = vector.broadcast %mul3A_6 : i32 to vector<16xi32>
      %sub3A_245 = arith.subi %get3A_232, %sub3A_244 : vector<16xi32>
      %shift_left3A_246 = arith.constant 14 : i32
      %shift_left3A_247 = vector.broadcast %shift_left3A_246 : i32 to vector<16xi32>
      %shift_left3A_248 = arith.shli %sub3A_245, %shift_left3A_247 : vector<16xi32>
      %or3A_249 = arith.ori %shift_left3A_248, %add3A_238 : vector<16xi32>
      %swap3A_250 = arith.index_cast %add3A_224 : i32 to index
      %swap3A_251 = tpu.vector_load %arg10[%swap3A_250] masked %and3A_243 {strides = array<i32>} : memref<16400xi32, #tpu.memory_space<vmem>>, vector<16xi32>, vector<16xi1>
      tpu.vector_store %arg10[%swap3A_250], %or3A_249 masked %and3A_243 {strides = array<i32>} : memref<16400xi32, #tpu.memory_space<vmem>>, vector<16xi32>, vector<16xi1>
      %all_reduce_population_count3A_252 = tpu.all_reduce %and3A_243 {dim = 0 : i64, kind = #tpu.reduction_kind<sum>} : vector<16xi1> -> vector<16xi32>
      %slice3A_253 = vector.extract_strided_slice %all_reduce_population_count3A_252 {offsets = [0], sizes = [1], strides = [1]} : vector<16xi32> to vector<1xi32>
      %squeeze3A_254 = vector.extract %slice3A_253[0] : i32 from vector<1xi32>
      %add3A_255 = arith.addi %add3A_224, %squeeze3A_254 : i32
      scf.yield %add3A_255 : i32
    }
    %scan3A_97 = arith.constant 64 : i32
    %dma_start3A_98 = arith.constant 10240 : i32
    %dma_start3A_99 = tpu.memref_slice %arg3[%dma_start3A_98] : memref<16384xi32, #tpu.memory_space<hbm>> -> memref<2048xi32, #tpu.memory_space<hbm>>
    %dma_start3A_100 = arith.constant 10240 : i32
    %dma_start3A_101 = tpu.memref_slice %arg3[%dma_start3A_100] : memref<16384xi32, #tpu.memory_space<hbm>> -> memref<2048xi32, #tpu.memory_space<hbm>>
    tpu.enqueue_dma source(%dma_start3A_101 : memref<2048xi32, #tpu.memory_space<hbm>>) target(%arg13 : memref<2048xi32, #tpu.memory_space<vmem>>) target_semaphore(%arg19 : memref<!tpu.dma_semaphore, #tpu.memory_space<semaphore_mem>>)
    %dma_wait3A_102 = arith.constant 8192 : i32
    %dma_wait3A_103 = tpu.memref_slice %arg3[%dma_wait3A_102] : memref<16384xi32, #tpu.memory_space<hbm>> -> memref<2048xi32, #tpu.memory_space<hbm>>
    %dma_wait3A_104 = arith.constant 8192 : i32
    %dma_wait3A_105 = tpu.memref_slice %arg3[%dma_wait3A_104] : memref<16384xi32, #tpu.memory_space<hbm>> -> memref<2048xi32, #tpu.memory_space<hbm>>
    tpu.wait_dma2 semaphore(%arg19 : memref<!tpu.dma_semaphore, #tpu.memory_space<semaphore_mem>>) src(%dma_wait3A_105 : memref<2048xi32, #tpu.memory_space<hbm>>) dst(%arg12 : memref<2048xi32, #tpu.memory_space<vmem>>)
    %scan3A_106 = arith.constant 0 : i32
    %scan3A_107 = arith.constant 64 : i32
    %scan3A_108 = arith.addi %scan3A_106, %scan3A_107 : i32
    %scan3A_109 = arith.constant 1 : i32
    %scan3A_110 = scf.for %scan3A_203 = %scan3A_106 to %scan3A_108 step %scan3A_109 iter_args(%scan3A_204 = %scan3A_96) -> (i32)  : i32 {
      %mul3A_205 = arith.constant 2 : i32
      %mul3A_206 = arith.muli %scan3A_203, %mul3A_205 : i32
      %mul3A_207 = arith.constant 16 : i32
      %mul3A_208 = arith.muli %mul3A_206, %mul3A_207 : i32
      %get3A = arith.index_cast %mul3A_208 : i32 to index
      %get3A_209 = tpu.vector_load %arg12[%get3A] {strides = array<i32>} : memref<2048xi32, #tpu.memory_space<vmem>>, vector<16xi32>,
      %mul3A_210 = arith.constant 16 : i32
      %mul3A_211 = arith.muli %mul3A_206, %mul3A_210 : i32
      %add3A_212 = arith.constant 8192 : i32
      %add3A_213 = arith.addi %add3A_212, %mul3A_211 : i32
      %add3A_214 = vector.broadcast %add3A_213 : i32 to vector<16xi32>
      %add3A_215 = arith.addi %add3A_214, %iota3A : vector<16xi32>
      %ge3A = vector.broadcast %mul3A_6 : i32 to vector<16xi32>
      %ge3A_216 = arith.cmpi sge, %get3A_209, %ge3A : vector<16xi32>
      %lt3A = vector.broadcast %select_n3A : i32 to vector<16xi32>
      %lt3A_217 = arith.cmpi slt, %get3A_209, %lt3A : vector<16xi32>
      %and3A = arith.andi %ge3A_216, %lt3A_217 : vector<16xi1>
      %sub3A_218 = vector.broadcast %mul3A_6 : i32 to vector<16xi32>
      %sub3A_219 = arith.subi %get3A_209, %sub3A_218 : vector<16xi32>
      %shift_left3A = arith.constant 14 : i32
      %shift_left3A_220 = vector.broadcast %shift_left3A : i32 to vector<16xi32>
      %shift_left3A_221 = arith.shli %sub3A_219, %shift_left3A_220 : vector<16xi32>
      %or3A = arith.ori %shift_left3A_221, %add3A_215 : vector<16xi32>
      %swap3A_222 = arith.index_cast %scan3A_204 : i32 to index
      %swap3A_223 = tpu.vector_load %arg10[%swap3A_222] masked %and3A {strides = array<i32>} : memref<16400xi32, #tpu.memory_space<vmem>>, vector<16xi32>, vector<16xi1>
      tpu.vector_store %arg10[%swap3A_222], %or3A masked %and3A {strides = array<i32>} : memref<16400xi32, #tpu.memory_space<vmem>>, vector<16xi32>, vector<16xi1>
      %all_reduce_population_count3A = tpu.all_reduce %and3A {dim = 0 : i64, kind = #tpu.reduction_kind<sum>} : vector<16xi1> -> vector<16xi32>
      %slice3A = vector.extract_strided_slice %all_reduce_population_count3A {offsets = [0], sizes = [1], strides = [1]} : vector<16xi32> to vector<1xi32>
      %squeeze3A = vector.extract %slice3A[0] : i32 from vector<1xi32>
      %add3A_224 = arith.addi %scan3A_204, %squeeze3A : i32
      %mul3A_225 = arith.constant 2 : i32
      %mul3A_226 = arith.muli %scan3A_203, %mul3A_225 : i32
      %add3A_227 = arith.constant 1 : i32
      %add3A_228 = arith.addi %mul3A_226, %add3A_227 : i32
      %mul3A_229 = arith.constant 16 : i32
      %mul3A_230 = arith.muli %add3A_228, %mul3A_229 : i32
      %get3A_231 = arith.index_cast %mul3A_230 : i32 to index
      %get3A_232 = tpu.vector_load %arg12[%get3A_231] {strides = array<i32>} : memref<2048xi32, #tpu.memory_space<vmem>>, vector<16xi32>,
      %mul3A_233 = arith.constant 16 : i32
      %mul3A_234 = arith.muli %add3A_228, %mul3A_233 : i32
      %add3A_235 = arith.constant 8192 : i32
      %add3A_236 = arith.addi %add3A_235, %mul3A_234 : i32
      %add3A_237 = vector.broadcast %add3A_236 : i32 to vector<16xi32>
      %add3A_238 = arith.addi %add3A_237, %iota3A : vector<16xi32>
      %ge3A_239 = vector.broadcast %mul3A_6 : i32 to vector<16xi32>
      %ge3A_240 = arith.cmpi sge, %get3A_232, %ge3A_239 : vector<16xi32>
      %lt3A_241 = vector.broadcast %select_n3A : i32 to vector<16xi32>
      %lt3A_242 = arith.cmpi slt, %get3A_232, %lt3A_241 : vector<16xi32>
      %and3A_243 = arith.andi %ge3A_240, %lt3A_242 : vector<16xi1>
      %sub3A_244 = vector.broadcast %mul3A_6 : i32 to vector<16xi32>
      %sub3A_245 = arith.subi %get3A_232, %sub3A_244 : vector<16xi32>
      %shift_left3A_246 = arith.constant 14 : i32
      %shift_left3A_247 = vector.broadcast %shift_left3A_246 : i32 to vector<16xi32>
      %shift_left3A_248 = arith.shli %sub3A_245, %shift_left3A_247 : vector<16xi32>
      %or3A_249 = arith.ori %shift_left3A_248, %add3A_238 : vector<16xi32>
      %swap3A_250 = arith.index_cast %add3A_224 : i32 to index
      %swap3A_251 = tpu.vector_load %arg10[%swap3A_250] masked %and3A_243 {strides = array<i32>} : memref<16400xi32, #tpu.memory_space<vmem>>, vector<16xi32>, vector<16xi1>
      tpu.vector_store %arg10[%swap3A_250], %or3A_249 masked %and3A_243 {strides = array<i32>} : memref<16400xi32, #tpu.memory_space<vmem>>, vector<16xi32>, vector<16xi1>
      %all_reduce_population_count3A_252 = tpu.all_reduce %and3A_243 {dim = 0 : i64, kind = #tpu.reduction_kind<sum>} : vector<16xi1> -> vector<16xi32>
      %slice3A_253 = vector.extract_strided_slice %all_reduce_population_count3A_252 {offsets = [0], sizes = [1], strides = [1]} : vector<16xi32> to vector<1xi32>
      %squeeze3A_254 = vector.extract %slice3A_253[0] : i32 from vector<1xi32>
      %add3A_255 = arith.addi %add3A_224, %squeeze3A_254 : i32
      scf.yield %add3A_255 : i32
    }
    %scan3A_111 = arith.constant 64 : i32
    %dma_start3A_112 = arith.constant 12288 : i32
    %dma_start3A_113 = tpu.memref_slice %arg3[%dma_start3A_112] : memref<16384xi32, #tpu.memory_space<hbm>> -> memref<2048xi32, #tpu.memory_space<hbm>>
    %dma_start3A_114 = arith.constant 12288 : i32
    %dma_start3A_115 = tpu.memref_slice %arg3[%dma_start3A_114] : memref<16384xi32, #tpu.memory_space<hbm>> -> memref<2048xi32, #tpu.memory_space<hbm>>
    tpu.enqueue_dma source(%dma_start3A_115 : memref<2048xi32, #tpu.memory_space<hbm>>) target(%arg12 : memref<2048xi32, #tpu.memory_space<vmem>>) target_semaphore(%arg19 : memref<!tpu.dma_semaphore, #tpu.memory_space<semaphore_mem>>)
    %dma_wait3A_116 = arith.constant 10240 : i32
    %dma_wait3A_117 = tpu.memref_slice %arg3[%dma_wait3A_116] : memref<16384xi32, #tpu.memory_space<hbm>> -> memref<2048xi32, #tpu.memory_space<hbm>>
    %dma_wait3A_118 = arith.constant 10240 : i32
    %dma_wait3A_119 = tpu.memref_slice %arg3[%dma_wait3A_118] : memref<16384xi32, #tpu.memory_space<hbm>> -> memref<2048xi32, #tpu.memory_space<hbm>>
    tpu.wait_dma2 semaphore(%arg19 : memref<!tpu.dma_semaphore, #tpu.memory_space<semaphore_mem>>) src(%dma_wait3A_119 : memref<2048xi32, #tpu.memory_space<hbm>>) dst(%arg13 : memref<2048xi32, #tpu.memory_space<vmem>>)
    %scan3A_120 = arith.constant 0 : i32
    %scan3A_121 = arith.constant 64 : i32
    %scan3A_122 = arith.addi %scan3A_120, %scan3A_121 : i32
    %scan3A_123 = arith.constant 1 : i32
    %scan3A_124 = scf.for %scan3A_203 = %scan3A_120 to %scan3A_122 step %scan3A_123 iter_args(%scan3A_204 = %scan3A_110) -> (i32)  : i32 {
      %mul3A_205 = arith.constant 2 : i32
      %mul3A_206 = arith.muli %scan3A_203, %mul3A_205 : i32
      %mul3A_207 = arith.constant 16 : i32
      %mul3A_208 = arith.muli %mul3A_206, %mul3A_207 : i32
      %get3A = arith.index_cast %mul3A_208 : i32 to index
      %get3A_209 = tpu.vector_load %arg13[%get3A] {strides = array<i32>} : memref<2048xi32, #tpu.memory_space<vmem>>, vector<16xi32>,
      %mul3A_210 = arith.constant 16 : i32
      %mul3A_211 = arith.muli %mul3A_206, %mul3A_210 : i32
      %add3A_212 = arith.constant 10240 : i32
      %add3A_213 = arith.addi %add3A_212, %mul3A_211 : i32
      %add3A_214 = vector.broadcast %add3A_213 : i32 to vector<16xi32>
      %add3A_215 = arith.addi %add3A_214, %iota3A : vector<16xi32>
      %ge3A = vector.broadcast %mul3A_6 : i32 to vector<16xi32>
      %ge3A_216 = arith.cmpi sge, %get3A_209, %ge3A : vector<16xi32>
      %lt3A = vector.broadcast %select_n3A : i32 to vector<16xi32>
      %lt3A_217 = arith.cmpi slt, %get3A_209, %lt3A : vector<16xi32>
      %and3A = arith.andi %ge3A_216, %lt3A_217 : vector<16xi1>
      %sub3A_218 = vector.broadcast %mul3A_6 : i32 to vector<16xi32>
      %sub3A_219 = arith.subi %get3A_209, %sub3A_218 : vector<16xi32>
      %shift_left3A = arith.constant 14 : i32
      %shift_left3A_220 = vector.broadcast %shift_left3A : i32 to vector<16xi32>
      %shift_left3A_221 = arith.shli %sub3A_219, %shift_left3A_220 : vector<16xi32>
      %or3A = arith.ori %shift_left3A_221, %add3A_215 : vector<16xi32>
      %swap3A_222 = arith.index_cast %scan3A_204 : i32 to index
      %swap3A_223 = tpu.vector_load %arg10[%swap3A_222] masked %and3A {strides = array<i32>} : memref<16400xi32, #tpu.memory_space<vmem>>, vector<16xi32>, vector<16xi1>
      tpu.vector_store %arg10[%swap3A_222], %or3A masked %and3A {strides = array<i32>} : memref<16400xi32, #tpu.memory_space<vmem>>, vector<16xi32>, vector<16xi1>
      %all_reduce_population_count3A = tpu.all_reduce %and3A {dim = 0 : i64, kind = #tpu.reduction_kind<sum>} : vector<16xi1> -> vector<16xi32>
      %slice3A = vector.extract_strided_slice %all_reduce_population_count3A {offsets = [0], sizes = [1], strides = [1]} : vector<16xi32> to vector<1xi32>
      %squeeze3A = vector.extract %slice3A[0] : i32 from vector<1xi32>
      %add3A_224 = arith.addi %scan3A_204, %squeeze3A : i32
      %mul3A_225 = arith.constant 2 : i32
      %mul3A_226 = arith.muli %scan3A_203, %mul3A_225 : i32
      %add3A_227 = arith.constant 1 : i32
      %add3A_228 = arith.addi %mul3A_226, %add3A_227 : i32
      %mul3A_229 = arith.constant 16 : i32
      %mul3A_230 = arith.muli %add3A_228, %mul3A_229 : i32
      %get3A_231 = arith.index_cast %mul3A_230 : i32 to index
      %get3A_232 = tpu.vector_load %arg13[%get3A_231] {strides = array<i32>} : memref<2048xi32, #tpu.memory_space<vmem>>, vector<16xi32>,
      %mul3A_233 = arith.constant 16 : i32
      %mul3A_234 = arith.muli %add3A_228, %mul3A_233 : i32
      %add3A_235 = arith.constant 10240 : i32
      %add3A_236 = arith.addi %add3A_235, %mul3A_234 : i32
      %add3A_237 = vector.broadcast %add3A_236 : i32 to vector<16xi32>
      %add3A_238 = arith.addi %add3A_237, %iota3A : vector<16xi32>
      %ge3A_239 = vector.broadcast %mul3A_6 : i32 to vector<16xi32>
      %ge3A_240 = arith.cmpi sge, %get3A_232, %ge3A_239 : vector<16xi32>
      %lt3A_241 = vector.broadcast %select_n3A : i32 to vector<16xi32>
      %lt3A_242 = arith.cmpi slt, %get3A_232, %lt3A_241 : vector<16xi32>
      %and3A_243 = arith.andi %ge3A_240, %lt3A_242 : vector<16xi1>
      %sub3A_244 = vector.broadcast %mul3A_6 : i32 to vector<16xi32>
      %sub3A_245 = arith.subi %get3A_232, %sub3A_244 : vector<16xi32>
      %shift_left3A_246 = arith.constant 14 : i32
      %shift_left3A_247 = vector.broadcast %shift_left3A_246 : i32 to vector<16xi32>
      %shift_left3A_248 = arith.shli %sub3A_245, %shift_left3A_247 : vector<16xi32>
      %or3A_249 = arith.ori %shift_left3A_248, %add3A_238 : vector<16xi32>
      %swap3A_250 = arith.index_cast %add3A_224 : i32 to index
      %swap3A_251 = tpu.vector_load %arg10[%swap3A_250] masked %and3A_243 {strides = array<i32>} : memref<16400xi32, #tpu.memory_space<vmem>>, vector<16xi32>, vector<16xi1>
      tpu.vector_store %arg10[%swap3A_250], %or3A_249 masked %and3A_243 {strides = array<i32>} : memref<16400xi32, #tpu.memory_space<vmem>>, vector<16xi32>, vector<16xi1>
      %all_reduce_population_count3A_252 = tpu.all_reduce %and3A_243 {dim = 0 : i64, kind = #tpu.reduction_kind<sum>} : vector<16xi1> -> vector<16xi32>
      %slice3A_253 = vector.extract_strided_slice %all_reduce_population_count3A_252 {offsets = [0], sizes = [1], strides = [1]} : vector<16xi32> to vector<1xi32>
      %squeeze3A_254 = vector.extract %slice3A_253[0] : i32 from vector<1xi32>
      %add3A_255 = arith.addi %add3A_224, %squeeze3A_254 : i32
      scf.yield %add3A_255 : i32
    }
    %scan3A_125 = arith.constant 64 : i32
    %dma_start3A_126 = arith.constant 14336 : i32
    %dma_start3A_127 = tpu.memref_slice %arg3[%dma_start3A_126] : memref<16384xi32, #tpu.memory_space<hbm>> -> memref<2048xi32, #tpu.memory_space<hbm>>
    %dma_start3A_128 = arith.constant 14336 : i32
    %dma_start3A_129 = tpu.memref_slice %arg3[%dma_start3A_128] : memref<16384xi32, #tpu.memory_space<hbm>> -> memref<2048xi32, #tpu.memory_space<hbm>>
    tpu.enqueue_dma source(%dma_start3A_129 : memref<2048xi32, #tpu.memory_space<hbm>>) target(%arg13 : memref<2048xi32, #tpu.memory_space<vmem>>) target_semaphore(%arg19 : memref<!tpu.dma_semaphore, #tpu.memory_space<semaphore_mem>>)
    %dma_wait3A_130 = arith.constant 12288 : i32
    %dma_wait3A_131 = tpu.memref_slice %arg3[%dma_wait3A_130] : memref<16384xi32, #tpu.memory_space<hbm>> -> memref<2048xi32, #tpu.memory_space<hbm>>
    %dma_wait3A_132 = arith.constant 12288 : i32
    %dma_wait3A_133 = tpu.memref_slice %arg3[%dma_wait3A_132] : memref<16384xi32, #tpu.memory_space<hbm>> -> memref<2048xi32, #tpu.memory_space<hbm>>
    tpu.wait_dma2 semaphore(%arg19 : memref<!tpu.dma_semaphore, #tpu.memory_space<semaphore_mem>>) src(%dma_wait3A_133 : memref<2048xi32, #tpu.memory_space<hbm>>) dst(%arg12 : memref<2048xi32, #tpu.memory_space<vmem>>)
    %scan3A_134 = arith.constant 0 : i32
    %scan3A_135 = arith.constant 64 : i32
    %scan3A_136 = arith.addi %scan3A_134, %scan3A_135 : i32
    %scan3A_137 = arith.constant 1 : i32
    %scan3A_138 = scf.for %scan3A_203 = %scan3A_134 to %scan3A_136 step %scan3A_137 iter_args(%scan3A_204 = %scan3A_124) -> (i32)  : i32 {
      %mul3A_205 = arith.constant 2 : i32
      %mul3A_206 = arith.muli %scan3A_203, %mul3A_205 : i32
      %mul3A_207 = arith.constant 16 : i32
      %mul3A_208 = arith.muli %mul3A_206, %mul3A_207 : i32
      %get3A = arith.index_cast %mul3A_208 : i32 to index
      %get3A_209 = tpu.vector_load %arg12[%get3A] {strides = array<i32>} : memref<2048xi32, #tpu.memory_space<vmem>>, vector<16xi32>,
      %mul3A_210 = arith.constant 16 : i32
      %mul3A_211 = arith.muli %mul3A_206, %mul3A_210 : i32
      %add3A_212 = arith.constant 12288 : i32
      %add3A_213 = arith.addi %add3A_212, %mul3A_211 : i32
      %add3A_214 = vector.broadcast %add3A_213 : i32 to vector<16xi32>
      %add3A_215 = arith.addi %add3A_214, %iota3A : vector<16xi32>
      %ge3A = vector.broadcast %mul3A_6 : i32 to vector<16xi32>
      %ge3A_216 = arith.cmpi sge, %get3A_209, %ge3A : vector<16xi32>
      %lt3A = vector.broadcast %select_n3A : i32 to vector<16xi32>
      %lt3A_217 = arith.cmpi slt, %get3A_209, %lt3A : vector<16xi32>
      %and3A = arith.andi %ge3A_216, %lt3A_217 : vector<16xi1>
      %sub3A_218 = vector.broadcast %mul3A_6 : i32 to vector<16xi32>
      %sub3A_219 = arith.subi %get3A_209, %sub3A_218 : vector<16xi32>
      %shift_left3A = arith.constant 14 : i32
      %shift_left3A_220 = vector.broadcast %shift_left3A : i32 to vector<16xi32>
      %shift_left3A_221 = arith.shli %sub3A_219, %shift_left3A_220 : vector<16xi32>
      %or3A = arith.ori %shift_left3A_221, %add3A_215 : vector<16xi32>
      %swap3A_222 = arith.index_cast %scan3A_204 : i32 to index
      %swap3A_223 = tpu.vector_load %arg10[%swap3A_222] masked %and3A {strides = array<i32>} : memref<16400xi32, #tpu.memory_space<vmem>>, vector<16xi32>, vector<16xi1>
      tpu.vector_store %arg10[%swap3A_222], %or3A masked %and3A {strides = array<i32>} : memref<16400xi32, #tpu.memory_space<vmem>>, vector<16xi32>, vector<16xi1>
      %all_reduce_population_count3A = tpu.all_reduce %and3A {dim = 0 : i64, kind = #tpu.reduction_kind<sum>} : vector<16xi1> -> vector<16xi32>
      %slice3A = vector.extract_strided_slice %all_reduce_population_count3A {offsets = [0], sizes = [1], strides = [1]} : vector<16xi32> to vector<1xi32>
      %squeeze3A = vector.extract %slice3A[0] : i32 from vector<1xi32>
      %add3A_224 = arith.addi %scan3A_204, %squeeze3A : i32
      %mul3A_225 = arith.constant 2 : i32
      %mul3A_226 = arith.muli %scan3A_203, %mul3A_225 : i32
      %add3A_227 = arith.constant 1 : i32
      %add3A_228 = arith.addi %mul3A_226, %add3A_227 : i32
      %mul3A_229 = arith.constant 16 : i32
      %mul3A_230 = arith.muli %add3A_228, %mul3A_229 : i32
      %get3A_231 = arith.index_cast %mul3A_230 : i32 to index
      %get3A_232 = tpu.vector_load %arg12[%get3A_231] {strides = array<i32>} : memref<2048xi32, #tpu.memory_space<vmem>>, vector<16xi32>,
      %mul3A_233 = arith.constant 16 : i32
      %mul3A_234 = arith.muli %add3A_228, %mul3A_233 : i32
      %add3A_235 = arith.constant 12288 : i32
      %add3A_236 = arith.addi %add3A_235, %mul3A_234 : i32
      %add3A_237 = vector.broadcast %add3A_236 : i32 to vector<16xi32>
      %add3A_238 = arith.addi %add3A_237, %iota3A : vector<16xi32>
      %ge3A_239 = vector.broadcast %mul3A_6 : i32 to vector<16xi32>
      %ge3A_240 = arith.cmpi sge, %get3A_232, %ge3A_239 : vector<16xi32>
      %lt3A_241 = vector.broadcast %select_n3A : i32 to vector<16xi32>
      %lt3A_242 = arith.cmpi slt, %get3A_232, %lt3A_241 : vector<16xi32>
      %and3A_243 = arith.andi %ge3A_240, %lt3A_242 : vector<16xi1>
      %sub3A_244 = vector.broadcast %mul3A_6 : i32 to vector<16xi32>
      %sub3A_245 = arith.subi %get3A_232, %sub3A_244 : vector<16xi32>
      %shift_left3A_246 = arith.constant 14 : i32
      %shift_left3A_247 = vector.broadcast %shift_left3A_246 : i32 to vector<16xi32>
      %shift_left3A_248 = arith.shli %sub3A_245, %shift_left3A_247 : vector<16xi32>
      %or3A_249 = arith.ori %shift_left3A_248, %add3A_238 : vector<16xi32>
      %swap3A_250 = arith.index_cast %add3A_224 : i32 to index
      %swap3A_251 = tpu.vector_load %arg10[%swap3A_250] masked %and3A_243 {strides = array<i32>} : memref<16400xi32, #tpu.memory_space<vmem>>, vector<16xi32>, vector<16xi1>
      tpu.vector_store %arg10[%swap3A_250], %or3A_249 masked %and3A_243 {strides = array<i32>} : memref<16400xi32, #tpu.memory_space<vmem>>, vector<16xi32>, vector<16xi1>
      %all_reduce_population_count3A_252 = tpu.all_reduce %and3A_243 {dim = 0 : i64, kind = #tpu.reduction_kind<sum>} : vector<16xi1> -> vector<16xi32>
      %slice3A_253 = vector.extract_strided_slice %all_reduce_population_count3A_252 {offsets = [0], sizes = [1], strides = [1]} : vector<16xi32> to vector<1xi32>
      %squeeze3A_254 = vector.extract %slice3A_253[0] : i32 from vector<1xi32>
      %add3A_255 = arith.addi %add3A_224, %squeeze3A_254 : i32
      scf.yield %add3A_255 : i32
    }
    %scan3A_139 = arith.constant 64 : i32
    %dma_wait3A_140 = arith.constant 14336 : i32
    %dma_wait3A_141 = tpu.memref_slice %arg3[%dma_wait3A_140] : memref<16384xi32, #tpu.memory_space<hbm>> -> memref<2048xi32, #tpu.memory_space<hbm>>
    %dma_wait3A_142 = arith.constant 14336 : i32
    %dma_wait3A_143 = tpu.memref_slice %arg3[%dma_wait3A_142] : memref<16384xi32, #tpu.memory_space<hbm>> -> memref<2048xi32, #tpu.memory_space<hbm>>
    tpu.wait_dma2 semaphore(%arg19 : memref<!tpu.dma_semaphore, #tpu.memory_space<semaphore_mem>>) src(%dma_wait3A_143 : memref<2048xi32, #tpu.memory_space<hbm>>) dst(%arg13 : memref<2048xi32, #tpu.memory_space<vmem>>)
    %scan3A_144 = arith.constant 0 : i32
    %scan3A_145 = arith.constant 64 : i32
    %scan3A_146 = arith.addi %scan3A_144, %scan3A_145 : i32
    %scan3A_147 = arith.constant 1 : i32
    %scan3A_148 = scf.for %scan3A_203 = %scan3A_144 to %scan3A_146 step %scan3A_147 iter_args(%scan3A_204 = %scan3A_138) -> (i32)  : i32 {
      %mul3A_205 = arith.constant 2 : i32
      %mul3A_206 = arith.muli %scan3A_203, %mul3A_205 : i32
      %mul3A_207 = arith.constant 16 : i32
      %mul3A_208 = arith.muli %mul3A_206, %mul3A_207 : i32
      %get3A = arith.index_cast %mul3A_208 : i32 to index
      %get3A_209 = tpu.vector_load %arg13[%get3A] {strides = array<i32>} : memref<2048xi32, #tpu.memory_space<vmem>>, vector<16xi32>,
      %mul3A_210 = arith.constant 16 : i32
      %mul3A_211 = arith.muli %mul3A_206, %mul3A_210 : i32
      %add3A_212 = arith.constant 14336 : i32
      %add3A_213 = arith.addi %add3A_212, %mul3A_211 : i32
      %add3A_214 = vector.broadcast %add3A_213 : i32 to vector<16xi32>
      %add3A_215 = arith.addi %add3A_214, %iota3A : vector<16xi32>
      %ge3A = vector.broadcast %mul3A_6 : i32 to vector<16xi32>
      %ge3A_216 = arith.cmpi sge, %get3A_209, %ge3A : vector<16xi32>
      %lt3A = vector.broadcast %select_n3A : i32 to vector<16xi32>
      %lt3A_217 = arith.cmpi slt, %get3A_209, %lt3A : vector<16xi32>
      %and3A = arith.andi %ge3A_216, %lt3A_217 : vector<16xi1>
      %sub3A_218 = vector.broadcast %mul3A_6 : i32 to vector<16xi32>
      %sub3A_219 = arith.subi %get3A_209, %sub3A_218 : vector<16xi32>
      %shift_left3A = arith.constant 14 : i32
      %shift_left3A_220 = vector.broadcast %shift_left3A : i32 to vector<16xi32>
      %shift_left3A_221 = arith.shli %sub3A_219, %shift_left3A_220 : vector<16xi32>
      %or3A = arith.ori %shift_left3A_221, %add3A_215 : vector<16xi32>
      %swap3A_222 = arith.index_cast %scan3A_204 : i32 to index
      %swap3A_223 = tpu.vector_load %arg10[%swap3A_222] masked %and3A {strides = array<i32>} : memref<16400xi32, #tpu.memory_space<vmem>>, vector<16xi32>, vector<16xi1>
      tpu.vector_store %arg10[%swap3A_222], %or3A masked %and3A {strides = array<i32>} : memref<16400xi32, #tpu.memory_space<vmem>>, vector<16xi32>, vector<16xi1>
      %all_reduce_population_count3A = tpu.all_reduce %and3A {dim = 0 : i64, kind = #tpu.reduction_kind<sum>} : vector<16xi1> -> vector<16xi32>
      %slice3A = vector.extract_strided_slice %all_reduce_population_count3A {offsets = [0], sizes = [1], strides = [1]} : vector<16xi32> to vector<1xi32>
      %squeeze3A = vector.extract %slice3A[0] : i32 from vector<1xi32>
      %add3A_224 = arith.addi %scan3A_204, %squeeze3A : i32
      %mul3A_225 = arith.constant 2 : i32
      %mul3A_226 = arith.muli %scan3A_203, %mul3A_225 : i32
      %add3A_227 = arith.constant 1 : i32
      %add3A_228 = arith.addi %mul3A_226, %add3A_227 : i32
      %mul3A_229 = arith.constant 16 : i32
      %mul3A_230 = arith.muli %add3A_228, %mul3A_229 : i32
      %get3A_231 = arith.index_cast %mul3A_230 : i32 to index
      %get3A_232 = tpu.vector_load %arg13[%get3A_231] {strides = array<i32>} : memref<2048xi32, #tpu.memory_space<vmem>>, vector<16xi32>,
      %mul3A_233 = arith.constant 16 : i32
      %mul3A_234 = arith.muli %add3A_228, %mul3A_233 : i32
      %add3A_235 = arith.constant 14336 : i32
      %add3A_236 = arith.addi %add3A_235, %mul3A_234 : i32
      %add3A_237 = vector.broadcast %add3A_236 : i32 to vector<16xi32>
      %add3A_238 = arith.addi %add3A_237, %iota3A : vector<16xi32>
      %ge3A_239 = vector.broadcast %mul3A_6 : i32 to vector<16xi32>
      %ge3A_240 = arith.cmpi sge, %get3A_232, %ge3A_239 : vector<16xi32>
      %lt3A_241 = vector.broadcast %select_n3A : i32 to vector<16xi32>
      %lt3A_242 = arith.cmpi slt, %get3A_232, %lt3A_241 : vector<16xi32>
      %and3A_243 = arith.andi %ge3A_240, %lt3A_242 : vector<16xi1>
      %sub3A_244 = vector.broadcast %mul3A_6 : i32 to vector<16xi32>
      %sub3A_245 = arith.subi %get3A_232, %sub3A_244 : vector<16xi32>
      %shift_left3A_246 = arith.constant 14 : i32
      %shift_left3A_247 = vector.broadcast %shift_left3A_246 : i32 to vector<16xi32>
      %shift_left3A_248 = arith.shli %sub3A_245, %shift_left3A_247 : vector<16xi32>
      %or3A_249 = arith.ori %shift_left3A_248, %add3A_238 : vector<16xi32>
      %swap3A_250 = arith.index_cast %add3A_224 : i32 to index
      %swap3A_251 = tpu.vector_load %arg10[%swap3A_250] masked %and3A_243 {strides = array<i32>} : memref<16400xi32, #tpu.memory_space<vmem>>, vector<16xi32>, vector<16xi1>
      tpu.vector_store %arg10[%swap3A_250], %or3A_249 masked %and3A_243 {strides = array<i32>} : memref<16400xi32, #tpu.memory_space<vmem>>, vector<16xi32>, vector<16xi1>
      %all_reduce_population_count3A_252 = tpu.all_reduce %and3A_243 {dim = 0 : i64, kind = #tpu.reduction_kind<sum>} : vector<16xi1> -> vector<16xi32>
      %slice3A_253 = vector.extract_strided_slice %all_reduce_population_count3A_252 {offsets = [0], sizes = [1], strides = [1]} : vector<16xi32> to vector<1xi32>
      %squeeze3A_254 = vector.extract %slice3A_253[0] : i32 from vector<1xi32>
      %add3A_255 = arith.addi %add3A_224, %squeeze3A_254 : i32
      scf.yield %add3A_255 : i32
    }
    %scan3A_149 = arith.constant 64 : i32
    %add3A_150 = arith.constant 15 : i32
    %add3A_151 = arith.addi %scan3A_148, %add3A_150 : i32
    %shift_right_arithmetic3A = arith.constant 4 : i32
    %shift_right_arithmetic3A_152 = arith.shrsi %add3A_151, %shift_right_arithmetic3A : i32
    %barrier3A = arith.constant 0 : index
    tpu.barrier barrier_id(%barrier3A)
    %broadcast_in_dim3A = arith.constant 0.000000e+00 : f32
    %broadcast_in_dim3A_153 = vector.broadcast %broadcast_in_dim3A : f32 to vector<16xf32>
    %scan3A_154 = arith.constant 0 : i32
    %scan3A_155 = arith.constant 7 : i32
    %scan3A_156 = arith.addi %scan3A_154, %scan3A_155 : i32
    %scan3A_157 = arith.constant 1 : i32
    %scan3A_158 = scf.for %scan3A_203 = %scan3A_154 to %scan3A_156 step %scan3A_157 iter_args(%scan3A_204 = %broadcast_in_dim3A_153) -> (vector<16xf32>)  : i32 {
      %mul3A_205 = arith.constant 3 : i32
      %mul3A_206 = arith.muli %mul3A_205, %scan3A_203 : i32
      %add3A_207 = arith.constant 2 : i32
      %add3A_208 = arith.addi %mul3A_206, %add3A_207 : i32
      %add3A_209 = arith.addi %add3A_4, %add3A_208 : i32
      %mul3A_210 = arith.constant 1536 : i32
      %mul3A_211 = arith.muli %add3A_209, %mul3A_210 : i32
      %min3A_212 = arith.constant 998400 : i32
      %min3A_213 = arith.minsi %mul3A_211, %min3A_212 : i32
      %dma_start3A_214 = arith.constant 0 : i32
      %dma_start3A_215 = tpu.memref_slice %arg2[%dma_start3A_214, %min3A_213] : memref<16x1000000xf32, #tpu.memory_space<hbm>> -> memref<16x1536xf32, #tpu.memory_space<hbm>>
      %dma_start3A_216 = arith.constant 0 : i32
      %dma_start3A_217 = tpu.memref_slice %arg2[%dma_start3A_216, %min3A_213] : memref<16x1000000xf32, #tpu.memory_space<hbm>> -> memref<16x1536xf32, #tpu.memory_space<hbm>>
      tpu.enqueue_dma source(%dma_start3A_217 : memref<16x1536xf32, #tpu.memory_space<hbm>>) target(%arg9 : memref<16x1536xf32, #tpu.memory_space<vmem>>) target_semaphore(%arg18 : memref<!tpu.dma_semaphore, #tpu.memory_space<semaphore_mem>>)
      %dma_wait3A_218 = arith.constant 0 : i32
      %dma_wait3A_219 = arith.constant 0 : i32
      %dma_wait3A_220 = tpu.memref_slice %arg2[%dma_wait3A_218, %dma_wait3A_219] : memref<16x1000000xf32, #tpu.memory_space<hbm>> -> memref<16x1536xf32, #tpu.memory_space<hbm>>
      %dma_wait3A_221 = arith.constant 0 : i32
      %dma_wait3A_222 = arith.constant 0 : i32
      %dma_wait3A_223 = tpu.memref_slice %arg2[%dma_wait3A_221, %dma_wait3A_222] : memref<16x1000000xf32, #tpu.memory_space<hbm>> -> memref<16x1536xf32, #tpu.memory_space<hbm>>
      tpu.wait_dma2 semaphore(%arg18 : memref<!tpu.dma_semaphore, #tpu.memory_space<semaphore_mem>>) src(%dma_wait3A_223 : memref<16x1536xf32, #tpu.memory_space<hbm>>) dst(%arg7 : memref<16x1536xf32, #tpu.memory_space<vmem>>)
      %mul3A_224 = arith.constant 1536 : i32
      %mul3A_225 = arith.muli %mul3A_206, %mul3A_224 : i32
      %add3A_226 = arith.constant 1536 : i32
      %add3A_227 = arith.addi %mul3A_225, %add3A_226 : i32
      %sub3A_228 = arith.constant 999936 : i32
      %sub3A_229 = arith.subi %sub3A_228, %mul3A_6 : i32
      %min3A_230 = arith.minsi %add3A_227, %sub3A_229 : i32
      %while3A_231 = arith.constant 0 : i32
      %while3A_232 = arith.constant 0 : i32
      %while3A_233 = arith.subi %shift_right_arithmetic3A_152, %while3A_231 : i32
      %while3A_234 = arith.addi %while3A_231, %while3A_233 : i32
      %while3A_235 = arith.constant 1 : i32
      %while3A_236 = arith.divsi %while3A_233, %while3A_235 : i32
      %while3A_237 = arith.muli %while3A_236, %while3A_235 : i32
      %while3A_238 = arith.addi %while3A_231, %while3A_237 : i32
      %while3A_239 = arith.constant 1 : i32
      %while3A_240 = scf.for %while3A_368 = %while3A_231 to %while3A_238 step %while3A_239 iter_args(%while3A_369 = %while3A_232) -> (i32)  : i32 {
        %mul3A_370 = arith.constant 16 : i32
        %mul3A_371 = arith.muli %while3A_368, %mul3A_370 : i32
        %get3A = arith.index_cast %mul3A_371 : i32 to index
        %get3A_372 = tpu.vector_load %arg10[%get3A] {strides = array<i32>} : memref<16400xi32, #tpu.memory_space<vmem>>, vector<16xi32>,
        %shift_right_arithmetic3A_373 = arith.constant 14 : i32
        %shift_right_arithmetic3A_374 = vector.broadcast %shift_right_arithmetic3A_373 : i32 to vector<16xi32>
        %shift_right_arithmetic3A_375 = arith.shrsi %get3A_372, %shift_right_arithmetic3A_374 : vector<16xi32>
        %mul3A_376 = arith.constant 16 : i32
        %mul3A_377 = arith.muli %while3A_368, %mul3A_376 : i32
        %add3A_378 = vector.broadcast %mul3A_377 : i32 to vector<16xi32>
        %add3A_379 = arith.addi %add3A_378, %iota3A : vector<16xi32>
        %lt3A = vector.broadcast %scan3A_148 : i32 to vector<16xi32>
        %lt3A_380 = arith.cmpi slt, %add3A_379, %lt3A : vector<16xi32>
        %ge3A = vector.broadcast %mul3A_225 : i32 to vector<16xi32>
        %ge3A_381 = arith.cmpi sge, %shift_right_arithmetic3A_375, %ge3A : vector<16xi32>
        %lt3A_382 = vector.broadcast %min3A_230 : i32 to vector<16xi32>
        %lt3A_383 = arith.cmpi slt, %shift_right_arithmetic3A_375, %lt3A_382 : vector<16xi32>
        %and3A = arith.andi %ge3A_381, %lt3A_383 : vector<16xi1>
        %and3A_384 = arith.andi %and3A, %lt3A_380 : vector<16xi1>
        %swap3A_385 = arith.index_cast %while3A_369 : i32 to index
        %swap3A_386 = tpu.vector_load %arg11[%swap3A_385] masked %and3A_384 {strides = array<i32>} : memref<16400xi32, #tpu.memory_space<vmem>>, vector<16xi32>, vector<16xi1>
        tpu.vector_store %arg11[%swap3A_385], %get3A_372 masked %and3A_384 {strides = array<i32>} : memref<16400xi32, #tpu.memory_space<vmem>>, vector<16xi32>, vector<16xi1>
        %all_reduce_population_count3A = tpu.all_reduce %and3A_384 {dim = 0 : i64, kind = #tpu.reduction_kind<sum>} : vector<16xi1> -> vector<16xi32>
        %slice3A = vector.extract_strided_slice %all_reduce_population_count3A {offsets = [0], sizes = [1], strides = [1]} : vector<16xi32> to vector<1xi32>
        %squeeze3A = vector.extract %slice3A[0] : i32 from vector<1xi32>
        %add3A_387 = arith.addi %while3A_369, %squeeze3A : i32
        scf.yield %add3A_387 : i32
      }
      %while3A_241 = arith.constant 1 : i32
      %while3A_242 = scf.for %while3A_368 = %while3A_238 to %while3A_234 step %while3A_241 iter_args(%while3A_369 = %while3A_240) -> (i32)  : i32 {
        %mul3A_370 = arith.constant 16 : i32
        %mul3A_371 = arith.muli %while3A_368, %mul3A_370 : i32
        %get3A = arith.index_cast %mul3A_371 : i32 to index
        %get3A_372 = tpu.vector_load %arg10[%get3A] {strides = array<i32>} : memref<16400xi32, #tpu.memory_space<vmem>>, vector<16xi32>,
        %shift_right_arithmetic3A_373 = arith.constant 14 : i32
        %shift_right_arithmetic3A_374 = vector.broadcast %shift_right_arithmetic3A_373 : i32 to vector<16xi32>
        %shift_right_arithmetic3A_375 = arith.shrsi %get3A_372, %shift_right_arithmetic3A_374 : vector<16xi32>
        %mul3A_376 = arith.constant 16 : i32
        %mul3A_377 = arith.muli %while3A_368, %mul3A_376 : i32
        %add3A_378 = vector.broadcast %mul3A_377 : i32 to vector<16xi32>
        %add3A_379 = arith.addi %add3A_378, %iota3A : vector<16xi32>
        %lt3A = vector.broadcast %scan3A_148 : i32 to vector<16xi32>
        %lt3A_380 = arith.cmpi slt, %add3A_379, %lt3A : vector<16xi32>
        %ge3A = vector.broadcast %mul3A_225 : i32 to vector<16xi32>
        %ge3A_381 = arith.cmpi sge, %shift_right_arithmetic3A_375, %ge3A : vector<16xi32>
        %lt3A_382 = vector.broadcast %min3A_230 : i32 to vector<16xi32>
        %lt3A_383 = arith.cmpi slt, %shift_right_arithmetic3A_375, %lt3A_382 : vector<16xi32>
        %and3A = arith.andi %ge3A_381, %lt3A_383 : vector<16xi1>
        %and3A_384 = arith.andi %and3A, %lt3A_380 : vector<16xi1>
        %swap3A_385 = arith.index_cast %while3A_369 : i32 to index
        %swap3A_386 = tpu.vector_load %arg11[%swap3A_385] masked %and3A_384 {strides = array<i32>} : memref<16400xi32, #tpu.memory_space<vmem>>, vector<16xi32>, vector<16xi1>
        tpu.vector_store %arg11[%swap3A_385], %get3A_372 masked %and3A_384 {strides = array<i32>} : memref<16400xi32, #tpu.memory_space<vmem>>, vector<16xi32>, vector<16xi1>
        %all_reduce_population_count3A = tpu.all_reduce %and3A_384 {dim = 0 : i64, kind = #tpu.reduction_kind<sum>} : vector<16xi1> -> vector<16xi32>
        %slice3A = vector.extract_strided_slice %all_reduce_population_count3A {offsets = [0], sizes = [1], strides = [1]} : vector<16xi32> to vector<1xi32>
        %squeeze3A = vector.extract %slice3A[0] : i32 from vector<1xi32>
        %add3A_387 = arith.addi %while3A_369, %squeeze3A : i32
        scf.yield %add3A_387 : i32
      }
      %add3A_243 = arith.constant 15 : i32
      %add3A_244 = arith.addi %while3A_242, %add3A_243 : i32
      %shift_right_arithmetic3A_245 = arith.constant 4 : i32
      %shift_right_arithmetic3A_246 = arith.shrsi %add3A_244, %shift_right_arithmetic3A_245 : i32
      %while3A_247 = arith.constant 0 : i32
      %while3A_248 = arith.subi %shift_right_arithmetic3A_246, %while3A_247 : i32
      %while3A_249 = arith.addi %while3A_247, %while3A_248 : i32
      %while3A_250 = arith.constant 1 : i32
      %while3A_251 = arith.divsi %while3A_248, %while3A_250 : i32
      %while3A_252 = arith.muli %while3A_251, %while3A_250 : i32
      %while3A_253 = arith.addi %while3A_247, %while3A_252 : i32
      %while3A_254 = arith.constant 1 : i32
      %while3A_255 = scf.for %while3A_368 = %while3A_247 to %while3A_253 step %while3A_254 iter_args(%while3A_369 = %scan3A_204) -> (vector<16xf32>)  : i32 {
        %mul3A_370 = arith.constant 16 : i32
        %mul3A_371 = arith.muli %while3A_368, %mul3A_370 : i32
        %get3A = arith.index_cast %mul3A_371 : i32 to index
        %get3A_372 = tpu.vector_load %arg11[%get3A] {strides = array<i32>} : memref<16400xi32, #tpu.memory_space<vmem>>, vector<16xi32>,
        %mul3A_373 = arith.constant 16 : i32
        %mul3A_374 = arith.muli %while3A_368, %mul3A_373 : i32
        %add3A_375 = vector.broadcast %mul3A_374 : i32 to vector<16xi32>
        %add3A_376 = arith.addi %add3A_375, %iota3A : vector<16xi32>
        %lt3A = vector.broadcast %while3A_242 : i32 to vector<16xi32>
        %lt3A_377 = arith.cmpi slt, %add3A_376, %lt3A : vector<16xi32>
        %shift_right_arithmetic3A_378 = arith.constant 14 : i32
        %shift_right_arithmetic3A_379 = vector.broadcast %shift_right_arithmetic3A_378 : i32 to vector<16xi32>
        %shift_right_arithmetic3A_380 = arith.shrsi %get3A_372, %shift_right_arithmetic3A_379 : vector<16xi32>
        %sub3A_381 = vector.broadcast %mul3A_225 : i32 to vector<16xi32>
        %sub3A_382 = arith.subi %shift_right_arithmetic3A_380, %sub3A_381 : vector<16xi32>
        %max3A = arith.constant 0 : i32
        %max3A_383 = vector.broadcast %max3A : i32 to vector<16xi32>
        %max3A_384 = arith.maxsi %sub3A_382, %max3A_383 : vector<16xi32>
        %min3A_385 = arith.constant 1535 : i32
        %min3A_386 = vector.broadcast %min3A_385 : i32 to vector<16xi32>
        %min3A_387 = arith.minsi %max3A_384, %min3A_386 : vector<16xi32>
        %and3A = arith.constant 16383 : i32
        %and3A_388 = vector.broadcast %and3A : i32 to vector<16xi32>
        %and3A_389 = arith.andi %get3A_372, %and3A_388 : vector<16xi32>
        %shift_right_arithmetic3A_390 = arith.constant 3 : i32
        %shift_right_arithmetic3A_391 = vector.broadcast %shift_right_arithmetic3A_390 : i32 to vector<16xi32>
        %shift_right_arithmetic3A_392 = arith.shrsi %and3A_389, %shift_right_arithmetic3A_391 : vector<16xi32>
        %dma_start3A_393 = arith.constant 0 : i32
        %dma_start3A_394 = arith.constant 0 : i32
        %dma_start3A_395 = tpu.memref_slice %arg17[%dma_start3A_393, %dma_start3A_394] : memref<2048x128xf32, #tpu.memory_space<vmem_shared>> -> memref<2048x128xf32, #tpu.memory_space<vmem_shared>>
        tpu.enqueue_indirect_dma source(%dma_start3A_395 : memref<2048x128xf32, #tpu.memory_space<vmem_shared>>) target(%arg14 : memref<16x128xf32, #tpu.memory_space<vmem>>) offsets(%shift_right_arithmetic3A_392 : vector<16xi32>) semaphore(%arg19 : memref<!tpu.dma_semaphore, #tpu.memory_space<semaphore_mem>>)
        %dma_wait3A_396 = arith.constant 0 : i32
        %dma_wait3A_397 = arith.constant 0 : i32
        %dma_wait3A_398 = tpu.memref_slice %arg17[%dma_wait3A_396, %dma_wait3A_397] : memref<2048x128xf32, #tpu.memory_space<vmem_shared>> -> memref<2048x128xf32, #tpu.memory_space<vmem_shared>>
        tpu.wait_indirect_dma semaphore(%arg19 : memref<!tpu.dma_semaphore, #tpu.memory_space<semaphore_mem>>) src(%dma_wait3A_398 : memref<2048x128xf32, #tpu.memory_space<vmem_shared>>) dst(%arg14 : memref<16x128xf32, #tpu.memory_space<vmem>>)
        %and3A_399 = arith.constant 7 : i32
        %and3A_400 = vector.broadcast %and3A_399 : i32 to vector<16xi32>
        %and3A_401 = arith.andi %and3A_389, %and3A_400 : vector<16xi32>
        %shift_left3A = arith.constant 4 : i32
        %shift_left3A_402 = vector.broadcast %shift_left3A : i32 to vector<16xi32>
        %shift_left3A_403 = arith.shli %and3A_401, %shift_left3A_402 : vector<16xi32>
        %broadcast_in_dim3A_404 = arith.constant 0.000000e+00 : f32
        %broadcast_in_dim3A_405 = vector.broadcast %broadcast_in_dim3A_404 : f32 to vector<16xf32>
        %broadcast_in_dim3A_406 = arith.constant 0 : i32
        %broadcast_in_dim3A_407 = vector.broadcast %broadcast_in_dim3A_406 : i32 to vector<16xi32>
        %gather3A = tpu.vector_load_idx %arg7[%broadcast_in_dim3A_407, %min3A_387] : memref<16x1536xf32, #tpu.memory_space<vmem>>[vector<16xi32>, vector<16xi32>], vector<16xf32>,
        %add3A_408 = arith.constant 0 : i32
        %add3A_409 = vector.broadcast %add3A_408 : i32 to vector<16xi32>
        %add3A_410 = arith.addi %shift_left3A_403, %add3A_409 : vector<16xi32>
        %gather3A_411 = tpu.vector_load_idx %arg14[%iota3A, %add3A_410] : memref<16x128xf32, #tpu.memory_space<vmem>>[vector<16xi32>, vector<16xi32>], vector<16xf32>,
        %sub3A_412 = arith.subf %gather3A, %gather3A_411 : vector<16xf32>
        %mul3A_413 = arith.mulf %sub3A_412, %sub3A_412 : vector<16xf32>
        %add3A_414 = arith.addf %broadcast_in_dim3A_405, %mul3A_413 : vector<16xf32>
        %broadcast_in_dim3A_415 = arith.constant 1 : i32
        %broadcast_in_dim3A_416 = vector.broadcast %broadcast_in_dim3A_415 : i32 to vector<16xi32>
        %gather3A_417 = tpu.vector_load_idx %arg7[%broadcast_in_dim3A_416, %min3A_387] : memref<16x1536xf32, #tpu.memory_space<vmem>>[vector<16xi32>, vector<16xi32>], vector<16xf32>,
        %add3A_418 = arith.constant 1 : i32
        %add3A_419 = vector.broadcast %add3A_418 : i32 to vector<16xi32>
        %add3A_420 = arith.addi %shift_left3A_403, %add3A_419 : vector<16xi32>
        %gather3A_421 = tpu.vector_load_idx %arg14[%iota3A, %add3A_420] : memref<16x128xf32, #tpu.memory_space<vmem>>[vector<16xi32>, vector<16xi32>], vector<16xf32>,
        %sub3A_422 = arith.subf %gather3A_417, %gather3A_421 : vector<16xf32>
        %mul3A_423 = arith.mulf %sub3A_422, %sub3A_422 : vector<16xf32>
        %add3A_424 = arith.addf %add3A_414, %mul3A_423 : vector<16xf32>
        %broadcast_in_dim3A_425 = arith.constant 2 : i32
        %broadcast_in_dim3A_426 = vector.broadcast %broadcast_in_dim3A_425 : i32 to vector<16xi32>
        %gather3A_427 = tpu.vector_load_idx %arg7[%broadcast_in_dim3A_426, %min3A_387] : memref<16x1536xf32, #tpu.memory_space<vmem>>[vector<16xi32>, vector<16xi32>], vector<16xf32>,
        %add3A_428 = arith.constant 2 : i32
        %add3A_429 = vector.broadcast %add3A_428 : i32 to vector<16xi32>
        %add3A_430 = arith.addi %shift_left3A_403, %add3A_429 : vector<16xi32>
        %gather3A_431 = tpu.vector_load_idx %arg14[%iota3A, %add3A_430] : memref<16x128xf32, #tpu.memory_space<vmem>>[vector<16xi32>, vector<16xi32>], vector<16xf32>,
        %sub3A_432 = arith.subf %gather3A_427, %gather3A_431 : vector<16xf32>
        %mul3A_433 = arith.mulf %sub3A_432, %sub3A_432 : vector<16xf32>
        %add3A_434 = arith.addf %add3A_424, %mul3A_433 : vector<16xf32>
        %broadcast_in_dim3A_435 = arith.constant 3 : i32
        %broadcast_in_dim3A_436 = vector.broadcast %broadcast_in_dim3A_435 : i32 to vector<16xi32>
        %gather3A_437 = tpu.vector_load_idx %arg7[%broadcast_in_dim3A_436, %min3A_387] : memref<16x1536xf32, #tpu.memory_space<vmem>>[vector<16xi32>, vector<16xi32>], vector<16xf32>,
        %add3A_438 = arith.constant 3 : i32
        %add3A_439 = vector.broadcast %add3A_438 : i32 to vector<16xi32>
        %add3A_440 = arith.addi %shift_left3A_403, %add3A_439 : vector<16xi32>
        %gather3A_441 = tpu.vector_load_idx %arg14[%iota3A, %add3A_440] : memref<16x128xf32, #tpu.memory_space<vmem>>[vector<16xi32>, vector<16xi32>], vector<16xf32>,
        %sub3A_442 = arith.subf %gather3A_437, %gather3A_441 : vector<16xf32>
        %mul3A_443 = arith.mulf %sub3A_442, %sub3A_442 : vector<16xf32>
        %add3A_444 = arith.addf %add3A_434, %mul3A_443 : vector<16xf32>
        %broadcast_in_dim3A_445 = arith.constant 4 : i32
        %broadcast_in_dim3A_446 = vector.broadcast %broadcast_in_dim3A_445 : i32 to vector<16xi32>
        %gather3A_447 = tpu.vector_load_idx %arg7[%broadcast_in_dim3A_446, %min3A_387] : memref<16x1536xf32, #tpu.memory_space<vmem>>[vector<16xi32>, vector<16xi32>], vector<16xf32>,
        %add3A_448 = arith.constant 4 : i32
        %add3A_449 = vector.broadcast %add3A_448 : i32 to vector<16xi32>
        %add3A_450 = arith.addi %shift_left3A_403, %add3A_449 : vector<16xi32>
        %gather3A_451 = tpu.vector_load_idx %arg14[%iota3A, %add3A_450] : memref<16x128xf32, #tpu.memory_space<vmem>>[vector<16xi32>, vector<16xi32>], vector<16xf32>,
        %sub3A_452 = arith.subf %gather3A_447, %gather3A_451 : vector<16xf32>
        %mul3A_453 = arith.mulf %sub3A_452, %sub3A_452 : vector<16xf32>
        %add3A_454 = arith.addf %add3A_444, %mul3A_453 : vector<16xf32>
        %broadcast_in_dim3A_455 = arith.constant 5 : i32
        %broadcast_in_dim3A_456 = vector.broadcast %broadcast_in_dim3A_455 : i32 to vector<16xi32>
        %gather3A_457 = tpu.vector_load_idx %arg7[%broadcast_in_dim3A_456, %min3A_387] : memref<16x1536xf32, #tpu.memory_space<vmem>>[vector<16xi32>, vector<16xi32>], vector<16xf32>,
        %add3A_458 = arith.constant 5 : i32
        %add3A_459 = vector.broadcast %add3A_458 : i32 to vector<16xi32>
        %add3A_460 = arith.addi %shift_left3A_403, %add3A_459 : vector<16xi32>
        %gather3A_461 = tpu.vector_load_idx %arg14[%iota3A, %add3A_460] : memref<16x128xf32, #tpu.memory_space<vmem>>[vector<16xi32>, vector<16xi32>], vector<16xf32>,
        %sub3A_462 = arith.subf %gather3A_457, %gather3A_461 : vector<16xf32>
        %mul3A_463 = arith.mulf %sub3A_462, %sub3A_462 : vector<16xf32>
        %add3A_464 = arith.addf %add3A_454, %mul3A_463 : vector<16xf32>
        %broadcast_in_dim3A_465 = arith.constant 6 : i32
        %broadcast_in_dim3A_466 = vector.broadcast %broadcast_in_dim3A_465 : i32 to vector<16xi32>
        %gather3A_467 = tpu.vector_load_idx %arg7[%broadcast_in_dim3A_466, %min3A_387] : memref<16x1536xf32, #tpu.memory_space<vmem>>[vector<16xi32>, vector<16xi32>], vector<16xf32>,
        %add3A_468 = arith.constant 6 : i32
        %add3A_469 = vector.broadcast %add3A_468 : i32 to vector<16xi32>
        %add3A_470 = arith.addi %shift_left3A_403, %add3A_469 : vector<16xi32>
        %gather3A_471 = tpu.vector_load_idx %arg14[%iota3A, %add3A_470] : memref<16x128xf32, #tpu.memory_space<vmem>>[vector<16xi32>, vector<16xi32>], vector<16xf32>,
        %sub3A_472 = arith.subf %gather3A_467, %gather3A_471 : vector<16xf32>
        %mul3A_473 = arith.mulf %sub3A_472, %sub3A_472 : vector<16xf32>
        %add3A_474 = arith.addf %add3A_464, %mul3A_473 : vector<16xf32>
        %broadcast_in_dim3A_475 = arith.constant 7 : i32
        %broadcast_in_dim3A_476 = vector.broadcast %broadcast_in_dim3A_475 : i32 to vector<16xi32>
        %gather3A_477 = tpu.vector_load_idx %arg7[%broadcast_in_dim3A_476, %min3A_387] : memref<16x1536xf32, #tpu.memory_space<vmem>>[vector<16xi32>, vector<16xi32>], vector<16xf32>,
        %add3A_478 = arith.constant 7 : i32
        %add3A_479 = vector.broadcast %add3A_478 : i32 to vector<16xi32>
        %add3A_480 = arith.addi %shift_left3A_403, %add3A_479 : vector<16xi32>
        %gather3A_481 = tpu.vector_load_idx %arg14[%iota3A, %add3A_480] : memref<16x128xf32, #tpu.memory_space<vmem>>[vector<16xi32>, vector<16xi32>], vector<16xf32>,
        %sub3A_482 = arith.subf %gather3A_477, %gather3A_481 : vector<16xf32>
        %mul3A_483 = arith.mulf %sub3A_482, %sub3A_482 : vector<16xf32>
        %add3A_484 = arith.addf %add3A_474, %mul3A_483 : vector<16xf32>
        %broadcast_in_dim3A_485 = arith.constant 8 : i32
        %broadcast_in_dim3A_486 = vector.broadcast %broadcast_in_dim3A_485 : i32 to vector<16xi32>
        %gather3A_487 = tpu.vector_load_idx %arg7[%broadcast_in_dim3A_486, %min3A_387] : memref<16x1536xf32, #tpu.memory_space<vmem>>[vector<16xi32>, vector<16xi32>], vector<16xf32>,
        %add3A_488 = arith.constant 8 : i32
        %add3A_489 = vector.broadcast %add3A_488 : i32 to vector<16xi32>
        %add3A_490 = arith.addi %shift_left3A_403, %add3A_489 : vector<16xi32>
        %gather3A_491 = tpu.vector_load_idx %arg14[%iota3A, %add3A_490] : memref<16x128xf32, #tpu.memory_space<vmem>>[vector<16xi32>, vector<16xi32>], vector<16xf32>,
        %sub3A_492 = arith.subf %gather3A_487, %gather3A_491 : vector<16xf32>
        %mul3A_493 = arith.mulf %sub3A_492, %sub3A_492 : vector<16xf32>
        %add3A_494 = arith.addf %add3A_484, %mul3A_493 : vector<16xf32>
        %broadcast_in_dim3A_495 = arith.constant 9 : i32
        %broadcast_in_dim3A_496 = vector.broadcast %broadcast_in_dim3A_495 : i32 to vector<16xi32>
        %gather3A_497 = tpu.vector_load_idx %arg7[%broadcast_in_dim3A_496, %min3A_387] : memref<16x1536xf32, #tpu.memory_space<vmem>>[vector<16xi32>, vector<16xi32>], vector<16xf32>,
        %add3A_498 = arith.constant 9 : i32
        %add3A_499 = vector.broadcast %add3A_498 : i32 to vector<16xi32>
        %add3A_500 = arith.addi %shift_left3A_403, %add3A_499 : vector<16xi32>
        %gather3A_501 = tpu.vector_load_idx %arg14[%iota3A, %add3A_500] : memref<16x128xf32, #tpu.memory_space<vmem>>[vector<16xi32>, vector<16xi32>], vector<16xf32>,
        %sub3A_502 = arith.subf %gather3A_497, %gather3A_501 : vector<16xf32>
        %mul3A_503 = arith.mulf %sub3A_502, %sub3A_502 : vector<16xf32>
        %add3A_504 = arith.addf %add3A_494, %mul3A_503 : vector<16xf32>
        %broadcast_in_dim3A_505 = arith.constant 10 : i32
        %broadcast_in_dim3A_506 = vector.broadcast %broadcast_in_dim3A_505 : i32 to vector<16xi32>
        %gather3A_507 = tpu.vector_load_idx %arg7[%broadcast_in_dim3A_506, %min3A_387] : memref<16x1536xf32, #tpu.memory_space<vmem>>[vector<16xi32>, vector<16xi32>], vector<16xf32>,
        %add3A_508 = arith.constant 10 : i32
        %add3A_509 = vector.broadcast %add3A_508 : i32 to vector<16xi32>
        %add3A_510 = arith.addi %shift_left3A_403, %add3A_509 : vector<16xi32>
        %gather3A_511 = tpu.vector_load_idx %arg14[%iota3A, %add3A_510] : memref<16x128xf32, #tpu.memory_space<vmem>>[vector<16xi32>, vector<16xi32>], vector<16xf32>,
        %sub3A_512 = arith.subf %gather3A_507, %gather3A_511 : vector<16xf32>
        %mul3A_513 = arith.mulf %sub3A_512, %sub3A_512 : vector<16xf32>
        %add3A_514 = arith.addf %add3A_504, %mul3A_513 : vector<16xf32>
        %broadcast_in_dim3A_515 = arith.constant 11 : i32
        %broadcast_in_dim3A_516 = vector.broadcast %broadcast_in_dim3A_515 : i32 to vector<16xi32>
        %gather3A_517 = tpu.vector_load_idx %arg7[%broadcast_in_dim3A_516, %min3A_387] : memref<16x1536xf32, #tpu.memory_space<vmem>>[vector<16xi32>, vector<16xi32>], vector<16xf32>,
        %add3A_518 = arith.constant 11 : i32
        %add3A_519 = vector.broadcast %add3A_518 : i32 to vector<16xi32>
        %add3A_520 = arith.addi %shift_left3A_403, %add3A_519 : vector<16xi32>
        %gather3A_521 = tpu.vector_load_idx %arg14[%iota3A, %add3A_520] : memref<16x128xf32, #tpu.memory_space<vmem>>[vector<16xi32>, vector<16xi32>], vector<16xf32>,
        %sub3A_522 = arith.subf %gather3A_517, %gather3A_521 : vector<16xf32>
        %mul3A_523 = arith.mulf %sub3A_522, %sub3A_522 : vector<16xf32>
        %add3A_524 = arith.addf %add3A_514, %mul3A_523 : vector<16xf32>
        %broadcast_in_dim3A_525 = arith.constant 12 : i32
        %broadcast_in_dim3A_526 = vector.broadcast %broadcast_in_dim3A_525 : i32 to vector<16xi32>
        %gather3A_527 = tpu.vector_load_idx %arg7[%broadcast_in_dim3A_526, %min3A_387] : memref<16x1536xf32, #tpu.memory_space<vmem>>[vector<16xi32>, vector<16xi32>], vector<16xf32>,
        %add3A_528 = arith.constant 12 : i32
        %add3A_529 = vector.broadcast %add3A_528 : i32 to vector<16xi32>
        %add3A_530 = arith.addi %shift_left3A_403, %add3A_529 : vector<16xi32>
        %gather3A_531 = tpu.vector_load_idx %arg14[%iota3A, %add3A_530] : memref<16x128xf32, #tpu.memory_space<vmem>>[vector<16xi32>, vector<16xi32>], vector<16xf32>,
        %sub3A_532 = arith.subf %gather3A_527, %gather3A_531 : vector<16xf32>
        %mul3A_533 = arith.mulf %sub3A_532, %sub3A_532 : vector<16xf32>
        %add3A_534 = arith.addf %add3A_524, %mul3A_533 : vector<16xf32>
        %broadcast_in_dim3A_535 = arith.constant 13 : i32
        %broadcast_in_dim3A_536 = vector.broadcast %broadcast_in_dim3A_535 : i32 to vector<16xi32>
        %gather3A_537 = tpu.vector_load_idx %arg7[%broadcast_in_dim3A_536, %min3A_387] : memref<16x1536xf32, #tpu.memory_space<vmem>>[vector<16xi32>, vector<16xi32>], vector<16xf32>,
        %add3A_538 = arith.constant 13 : i32
        %add3A_539 = vector.broadcast %add3A_538 : i32 to vector<16xi32>
        %add3A_540 = arith.addi %shift_left3A_403, %add3A_539 : vector<16xi32>
        %gather3A_541 = tpu.vector_load_idx %arg14[%iota3A, %add3A_540] : memref<16x128xf32, #tpu.memory_space<vmem>>[vector<16xi32>, vector<16xi32>], vector<16xf32>,
        %sub3A_542 = arith.subf %gather3A_537, %gather3A_541 : vector<16xf32>
        %mul3A_543 = arith.mulf %sub3A_542, %sub3A_542 : vector<16xf32>
        %add3A_544 = arith.addf %add3A_534, %mul3A_543 : vector<16xf32>
        %broadcast_in_dim3A_545 = arith.constant 14 : i32
        %broadcast_in_dim3A_546 = vector.broadcast %broadcast_in_dim3A_545 : i32 to vector<16xi32>
        %gather3A_547 = tpu.vector_load_idx %arg7[%broadcast_in_dim3A_546, %min3A_387] : memref<16x1536xf32, #tpu.memory_space<vmem>>[vector<16xi32>, vector<16xi32>], vector<16xf32>,
        %add3A_548 = arith.constant 14 : i32
        %add3A_549 = vector.broadcast %add3A_548 : i32 to vector<16xi32>
        %add3A_550 = arith.addi %shift_left3A_403, %add3A_549 : vector<16xi32>
        %gather3A_551 = tpu.vector_load_idx %arg14[%iota3A, %add3A_550] : memref<16x128xf32, #tpu.memory_space<vmem>>[vector<16xi32>, vector<16xi32>], vector<16xf32>,
        %sub3A_552 = arith.subf %gather3A_547, %gather3A_551 : vector<16xf32>
        %mul3A_553 = arith.mulf %sub3A_552, %sub3A_552 : vector<16xf32>
        %add3A_554 = arith.addf %add3A_544, %mul3A_553 : vector<16xf32>
        %broadcast_in_dim3A_555 = arith.constant 15 : i32
        %broadcast_in_dim3A_556 = vector.broadcast %broadcast_in_dim3A_555 : i32 to vector<16xi32>
        %gather3A_557 = tpu.vector_load_idx %arg7[%broadcast_in_dim3A_556, %min3A_387] : memref<16x1536xf32, #tpu.memory_space<vmem>>[vector<16xi32>, vector<16xi32>], vector<16xf32>,
        %add3A_558 = arith.constant 15 : i32
        %add3A_559 = vector.broadcast %add3A_558 : i32 to vector<16xi32>
        %add3A_560 = arith.addi %shift_left3A_403, %add3A_559 : vector<16xi32>
        %gather3A_561 = tpu.vector_load_idx %arg14[%iota3A, %add3A_560] : memref<16x128xf32, #tpu.memory_space<vmem>>[vector<16xi32>, vector<16xi32>], vector<16xf32>,
        %sub3A_562 = arith.subf %gather3A_557, %gather3A_561 : vector<16xf32>
        %mul3A_563 = arith.mulf %sub3A_562, %sub3A_562 : vector<16xf32>
        %add3A_564 = arith.addf %add3A_554, %mul3A_563 : vector<16xf32>
        %jit3A_565 = arith.constant 0.000000e+00 : f32
        %broadcast_in_dim3A_566 = vector.broadcast %jit3A_565 : f32 to vector<16xf32>
        %select_n3A_567 = arith.select %lt3A_377, %add3A_564, %broadcast_in_dim3A_566 : vector<16xi1>, vector<16xf32>
        %add3A_568 = arith.addf %while3A_369, %select_n3A_567 : vector<16xf32>
        scf.yield %add3A_568 : vector<16xf32>
      }
      %while3A_256 = arith.constant 1 : i32
      %while3A_257 = scf.for %while3A_368 = %while3A_253 to %while3A_249 step %while3A_256 iter_args(%while3A_369 = %while3A_255) -> (vector<16xf32>)  : i32 {
        %mul3A_370 = arith.constant 16 : i32
        %mul3A_371 = arith.muli %while3A_368, %mul3A_370 : i32
        %get3A = arith.index_cast %mul3A_371 : i32 to index
        %get3A_372 = tpu.vector_load %arg11[%get3A] {strides = array<i32>} : memref<16400xi32, #tpu.memory_space<vmem>>, vector<16xi32>,
        %mul3A_373 = arith.constant 16 : i32
        %mul3A_374 = arith.muli %while3A_368, %mul3A_373 : i32
        %add3A_375 = vector.broadcast %mul3A_374 : i32 to vector<16xi32>
        %add3A_376 = arith.addi %add3A_375, %iota3A : vector<16xi32>
        %lt3A = vector.broadcast %while3A_242 : i32 to vector<16xi32>
        %lt3A_377 = arith.cmpi slt, %add3A_376, %lt3A : vector<16xi32>
        %shift_right_arithmetic3A_378 = arith.constant 14 : i32
        %shift_right_arithmetic3A_379 = vector.broadcast %shift_right_arithmetic3A_378 : i32 to vector<16xi32>
        %shift_right_arithmetic3A_380 = arith.shrsi %get3A_372, %shift_right_arithmetic3A_379 : vector<16xi32>
        %sub3A_381 = vector.broadcast %mul3A_225 : i32 to vector<16xi32>
        %sub3A_382 = arith.subi %shift_right_arithmetic3A_380, %sub3A_381 : vector<16xi32>
        %max3A = arith.constant 0 : i32
        %max3A_383 = vector.broadcast %max3A : i32 to vector<16xi32>
        %max3A_384 = arith.maxsi %sub3A_382, %max3A_383 : vector<16xi32>
        %min3A_385 = arith.constant 1535 : i32
        %min3A_386 = vector.broadcast %min3A_385 : i32 to vector<16xi32>
        %min3A_387 = arith.minsi %max3A_384, %min3A_386 : vector<16xi32>
        %and3A = arith.constant 16383 : i32
        %and3A_388 = vector.broadcast %and3A : i32 to vector<16xi32>
        %and3A_389 = arith.andi %get3A_372, %and3A_388 : vector<16xi32>
        %shift_right_arithmetic3A_390 = arith.constant 3 : i32
        %shift_right_arithmetic3A_391 = vector.broadcast %shift_right_arithmetic3A_390 : i32 to vector<16xi32>
        %shift_right_arithmetic3A_392 = arith.shrsi %and3A_389, %shift_right_arithmetic3A_391 : vector<16xi32>
        %dma_start3A_393 = arith.constant 0 : i32
        %dma_start3A_394 = arith.constant 0 : i32
        %dma_start3A_395 = tpu.memref_slice %arg17[%dma_start3A_393, %dma_start3A_394] : memref<2048x128xf32, #tpu.memory_space<vmem_shared>> -> memref<2048x128xf32, #tpu.memory_space<vmem_shared>>
        tpu.enqueue_indirect_dma source(%dma_start3A_395 : memref<2048x128xf32, #tpu.memory_space<vmem_shared>>) target(%arg14 : memref<16x128xf32, #tpu.memory_space<vmem>>) offsets(%shift_right_arithmetic3A_392 : vector<16xi32>) semaphore(%arg19 : memref<!tpu.dma_semaphore, #tpu.memory_space<semaphore_mem>>)
        %dma_wait3A_396 = arith.constant 0 : i32
        %dma_wait3A_397 = arith.constant 0 : i32
        %dma_wait3A_398 = tpu.memref_slice %arg17[%dma_wait3A_396, %dma_wait3A_397] : memref<2048x128xf32, #tpu.memory_space<vmem_shared>> -> memref<2048x128xf32, #tpu.memory_space<vmem_shared>>
        tpu.wait_indirect_dma semaphore(%arg19 : memref<!tpu.dma_semaphore, #tpu.memory_space<semaphore_mem>>) src(%dma_wait3A_398 : memref<2048x128xf32, #tpu.memory_space<vmem_shared>>) dst(%arg14 : memref<16x128xf32, #tpu.memory_space<vmem>>)
        %and3A_399 = arith.constant 7 : i32
        %and3A_400 = vector.broadcast %and3A_399 : i32 to vector<16xi32>
        %and3A_401 = arith.andi %and3A_389, %and3A_400 : vector<16xi32>
        %shift_left3A = arith.constant 4 : i32
        %shift_left3A_402 = vector.broadcast %shift_left3A : i32 to vector<16xi32>
        %shift_left3A_403 = arith.shli %and3A_401, %shift_left3A_402 : vector<16xi32>
        %broadcast_in_dim3A_404 = arith.constant 0.000000e+00 : f32
        %broadcast_in_dim3A_405 = vector.broadcast %broadcast_in_dim3A_404 : f32 to vector<16xf32>
        %broadcast_in_dim3A_406 = arith.constant 0 : i32
        %broadcast_in_dim3A_407 = vector.broadcast %broadcast_in_dim3A_406 : i32 to vector<16xi32>
        %gather3A = tpu.vector_load_idx %arg7[%broadcast_in_dim3A_407, %min3A_387] : memref<16x1536xf32, #tpu.memory_space<vmem>>[vector<16xi32>, vector<16xi32>], vector<16xf32>,
        %add3A_408 = arith.constant 0 : i32
        %add3A_409 = vector.broadcast %add3A_408 : i32 to vector<16xi32>
        %add3A_410 = arith.addi %shift_left3A_403, %add3A_409 : vector<16xi32>
        %gather3A_411 = tpu.vector_load_idx %arg14[%iota3A, %add3A_410] : memref<16x128xf32, #tpu.memory_space<vmem>>[vector<16xi32>, vector<16xi32>], vector<16xf32>,
        %sub3A_412 = arith.subf %gather3A, %gather3A_411 : vector<16xf32>
        %mul3A_413 = arith.mulf %sub3A_412, %sub3A_412 : vector<16xf32>
        %add3A_414 = arith.addf %broadcast_in_dim3A_405, %mul3A_413 : vector<16xf32>
        %broadcast_in_dim3A_415 = arith.constant 1 : i32
        %broadcast_in_dim3A_416 = vector.broadcast %broadcast_in_dim3A_415 : i32 to vector<16xi32>
        %gather3A_417 = tpu.vector_load_idx %arg7[%broadcast_in_dim3A_416, %min3A_387] : memref<16x1536xf32, #tpu.memory_space<vmem>>[vector<16xi32>, vector<16xi32>], vector<16xf32>,
        %add3A_418 = arith.constant 1 : i32
        %add3A_419 = vector.broadcast %add3A_418 : i32 to vector<16xi32>
        %add3A_420 = arith.addi %shift_left3A_403, %add3A_419 : vector<16xi32>
        %gather3A_421 = tpu.vector_load_idx %arg14[%iota3A, %add3A_420] : memref<16x128xf32, #tpu.memory_space<vmem>>[vector<16xi32>, vector<16xi32>], vector<16xf32>,
        %sub3A_422 = arith.subf %gather3A_417, %gather3A_421 : vector<16xf32>
        %mul3A_423 = arith.mulf %sub3A_422, %sub3A_422 : vector<16xf32>
        %add3A_424 = arith.addf %add3A_414, %mul3A_423 : vector<16xf32>
        %broadcast_in_dim3A_425 = arith.constant 2 : i32
        %broadcast_in_dim3A_426 = vector.broadcast %broadcast_in_dim3A_425 : i32 to vector<16xi32>
        %gather3A_427 = tpu.vector_load_idx %arg7[%broadcast_in_dim3A_426, %min3A_387] : memref<16x1536xf32, #tpu.memory_space<vmem>>[vector<16xi32>, vector<16xi32>], vector<16xf32>,
        %add3A_428 = arith.constant 2 : i32
        %add3A_429 = vector.broadcast %add3A_428 : i32 to vector<16xi32>
        %add3A_430 = arith.addi %shift_left3A_403, %add3A_429 : vector<16xi32>
        %gather3A_431 = tpu.vector_load_idx %arg14[%iota3A, %add3A_430] : memref<16x128xf32, #tpu.memory_space<vmem>>[vector<16xi32>, vector<16xi32>], vector<16xf32>,
        %sub3A_432 = arith.subf %gather3A_427, %gather3A_431 : vector<16xf32>
        %mul3A_433 = arith.mulf %sub3A_432, %sub3A_432 : vector<16xf32>
        %add3A_434 = arith.addf %add3A_424, %mul3A_433 : vector<16xf32>
        %broadcast_in_dim3A_435 = arith.constant 3 : i32
        %broadcast_in_dim3A_436 = vector.broadcast %broadcast_in_dim3A_435 : i32 to vector<16xi32>
        %gather3A_437 = tpu.vector_load_idx %arg7[%broadcast_in_dim3A_436, %min3A_387] : memref<16x1536xf32, #tpu.memory_space<vmem>>[vector<16xi32>, vector<16xi32>], vector<16xf32>,
        %add3A_438 = arith.constant 3 : i32
        %add3A_439 = vector.broadcast %add3A_438 : i32 to vector<16xi32>
        %add3A_440 = arith.addi %shift_left3A_403, %add3A_439 : vector<16xi32>
        %gather3A_441 = tpu.vector_load_idx %arg14[%iota3A, %add3A_440] : memref<16x128xf32, #tpu.memory_space<vmem>>[vector<16xi32>, vector<16xi32>], vector<16xf32>,
        %sub3A_442 = arith.subf %gather3A_437, %gather3A_441 : vector<16xf32>
        %mul3A_443 = arith.mulf %sub3A_442, %sub3A_442 : vector<16xf32>
        %add3A_444 = arith.addf %add3A_434, %mul3A_443 : vector<16xf32>
        %broadcast_in_dim3A_445 = arith.constant 4 : i32
        %broadcast_in_dim3A_446 = vector.broadcast %broadcast_in_dim3A_445 : i32 to vector<16xi32>
        %gather3A_447 = tpu.vector_load_idx %arg7[%broadcast_in_dim3A_446, %min3A_387] : memref<16x1536xf32, #tpu.memory_space<vmem>>[vector<16xi32>, vector<16xi32>], vector<16xf32>,
        %add3A_448 = arith.constant 4 : i32
        %add3A_449 = vector.broadcast %add3A_448 : i32 to vector<16xi32>
        %add3A_450 = arith.addi %shift_left3A_403, %add3A_449 : vector<16xi32>
        %gather3A_451 = tpu.vector_load_idx %arg14[%iota3A, %add3A_450] : memref<16x128xf32, #tpu.memory_space<vmem>>[vector<16xi32>, vector<16xi32>], vector<16xf32>,
        %sub3A_452 = arith.subf %gather3A_447, %gather3A_451 : vector<16xf32>
        %mul3A_453 = arith.mulf %sub3A_452, %sub3A_452 : vector<16xf32>
        %add3A_454 = arith.addf %add3A_444, %mul3A_453 : vector<16xf32>
        %broadcast_in_dim3A_455 = arith.constant 5 : i32
        %broadcast_in_dim3A_456 = vector.broadcast %broadcast_in_dim3A_455 : i32 to vector<16xi32>
        %gather3A_457 = tpu.vector_load_idx %arg7[%broadcast_in_dim3A_456, %min3A_387] : memref<16x1536xf32, #tpu.memory_space<vmem>>[vector<16xi32>, vector<16xi32>], vector<16xf32>,
        %add3A_458 = arith.constant 5 : i32
        %add3A_459 = vector.broadcast %add3A_458 : i32 to vector<16xi32>
        %add3A_460 = arith.addi %shift_left3A_403, %add3A_459 : vector<16xi32>
        %gather3A_461 = tpu.vector_load_idx %arg14[%iota3A, %add3A_460] : memref<16x128xf32, #tpu.memory_space<vmem>>[vector<16xi32>, vector<16xi32>], vector<16xf32>,
        %sub3A_462 = arith.subf %gather3A_457, %gather3A_461 : vector<16xf32>
        %mul3A_463 = arith.mulf %sub3A_462, %sub3A_462 : vector<16xf32>
        %add3A_464 = arith.addf %add3A_454, %mul3A_463 : vector<16xf32>
        %broadcast_in_dim3A_465 = arith.constant 6 : i32
        %broadcast_in_dim3A_466 = vector.broadcast %broadcast_in_dim3A_465 : i32 to vector<16xi32>
        %gather3A_467 = tpu.vector_load_idx %arg7[%broadcast_in_dim3A_466, %min3A_387] : memref<16x1536xf32, #tpu.memory_space<vmem>>[vector<16xi32>, vector<16xi32>], vector<16xf32>,
        %add3A_468 = arith.constant 6 : i32
        %add3A_469 = vector.broadcast %add3A_468 : i32 to vector<16xi32>
        %add3A_470 = arith.addi %shift_left3A_403, %add3A_469 : vector<16xi32>
        %gather3A_471 = tpu.vector_load_idx %arg14[%iota3A, %add3A_470] : memref<16x128xf32, #tpu.memory_space<vmem>>[vector<16xi32>, vector<16xi32>], vector<16xf32>,
        %sub3A_472 = arith.subf %gather3A_467, %gather3A_471 : vector<16xf32>
        %mul3A_473 = arith.mulf %sub3A_472, %sub3A_472 : vector<16xf32>
        %add3A_474 = arith.addf %add3A_464, %mul3A_473 : vector<16xf32>
        %broadcast_in_dim3A_475 = arith.constant 7 : i32
        %broadcast_in_dim3A_476 = vector.broadcast %broadcast_in_dim3A_475 : i32 to vector<16xi32>
        %gather3A_477 = tpu.vector_load_idx %arg7[%broadcast_in_dim3A_476, %min3A_387] : memref<16x1536xf32, #tpu.memory_space<vmem>>[vector<16xi32>, vector<16xi32>], vector<16xf32>,
        %add3A_478 = arith.constant 7 : i32
        %add3A_479 = vector.broadcast %add3A_478 : i32 to vector<16xi32>
        %add3A_480 = arith.addi %shift_left3A_403, %add3A_479 : vector<16xi32>
        %gather3A_481 = tpu.vector_load_idx %arg14[%iota3A, %add3A_480] : memref<16x128xf32, #tpu.memory_space<vmem>>[vector<16xi32>, vector<16xi32>], vector<16xf32>,
        %sub3A_482 = arith.subf %gather3A_477, %gather3A_481 : vector<16xf32>
        %mul3A_483 = arith.mulf %sub3A_482, %sub3A_482 : vector<16xf32>
        %add3A_484 = arith.addf %add3A_474, %mul3A_483 : vector<16xf32>
        %broadcast_in_dim3A_485 = arith.constant 8 : i32
        %broadcast_in_dim3A_486 = vector.broadcast %broadcast_in_dim3A_485 : i32 to vector<16xi32>
        %gather3A_487 = tpu.vector_load_idx %arg7[%broadcast_in_dim3A_486, %min3A_387] : memref<16x1536xf32, #tpu.memory_space<vmem>>[vector<16xi32>, vector<16xi32>], vector<16xf32>,
        %add3A_488 = arith.constant 8 : i32
        %add3A_489 = vector.broadcast %add3A_488 : i32 to vector<16xi32>
        %add3A_490 = arith.addi %shift_left3A_403, %add3A_489 : vector<16xi32>
        %gather3A_491 = tpu.vector_load_idx %arg14[%iota3A, %add3A_490] : memref<16x128xf32, #tpu.memory_space<vmem>>[vector<16xi32>, vector<16xi32>], vector<16xf32>,
        %sub3A_492 = arith.subf %gather3A_487, %gather3A_491 : vector<16xf32>
        %mul3A_493 = arith.mulf %sub3A_492, %sub3A_492 : vector<16xf32>
        %add3A_494 = arith.addf %add3A_484, %mul3A_493 : vector<16xf32>
        %broadcast_in_dim3A_495 = arith.constant 9 : i32
        %broadcast_in_dim3A_496 = vector.broadcast %broadcast_in_dim3A_495 : i32 to vector<16xi32>
        %gather3A_497 = tpu.vector_load_idx %arg7[%broadcast_in_dim3A_496, %min3A_387] : memref<16x1536xf32, #tpu.memory_space<vmem>>[vector<16xi32>, vector<16xi32>], vector<16xf32>,
        %add3A_498 = arith.constant 9 : i32
        %add3A_499 = vector.broadcast %add3A_498 : i32 to vector<16xi32>
        %add3A_500 = arith.addi %shift_left3A_403, %add3A_499 : vector<16xi32>
        %gather3A_501 = tpu.vector_load_idx %arg14[%iota3A, %add3A_500] : memref<16x128xf32, #tpu.memory_space<vmem>>[vector<16xi32>, vector<16xi32>], vector<16xf32>,
        %sub3A_502 = arith.subf %gather3A_497, %gather3A_501 : vector<16xf32>
        %mul3A_503 = arith.mulf %sub3A_502, %sub3A_502 : vector<16xf32>
        %add3A_504 = arith.addf %add3A_494, %mul3A_503 : vector<16xf32>
        %broadcast_in_dim3A_505 = arith.constant 10 : i32
        %broadcast_in_dim3A_506 = vector.broadcast %broadcast_in_dim3A_505 : i32 to vector<16xi32>
        %gather3A_507 = tpu.vector_load_idx %arg7[%broadcast_in_dim3A_506, %min3A_387] : memref<16x1536xf32, #tpu.memory_space<vmem>>[vector<16xi32>, vector<16xi32>], vector<16xf32>,
        %add3A_508 = arith.constant 10 : i32
        %add3A_509 = vector.broadcast %add3A_508 : i32 to vector<16xi32>
        %add3A_510 = arith.addi %shift_left3A_403, %add3A_509 : vector<16xi32>
        %gather3A_511 = tpu.vector_load_idx %arg14[%iota3A, %add3A_510] : memref<16x128xf32, #tpu.memory_space<vmem>>[vector<16xi32>, vector<16xi32>], vector<16xf32>,
        %sub3A_512 = arith.subf %gather3A_507, %gather3A_511 : vector<16xf32>
        %mul3A_513 = arith.mulf %sub3A_512, %sub3A_512 : vector<16xf32>
        %add3A_514 = arith.addf %add3A_504, %mul3A_513 : vector<16xf32>
        %broadcast_in_dim3A_515 = arith.constant 11 : i32
        %broadcast_in_dim3A_516 = vector.broadcast %broadcast_in_dim3A_515 : i32 to vector<16xi32>
        %gather3A_517 = tpu.vector_load_idx %arg7[%broadcast_in_dim3A_516, %min3A_387] : memref<16x1536xf32, #tpu.memory_space<vmem>>[vector<16xi32>, vector<16xi32>], vector<16xf32>,
        %add3A_518 = arith.constant 11 : i32
        %add3A_519 = vector.broadcast %add3A_518 : i32 to vector<16xi32>
        %add3A_520 = arith.addi %shift_left3A_403, %add3A_519 : vector<16xi32>
        %gather3A_521 = tpu.vector_load_idx %arg14[%iota3A, %add3A_520] : memref<16x128xf32, #tpu.memory_space<vmem>>[vector<16xi32>, vector<16xi32>], vector<16xf32>,
        %sub3A_522 = arith.subf %gather3A_517, %gather3A_521 : vector<16xf32>
        %mul3A_523 = arith.mulf %sub3A_522, %sub3A_522 : vector<16xf32>
        %add3A_524 = arith.addf %add3A_514, %mul3A_523 : vector<16xf32>
        %broadcast_in_dim3A_525 = arith.constant 12 : i32
        %broadcast_in_dim3A_526 = vector.broadcast %broadcast_in_dim3A_525 : i32 to vector<16xi32>
        %gather3A_527 = tpu.vector_load_idx %arg7[%broadcast_in_dim3A_526, %min3A_387] : memref<16x1536xf32, #tpu.memory_space<vmem>>[vector<16xi32>, vector<16xi32>], vector<16xf32>,
        %add3A_528 = arith.constant 12 : i32
        %add3A_529 = vector.broadcast %add3A_528 : i32 to vector<16xi32>
        %add3A_530 = arith.addi %shift_left3A_403, %add3A_529 : vector<16xi32>
        %gather3A_531 = tpu.vector_load_idx %arg14[%iota3A, %add3A_530] : memref<16x128xf32, #tpu.memory_space<vmem>>[vector<16xi32>, vector<16xi32>], vector<16xf32>,
        %sub3A_532 = arith.subf %gather3A_527, %gather3A_531 : vector<16xf32>
        %mul3A_533 = arith.mulf %sub3A_532, %sub3A_532 : vector<16xf32>
        %add3A_534 = arith.addf %add3A_524, %mul3A_533 : vector<16xf32>
        %broadcast_in_dim3A_535 = arith.constant 13 : i32
        %broadcast_in_dim3A_536 = vector.broadcast %broadcast_in_dim3A_535 : i32 to vector<16xi32>
        %gather3A_537 = tpu.vector_load_idx %arg7[%broadcast_in_dim3A_536, %min3A_387] : memref<16x1536xf32, #tpu.memory_space<vmem>>[vector<16xi32>, vector<16xi32>], vector<16xf32>,
        %add3A_538 = arith.constant 13 : i32
        %add3A_539 = vector.broadcast %add3A_538 : i32 to vector<16xi32>
        %add3A_540 = arith.addi %shift_left3A_403, %add3A_539 : vector<16xi32>
        %gather3A_541 = tpu.vector_load_idx %arg14[%iota3A, %add3A_540] : memref<16x128xf32, #tpu.memory_space<vmem>>[vector<16xi32>, vector<16xi32>], vector<16xf32>,
        %sub3A_542 = arith.subf %gather3A_537, %gather3A_541 : vector<16xf32>
        %mul3A_543 = arith.mulf %sub3A_542, %sub3A_542 : vector<16xf32>
        %add3A_544 = arith.addf %add3A_534, %mul3A_543 : vector<16xf32>
        %broadcast_in_dim3A_545 = arith.constant 14 : i32
        %broadcast_in_dim3A_546 = vector.broadcast %broadcast_in_dim3A_545 : i32 to vector<16xi32>
        %gather3A_547 = tpu.vector_load_idx %arg7[%broadcast_in_dim3A_546, %min3A_387] : memref<16x1536xf32, #tpu.memory_space<vmem>>[vector<16xi32>, vector<16xi32>], vector<16xf32>,
        %add3A_548 = arith.constant 14 : i32
        %add3A_549 = vector.broadcast %add3A_548 : i32 to vector<16xi32>
        %add3A_550 = arith.addi %shift_left3A_403, %add3A_549 : vector<16xi32>
        %gather3A_551 = tpu.vector_load_idx %arg14[%iota3A, %add3A_550] : memref<16x128xf32, #tpu.memory_space<vmem>>[vector<16xi32>, vector<16xi32>], vector<16xf32>,
        %sub3A_552 = arith.subf %gather3A_547, %gather3A_551 : vector<16xf32>
        %mul3A_553 = arith.mulf %sub3A_552, %sub3A_552 : vector<16xf32>
        %add3A_554 = arith.addf %add3A_544, %mul3A_553 : vector<16xf32>
        %broadcast_in_dim3A_555 = arith.constant 15 : i32
        %broadcast_in_dim3A_556 = vector.broadcast %broadcast_in_dim3A_555 : i32 to vector<16xi32>
        %gather3A_557 = tpu.vector_load_idx %arg7[%broadcast_in_dim3A_556, %min3A_387] : memref<16x1536xf32, #tpu.memory_space<vmem>>[vector<16xi32>, vector<16xi32>], vector<16xf32>,
        %add3A_558 = arith.constant 15 : i32
        %add3A_559 = vector.broadcast %add3A_558 : i32 to vector<16xi32>
        %add3A_560 = arith.addi %shift_left3A_403, %add3A_559 : vector<16xi32>
        %gather3A_561 = tpu.vector_load_idx %arg14[%iota3A, %add3A_560] : memref<16x128xf32, #tpu.memory_space<vmem>>[vector<16xi32>, vector<16xi32>], vector<16xf32>,
        %sub3A_562 = arith.subf %gather3A_557, %gather3A_561 : vector<16xf32>
        %mul3A_563 = arith.mulf %sub3A_562, %sub3A_562 : vector<16xf32>
        %add3A_564 = arith.addf %add3A_554, %mul3A_563 : vector<16xf32>
        %jit3A_565 = arith.constant 0.000000e+00 : f32
        %broadcast_in_dim3A_566 = vector.broadcast %jit3A_565 : f32 to vector<16xf32>
        %select_n3A_567 = arith.select %lt3A_377, %add3A_564, %broadcast_in_dim3A_566 : vector<16xi1>, vector<16xf32>
        %add3A_568 = arith.addf %while3A_369, %select_n3A_567 : vector<16xf32>
        scf.yield %add3A_568 : vector<16xf32>
      }
      %mul3A_258 = arith.constant 3 : i32
      %mul3A_259 = arith.muli %mul3A_258, %scan3A_203 : i32
      %add3A_260 = arith.constant 1 : i32
      %add3A_261 = arith.addi %mul3A_259, %add3A_260 : i32
      %add3A_262 = arith.constant 2 : i32
      %add3A_263 = arith.addi %add3A_261, %add3A_262 : i32
      %add3A_264 = arith.addi %add3A_4, %add3A_263 : i32
      %mul3A_265 = arith.constant 1536 : i32
      %mul3A_266 = arith.muli %add3A_264, %mul3A_265 : i32
      %min3A_267 = arith.constant 998400 : i32
      %min3A_268 = arith.minsi %mul3A_266, %min3A_267 : i32
      %dma_start3A_269 = arith.constant 0 : i32
      %dma_start3A_270 = tpu.memref_slice %arg2[%dma_start3A_269, %min3A_268] : memref<16x1000000xf32, #tpu.memory_space<hbm>> -> memref<16x1536xf32, #tpu.memory_space<hbm>>
      %dma_start3A_271 = arith.constant 0 : i32
      %dma_start3A_272 = tpu.memref_slice %arg2[%dma_start3A_271, %min3A_268] : memref<16x1000000xf32, #tpu.memory_space<hbm>> -> memref<16x1536xf32, #tpu.memory_space<hbm>>
      tpu.enqueue_dma source(%dma_start3A_272 : memref<16x1536xf32, #tpu.memory_space<hbm>>) target(%arg7 : memref<16x1536xf32, #tpu.memory_space<vmem>>) target_semaphore(%arg18 : memref<!tpu.dma_semaphore, #tpu.memory_space<semaphore_mem>>)
      %dma_wait3A_273 = arith.constant 0 : i32
      %dma_wait3A_274 = arith.constant 0 : i32
      %dma_wait3A_275 = tpu.memref_slice %arg2[%dma_wait3A_273, %dma_wait3A_274] : memref<16x1000000xf32, #tpu.memory_space<hbm>> -> memref<16x1536xf32, #tpu.memory_space<hbm>>
      %dma_wait3A_276 = arith.constant 0 : i32
      %dma_wait3A_277 = arith.constant 0 : i32
      %dma_wait3A_278 = tpu.memref_slice %arg2[%dma_wait3A_276, %dma_wait3A_277] : memref<16x1000000xf32, #tpu.memory_space<hbm>> -> memref<16x1536xf32, #tpu.memory_space<hbm>>
      tpu.wait_dma2 semaphore(%arg18 : memref<!tpu.dma_semaphore, #tpu.memory_space<semaphore_mem>>) src(%dma_wait3A_278 : memref<16x1536xf32, #tpu.memory_space<hbm>>) dst(%arg8 : memref<16x1536xf32, #tpu.memory_space<vmem>>)
      %mul3A_279 = arith.constant 1536 : i32
      %mul3A_280 = arith.muli %add3A_261, %mul3A_279 : i32
      %add3A_281 = arith.constant 1536 : i32
      %add3A_282 = arith.addi %mul3A_280, %add3A_281 : i32
      %sub3A_283 = arith.constant 999936 : i32
      %sub3A_284 = arith.subi %sub3A_283, %mul3A_6 : i32
      %min3A_285 = arith.minsi %add3A_282, %sub3A_284 : i32
      %while3A_286 = arith.constant 0 : i32
      %while3A_287 = arith.constant 0 : i32
      %while3A_288 = arith.subi %shift_right_arithmetic3A_152, %while3A_286 : i32
      %while3A_289 = arith.addi %while3A_286, %while3A_288 : i32
      %while3A_290 = arith.constant 1 : i32
      %while3A_291 = arith.divsi %while3A_288, %while3A_290 : i32
      %while3A_292 = arith.muli %while3A_291, %while3A_290 : i32
      %while3A_293 = arith.addi %while3A_286, %while3A_292 : i32
      %while3A_294 = arith.constant 1 : i32
      %while3A_295 = scf.for %while3A_368 = %while3A_286 to %while3A_293 step %while3A_294 iter_args(%while3A_369 = %while3A_287) -> (i32)  : i32 {
        %mul3A_370 = arith.constant 16 : i32
        %mul3A_371 = arith.muli %while3A_368, %mul3A_370 : i32
        %get3A = arith.index_cast %mul3A_371 : i32 to index
        %get3A_372 = tpu.vector_load %arg10[%get3A] {strides = array<i32>} : memref<16400xi32, #tpu.memory_space<vmem>>, vector<16xi32>,
        %shift_right_arithmetic3A_373 = arith.constant 14 : i32
        %shift_right_arithmetic3A_374 = vector.broadcast %shift_right_arithmetic3A_373 : i32 to vector<16xi32>
        %shift_right_arithmetic3A_375 = arith.shrsi %get3A_372, %shift_right_arithmetic3A_374 : vector<16xi32>
        %mul3A_376 = arith.constant 16 : i32
        %mul3A_377 = arith.muli %while3A_368, %mul3A_376 : i32
        %add3A_378 = vector.broadcast %mul3A_377 : i32 to vector<16xi32>
        %add3A_379 = arith.addi %add3A_378, %iota3A : vector<16xi32>
        %lt3A = vector.broadcast %scan3A_148 : i32 to vector<16xi32>
        %lt3A_380 = arith.cmpi slt, %add3A_379, %lt3A : vector<16xi32>
        %ge3A = vector.broadcast %mul3A_280 : i32 to vector<16xi32>
        %ge3A_381 = arith.cmpi sge, %shift_right_arithmetic3A_375, %ge3A : vector<16xi32>
        %lt3A_382 = vector.broadcast %min3A_285 : i32 to vector<16xi32>
        %lt3A_383 = arith.cmpi slt, %shift_right_arithmetic3A_375, %lt3A_382 : vector<16xi32>
        %and3A = arith.andi %ge3A_381, %lt3A_383 : vector<16xi1>
        %and3A_384 = arith.andi %and3A, %lt3A_380 : vector<16xi1>
        %swap3A_385 = arith.index_cast %while3A_369 : i32 to index
        %swap3A_386 = tpu.vector_load %arg11[%swap3A_385] masked %and3A_384 {strides = array<i32>} : memref<16400xi32, #tpu.memory_space<vmem>>, vector<16xi32>, vector<16xi1>
        tpu.vector_store %arg11[%swap3A_385], %get3A_372 masked %and3A_384 {strides = array<i32>} : memref<16400xi32, #tpu.memory_space<vmem>>, vector<16xi32>, vector<16xi1>
        %all_reduce_population_count3A = tpu.all_reduce %and3A_384 {dim = 0 : i64, kind = #tpu.reduction_kind<sum>} : vector<16xi1> -> vector<16xi32>
        %slice3A = vector.extract_strided_slice %all_reduce_population_count3A {offsets = [0], sizes = [1], strides = [1]} : vector<16xi32> to vector<1xi32>
        %squeeze3A = vector.extract %slice3A[0] : i32 from vector<1xi32>
        %add3A_387 = arith.addi %while3A_369, %squeeze3A : i32
        scf.yield %add3A_387 : i32
      }
      %while3A_296 = arith.constant 1 : i32
      %while3A_297 = scf.for %while3A_368 = %while3A_293 to %while3A_289 step %while3A_296 iter_args(%while3A_369 = %while3A_295) -> (i32)  : i32 {
        %mul3A_370 = arith.constant 16 : i32
        %mul3A_371 = arith.muli %while3A_368, %mul3A_370 : i32
        %get3A = arith.index_cast %mul3A_371 : i32 to index
        %get3A_372 = tpu.vector_load %arg10[%get3A] {strides = array<i32>} : memref<16400xi32, #tpu.memory_space<vmem>>, vector<16xi32>,
        %shift_right_arithmetic3A_373 = arith.constant 14 : i32
        %shift_right_arithmetic3A_374 = vector.broadcast %shift_right_arithmetic3A_373 : i32 to vector<16xi32>
        %shift_right_arithmetic3A_375 = arith.shrsi %get3A_372, %shift_right_arithmetic3A_374 : vector<16xi32>
        %mul3A_376 = arith.constant 16 : i32
        %mul3A_377 = arith.muli %while3A_368, %mul3A_376 : i32
        %add3A_378 = vector.broadcast %mul3A_377 : i32 to vector<16xi32>
        %add3A_379 = arith.addi %add3A_378, %iota3A : vector<16xi32>
        %lt3A = vector.broadcast %scan3A_148 : i32 to vector<16xi32>
        %lt3A_380 = arith.cmpi slt, %add3A_379, %lt3A : vector<16xi32>
        %ge3A = vector.broadcast %mul3A_280 : i32 to vector<16xi32>
        %ge3A_381 = arith.cmpi sge, %shift_right_arithmetic3A_375, %ge3A : vector<16xi32>
        %lt3A_382 = vector.broadcast %min3A_285 : i32 to vector<16xi32>
        %lt3A_383 = arith.cmpi slt, %shift_right_arithmetic3A_375, %lt3A_382 : vector<16xi32>
        %and3A = arith.andi %ge3A_381, %lt3A_383 : vector<16xi1>
        %and3A_384 = arith.andi %and3A, %lt3A_380 : vector<16xi1>
        %swap3A_385 = arith.index_cast %while3A_369 : i32 to index
        %swap3A_386 = tpu.vector_load %arg11[%swap3A_385] masked %and3A_384 {strides = array<i32>} : memref<16400xi32, #tpu.memory_space<vmem>>, vector<16xi32>, vector<16xi1>
        tpu.vector_store %arg11[%swap3A_385], %get3A_372 masked %and3A_384 {strides = array<i32>} : memref<16400xi32, #tpu.memory_space<vmem>>, vector<16xi32>, vector<16xi1>
        %all_reduce_population_count3A = tpu.all_reduce %and3A_384 {dim = 0 : i64, kind = #tpu.reduction_kind<sum>} : vector<16xi1> -> vector<16xi32>
        %slice3A = vector.extract_strided_slice %all_reduce_population_count3A {offsets = [0], sizes = [1], strides = [1]} : vector<16xi32> to vector<1xi32>
        %squeeze3A = vector.extract %slice3A[0] : i32 from vector<1xi32>
        %add3A_387 = arith.addi %while3A_369, %squeeze3A : i32
        scf.yield %add3A_387 : i32
      }
      %add3A_298 = arith.constant 15 : i32
      %add3A_299 = arith.addi %while3A_297, %add3A_298 : i32
      %shift_right_arithmetic3A_300 = arith.constant 4 : i32
      %shift_right_arithmetic3A_301 = arith.shrsi %add3A_299, %shift_right_arithmetic3A_300 : i32
      %while3A_302 = arith.constant 0 : i32
      %while3A_303 = arith.subi %shift_right_arithmetic3A_301, %while3A_302 : i32
      %while3A_304 = arith.addi %while3A_302, %while3A_303 : i32
      %while3A_305 = arith.constant 1 : i32
      %while3A_306 = arith.divsi %while3A_303, %while3A_305 : i32
      %while3A_307 = arith.muli %while3A_306, %while3A_305 : i32
      %while3A_308 = arith.addi %while3A_302, %while3A_307 : i32
      %while3A_309 = arith.constant 1 : i32
      %while3A_310 = scf.for %while3A_368 = %while3A_302 to %while3A_308 step %while3A_309 iter_args(%while3A_369 = %while3A_257) -> (vector<16xf32>)  : i32 {
        %mul3A_370 = arith.constant 16 : i32
        %mul3A_371 = arith.muli %while3A_368, %mul3A_370 : i32
        %get3A = arith.index_cast %mul3A_371 : i32 to index
        %get3A_372 = tpu.vector_load %arg11[%get3A] {strides = array<i32>} : memref<16400xi32, #tpu.memory_space<vmem>>, vector<16xi32>,
        %mul3A_373 = arith.constant 16 : i32
        %mul3A_374 = arith.muli %while3A_368, %mul3A_373 : i32
        %add3A_375 = vector.broadcast %mul3A_374 : i32 to vector<16xi32>
        %add3A_376 = arith.addi %add3A_375, %iota3A : vector<16xi32>
        %lt3A = vector.broadcast %while3A_297 : i32 to vector<16xi32>
        %lt3A_377 = arith.cmpi slt, %add3A_376, %lt3A : vector<16xi32>
        %shift_right_arithmetic3A_378 = arith.constant 14 : i32
        %shift_right_arithmetic3A_379 = vector.broadcast %shift_right_arithmetic3A_378 : i32 to vector<16xi32>
        %shift_right_arithmetic3A_380 = arith.shrsi %get3A_372, %shift_right_arithmetic3A_379 : vector<16xi32>
        %sub3A_381 = vector.broadcast %mul3A_280 : i32 to vector<16xi32>
        %sub3A_382 = arith.subi %shift_right_arithmetic3A_380, %sub3A_381 : vector<16xi32>
        %max3A = arith.constant 0 : i32
        %max3A_383 = vector.broadcast %max3A : i32 to vector<16xi32>
        %max3A_384 = arith.maxsi %sub3A_382, %max3A_383 : vector<16xi32>
        %min3A_385 = arith.constant 1535 : i32
        %min3A_386 = vector.broadcast %min3A_385 : i32 to vector<16xi32>
        %min3A_387 = arith.minsi %max3A_384, %min3A_386 : vector<16xi32>
        %and3A = arith.constant 16383 : i32
        %and3A_388 = vector.broadcast %and3A : i32 to vector<16xi32>
        %and3A_389 = arith.andi %get3A_372, %and3A_388 : vector<16xi32>
        %shift_right_arithmetic3A_390 = arith.constant 3 : i32
        %shift_right_arithmetic3A_391 = vector.broadcast %shift_right_arithmetic3A_390 : i32 to vector<16xi32>
        %shift_right_arithmetic3A_392 = arith.shrsi %and3A_389, %shift_right_arithmetic3A_391 : vector<16xi32>
        %dma_start3A_393 = arith.constant 0 : i32
        %dma_start3A_394 = arith.constant 0 : i32
        %dma_start3A_395 = tpu.memref_slice %arg17[%dma_start3A_393, %dma_start3A_394] : memref<2048x128xf32, #tpu.memory_space<vmem_shared>> -> memref<2048x128xf32, #tpu.memory_space<vmem_shared>>
        tpu.enqueue_indirect_dma source(%dma_start3A_395 : memref<2048x128xf32, #tpu.memory_space<vmem_shared>>) target(%arg14 : memref<16x128xf32, #tpu.memory_space<vmem>>) offsets(%shift_right_arithmetic3A_392 : vector<16xi32>) semaphore(%arg19 : memref<!tpu.dma_semaphore, #tpu.memory_space<semaphore_mem>>)
        %dma_wait3A_396 = arith.constant 0 : i32
        %dma_wait3A_397 = arith.constant 0 : i32
        %dma_wait3A_398 = tpu.memref_slice %arg17[%dma_wait3A_396, %dma_wait3A_397] : memref<2048x128xf32, #tpu.memory_space<vmem_shared>> -> memref<2048x128xf32, #tpu.memory_space<vmem_shared>>
        tpu.wait_indirect_dma semaphore(%arg19 : memref<!tpu.dma_semaphore, #tpu.memory_space<semaphore_mem>>) src(%dma_wait3A_398 : memref<2048x128xf32, #tpu.memory_space<vmem_shared>>) dst(%arg14 : memref<16x128xf32, #tpu.memory_space<vmem>>)
        %and3A_399 = arith.constant 7 : i32
        %and3A_400 = vector.broadcast %and3A_399 : i32 to vector<16xi32>
        %and3A_401 = arith.andi %and3A_389, %and3A_400 : vector<16xi32>
        %shift_left3A = arith.constant 4 : i32
        %shift_left3A_402 = vector.broadcast %shift_left3A : i32 to vector<16xi32>
        %shift_left3A_403 = arith.shli %and3A_401, %shift_left3A_402 : vector<16xi32>
        %broadcast_in_dim3A_404 = arith.constant 0.000000e+00 : f32
        %broadcast_in_dim3A_405 = vector.broadcast %broadcast_in_dim3A_404 : f32 to vector<16xf32>
        %broadcast_in_dim3A_406 = arith.constant 0 : i32
        %broadcast_in_dim3A_407 = vector.broadcast %broadcast_in_dim3A_406 : i32 to vector<16xi32>
        %gather3A = tpu.vector_load_idx %arg8[%broadcast_in_dim3A_407, %min3A_387] : memref<16x1536xf32, #tpu.memory_space<vmem>>[vector<16xi32>, vector<16xi32>], vector<16xf32>,
        %add3A_408 = arith.constant 0 : i32
        %add3A_409 = vector.broadcast %add3A_408 : i32 to vector<16xi32>
        %add3A_410 = arith.addi %shift_left3A_403, %add3A_409 : vector<16xi32>
        %gather3A_411 = tpu.vector_load_idx %arg14[%iota3A, %add3A_410] : memref<16x128xf32, #tpu.memory_space<vmem>>[vector<16xi32>, vector<16xi32>], vector<16xf32>,
        %sub3A_412 = arith.subf %gather3A, %gather3A_411 : vector<16xf32>
        %mul3A_413 = arith.mulf %sub3A_412, %sub3A_412 : vector<16xf32>
        %add3A_414 = arith.addf %broadcast_in_dim3A_405, %mul3A_413 : vector<16xf32>
        %broadcast_in_dim3A_415 = arith.constant 1 : i32
        %broadcast_in_dim3A_416 = vector.broadcast %broadcast_in_dim3A_415 : i32 to vector<16xi32>
        %gather3A_417 = tpu.vector_load_idx %arg8[%broadcast_in_dim3A_416, %min3A_387] : memref<16x1536xf32, #tpu.memory_space<vmem>>[vector<16xi32>, vector<16xi32>], vector<16xf32>,
        %add3A_418 = arith.constant 1 : i32
        %add3A_419 = vector.broadcast %add3A_418 : i32 to vector<16xi32>
        %add3A_420 = arith.addi %shift_left3A_403, %add3A_419 : vector<16xi32>
        %gather3A_421 = tpu.vector_load_idx %arg14[%iota3A, %add3A_420] : memref<16x128xf32, #tpu.memory_space<vmem>>[vector<16xi32>, vector<16xi32>], vector<16xf32>,
        %sub3A_422 = arith.subf %gather3A_417, %gather3A_421 : vector<16xf32>
        %mul3A_423 = arith.mulf %sub3A_422, %sub3A_422 : vector<16xf32>
        %add3A_424 = arith.addf %add3A_414, %mul3A_423 : vector<16xf32>
        %broadcast_in_dim3A_425 = arith.constant 2 : i32
        %broadcast_in_dim3A_426 = vector.broadcast %broadcast_in_dim3A_425 : i32 to vector<16xi32>
        %gather3A_427 = tpu.vector_load_idx %arg8[%broadcast_in_dim3A_426, %min3A_387] : memref<16x1536xf32, #tpu.memory_space<vmem>>[vector<16xi32>, vector<16xi32>], vector<16xf32>,
        %add3A_428 = arith.constant 2 : i32
        %add3A_429 = vector.broadcast %add3A_428 : i32 to vector<16xi32>
        %add3A_430 = arith.addi %shift_left3A_403, %add3A_429 : vector<16xi32>
        %gather3A_431 = tpu.vector_load_idx %arg14[%iota3A, %add3A_430] : memref<16x128xf32, #tpu.memory_space<vmem>>[vector<16xi32>, vector<16xi32>], vector<16xf32>,
        %sub3A_432 = arith.subf %gather3A_427, %gather3A_431 : vector<16xf32>
        %mul3A_433 = arith.mulf %sub3A_432, %sub3A_432 : vector<16xf32>
        %add3A_434 = arith.addf %add3A_424, %mul3A_433 : vector<16xf32>
        %broadcast_in_dim3A_435 = arith.constant 3 : i32
        %broadcast_in_dim3A_436 = vector.broadcast %broadcast_in_dim3A_435 : i32 to vector<16xi32>
        %gather3A_437 = tpu.vector_load_idx %arg8[%broadcast_in_dim3A_436, %min3A_387] : memref<16x1536xf32, #tpu.memory_space<vmem>>[vector<16xi32>, vector<16xi32>], vector<16xf32>,
        %add3A_438 = arith.constant 3 : i32
        %add3A_439 = vector.broadcast %add3A_438 : i32 to vector<16xi32>
        %add3A_440 = arith.addi %shift_left3A_403, %add3A_439 : vector<16xi32>
        %gather3A_441 = tpu.vector_load_idx %arg14[%iota3A, %add3A_440] : memref<16x128xf32, #tpu.memory_space<vmem>>[vector<16xi32>, vector<16xi32>], vector<16xf32>,
        %sub3A_442 = arith.subf %gather3A_437, %gather3A_441 : vector<16xf32>
        %mul3A_443 = arith.mulf %sub3A_442, %sub3A_442 : vector<16xf32>
        %add3A_444 = arith.addf %add3A_434, %mul3A_443 : vector<16xf32>
        %broadcast_in_dim3A_445 = arith.constant 4 : i32
        %broadcast_in_dim3A_446 = vector.broadcast %broadcast_in_dim3A_445 : i32 to vector<16xi32>
        %gather3A_447 = tpu.vector_load_idx %arg8[%broadcast_in_dim3A_446, %min3A_387] : memref<16x1536xf32, #tpu.memory_space<vmem>>[vector<16xi32>, vector<16xi32>], vector<16xf32>,
        %add3A_448 = arith.constant 4 : i32
        %add3A_449 = vector.broadcast %add3A_448 : i32 to vector<16xi32>
        %add3A_450 = arith.addi %shift_left3A_403, %add3A_449 : vector<16xi32>
        %gather3A_451 = tpu.vector_load_idx %arg14[%iota3A, %add3A_450] : memref<16x128xf32, #tpu.memory_space<vmem>>[vector<16xi32>, vector<16xi32>], vector<16xf32>,
        %sub3A_452 = arith.subf %gather3A_447, %gather3A_451 : vector<16xf32>
        %mul3A_453 = arith.mulf %sub3A_452, %sub3A_452 : vector<16xf32>
        %add3A_454 = arith.addf %add3A_444, %mul3A_453 : vector<16xf32>
        %broadcast_in_dim3A_455 = arith.constant 5 : i32
        %broadcast_in_dim3A_456 = vector.broadcast %broadcast_in_dim3A_455 : i32 to vector<16xi32>
        %gather3A_457 = tpu.vector_load_idx %arg8[%broadcast_in_dim3A_456, %min3A_387] : memref<16x1536xf32, #tpu.memory_space<vmem>>[vector<16xi32>, vector<16xi32>], vector<16xf32>,
        %add3A_458 = arith.constant 5 : i32
        %add3A_459 = vector.broadcast %add3A_458 : i32 to vector<16xi32>
        %add3A_460 = arith.addi %shift_left3A_403, %add3A_459 : vector<16xi32>
        %gather3A_461 = tpu.vector_load_idx %arg14[%iota3A, %add3A_460] : memref<16x128xf32, #tpu.memory_space<vmem>>[vector<16xi32>, vector<16xi32>], vector<16xf32>,
        %sub3A_462 = arith.subf %gather3A_457, %gather3A_461 : vector<16xf32>
        %mul3A_463 = arith.mulf %sub3A_462, %sub3A_462 : vector<16xf32>
        %add3A_464 = arith.addf %add3A_454, %mul3A_463 : vector<16xf32>
        %broadcast_in_dim3A_465 = arith.constant 6 : i32
        %broadcast_in_dim3A_466 = vector.broadcast %broadcast_in_dim3A_465 : i32 to vector<16xi32>
        %gather3A_467 = tpu.vector_load_idx %arg8[%broadcast_in_dim3A_466, %min3A_387] : memref<16x1536xf32, #tpu.memory_space<vmem>>[vector<16xi32>, vector<16xi32>], vector<16xf32>,
        %add3A_468 = arith.constant 6 : i32
        %add3A_469 = vector.broadcast %add3A_468 : i32 to vector<16xi32>
        %add3A_470 = arith.addi %shift_left3A_403, %add3A_469 : vector<16xi32>
        %gather3A_471 = tpu.vector_load_idx %arg14[%iota3A, %add3A_470] : memref<16x128xf32, #tpu.memory_space<vmem>>[vector<16xi32>, vector<16xi32>], vector<16xf32>,
        %sub3A_472 = arith.subf %gather3A_467, %gather3A_471 : vector<16xf32>
        %mul3A_473 = arith.mulf %sub3A_472, %sub3A_472 : vector<16xf32>
        %add3A_474 = arith.addf %add3A_464, %mul3A_473 : vector<16xf32>
        %broadcast_in_dim3A_475 = arith.constant 7 : i32
        %broadcast_in_dim3A_476 = vector.broadcast %broadcast_in_dim3A_475 : i32 to vector<16xi32>
        %gather3A_477 = tpu.vector_load_idx %arg8[%broadcast_in_dim3A_476, %min3A_387] : memref<16x1536xf32, #tpu.memory_space<vmem>>[vector<16xi32>, vector<16xi32>], vector<16xf32>,
        %add3A_478 = arith.constant 7 : i32
        %add3A_479 = vector.broadcast %add3A_478 : i32 to vector<16xi32>
        %add3A_480 = arith.addi %shift_left3A_403, %add3A_479 : vector<16xi32>
        %gather3A_481 = tpu.vector_load_idx %arg14[%iota3A, %add3A_480] : memref<16x128xf32, #tpu.memory_space<vmem>>[vector<16xi32>, vector<16xi32>], vector<16xf32>,
        %sub3A_482 = arith.subf %gather3A_477, %gather3A_481 : vector<16xf32>
        %mul3A_483 = arith.mulf %sub3A_482, %sub3A_482 : vector<16xf32>
        %add3A_484 = arith.addf %add3A_474, %mul3A_483 : vector<16xf32>
        %broadcast_in_dim3A_485 = arith.constant 8 : i32
        %broadcast_in_dim3A_486 = vector.broadcast %broadcast_in_dim3A_485 : i32 to vector<16xi32>
        %gather3A_487 = tpu.vector_load_idx %arg8[%broadcast_in_dim3A_486, %min3A_387] : memref<16x1536xf32, #tpu.memory_space<vmem>>[vector<16xi32>, vector<16xi32>], vector<16xf32>,
        %add3A_488 = arith.constant 8 : i32
        %add3A_489 = vector.broadcast %add3A_488 : i32 to vector<16xi32>
        %add3A_490 = arith.addi %shift_left3A_403, %add3A_489 : vector<16xi32>
        %gather3A_491 = tpu.vector_load_idx %arg14[%iota3A, %add3A_490] : memref<16x128xf32, #tpu.memory_space<vmem>>[vector<16xi32>, vector<16xi32>], vector<16xf32>,
        %sub3A_492 = arith.subf %gather3A_487, %gather3A_491 : vector<16xf32>
        %mul3A_493 = arith.mulf %sub3A_492, %sub3A_492 : vector<16xf32>
        %add3A_494 = arith.addf %add3A_484, %mul3A_493 : vector<16xf32>
        %broadcast_in_dim3A_495 = arith.constant 9 : i32
        %broadcast_in_dim3A_496 = vector.broadcast %broadcast_in_dim3A_495 : i32 to vector<16xi32>
        %gather3A_497 = tpu.vector_load_idx %arg8[%broadcast_in_dim3A_496, %min3A_387] : memref<16x1536xf32, #tpu.memory_space<vmem>>[vector<16xi32>, vector<16xi32>], vector<16xf32>,
        %add3A_498 = arith.constant 9 : i32
        %add3A_499 = vector.broadcast %add3A_498 : i32 to vector<16xi32>
        %add3A_500 = arith.addi %shift_left3A_403, %add3A_499 : vector<16xi32>
        %gather3A_501 = tpu.vector_load_idx %arg14[%iota3A, %add3A_500] : memref<16x128xf32, #tpu.memory_space<vmem>>[vector<16xi32>, vector<16xi32>], vector<16xf32>,
        %sub3A_502 = arith.subf %gather3A_497, %gather3A_501 : vector<16xf32>
        %mul3A_503 = arith.mulf %sub3A_502, %sub3A_502 : vector<16xf32>
        %add3A_504 = arith.addf %add3A_494, %mul3A_503 : vector<16xf32>
        %broadcast_in_dim3A_505 = arith.constant 10 : i32
        %broadcast_in_dim3A_506 = vector.broadcast %broadcast_in_dim3A_505 : i32 to vector<16xi32>
        %gather3A_507 = tpu.vector_load_idx %arg8[%broadcast_in_dim3A_506, %min3A_387] : memref<16x1536xf32, #tpu.memory_space<vmem>>[vector<16xi32>, vector<16xi32>], vector<16xf32>,
        %add3A_508 = arith.constant 10 : i32
        %add3A_509 = vector.broadcast %add3A_508 : i32 to vector<16xi32>
        %add3A_510 = arith.addi %shift_left3A_403, %add3A_509 : vector<16xi32>
        %gather3A_511 = tpu.vector_load_idx %arg14[%iota3A, %add3A_510] : memref<16x128xf32, #tpu.memory_space<vmem>>[vector<16xi32>, vector<16xi32>], vector<16xf32>,
        %sub3A_512 = arith.subf %gather3A_507, %gather3A_511 : vector<16xf32>
        %mul3A_513 = arith.mulf %sub3A_512, %sub3A_512 : vector<16xf32>
        %add3A_514 = arith.addf %add3A_504, %mul3A_513 : vector<16xf32>
        %broadcast_in_dim3A_515 = arith.constant 11 : i32
        %broadcast_in_dim3A_516 = vector.broadcast %broadcast_in_dim3A_515 : i32 to vector<16xi32>
        %gather3A_517 = tpu.vector_load_idx %arg8[%broadcast_in_dim3A_516, %min3A_387] : memref<16x1536xf32, #tpu.memory_space<vmem>>[vector<16xi32>, vector<16xi32>], vector<16xf32>,
        %add3A_518 = arith.constant 11 : i32
        %add3A_519 = vector.broadcast %add3A_518 : i32 to vector<16xi32>
        %add3A_520 = arith.addi %shift_left3A_403, %add3A_519 : vector<16xi32>
        %gather3A_521 = tpu.vector_load_idx %arg14[%iota3A, %add3A_520] : memref<16x128xf32, #tpu.memory_space<vmem>>[vector<16xi32>, vector<16xi32>], vector<16xf32>,
        %sub3A_522 = arith.subf %gather3A_517, %gather3A_521 : vector<16xf32>
        %mul3A_523 = arith.mulf %sub3A_522, %sub3A_522 : vector<16xf32>
        %add3A_524 = arith.addf %add3A_514, %mul3A_523 : vector<16xf32>
        %broadcast_in_dim3A_525 = arith.constant 12 : i32
        %broadcast_in_dim3A_526 = vector.broadcast %broadcast_in_dim3A_525 : i32 to vector<16xi32>
        %gather3A_527 = tpu.vector_load_idx %arg8[%broadcast_in_dim3A_526, %min3A_387] : memref<16x1536xf32, #tpu.memory_space<vmem>>[vector<16xi32>, vector<16xi32>], vector<16xf32>,
        %add3A_528 = arith.constant 12 : i32
        %add3A_529 = vector.broadcast %add3A_528 : i32 to vector<16xi32>
        %add3A_530 = arith.addi %shift_left3A_403, %add3A_529 : vector<16xi32>
        %gather3A_531 = tpu.vector_load_idx %arg14[%iota3A, %add3A_530] : memref<16x128xf32, #tpu.memory_space<vmem>>[vector<16xi32>, vector<16xi32>], vector<16xf32>,
        %sub3A_532 = arith.subf %gather3A_527, %gather3A_531 : vector<16xf32>
        %mul3A_533 = arith.mulf %sub3A_532, %sub3A_532 : vector<16xf32>
        %add3A_534 = arith.addf %add3A_524, %mul3A_533 : vector<16xf32>
        %broadcast_in_dim3A_535 = arith.constant 13 : i32
        %broadcast_in_dim3A_536 = vector.broadcast %broadcast_in_dim3A_535 : i32 to vector<16xi32>
        %gather3A_537 = tpu.vector_load_idx %arg8[%broadcast_in_dim3A_536, %min3A_387] : memref<16x1536xf32, #tpu.memory_space<vmem>>[vector<16xi32>, vector<16xi32>], vector<16xf32>,
        %add3A_538 = arith.constant 13 : i32
        %add3A_539 = vector.broadcast %add3A_538 : i32 to vector<16xi32>
        %add3A_540 = arith.addi %shift_left3A_403, %add3A_539 : vector<16xi32>
        %gather3A_541 = tpu.vector_load_idx %arg14[%iota3A, %add3A_540] : memref<16x128xf32, #tpu.memory_space<vmem>>[vector<16xi32>, vector<16xi32>], vector<16xf32>,
        %sub3A_542 = arith.subf %gather3A_537, %gather3A_541 : vector<16xf32>
        %mul3A_543 = arith.mulf %sub3A_542, %sub3A_542 : vector<16xf32>
        %add3A_544 = arith.addf %add3A_534, %mul3A_543 : vector<16xf32>
        %broadcast_in_dim3A_545 = arith.constant 14 : i32
        %broadcast_in_dim3A_546 = vector.broadcast %broadcast_in_dim3A_545 : i32 to vector<16xi32>
        %gather3A_547 = tpu.vector_load_idx %arg8[%broadcast_in_dim3A_546, %min3A_387] : memref<16x1536xf32, #tpu.memory_space<vmem>>[vector<16xi32>, vector<16xi32>], vector<16xf32>,
        %add3A_548 = arith.constant 14 : i32
        %add3A_549 = vector.broadcast %add3A_548 : i32 to vector<16xi32>
        %add3A_550 = arith.addi %shift_left3A_403, %add3A_549 : vector<16xi32>
        %gather3A_551 = tpu.vector_load_idx %arg14[%iota3A, %add3A_550] : memref<16x128xf32, #tpu.memory_space<vmem>>[vector<16xi32>, vector<16xi32>], vector<16xf32>,
        %sub3A_552 = arith.subf %gather3A_547, %gather3A_551 : vector<16xf32>
        %mul3A_553 = arith.mulf %sub3A_552, %sub3A_552 : vector<16xf32>
        %add3A_554 = arith.addf %add3A_544, %mul3A_553 : vector<16xf32>
        %broadcast_in_dim3A_555 = arith.constant 15 : i32
        %broadcast_in_dim3A_556 = vector.broadcast %broadcast_in_dim3A_555 : i32 to vector<16xi32>
        %gather3A_557 = tpu.vector_load_idx %arg8[%broadcast_in_dim3A_556, %min3A_387] : memref<16x1536xf32, #tpu.memory_space<vmem>>[vector<16xi32>, vector<16xi32>], vector<16xf32>,
        %add3A_558 = arith.constant 15 : i32
        %add3A_559 = vector.broadcast %add3A_558 : i32 to vector<16xi32>
        %add3A_560 = arith.addi %shift_left3A_403, %add3A_559 : vector<16xi32>
        %gather3A_561 = tpu.vector_load_idx %arg14[%iota3A, %add3A_560] : memref<16x128xf32, #tpu.memory_space<vmem>>[vector<16xi32>, vector<16xi32>], vector<16xf32>,
        %sub3A_562 = arith.subf %gather3A_557, %gather3A_561 : vector<16xf32>
        %mul3A_563 = arith.mulf %sub3A_562, %sub3A_562 : vector<16xf32>
        %add3A_564 = arith.addf %add3A_554, %mul3A_563 : vector<16xf32>
        %jit3A_565 = arith.constant 0.000000e+00 : f32
        %broadcast_in_dim3A_566 = vector.broadcast %jit3A_565 : f32 to vector<16xf32>
        %select_n3A_567 = arith.select %lt3A_377, %add3A_564, %broadcast_in_dim3A_566 : vector<16xi1>, vector<16xf32>
        %add3A_568 = arith.addf %while3A_369, %select_n3A_567 : vector<16xf32>
        scf.yield %add3A_568 : vector<16xf32>
      }
      %while3A_311 = arith.constant 1 : i32
      %while3A_312 = scf.for %while3A_368 = %while3A_308 to %while3A_304 step %while3A_311 iter_args(%while3A_369 = %while3A_310) -> (vector<16xf32>)  : i32 {
        %mul3A_370 = arith.constant 16 : i32
        %mul3A_371 = arith.muli %while3A_368, %mul3A_370 : i32
        %get3A = arith.index_cast %mul3A_371 : i32 to index
        %get3A_372 = tpu.vector_load %arg11[%get3A] {strides = array<i32>} : memref<16400xi32, #tpu.memory_space<vmem>>, vector<16xi32>,
        %mul3A_373 = arith.constant 16 : i32
        %mul3A_374 = arith.muli %while3A_368, %mul3A_373 : i32
        %add3A_375 = vector.broadcast %mul3A_374 : i32 to vector<16xi32>
        %add3A_376 = arith.addi %add3A_375, %iota3A : vector<16xi32>
        %lt3A = vector.broadcast %while3A_297 : i32 to vector<16xi32>
        %lt3A_377 = arith.cmpi slt, %add3A_376, %lt3A : vector<16xi32>
        %shift_right_arithmetic3A_378 = arith.constant 14 : i32
        %shift_right_arithmetic3A_379 = vector.broadcast %shift_right_arithmetic3A_378 : i32 to vector<16xi32>
        %shift_right_arithmetic3A_380 = arith.shrsi %get3A_372, %shift_right_arithmetic3A_379 : vector<16xi32>
        %sub3A_381 = vector.broadcast %mul3A_280 : i32 to vector<16xi32>
        %sub3A_382 = arith.subi %shift_right_arithmetic3A_380, %sub3A_381 : vector<16xi32>
        %max3A = arith.constant 0 : i32
        %max3A_383 = vector.broadcast %max3A : i32 to vector<16xi32>
        %max3A_384 = arith.maxsi %sub3A_382, %max3A_383 : vector<16xi32>
        %min3A_385 = arith.constant 1535 : i32
        %min3A_386 = vector.broadcast %min3A_385 : i32 to vector<16xi32>
        %min3A_387 = arith.minsi %max3A_384, %min3A_386 : vector<16xi32>
        %and3A = arith.constant 16383 : i32
        %and3A_388 = vector.broadcast %and3A : i32 to vector<16xi32>
        %and3A_389 = arith.andi %get3A_372, %and3A_388 : vector<16xi32>
        %shift_right_arithmetic3A_390 = arith.constant 3 : i32
        %shift_right_arithmetic3A_391 = vector.broadcast %shift_right_arithmetic3A_390 : i32 to vector<16xi32>
        %shift_right_arithmetic3A_392 = arith.shrsi %and3A_389, %shift_right_arithmetic3A_391 : vector<16xi32>
        %dma_start3A_393 = arith.constant 0 : i32
        %dma_start3A_394 = arith.constant 0 : i32
        %dma_start3A_395 = tpu.memref_slice %arg17[%dma_start3A_393, %dma_start3A_394] : memref<2048x128xf32, #tpu.memory_space<vmem_shared>> -> memref<2048x128xf32, #tpu.memory_space<vmem_shared>>
        tpu.enqueue_indirect_dma source(%dma_start3A_395 : memref<2048x128xf32, #tpu.memory_space<vmem_shared>>) target(%arg14 : memref<16x128xf32, #tpu.memory_space<vmem>>) offsets(%shift_right_arithmetic3A_392 : vector<16xi32>) semaphore(%arg19 : memref<!tpu.dma_semaphore, #tpu.memory_space<semaphore_mem>>)
        %dma_wait3A_396 = arith.constant 0 : i32
        %dma_wait3A_397 = arith.constant 0 : i32
        %dma_wait3A_398 = tpu.memref_slice %arg17[%dma_wait3A_396, %dma_wait3A_397] : memref<2048x128xf32, #tpu.memory_space<vmem_shared>> -> memref<2048x128xf32, #tpu.memory_space<vmem_shared>>
        tpu.wait_indirect_dma semaphore(%arg19 : memref<!tpu.dma_semaphore, #tpu.memory_space<semaphore_mem>>) src(%dma_wait3A_398 : memref<2048x128xf32, #tpu.memory_space<vmem_shared>>) dst(%arg14 : memref<16x128xf32, #tpu.memory_space<vmem>>)
        %and3A_399 = arith.constant 7 : i32
        %and3A_400 = vector.broadcast %and3A_399 : i32 to vector<16xi32>
        %and3A_401 = arith.andi %and3A_389, %and3A_400 : vector<16xi32>
        %shift_left3A = arith.constant 4 : i32
        %shift_left3A_402 = vector.broadcast %shift_left3A : i32 to vector<16xi32>
        %shift_left3A_403 = arith.shli %and3A_401, %shift_left3A_402 : vector<16xi32>
        %broadcast_in_dim3A_404 = arith.constant 0.000000e+00 : f32
        %broadcast_in_dim3A_405 = vector.broadcast %broadcast_in_dim3A_404 : f32 to vector<16xf32>
        %broadcast_in_dim3A_406 = arith.constant 0 : i32
        %broadcast_in_dim3A_407 = vector.broadcast %broadcast_in_dim3A_406 : i32 to vector<16xi32>
        %gather3A = tpu.vector_load_idx %arg8[%broadcast_in_dim3A_407, %min3A_387] : memref<16x1536xf32, #tpu.memory_space<vmem>>[vector<16xi32>, vector<16xi32>], vector<16xf32>,
        %add3A_408 = arith.constant 0 : i32
        %add3A_409 = vector.broadcast %add3A_408 : i32 to vector<16xi32>
        %add3A_410 = arith.addi %shift_left3A_403, %add3A_409 : vector<16xi32>
        %gather3A_411 = tpu.vector_load_idx %arg14[%iota3A, %add3A_410] : memref<16x128xf32, #tpu.memory_space<vmem>>[vector<16xi32>, vector<16xi32>], vector<16xf32>,
        %sub3A_412 = arith.subf %gather3A, %gather3A_411 : vector<16xf32>
        %mul3A_413 = arith.mulf %sub3A_412, %sub3A_412 : vector<16xf32>
        %add3A_414 = arith.addf %broadcast_in_dim3A_405, %mul3A_413 : vector<16xf32>
        %broadcast_in_dim3A_415 = arith.constant 1 : i32
        %broadcast_in_dim3A_416 = vector.broadcast %broadcast_in_dim3A_415 : i32 to vector<16xi32>
        %gather3A_417 = tpu.vector_load_idx %arg8[%broadcast_in_dim3A_416, %min3A_387] : memref<16x1536xf32, #tpu.memory_space<vmem>>[vector<16xi32>, vector<16xi32>], vector<16xf32>,
        %add3A_418 = arith.constant 1 : i32
        %add3A_419 = vector.broadcast %add3A_418 : i32 to vector<16xi32>
        %add3A_420 = arith.addi %shift_left3A_403, %add3A_419 : vector<16xi32>
        %gather3A_421 = tpu.vector_load_idx %arg14[%iota3A, %add3A_420] : memref<16x128xf32, #tpu.memory_space<vmem>>[vector<16xi32>, vector<16xi32>], vector<16xf32>,
        %sub3A_422 = arith.subf %gather3A_417, %gather3A_421 : vector<16xf32>
        %mul3A_423 = arith.mulf %sub3A_422, %sub3A_422 : vector<16xf32>
        %add3A_424 = arith.addf %add3A_414, %mul3A_423 : vector<16xf32>
        %broadcast_in_dim3A_425 = arith.constant 2 : i32
        %broadcast_in_dim3A_426 = vector.broadcast %broadcast_in_dim3A_425 : i32 to vector<16xi32>
        %gather3A_427 = tpu.vector_load_idx %arg8[%broadcast_in_dim3A_426, %min3A_387] : memref<16x1536xf32, #tpu.memory_space<vmem>>[vector<16xi32>, vector<16xi32>], vector<16xf32>,
        %add3A_428 = arith.constant 2 : i32
        %add3A_429 = vector.broadcast %add3A_428 : i32 to vector<16xi32>
        %add3A_430 = arith.addi %shift_left3A_403, %add3A_429 : vector<16xi32>
        %gather3A_431 = tpu.vector_load_idx %arg14[%iota3A, %add3A_430] : memref<16x128xf32, #tpu.memory_space<vmem>>[vector<16xi32>, vector<16xi32>], vector<16xf32>,
        %sub3A_432 = arith.subf %gather3A_427, %gather3A_431 : vector<16xf32>
        %mul3A_433 = arith.mulf %sub3A_432, %sub3A_432 : vector<16xf32>
        %add3A_434 = arith.addf %add3A_424, %mul3A_433 : vector<16xf32>
        %broadcast_in_dim3A_435 = arith.constant 3 : i32
        %broadcast_in_dim3A_436 = vector.broadcast %broadcast_in_dim3A_435 : i32 to vector<16xi32>
        %gather3A_437 = tpu.vector_load_idx %arg8[%broadcast_in_dim3A_436, %min3A_387] : memref<16x1536xf32, #tpu.memory_space<vmem>>[vector<16xi32>, vector<16xi32>], vector<16xf32>,
        %add3A_438 = arith.constant 3 : i32
        %add3A_439 = vector.broadcast %add3A_438 : i32 to vector<16xi32>
        %add3A_440 = arith.addi %shift_left3A_403, %add3A_439 : vector<16xi32>
        %gather3A_441 = tpu.vector_load_idx %arg14[%iota3A, %add3A_440] : memref<16x128xf32, #tpu.memory_space<vmem>>[vector<16xi32>, vector<16xi32>], vector<16xf32>,
        %sub3A_442 = arith.subf %gather3A_437, %gather3A_441 : vector<16xf32>
        %mul3A_443 = arith.mulf %sub3A_442, %sub3A_442 : vector<16xf32>
        %add3A_444 = arith.addf %add3A_434, %mul3A_443 : vector<16xf32>
        %broadcast_in_dim3A_445 = arith.constant 4 : i32
        %broadcast_in_dim3A_446 = vector.broadcast %broadcast_in_dim3A_445 : i32 to vector<16xi32>
        %gather3A_447 = tpu.vector_load_idx %arg8[%broadcast_in_dim3A_446, %min3A_387] : memref<16x1536xf32, #tpu.memory_space<vmem>>[vector<16xi32>, vector<16xi32>], vector<16xf32>,
        %add3A_448 = arith.constant 4 : i32
        %add3A_449 = vector.broadcast %add3A_448 : i32 to vector<16xi32>
        %add3A_450 = arith.addi %shift_left3A_403, %add3A_449 : vector<16xi32>
        %gather3A_451 = tpu.vector_load_idx %arg14[%iota3A, %add3A_450] : memref<16x128xf32, #tpu.memory_space<vmem>>[vector<16xi32>, vector<16xi32>], vector<16xf32>,
        %sub3A_452 = arith.subf %gather3A_447, %gather3A_451 : vector<16xf32>
        %mul3A_453 = arith.mulf %sub3A_452, %sub3A_452 : vector<16xf32>
        %add3A_454 = arith.addf %add3A_444, %mul3A_453 : vector<16xf32>
        %broadcast_in_dim3A_455 = arith.constant 5 : i32
        %broadcast_in_dim3A_456 = vector.broadcast %broadcast_in_dim3A_455 : i32 to vector<16xi32>
        %gather3A_457 = tpu.vector_load_idx %arg8[%broadcast_in_dim3A_456, %min3A_387] : memref<16x1536xf32, #tpu.memory_space<vmem>>[vector<16xi32>, vector<16xi32>], vector<16xf32>,
        %add3A_458 = arith.constant 5 : i32
        %add3A_459 = vector.broadcast %add3A_458 : i32 to vector<16xi32>
        %add3A_460 = arith.addi %shift_left3A_403, %add3A_459 : vector<16xi32>
        %gather3A_461 = tpu.vector_load_idx %arg14[%iota3A, %add3A_460] : memref<16x128xf32, #tpu.memory_space<vmem>>[vector<16xi32>, vector<16xi32>], vector<16xf32>,
        %sub3A_462 = arith.subf %gather3A_457, %gather3A_461 : vector<16xf32>
        %mul3A_463 = arith.mulf %sub3A_462, %sub3A_462 : vector<16xf32>
        %add3A_464 = arith.addf %add3A_454, %mul3A_463 : vector<16xf32>
        %broadcast_in_dim3A_465 = arith.constant 6 : i32
        %broadcast_in_dim3A_466 = vector.broadcast %broadcast_in_dim3A_465 : i32 to vector<16xi32>
        %gather3A_467 = tpu.vector_load_idx %arg8[%broadcast_in_dim3A_466, %min3A_387] : memref<16x1536xf32, #tpu.memory_space<vmem>>[vector<16xi32>, vector<16xi32>], vector<16xf32>,
        %add3A_468 = arith.constant 6 : i32
        %add3A_469 = vector.broadcast %add3A_468 : i32 to vector<16xi32>
        %add3A_470 = arith.addi %shift_left3A_403, %add3A_469 : vector<16xi32>
        %gather3A_471 = tpu.vector_load_idx %arg14[%iota3A, %add3A_470] : memref<16x128xf32, #tpu.memory_space<vmem>>[vector<16xi32>, vector<16xi32>], vector<16xf32>,
        %sub3A_472 = arith.subf %gather3A_467, %gather3A_471 : vector<16xf32>
        %mul3A_473 = arith.mulf %sub3A_472, %sub3A_472 : vector<16xf32>
        %add3A_474 = arith.addf %add3A_464, %mul3A_473 : vector<16xf32>
        %broadcast_in_dim3A_475 = arith.constant 7 : i32
        %broadcast_in_dim3A_476 = vector.broadcast %broadcast_in_dim3A_475 : i32 to vector<16xi32>
        %gather3A_477 = tpu.vector_load_idx %arg8[%broadcast_in_dim3A_476, %min3A_387] : memref<16x1536xf32, #tpu.memory_space<vmem>>[vector<16xi32>, vector<16xi32>], vector<16xf32>,
        %add3A_478 = arith.constant 7 : i32
        %add3A_479 = vector.broadcast %add3A_478 : i32 to vector<16xi32>
        %add3A_480 = arith.addi %shift_left3A_403, %add3A_479 : vector<16xi32>
        %gather3A_481 = tpu.vector_load_idx %arg14[%iota3A, %add3A_480] : memref<16x128xf32, #tpu.memory_space<vmem>>[vector<16xi32>, vector<16xi32>], vector<16xf32>,
        %sub3A_482 = arith.subf %gather3A_477, %gather3A_481 : vector<16xf32>
        %mul3A_483 = arith.mulf %sub3A_482, %sub3A_482 : vector<16xf32>
        %add3A_484 = arith.addf %add3A_474, %mul3A_483 : vector<16xf32>
        %broadcast_in_dim3A_485 = arith.constant 8 : i32
        %broadcast_in_dim3A_486 = vector.broadcast %broadcast_in_dim3A_485 : i32 to vector<16xi32>
        %gather3A_487 = tpu.vector_load_idx %arg8[%broadcast_in_dim3A_486, %min3A_387] : memref<16x1536xf32, #tpu.memory_space<vmem>>[vector<16xi32>, vector<16xi32>], vector<16xf32>,
        %add3A_488 = arith.constant 8 : i32
        %add3A_489 = vector.broadcast %add3A_488 : i32 to vector<16xi32>
        %add3A_490 = arith.addi %shift_left3A_403, %add3A_489 : vector<16xi32>
        %gather3A_491 = tpu.vector_load_idx %arg14[%iota3A, %add3A_490] : memref<16x128xf32, #tpu.memory_space<vmem>>[vector<16xi32>, vector<16xi32>], vector<16xf32>,
        %sub3A_492 = arith.subf %gather3A_487, %gather3A_491 : vector<16xf32>
        %mul3A_493 = arith.mulf %sub3A_492, %sub3A_492 : vector<16xf32>
        %add3A_494 = arith.addf %add3A_484, %mul3A_493 : vector<16xf32>
        %broadcast_in_dim3A_495 = arith.constant 9 : i32
        %broadcast_in_dim3A_496 = vector.broadcast %broadcast_in_dim3A_495 : i32 to vector<16xi32>
        %gather3A_497 = tpu.vector_load_idx %arg8[%broadcast_in_dim3A_496, %min3A_387] : memref<16x1536xf32, #tpu.memory_space<vmem>>[vector<16xi32>, vector<16xi32>], vector<16xf32>,
        %add3A_498 = arith.constant 9 : i32
        %add3A_499 = vector.broadcast %add3A_498 : i32 to vector<16xi32>
        %add3A_500 = arith.addi %shift_left3A_403, %add3A_499 : vector<16xi32>
        %gather3A_501 = tpu.vector_load_idx %arg14[%iota3A, %add3A_500] : memref<16x128xf32, #tpu.memory_space<vmem>>[vector<16xi32>, vector<16xi32>], vector<16xf32>,
        %sub3A_502 = arith.subf %gather3A_497, %gather3A_501 : vector<16xf32>
        %mul3A_503 = arith.mulf %sub3A_502, %sub3A_502 : vector<16xf32>
        %add3A_504 = arith.addf %add3A_494, %mul3A_503 : vector<16xf32>
        %broadcast_in_dim3A_505 = arith.constant 10 : i32
        %broadcast_in_dim3A_506 = vector.broadcast %broadcast_in_dim3A_505 : i32 to vector<16xi32>
        %gather3A_507 = tpu.vector_load_idx %arg8[%broadcast_in_dim3A_506, %min3A_387] : memref<16x1536xf32, #tpu.memory_space<vmem>>[vector<16xi32>, vector<16xi32>], vector<16xf32>,
        %add3A_508 = arith.constant 10 : i32
        %add3A_509 = vector.broadcast %add3A_508 : i32 to vector<16xi32>
        %add3A_510 = arith.addi %shift_left3A_403, %add3A_509 : vector<16xi32>
        %gather3A_511 = tpu.vector_load_idx %arg14[%iota3A, %add3A_510] : memref<16x128xf32, #tpu.memory_space<vmem>>[vector<16xi32>, vector<16xi32>], vector<16xf32>,
        %sub3A_512 = arith.subf %gather3A_507, %gather3A_511 : vector<16xf32>
        %mul3A_513 = arith.mulf %sub3A_512, %sub3A_512 : vector<16xf32>
        %add3A_514 = arith.addf %add3A_504, %mul3A_513 : vector<16xf32>
        %broadcast_in_dim3A_515 = arith.constant 11 : i32
        %broadcast_in_dim3A_516 = vector.broadcast %broadcast_in_dim3A_515 : i32 to vector<16xi32>
        %gather3A_517 = tpu.vector_load_idx %arg8[%broadcast_in_dim3A_516, %min3A_387] : memref<16x1536xf32, #tpu.memory_space<vmem>>[vector<16xi32>, vector<16xi32>], vector<16xf32>,
        %add3A_518 = arith.constant 11 : i32
        %add3A_519 = vector.broadcast %add3A_518 : i32 to vector<16xi32>
        %add3A_520 = arith.addi %shift_left3A_403, %add3A_519 : vector<16xi32>
        %gather3A_521 = tpu.vector_load_idx %arg14[%iota3A, %add3A_520] : memref<16x128xf32, #tpu.memory_space<vmem>>[vector<16xi32>, vector<16xi32>], vector<16xf32>,
        %sub3A_522 = arith.subf %gather3A_517, %gather3A_521 : vector<16xf32>
        %mul3A_523 = arith.mulf %sub3A_522, %sub3A_522 : vector<16xf32>
        %add3A_524 = arith.addf %add3A_514, %mul3A_523 : vector<16xf32>
        %broadcast_in_dim3A_525 = arith.constant 12 : i32
        %broadcast_in_dim3A_526 = vector.broadcast %broadcast_in_dim3A_525 : i32 to vector<16xi32>
        %gather3A_527 = tpu.vector_load_idx %arg8[%broadcast_in_dim3A_526, %min3A_387] : memref<16x1536xf32, #tpu.memory_space<vmem>>[vector<16xi32>, vector<16xi32>], vector<16xf32>,
        %add3A_528 = arith.constant 12 : i32
        %add3A_529 = vector.broadcast %add3A_528 : i32 to vector<16xi32>
        %add3A_530 = arith.addi %shift_left3A_403, %add3A_529 : vector<16xi32>
        %gather3A_531 = tpu.vector_load_idx %arg14[%iota3A, %add3A_530] : memref<16x128xf32, #tpu.memory_space<vmem>>[vector<16xi32>, vector<16xi32>], vector<16xf32>,
        %sub3A_532 = arith.subf %gather3A_527, %gather3A_531 : vector<16xf32>
        %mul3A_533 = arith.mulf %sub3A_532, %sub3A_532 : vector<16xf32>
        %add3A_534 = arith.addf %add3A_524, %mul3A_533 : vector<16xf32>
        %broadcast_in_dim3A_535 = arith.constant 13 : i32
        %broadcast_in_dim3A_536 = vector.broadcast %broadcast_in_dim3A_535 : i32 to vector<16xi32>
        %gather3A_537 = tpu.vector_load_idx %arg8[%broadcast_in_dim3A_536, %min3A_387] : memref<16x1536xf32, #tpu.memory_space<vmem>>[vector<16xi32>, vector<16xi32>], vector<16xf32>,
        %add3A_538 = arith.constant 13 : i32
        %add3A_539 = vector.broadcast %add3A_538 : i32 to vector<16xi32>
        %add3A_540 = arith.addi %shift_left3A_403, %add3A_539 : vector<16xi32>
        %gather3A_541 = tpu.vector_load_idx %arg14[%iota3A, %add3A_540] : memref<16x128xf32, #tpu.memory_space<vmem>>[vector<16xi32>, vector<16xi32>], vector<16xf32>,
        %sub3A_542 = arith.subf %gather3A_537, %gather3A_541 : vector<16xf32>
        %mul3A_543 = arith.mulf %sub3A_542, %sub3A_542 : vector<16xf32>
        %add3A_544 = arith.addf %add3A_534, %mul3A_543 : vector<16xf32>
        %broadcast_in_dim3A_545 = arith.constant 14 : i32
        %broadcast_in_dim3A_546 = vector.broadcast %broadcast_in_dim3A_545 : i32 to vector<16xi32>
        %gather3A_547 = tpu.vector_load_idx %arg8[%broadcast_in_dim3A_546, %min3A_387] : memref<16x1536xf32, #tpu.memory_space<vmem>>[vector<16xi32>, vector<16xi32>], vector<16xf32>,
        %add3A_548 = arith.constant 14 : i32
        %add3A_549 = vector.broadcast %add3A_548 : i32 to vector<16xi32>
        %add3A_550 = arith.addi %shift_left3A_403, %add3A_549 : vector<16xi32>
        %gather3A_551 = tpu.vector_load_idx %arg14[%iota3A, %add3A_550] : memref<16x128xf32, #tpu.memory_space<vmem>>[vector<16xi32>, vector<16xi32>], vector<16xf32>,
        %sub3A_552 = arith.subf %gather3A_547, %gather3A_551 : vector<16xf32>
        %mul3A_553 = arith.mulf %sub3A_552, %sub3A_552 : vector<16xf32>
        %add3A_554 = arith.addf %add3A_544, %mul3A_553 : vector<16xf32>
        %broadcast_in_dim3A_555 = arith.constant 15 : i32
        %broadcast_in_dim3A_556 = vector.broadcast %broadcast_in_dim3A_555 : i32 to vector<16xi32>
        %gather3A_557 = tpu.vector_load_idx %arg8[%broadcast_in_dim3A_556, %min3A_387] : memref<16x1536xf32, #tpu.memory_space<vmem>>[vector<16xi32>, vector<16xi32>], vector<16xf32>,
        %add3A_558 = arith.constant 15 : i32
        %add3A_559 = vector.broadcast %add3A_558 : i32 to vector<16xi32>
        %add3A_560 = arith.addi %shift_left3A_403, %add3A_559 : vector<16xi32>
        %gather3A_561 = tpu.vector_load_idx %arg14[%iota3A, %add3A_560] : memref<16x128xf32, #tpu.memory_space<vmem>>[vector<16xi32>, vector<16xi32>], vector<16xf32>,
        %sub3A_562 = arith.subf %gather3A_557, %gather3A_561 : vector<16xf32>
        %mul3A_563 = arith.mulf %sub3A_562, %sub3A_562 : vector<16xf32>
        %add3A_564 = arith.addf %add3A_554, %mul3A_563 : vector<16xf32>
        %jit3A_565 = arith.constant 0.000000e+00 : f32
        %broadcast_in_dim3A_566 = vector.broadcast %jit3A_565 : f32 to vector<16xf32>
        %select_n3A_567 = arith.select %lt3A_377, %add3A_564, %broadcast_in_dim3A_566 : vector<16xi1>, vector<16xf32>
        %add3A_568 = arith.addf %while3A_369, %select_n3A_567 : vector<16xf32>
        scf.yield %add3A_568 : vector<16xf32>
      }
      %mul3A_313 = arith.constant 3 : i32
      %mul3A_314 = arith.muli %mul3A_313, %scan3A_203 : i32
      %add3A_315 = arith.constant 2 : i32
      %add3A_316 = arith.addi %mul3A_314, %add3A_315 : i32
      %add3A_317 = arith.constant 2 : i32
      %add3A_318 = arith.addi %add3A_316, %add3A_317 : i32
      %add3A_319 = arith.addi %add3A_4, %add3A_318 : i32
      %mul3A_320 = arith.constant 1536 : i32
      %mul3A_321 = arith.muli %add3A_319, %mul3A_320 : i32
      %min3A_322 = arith.constant 998400 : i32
      %min3A_323 = arith.minsi %mul3A_321, %min3A_322 : i32
      %dma_start3A_324 = arith.constant 0 : i32
      %dma_start3A_325 = tpu.memref_slice %arg2[%dma_start3A_324, %min3A_323] : memref<16x1000000xf32, #tpu.memory_space<hbm>> -> memref<16x1536xf32, #tpu.memory_space<hbm>>
      %dma_start3A_326 = arith.constant 0 : i32
      %dma_start3A_327 = tpu.memref_slice %arg2[%dma_start3A_326, %min3A_323] : memref<16x1000000xf32, #tpu.memory_space<hbm>> -> memref<16x1536xf32, #tpu.memory_space<hbm>>
      tpu.enqueue_dma source(%dma_start3A_327 : memref<16x1536xf32, #tpu.memory_space<hbm>>) target(%arg8 : memref<16x1536xf32, #tpu.memory_space<vmem>>) target_semaphore(%arg18 : memref<!tpu.dma_semaphore, #tpu.memory_space<semaphore_mem>>)
      %dma_wait3A_328 = arith.constant 0 : i32
      %dma_wait3A_329 = arith.constant 0 : i32
      %dma_wait3A_330 = tpu.memref_slice %arg2[%dma_wait3A_328, %dma_wait3A_329] : memref<16x1000000xf32, #tpu.memory_space<hbm>> -> memref<16x1536xf32, #tpu.memory_space<hbm>>
      %dma_wait3A_331 = arith.constant 0 : i32
      %dma_wait3A_332 = arith.constant 0 : i32
      %dma_wait3A_333 = tpu.memref_slice %arg2[%dma_wait3A_331, %dma_wait3A_332] : memref<16x1000000xf32, #tpu.memory_space<hbm>> -> memref<16x1536xf32, #tpu.memory_space<hbm>>
      tpu.wait_dma2 semaphore(%arg18 : memref<!tpu.dma_semaphore, #tpu.memory_space<semaphore_mem>>) src(%dma_wait3A_333 : memref<16x1536xf32, #tpu.memory_space<hbm>>) dst(%arg9 : memref<16x1536xf32, #tpu.memory_space<vmem>>)
      %mul3A_334 = arith.constant 1536 : i32
      %mul3A_335 = arith.muli %add3A_316, %mul3A_334 : i32
      %add3A_336 = arith.constant 1536 : i32
      %add3A_337 = arith.addi %mul3A_335, %add3A_336 : i32
      %sub3A_338 = arith.constant 999936 : i32
      %sub3A_339 = arith.subi %sub3A_338, %mul3A_6 : i32
      %min3A_340 = arith.minsi %add3A_337, %sub3A_339 : i32
      %while3A_341 = arith.constant 0 : i32
      %while3A_342 = arith.constant 0 : i32
      %while3A_343 = arith.subi %shift_right_arithmetic3A_152, %while3A_341 : i32
      %while3A_344 = arith.addi %while3A_341, %while3A_343 : i32
      %while3A_345 = arith.constant 1 : i32
      %while3A_346 = arith.divsi %while3A_343, %while3A_345 : i32
      %while3A_347 = arith.muli %while3A_346, %while3A_345 : i32
      %while3A_348 = arith.addi %while3A_341, %while3A_347 : i32
      %while3A_349 = arith.constant 1 : i32
      %while3A_350 = scf.for %while3A_368 = %while3A_341 to %while3A_348 step %while3A_349 iter_args(%while3A_369 = %while3A_342) -> (i32)  : i32 {
        %mul3A_370 = arith.constant 16 : i32
        %mul3A_371 = arith.muli %while3A_368, %mul3A_370 : i32
        %get3A = arith.index_cast %mul3A_371 : i32 to index
        %get3A_372 = tpu.vector_load %arg10[%get3A] {strides = array<i32>} : memref<16400xi32, #tpu.memory_space<vmem>>, vector<16xi32>,
        %shift_right_arithmetic3A_373 = arith.constant 14 : i32
        %shift_right_arithmetic3A_374 = vector.broadcast %shift_right_arithmetic3A_373 : i32 to vector<16xi32>
        %shift_right_arithmetic3A_375 = arith.shrsi %get3A_372, %shift_right_arithmetic3A_374 : vector<16xi32>
        %mul3A_376 = arith.constant 16 : i32
        %mul3A_377 = arith.muli %while3A_368, %mul3A_376 : i32
        %add3A_378 = vector.broadcast %mul3A_377 : i32 to vector<16xi32>
        %add3A_379 = arith.addi %add3A_378, %iota3A : vector<16xi32>
        %lt3A = vector.broadcast %scan3A_148 : i32 to vector<16xi32>
        %lt3A_380 = arith.cmpi slt, %add3A_379, %lt3A : vector<16xi32>
        %ge3A = vector.broadcast %mul3A_335 : i32 to vector<16xi32>
        %ge3A_381 = arith.cmpi sge, %shift_right_arithmetic3A_375, %ge3A : vector<16xi32>
        %lt3A_382 = vector.broadcast %min3A_340 : i32 to vector<16xi32>
        %lt3A_383 = arith.cmpi slt, %shift_right_arithmetic3A_375, %lt3A_382 : vector<16xi32>
        %and3A = arith.andi %ge3A_381, %lt3A_383 : vector<16xi1>
        %and3A_384 = arith.andi %and3A, %lt3A_380 : vector<16xi1>
        %swap3A_385 = arith.index_cast %while3A_369 : i32 to index
        %swap3A_386 = tpu.vector_load %arg11[%swap3A_385] masked %and3A_384 {strides = array<i32>} : memref<16400xi32, #tpu.memory_space<vmem>>, vector<16xi32>, vector<16xi1>
        tpu.vector_store %arg11[%swap3A_385], %get3A_372 masked %and3A_384 {strides = array<i32>} : memref<16400xi32, #tpu.memory_space<vmem>>, vector<16xi32>, vector<16xi1>
        %all_reduce_population_count3A = tpu.all_reduce %and3A_384 {dim = 0 : i64, kind = #tpu.reduction_kind<sum>} : vector<16xi1> -> vector<16xi32>
        %slice3A = vector.extract_strided_slice %all_reduce_population_count3A {offsets = [0], sizes = [1], strides = [1]} : vector<16xi32> to vector<1xi32>
        %squeeze3A = vector.extract %slice3A[0] : i32 from vector<1xi32>
        %add3A_387 = arith.addi %while3A_369, %squeeze3A : i32
        scf.yield %add3A_387 : i32
      }
      %while3A_351 = arith.constant 1 : i32
      %while3A_352 = scf.for %while3A_368 = %while3A_348 to %while3A_344 step %while3A_351 iter_args(%while3A_369 = %while3A_350) -> (i32)  : i32 {
        %mul3A_370 = arith.constant 16 : i32
        %mul3A_371 = arith.muli %while3A_368, %mul3A_370 : i32
        %get3A = arith.index_cast %mul3A_371 : i32 to index
        %get3A_372 = tpu.vector_load %arg10[%get3A] {strides = array<i32>} : memref<16400xi32, #tpu.memory_space<vmem>>, vector<16xi32>,
        %shift_right_arithmetic3A_373 = arith.constant 14 : i32
        %shift_right_arithmetic3A_374 = vector.broadcast %shift_right_arithmetic3A_373 : i32 to vector<16xi32>
        %shift_right_arithmetic3A_375 = arith.shrsi %get3A_372, %shift_right_arithmetic3A_374 : vector<16xi32>
        %mul3A_376 = arith.constant 16 : i32
        %mul3A_377 = arith.muli %while3A_368, %mul3A_376 : i32
        %add3A_378 = vector.broadcast %mul3A_377 : i32 to vector<16xi32>
        %add3A_379 = arith.addi %add3A_378, %iota3A : vector<16xi32>
        %lt3A = vector.broadcast %scan3A_148 : i32 to vector<16xi32>
        %lt3A_380 = arith.cmpi slt, %add3A_379, %lt3A : vector<16xi32>
        %ge3A = vector.broadcast %mul3A_335 : i32 to vector<16xi32>
        %ge3A_381 = arith.cmpi sge, %shift_right_arithmetic3A_375, %ge3A : vector<16xi32>
        %lt3A_382 = vector.broadcast %min3A_340 : i32 to vector<16xi32>
        %lt3A_383 = arith.cmpi slt, %shift_right_arithmetic3A_375, %lt3A_382 : vector<16xi32>
        %and3A = arith.andi %ge3A_381, %lt3A_383 : vector<16xi1>
        %and3A_384 = arith.andi %and3A, %lt3A_380 : vector<16xi1>
        %swap3A_385 = arith.index_cast %while3A_369 : i32 to index
        %swap3A_386 = tpu.vector_load %arg11[%swap3A_385] masked %and3A_384 {strides = array<i32>} : memref<16400xi32, #tpu.memory_space<vmem>>, vector<16xi32>, vector<16xi1>
        tpu.vector_store %arg11[%swap3A_385], %get3A_372 masked %and3A_384 {strides = array<i32>} : memref<16400xi32, #tpu.memory_space<vmem>>, vector<16xi32>, vector<16xi1>
        %all_reduce_population_count3A = tpu.all_reduce %and3A_384 {dim = 0 : i64, kind = #tpu.reduction_kind<sum>} : vector<16xi1> -> vector<16xi32>
        %slice3A = vector.extract_strided_slice %all_reduce_population_count3A {offsets = [0], sizes = [1], strides = [1]} : vector<16xi32> to vector<1xi32>
        %squeeze3A = vector.extract %slice3A[0] : i32 from vector<1xi32>
        %add3A_387 = arith.addi %while3A_369, %squeeze3A : i32
        scf.yield %add3A_387 : i32
      }
      %add3A_353 = arith.constant 15 : i32
      %add3A_354 = arith.addi %while3A_352, %add3A_353 : i32
      %shift_right_arithmetic3A_355 = arith.constant 4 : i32
      %shift_right_arithmetic3A_356 = arith.shrsi %add3A_354, %shift_right_arithmetic3A_355 : i32
      %while3A_357 = arith.constant 0 : i32
      %while3A_358 = arith.subi %shift_right_arithmetic3A_356, %while3A_357 : i32
      %while3A_359 = arith.addi %while3A_357, %while3A_358 : i32
      %while3A_360 = arith.constant 1 : i32
      %while3A_361 = arith.divsi %while3A_358, %while3A_360 : i32
      %while3A_362 = arith.muli %while3A_361, %while3A_360 : i32
      %while3A_363 = arith.addi %while3A_357, %while3A_362 : i32
      %while3A_364 = arith.constant 1 : i32
      %while3A_365 = scf.for %while3A_368 = %while3A_357 to %while3A_363 step %while3A_364 iter_args(%while3A_369 = %while3A_312) -> (vector<16xf32>)  : i32 {
        %mul3A_370 = arith.constant 16 : i32
        %mul3A_371 = arith.muli %while3A_368, %mul3A_370 : i32
        %get3A = arith.index_cast %mul3A_371 : i32 to index
        %get3A_372 = tpu.vector_load %arg11[%get3A] {strides = array<i32>} : memref<16400xi32, #tpu.memory_space<vmem>>, vector<16xi32>,
        %mul3A_373 = arith.constant 16 : i32
        %mul3A_374 = arith.muli %while3A_368, %mul3A_373 : i32
        %add3A_375 = vector.broadcast %mul3A_374 : i32 to vector<16xi32>
        %add3A_376 = arith.addi %add3A_375, %iota3A : vector<16xi32>
        %lt3A = vector.broadcast %while3A_352 : i32 to vector<16xi32>
        %lt3A_377 = arith.cmpi slt, %add3A_376, %lt3A : vector<16xi32>
        %shift_right_arithmetic3A_378 = arith.constant 14 : i32
        %shift_right_arithmetic3A_379 = vector.broadcast %shift_right_arithmetic3A_378 : i32 to vector<16xi32>
        %shift_right_arithmetic3A_380 = arith.shrsi %get3A_372, %shift_right_arithmetic3A_379 : vector<16xi32>
        %sub3A_381 = vector.broadcast %mul3A_335 : i32 to vector<16xi32>
        %sub3A_382 = arith.subi %shift_right_arithmetic3A_380, %sub3A_381 : vector<16xi32>
        %max3A = arith.constant 0 : i32
        %max3A_383 = vector.broadcast %max3A : i32 to vector<16xi32>
        %max3A_384 = arith.maxsi %sub3A_382, %max3A_383 : vector<16xi32>
        %min3A_385 = arith.constant 1535 : i32
        %min3A_386 = vector.broadcast %min3A_385 : i32 to vector<16xi32>
        %min3A_387 = arith.minsi %max3A_384, %min3A_386 : vector<16xi32>
        %and3A = arith.constant 16383 : i32
        %and3A_388 = vector.broadcast %and3A : i32 to vector<16xi32>
        %and3A_389 = arith.andi %get3A_372, %and3A_388 : vector<16xi32>
        %shift_right_arithmetic3A_390 = arith.constant 3 : i32
        %shift_right_arithmetic3A_391 = vector.broadcast %shift_right_arithmetic3A_390 : i32 to vector<16xi32>
        %shift_right_arithmetic3A_392 = arith.shrsi %and3A_389, %shift_right_arithmetic3A_391 : vector<16xi32>
        %dma_start3A_393 = arith.constant 0 : i32
        %dma_start3A_394 = arith.constant 0 : i32
        %dma_start3A_395 = tpu.memref_slice %arg17[%dma_start3A_393, %dma_start3A_394] : memref<2048x128xf32, #tpu.memory_space<vmem_shared>> -> memref<2048x128xf32, #tpu.memory_space<vmem_shared>>
        tpu.enqueue_indirect_dma source(%dma_start3A_395 : memref<2048x128xf32, #tpu.memory_space<vmem_shared>>) target(%arg14 : memref<16x128xf32, #tpu.memory_space<vmem>>) offsets(%shift_right_arithmetic3A_392 : vector<16xi32>) semaphore(%arg19 : memref<!tpu.dma_semaphore, #tpu.memory_space<semaphore_mem>>)
        %dma_wait3A_396 = arith.constant 0 : i32
        %dma_wait3A_397 = arith.constant 0 : i32
        %dma_wait3A_398 = tpu.memref_slice %arg17[%dma_wait3A_396, %dma_wait3A_397] : memref<2048x128xf32, #tpu.memory_space<vmem_shared>> -> memref<2048x128xf32, #tpu.memory_space<vmem_shared>>
        tpu.wait_indirect_dma semaphore(%arg19 : memref<!tpu.dma_semaphore, #tpu.memory_space<semaphore_mem>>) src(%dma_wait3A_398 : memref<2048x128xf32, #tpu.memory_space<vmem_shared>>) dst(%arg14 : memref<16x128xf32, #tpu.memory_space<vmem>>)
        %and3A_399 = arith.constant 7 : i32
        %and3A_400 = vector.broadcast %and3A_399 : i32 to vector<16xi32>
        %and3A_401 = arith.andi %and3A_389, %and3A_400 : vector<16xi32>
        %shift_left3A = arith.constant 4 : i32
        %shift_left3A_402 = vector.broadcast %shift_left3A : i32 to vector<16xi32>
        %shift_left3A_403 = arith.shli %and3A_401, %shift_left3A_402 : vector<16xi32>
        %broadcast_in_dim3A_404 = arith.constant 0.000000e+00 : f32
        %broadcast_in_dim3A_405 = vector.broadcast %broadcast_in_dim3A_404 : f32 to vector<16xf32>
        %broadcast_in_dim3A_406 = arith.constant 0 : i32
        %broadcast_in_dim3A_407 = vector.broadcast %broadcast_in_dim3A_406 : i32 to vector<16xi32>
        %gather3A = tpu.vector_load_idx %arg9[%broadcast_in_dim3A_407, %min3A_387] : memref<16x1536xf32, #tpu.memory_space<vmem>>[vector<16xi32>, vector<16xi32>], vector<16xf32>,
        %add3A_408 = arith.constant 0 : i32
        %add3A_409 = vector.broadcast %add3A_408 : i32 to vector<16xi32>
        %add3A_410 = arith.addi %shift_left3A_403, %add3A_409 : vector<16xi32>
        %gather3A_411 = tpu.vector_load_idx %arg14[%iota3A, %add3A_410] : memref<16x128xf32, #tpu.memory_space<vmem>>[vector<16xi32>, vector<16xi32>], vector<16xf32>,
        %sub3A_412 = arith.subf %gather3A, %gather3A_411 : vector<16xf32>
        %mul3A_413 = arith.mulf %sub3A_412, %sub3A_412 : vector<16xf32>
        %add3A_414 = arith.addf %broadcast_in_dim3A_405, %mul3A_413 : vector<16xf32>
        %broadcast_in_dim3A_415 = arith.constant 1 : i32
        %broadcast_in_dim3A_416 = vector.broadcast %broadcast_in_dim3A_415 : i32 to vector<16xi32>
        %gather3A_417 = tpu.vector_load_idx %arg9[%broadcast_in_dim3A_416, %min3A_387] : memref<16x1536xf32, #tpu.memory_space<vmem>>[vector<16xi32>, vector<16xi32>], vector<16xf32>,
        %add3A_418 = arith.constant 1 : i32
        %add3A_419 = vector.broadcast %add3A_418 : i32 to vector<16xi32>
        %add3A_420 = arith.addi %shift_left3A_403, %add3A_419 : vector<16xi32>
        %gather3A_421 = tpu.vector_load_idx %arg14[%iota3A, %add3A_420] : memref<16x128xf32, #tpu.memory_space<vmem>>[vector<16xi32>, vector<16xi32>], vector<16xf32>,
        %sub3A_422 = arith.subf %gather3A_417, %gather3A_421 : vector<16xf32>
        %mul3A_423 = arith.mulf %sub3A_422, %sub3A_422 : vector<16xf32>
        %add3A_424 = arith.addf %add3A_414, %mul3A_423 : vector<16xf32>
        %broadcast_in_dim3A_425 = arith.constant 2 : i32
        %broadcast_in_dim3A_426 = vector.broadcast %broadcast_in_dim3A_425 : i32 to vector<16xi32>
        %gather3A_427 = tpu.vector_load_idx %arg9[%broadcast_in_dim3A_426, %min3A_387] : memref<16x1536xf32, #tpu.memory_space<vmem>>[vector<16xi32>, vector<16xi32>], vector<16xf32>,
        %add3A_428 = arith.constant 2 : i32
        %add3A_429 = vector.broadcast %add3A_428 : i32 to vector<16xi32>
        %add3A_430 = arith.addi %shift_left3A_403, %add3A_429 : vector<16xi32>
        %gather3A_431 = tpu.vector_load_idx %arg14[%iota3A, %add3A_430] : memref<16x128xf32, #tpu.memory_space<vmem>>[vector<16xi32>, vector<16xi32>], vector<16xf32>,
        %sub3A_432 = arith.subf %gather3A_427, %gather3A_431 : vector<16xf32>
        %mul3A_433 = arith.mulf %sub3A_432, %sub3A_432 : vector<16xf32>
        %add3A_434 = arith.addf %add3A_424, %mul3A_433 : vector<16xf32>
        %broadcast_in_dim3A_435 = arith.constant 3 : i32
        %broadcast_in_dim3A_436 = vector.broadcast %broadcast_in_dim3A_435 : i32 to vector<16xi32>
        %gather3A_437 = tpu.vector_load_idx %arg9[%broadcast_in_dim3A_436, %min3A_387] : memref<16x1536xf32, #tpu.memory_space<vmem>>[vector<16xi32>, vector<16xi32>], vector<16xf32>,
        %add3A_438 = arith.constant 3 : i32
        %add3A_439 = vector.broadcast %add3A_438 : i32 to vector<16xi32>
        %add3A_440 = arith.addi %shift_left3A_403, %add3A_439 : vector<16xi32>
        %gather3A_441 = tpu.vector_load_idx %arg14[%iota3A, %add3A_440] : memref<16x128xf32, #tpu.memory_space<vmem>>[vector<16xi32>, vector<16xi32>], vector<16xf32>,
        %sub3A_442 = arith.subf %gather3A_437, %gather3A_441 : vector<16xf32>
        %mul3A_443 = arith.mulf %sub3A_442, %sub3A_442 : vector<16xf32>
        %add3A_444 = arith.addf %add3A_434, %mul3A_443 : vector<16xf32>
        %broadcast_in_dim3A_445 = arith.constant 4 : i32
        %broadcast_in_dim3A_446 = vector.broadcast %broadcast_in_dim3A_445 : i32 to vector<16xi32>
        %gather3A_447 = tpu.vector_load_idx %arg9[%broadcast_in_dim3A_446, %min3A_387] : memref<16x1536xf32, #tpu.memory_space<vmem>>[vector<16xi32>, vector<16xi32>], vector<16xf32>,
        %add3A_448 = arith.constant 4 : i32
        %add3A_449 = vector.broadcast %add3A_448 : i32 to vector<16xi32>
        %add3A_450 = arith.addi %shift_left3A_403, %add3A_449 : vector<16xi32>
        %gather3A_451 = tpu.vector_load_idx %arg14[%iota3A, %add3A_450] : memref<16x128xf32, #tpu.memory_space<vmem>>[vector<16xi32>, vector<16xi32>], vector<16xf32>,
        %sub3A_452 = arith.subf %gather3A_447, %gather3A_451 : vector<16xf32>
        %mul3A_453 = arith.mulf %sub3A_452, %sub3A_452 : vector<16xf32>
        %add3A_454 = arith.addf %add3A_444, %mul3A_453 : vector<16xf32>
        %broadcast_in_dim3A_455 = arith.constant 5 : i32
        %broadcast_in_dim3A_456 = vector.broadcast %broadcast_in_dim3A_455 : i32 to vector<16xi32>
        %gather3A_457 = tpu.vector_load_idx %arg9[%broadcast_in_dim3A_456, %min3A_387] : memref<16x1536xf32, #tpu.memory_space<vmem>>[vector<16xi32>, vector<16xi32>], vector<16xf32>,
        %add3A_458 = arith.constant 5 : i32
        %add3A_459 = vector.broadcast %add3A_458 : i32 to vector<16xi32>
        %add3A_460 = arith.addi %shift_left3A_403, %add3A_459 : vector<16xi32>
        %gather3A_461 = tpu.vector_load_idx %arg14[%iota3A, %add3A_460] : memref<16x128xf32, #tpu.memory_space<vmem>>[vector<16xi32>, vector<16xi32>], vector<16xf32>,
        %sub3A_462 = arith.subf %gather3A_457, %gather3A_461 : vector<16xf32>
        %mul3A_463 = arith.mulf %sub3A_462, %sub3A_462 : vector<16xf32>
        %add3A_464 = arith.addf %add3A_454, %mul3A_463 : vector<16xf32>
        %broadcast_in_dim3A_465 = arith.constant 6 : i32
        %broadcast_in_dim3A_466 = vector.broadcast %broadcast_in_dim3A_465 : i32 to vector<16xi32>
        %gather3A_467 = tpu.vector_load_idx %arg9[%broadcast_in_dim3A_466, %min3A_387] : memref<16x1536xf32, #tpu.memory_space<vmem>>[vector<16xi32>, vector<16xi32>], vector<16xf32>,
        %add3A_468 = arith.constant 6 : i32
        %add3A_469 = vector.broadcast %add3A_468 : i32 to vector<16xi32>
        %add3A_470 = arith.addi %shift_left3A_403, %add3A_469 : vector<16xi32>
        %gather3A_471 = tpu.vector_load_idx %arg14[%iota3A, %add3A_470] : memref<16x128xf32, #tpu.memory_space<vmem>>[vector<16xi32>, vector<16xi32>], vector<16xf32>,
        %sub3A_472 = arith.subf %gather3A_467, %gather3A_471 : vector<16xf32>
        %mul3A_473 = arith.mulf %sub3A_472, %sub3A_472 : vector<16xf32>
        %add3A_474 = arith.addf %add3A_464, %mul3A_473 : vector<16xf32>
        %broadcast_in_dim3A_475 = arith.constant 7 : i32
        %broadcast_in_dim3A_476 = vector.broadcast %broadcast_in_dim3A_475 : i32 to vector<16xi32>
        %gather3A_477 = tpu.vector_load_idx %arg9[%broadcast_in_dim3A_476, %min3A_387] : memref<16x1536xf32, #tpu.memory_space<vmem>>[vector<16xi32>, vector<16xi32>], vector<16xf32>,
        %add3A_478 = arith.constant 7 : i32
        %add3A_479 = vector.broadcast %add3A_478 : i32 to vector<16xi32>
        %add3A_480 = arith.addi %shift_left3A_403, %add3A_479 : vector<16xi32>
        %gather3A_481 = tpu.vector_load_idx %arg14[%iota3A, %add3A_480] : memref<16x128xf32, #tpu.memory_space<vmem>>[vector<16xi32>, vector<16xi32>], vector<16xf32>,
        %sub3A_482 = arith.subf %gather3A_477, %gather3A_481 : vector<16xf32>
        %mul3A_483 = arith.mulf %sub3A_482, %sub3A_482 : vector<16xf32>
        %add3A_484 = arith.addf %add3A_474, %mul3A_483 : vector<16xf32>
        %broadcast_in_dim3A_485 = arith.constant 8 : i32
        %broadcast_in_dim3A_486 = vector.broadcast %broadcast_in_dim3A_485 : i32 to vector<16xi32>
        %gather3A_487 = tpu.vector_load_idx %arg9[%broadcast_in_dim3A_486, %min3A_387] : memref<16x1536xf32, #tpu.memory_space<vmem>>[vector<16xi32>, vector<16xi32>], vector<16xf32>,
        %add3A_488 = arith.constant 8 : i32
        %add3A_489 = vector.broadcast %add3A_488 : i32 to vector<16xi32>
        %add3A_490 = arith.addi %shift_left3A_403, %add3A_489 : vector<16xi32>
        %gather3A_491 = tpu.vector_load_idx %arg14[%iota3A, %add3A_490] : memref<16x128xf32, #tpu.memory_space<vmem>>[vector<16xi32>, vector<16xi32>], vector<16xf32>,
        %sub3A_492 = arith.subf %gather3A_487, %gather3A_491 : vector<16xf32>
        %mul3A_493 = arith.mulf %sub3A_492, %sub3A_492 : vector<16xf32>
        %add3A_494 = arith.addf %add3A_484, %mul3A_493 : vector<16xf32>
        %broadcast_in_dim3A_495 = arith.constant 9 : i32
        %broadcast_in_dim3A_496 = vector.broadcast %broadcast_in_dim3A_495 : i32 to vector<16xi32>
        %gather3A_497 = tpu.vector_load_idx %arg9[%broadcast_in_dim3A_496, %min3A_387] : memref<16x1536xf32, #tpu.memory_space<vmem>>[vector<16xi32>, vector<16xi32>], vector<16xf32>,
        %add3A_498 = arith.constant 9 : i32
        %add3A_499 = vector.broadcast %add3A_498 : i32 to vector<16xi32>
        %add3A_500 = arith.addi %shift_left3A_403, %add3A_499 : vector<16xi32>
        %gather3A_501 = tpu.vector_load_idx %arg14[%iota3A, %add3A_500] : memref<16x128xf32, #tpu.memory_space<vmem>>[vector<16xi32>, vector<16xi32>], vector<16xf32>,
        %sub3A_502 = arith.subf %gather3A_497, %gather3A_501 : vector<16xf32>
        %mul3A_503 = arith.mulf %sub3A_502, %sub3A_502 : vector<16xf32>
        %add3A_504 = arith.addf %add3A_494, %mul3A_503 : vector<16xf32>
        %broadcast_in_dim3A_505 = arith.constant 10 : i32
        %broadcast_in_dim3A_506 = vector.broadcast %broadcast_in_dim3A_505 : i32 to vector<16xi32>
        %gather3A_507 = tpu.vector_load_idx %arg9[%broadcast_in_dim3A_506, %min3A_387] : memref<16x1536xf32, #tpu.memory_space<vmem>>[vector<16xi32>, vector<16xi32>], vector<16xf32>,
        %add3A_508 = arith.constant 10 : i32
        %add3A_509 = vector.broadcast %add3A_508 : i32 to vector<16xi32>
        %add3A_510 = arith.addi %shift_left3A_403, %add3A_509 : vector<16xi32>
        %gather3A_511 = tpu.vector_load_idx %arg14[%iota3A, %add3A_510] : memref<16x128xf32, #tpu.memory_space<vmem>>[vector<16xi32>, vector<16xi32>], vector<16xf32>,
        %sub3A_512 = arith.subf %gather3A_507, %gather3A_511 : vector<16xf32>
        %mul3A_513 = arith.mulf %sub3A_512, %sub3A_512 : vector<16xf32>
        %add3A_514 = arith.addf %add3A_504, %mul3A_513 : vector<16xf32>
        %broadcast_in_dim3A_515 = arith.constant 11 : i32
        %broadcast_in_dim3A_516 = vector.broadcast %broadcast_in_dim3A_515 : i32 to vector<16xi32>
        %gather3A_517 = tpu.vector_load_idx %arg9[%broadcast_in_dim3A_516, %min3A_387] : memref<16x1536xf32, #tpu.memory_space<vmem>>[vector<16xi32>, vector<16xi32>], vector<16xf32>,
        %add3A_518 = arith.constant 11 : i32
        %add3A_519 = vector.broadcast %add3A_518 : i32 to vector<16xi32>
        %add3A_520 = arith.addi %shift_left3A_403, %add3A_519 : vector<16xi32>
        %gather3A_521 = tpu.vector_load_idx %arg14[%iota3A, %add3A_520] : memref<16x128xf32, #tpu.memory_space<vmem>>[vector<16xi32>, vector<16xi32>], vector<16xf32>,
        %sub3A_522 = arith.subf %gather3A_517, %gather3A_521 : vector<16xf32>
        %mul3A_523 = arith.mulf %sub3A_522, %sub3A_522 : vector<16xf32>
        %add3A_524 = arith.addf %add3A_514, %mul3A_523 : vector<16xf32>
        %broadcast_in_dim3A_525 = arith.constant 12 : i32
        %broadcast_in_dim3A_526 = vector.broadcast %broadcast_in_dim3A_525 : i32 to vector<16xi32>
        %gather3A_527 = tpu.vector_load_idx %arg9[%broadcast_in_dim3A_526, %min3A_387] : memref<16x1536xf32, #tpu.memory_space<vmem>>[vector<16xi32>, vector<16xi32>], vector<16xf32>,
        %add3A_528 = arith.constant 12 : i32
        %add3A_529 = vector.broadcast %add3A_528 : i32 to vector<16xi32>
        %add3A_530 = arith.addi %shift_left3A_403, %add3A_529 : vector<16xi32>
        %gather3A_531 = tpu.vector_load_idx %arg14[%iota3A, %add3A_530] : memref<16x128xf32, #tpu.memory_space<vmem>>[vector<16xi32>, vector<16xi32>], vector<16xf32>,
        %sub3A_532 = arith.subf %gather3A_527, %gather3A_531 : vector<16xf32>
        %mul3A_533 = arith.mulf %sub3A_532, %sub3A_532 : vector<16xf32>
        %add3A_534 = arith.addf %add3A_524, %mul3A_533 : vector<16xf32>
        %broadcast_in_dim3A_535 = arith.constant 13 : i32
        %broadcast_in_dim3A_536 = vector.broadcast %broadcast_in_dim3A_535 : i32 to vector<16xi32>
        %gather3A_537 = tpu.vector_load_idx %arg9[%broadcast_in_dim3A_536, %min3A_387] : memref<16x1536xf32, #tpu.memory_space<vmem>>[vector<16xi32>, vector<16xi32>], vector<16xf32>,
        %add3A_538 = arith.constant 13 : i32
        %add3A_539 = vector.broadcast %add3A_538 : i32 to vector<16xi32>
        %add3A_540 = arith.addi %shift_left3A_403, %add3A_539 : vector<16xi32>
        %gather3A_541 = tpu.vector_load_idx %arg14[%iota3A, %add3A_540] : memref<16x128xf32, #tpu.memory_space<vmem>>[vector<16xi32>, vector<16xi32>], vector<16xf32>,
        %sub3A_542 = arith.subf %gather3A_537, %gather3A_541 : vector<16xf32>
        %mul3A_543 = arith.mulf %sub3A_542, %sub3A_542 : vector<16xf32>
        %add3A_544 = arith.addf %add3A_534, %mul3A_543 : vector<16xf32>
        %broadcast_in_dim3A_545 = arith.constant 14 : i32
        %broadcast_in_dim3A_546 = vector.broadcast %broadcast_in_dim3A_545 : i32 to vector<16xi32>
        %gather3A_547 = tpu.vector_load_idx %arg9[%broadcast_in_dim3A_546, %min3A_387] : memref<16x1536xf32, #tpu.memory_space<vmem>>[vector<16xi32>, vector<16xi32>], vector<16xf32>,
        %add3A_548 = arith.constant 14 : i32
        %add3A_549 = vector.broadcast %add3A_548 : i32 to vector<16xi32>
        %add3A_550 = arith.addi %shift_left3A_403, %add3A_549 : vector<16xi32>
        %gather3A_551 = tpu.vector_load_idx %arg14[%iota3A, %add3A_550] : memref<16x128xf32, #tpu.memory_space<vmem>>[vector<16xi32>, vector<16xi32>], vector<16xf32>,
        %sub3A_552 = arith.subf %gather3A_547, %gather3A_551 : vector<16xf32>
        %mul3A_553 = arith.mulf %sub3A_552, %sub3A_552 : vector<16xf32>
        %add3A_554 = arith.addf %add3A_544, %mul3A_553 : vector<16xf32>
        %broadcast_in_dim3A_555 = arith.constant 15 : i32
        %broadcast_in_dim3A_556 = vector.broadcast %broadcast_in_dim3A_555 : i32 to vector<16xi32>
        %gather3A_557 = tpu.vector_load_idx %arg9[%broadcast_in_dim3A_556, %min3A_387] : memref<16x1536xf32, #tpu.memory_space<vmem>>[vector<16xi32>, vector<16xi32>], vector<16xf32>,
        %add3A_558 = arith.constant 15 : i32
        %add3A_559 = vector.broadcast %add3A_558 : i32 to vector<16xi32>
        %add3A_560 = arith.addi %shift_left3A_403, %add3A_559 : vector<16xi32>
        %gather3A_561 = tpu.vector_load_idx %arg14[%iota3A, %add3A_560] : memref<16x128xf32, #tpu.memory_space<vmem>>[vector<16xi32>, vector<16xi32>], vector<16xf32>,
        %sub3A_562 = arith.subf %gather3A_557, %gather3A_561 : vector<16xf32>
        %mul3A_563 = arith.mulf %sub3A_562, %sub3A_562 : vector<16xf32>
        %add3A_564 = arith.addf %add3A_554, %mul3A_563 : vector<16xf32>
        %jit3A_565 = arith.constant 0.000000e+00 : f32
        %broadcast_in_dim3A_566 = vector.broadcast %jit3A_565 : f32 to vector<16xf32>
        %select_n3A_567 = arith.select %lt3A_377, %add3A_564, %broadcast_in_dim3A_566 : vector<16xi1>, vector<16xf32>
        %add3A_568 = arith.addf %while3A_369, %select_n3A_567 : vector<16xf32>
        scf.yield %add3A_568 : vector<16xf32>
      }
      %while3A_366 = arith.constant 1 : i32
      %while3A_367 = scf.for %while3A_368 = %while3A_363 to %while3A_359 step %while3A_366 iter_args(%while3A_369 = %while3A_365) -> (vector<16xf32>)  : i32 {
        %mul3A_370 = arith.constant 16 : i32
        %mul3A_371 = arith.muli %while3A_368, %mul3A_370 : i32
        %get3A = arith.index_cast %mul3A_371 : i32 to index
        %get3A_372 = tpu.vector_load %arg11[%get3A] {strides = array<i32>} : memref<16400xi32, #tpu.memory_space<vmem>>, vector<16xi32>,
        %mul3A_373 = arith.constant 16 : i32
        %mul3A_374 = arith.muli %while3A_368, %mul3A_373 : i32
        %add3A_375 = vector.broadcast %mul3A_374 : i32 to vector<16xi32>
        %add3A_376 = arith.addi %add3A_375, %iota3A : vector<16xi32>
        %lt3A = vector.broadcast %while3A_352 : i32 to vector<16xi32>
        %lt3A_377 = arith.cmpi slt, %add3A_376, %lt3A : vector<16xi32>
        %shift_right_arithmetic3A_378 = arith.constant 14 : i32
        %shift_right_arithmetic3A_379 = vector.broadcast %shift_right_arithmetic3A_378 : i32 to vector<16xi32>
        %shift_right_arithmetic3A_380 = arith.shrsi %get3A_372, %shift_right_arithmetic3A_379 : vector<16xi32>
        %sub3A_381 = vector.broadcast %mul3A_335 : i32 to vector<16xi32>
        %sub3A_382 = arith.subi %shift_right_arithmetic3A_380, %sub3A_381 : vector<16xi32>
        %max3A = arith.constant 0 : i32
        %max3A_383 = vector.broadcast %max3A : i32 to vector<16xi32>
        %max3A_384 = arith.maxsi %sub3A_382, %max3A_383 : vector<16xi32>
        %min3A_385 = arith.constant 1535 : i32
        %min3A_386 = vector.broadcast %min3A_385 : i32 to vector<16xi32>
        %min3A_387 = arith.minsi %max3A_384, %min3A_386 : vector<16xi32>
        %and3A = arith.constant 16383 : i32
        %and3A_388 = vector.broadcast %and3A : i32 to vector<16xi32>
        %and3A_389 = arith.andi %get3A_372, %and3A_388 : vector<16xi32>
        %shift_right_arithmetic3A_390 = arith.constant 3 : i32
        %shift_right_arithmetic3A_391 = vector.broadcast %shift_right_arithmetic3A_390 : i32 to vector<16xi32>
        %shift_right_arithmetic3A_392 = arith.shrsi %and3A_389, %shift_right_arithmetic3A_391 : vector<16xi32>
        %dma_start3A_393 = arith.constant 0 : i32
        %dma_start3A_394 = arith.constant 0 : i32
        %dma_start3A_395 = tpu.memref_slice %arg17[%dma_start3A_393, %dma_start3A_394] : memref<2048x128xf32, #tpu.memory_space<vmem_shared>> -> memref<2048x128xf32, #tpu.memory_space<vmem_shared>>
        tpu.enqueue_indirect_dma source(%dma_start3A_395 : memref<2048x128xf32, #tpu.memory_space<vmem_shared>>) target(%arg14 : memref<16x128xf32, #tpu.memory_space<vmem>>) offsets(%shift_right_arithmetic3A_392 : vector<16xi32>) semaphore(%arg19 : memref<!tpu.dma_semaphore, #tpu.memory_space<semaphore_mem>>)
        %dma_wait3A_396 = arith.constant 0 : i32
        %dma_wait3A_397 = arith.constant 0 : i32
        %dma_wait3A_398 = tpu.memref_slice %arg17[%dma_wait3A_396, %dma_wait3A_397] : memref<2048x128xf32, #tpu.memory_space<vmem_shared>> -> memref<2048x128xf32, #tpu.memory_space<vmem_shared>>
        tpu.wait_indirect_dma semaphore(%arg19 : memref<!tpu.dma_semaphore, #tpu.memory_space<semaphore_mem>>) src(%dma_wait3A_398 : memref<2048x128xf32, #tpu.memory_space<vmem_shared>>) dst(%arg14 : memref<16x128xf32, #tpu.memory_space<vmem>>)
        %and3A_399 = arith.constant 7 : i32
        %and3A_400 = vector.broadcast %and3A_399 : i32 to vector<16xi32>
        %and3A_401 = arith.andi %and3A_389, %and3A_400 : vector<16xi32>
        %shift_left3A = arith.constant 4 : i32
        %shift_left3A_402 = vector.broadcast %shift_left3A : i32 to vector<16xi32>
        %shift_left3A_403 = arith.shli %and3A_401, %shift_left3A_402 : vector<16xi32>
        %broadcast_in_dim3A_404 = arith.constant 0.000000e+00 : f32
        %broadcast_in_dim3A_405 = vector.broadcast %broadcast_in_dim3A_404 : f32 to vector<16xf32>
        %broadcast_in_dim3A_406 = arith.constant 0 : i32
        %broadcast_in_dim3A_407 = vector.broadcast %broadcast_in_dim3A_406 : i32 to vector<16xi32>
        %gather3A = tpu.vector_load_idx %arg9[%broadcast_in_dim3A_407, %min3A_387] : memref<16x1536xf32, #tpu.memory_space<vmem>>[vector<16xi32>, vector<16xi32>], vector<16xf32>,
        %add3A_408 = arith.constant 0 : i32
        %add3A_409 = vector.broadcast %add3A_408 : i32 to vector<16xi32>
        %add3A_410 = arith.addi %shift_left3A_403, %add3A_409 : vector<16xi32>
        %gather3A_411 = tpu.vector_load_idx %arg14[%iota3A, %add3A_410] : memref<16x128xf32, #tpu.memory_space<vmem>>[vector<16xi32>, vector<16xi32>], vector<16xf32>,
        %sub3A_412 = arith.subf %gather3A, %gather3A_411 : vector<16xf32>
        %mul3A_413 = arith.mulf %sub3A_412, %sub3A_412 : vector<16xf32>
        %add3A_414 = arith.addf %broadcast_in_dim3A_405, %mul3A_413 : vector<16xf32>
        %broadcast_in_dim3A_415 = arith.constant 1 : i32
        %broadcast_in_dim3A_416 = vector.broadcast %broadcast_in_dim3A_415 : i32 to vector<16xi32>
        %gather3A_417 = tpu.vector_load_idx %arg9[%broadcast_in_dim3A_416, %min3A_387] : memref<16x1536xf32, #tpu.memory_space<vmem>>[vector<16xi32>, vector<16xi32>], vector<16xf32>,
        %add3A_418 = arith.constant 1 : i32
        %add3A_419 = vector.broadcast %add3A_418 : i32 to vector<16xi32>
        %add3A_420 = arith.addi %shift_left3A_403, %add3A_419 : vector<16xi32>
        %gather3A_421 = tpu.vector_load_idx %arg14[%iota3A, %add3A_420] : memref<16x128xf32, #tpu.memory_space<vmem>>[vector<16xi32>, vector<16xi32>], vector<16xf32>,
        %sub3A_422 = arith.subf %gather3A_417, %gather3A_421 : vector<16xf32>
        %mul3A_423 = arith.mulf %sub3A_422, %sub3A_422 : vector<16xf32>
        %add3A_424 = arith.addf %add3A_414, %mul3A_423 : vector<16xf32>
        %broadcast_in_dim3A_425 = arith.constant 2 : i32
        %broadcast_in_dim3A_426 = vector.broadcast %broadcast_in_dim3A_425 : i32 to vector<16xi32>
        %gather3A_427 = tpu.vector_load_idx %arg9[%broadcast_in_dim3A_426, %min3A_387] : memref<16x1536xf32, #tpu.memory_space<vmem>>[vector<16xi32>, vector<16xi32>], vector<16xf32>,
        %add3A_428 = arith.constant 2 : i32
        %add3A_429 = vector.broadcast %add3A_428 : i32 to vector<16xi32>
        %add3A_430 = arith.addi %shift_left3A_403, %add3A_429 : vector<16xi32>
        %gather3A_431 = tpu.vector_load_idx %arg14[%iota3A, %add3A_430] : memref<16x128xf32, #tpu.memory_space<vmem>>[vector<16xi32>, vector<16xi32>], vector<16xf32>,
        %sub3A_432 = arith.subf %gather3A_427, %gather3A_431 : vector<16xf32>
        %mul3A_433 = arith.mulf %sub3A_432, %sub3A_432 : vector<16xf32>
        %add3A_434 = arith.addf %add3A_424, %mul3A_433 : vector<16xf32>
        %broadcast_in_dim3A_435 = arith.constant 3 : i32
        %broadcast_in_dim3A_436 = vector.broadcast %broadcast_in_dim3A_435 : i32 to vector<16xi32>
        %gather3A_437 = tpu.vector_load_idx %arg9[%broadcast_in_dim3A_436, %min3A_387] : memref<16x1536xf32, #tpu.memory_space<vmem>>[vector<16xi32>, vector<16xi32>], vector<16xf32>,
        %add3A_438 = arith.constant 3 : i32
        %add3A_439 = vector.broadcast %add3A_438 : i32 to vector<16xi32>
        %add3A_440 = arith.addi %shift_left3A_403, %add3A_439 : vector<16xi32>
        %gather3A_441 = tpu.vector_load_idx %arg14[%iota3A, %add3A_440] : memref<16x128xf32, #tpu.memory_space<vmem>>[vector<16xi32>, vector<16xi32>], vector<16xf32>,
        %sub3A_442 = arith.subf %gather3A_437, %gather3A_441 : vector<16xf32>
        %mul3A_443 = arith.mulf %sub3A_442, %sub3A_442 : vector<16xf32>
        %add3A_444 = arith.addf %add3A_434, %mul3A_443 : vector<16xf32>
        %broadcast_in_dim3A_445 = arith.constant 4 : i32
        %broadcast_in_dim3A_446 = vector.broadcast %broadcast_in_dim3A_445 : i32 to vector<16xi32>
        %gather3A_447 = tpu.vector_load_idx %arg9[%broadcast_in_dim3A_446, %min3A_387] : memref<16x1536xf32, #tpu.memory_space<vmem>>[vector<16xi32>, vector<16xi32>], vector<16xf32>,
        %add3A_448 = arith.constant 4 : i32
        %add3A_449 = vector.broadcast %add3A_448 : i32 to vector<16xi32>
        %add3A_450 = arith.addi %shift_left3A_403, %add3A_449 : vector<16xi32>
        %gather3A_451 = tpu.vector_load_idx %arg14[%iota3A, %add3A_450] : memref<16x128xf32, #tpu.memory_space<vmem>>[vector<16xi32>, vector<16xi32>], vector<16xf32>,
        %sub3A_452 = arith.subf %gather3A_447, %gather3A_451 : vector<16xf32>
        %mul3A_453 = arith.mulf %sub3A_452, %sub3A_452 : vector<16xf32>
        %add3A_454 = arith.addf %add3A_444, %mul3A_453 : vector<16xf32>
        %broadcast_in_dim3A_455 = arith.constant 5 : i32
        %broadcast_in_dim3A_456 = vector.broadcast %broadcast_in_dim3A_455 : i32 to vector<16xi32>
        %gather3A_457 = tpu.vector_load_idx %arg9[%broadcast_in_dim3A_456, %min3A_387] : memref<16x1536xf32, #tpu.memory_space<vmem>>[vector<16xi32>, vector<16xi32>], vector<16xf32>,
        %add3A_458 = arith.constant 5 : i32
        %add3A_459 = vector.broadcast %add3A_458 : i32 to vector<16xi32>
        %add3A_460 = arith.addi %shift_left3A_403, %add3A_459 : vector<16xi32>
        %gather3A_461 = tpu.vector_load_idx %arg14[%iota3A, %add3A_460] : memref<16x128xf32, #tpu.memory_space<vmem>>[vector<16xi32>, vector<16xi32>], vector<16xf32>,
        %sub3A_462 = arith.subf %gather3A_457, %gather3A_461 : vector<16xf32>
        %mul3A_463 = arith.mulf %sub3A_462, %sub3A_462 : vector<16xf32>
        %add3A_464 = arith.addf %add3A_454, %mul3A_463 : vector<16xf32>
        %broadcast_in_dim3A_465 = arith.constant 6 : i32
        %broadcast_in_dim3A_466 = vector.broadcast %broadcast_in_dim3A_465 : i32 to vector<16xi32>
        %gather3A_467 = tpu.vector_load_idx %arg9[%broadcast_in_dim3A_466, %min3A_387] : memref<16x1536xf32, #tpu.memory_space<vmem>>[vector<16xi32>, vector<16xi32>], vector<16xf32>,
        %add3A_468 = arith.constant 6 : i32
        %add3A_469 = vector.broadcast %add3A_468 : i32 to vector<16xi32>
        %add3A_470 = arith.addi %shift_left3A_403, %add3A_469 : vector<16xi32>
        %gather3A_471 = tpu.vector_load_idx %arg14[%iota3A, %add3A_470] : memref<16x128xf32, #tpu.memory_space<vmem>>[vector<16xi32>, vector<16xi32>], vector<16xf32>,
        %sub3A_472 = arith.subf %gather3A_467, %gather3A_471 : vector<16xf32>
        %mul3A_473 = arith.mulf %sub3A_472, %sub3A_472 : vector<16xf32>
        %add3A_474 = arith.addf %add3A_464, %mul3A_473 : vector<16xf32>
        %broadcast_in_dim3A_475 = arith.constant 7 : i32
        %broadcast_in_dim3A_476 = vector.broadcast %broadcast_in_dim3A_475 : i32 to vector<16xi32>
        %gather3A_477 = tpu.vector_load_idx %arg9[%broadcast_in_dim3A_476, %min3A_387] : memref<16x1536xf32, #tpu.memory_space<vmem>>[vector<16xi32>, vector<16xi32>], vector<16xf32>,
        %add3A_478 = arith.constant 7 : i32
        %add3A_479 = vector.broadcast %add3A_478 : i32 to vector<16xi32>
        %add3A_480 = arith.addi %shift_left3A_403, %add3A_479 : vector<16xi32>
        %gather3A_481 = tpu.vector_load_idx %arg14[%iota3A, %add3A_480] : memref<16x128xf32, #tpu.memory_space<vmem>>[vector<16xi32>, vector<16xi32>], vector<16xf32>,
        %sub3A_482 = arith.subf %gather3A_477, %gather3A_481 : vector<16xf32>
        %mul3A_483 = arith.mulf %sub3A_482, %sub3A_482 : vector<16xf32>
        %add3A_484 = arith.addf %add3A_474, %mul3A_483 : vector<16xf32>
        %broadcast_in_dim3A_485 = arith.constant 8 : i32
        %broadcast_in_dim3A_486 = vector.broadcast %broadcast_in_dim3A_485 : i32 to vector<16xi32>
        %gather3A_487 = tpu.vector_load_idx %arg9[%broadcast_in_dim3A_486, %min3A_387] : memref<16x1536xf32, #tpu.memory_space<vmem>>[vector<16xi32>, vector<16xi32>], vector<16xf32>,
        %add3A_488 = arith.constant 8 : i32
        %add3A_489 = vector.broadcast %add3A_488 : i32 to vector<16xi32>
        %add3A_490 = arith.addi %shift_left3A_403, %add3A_489 : vector<16xi32>
        %gather3A_491 = tpu.vector_load_idx %arg14[%iota3A, %add3A_490] : memref<16x128xf32, #tpu.memory_space<vmem>>[vector<16xi32>, vector<16xi32>], vector<16xf32>,
        %sub3A_492 = arith.subf %gather3A_487, %gather3A_491 : vector<16xf32>
        %mul3A_493 = arith.mulf %sub3A_492, %sub3A_492 : vector<16xf32>
        %add3A_494 = arith.addf %add3A_484, %mul3A_493 : vector<16xf32>
        %broadcast_in_dim3A_495 = arith.constant 9 : i32
        %broadcast_in_dim3A_496 = vector.broadcast %broadcast_in_dim3A_495 : i32 to vector<16xi32>
        %gather3A_497 = tpu.vector_load_idx %arg9[%broadcast_in_dim3A_496, %min3A_387] : memref<16x1536xf32, #tpu.memory_space<vmem>>[vector<16xi32>, vector<16xi32>], vector<16xf32>,
        %add3A_498 = arith.constant 9 : i32
        %add3A_499 = vector.broadcast %add3A_498 : i32 to vector<16xi32>
        %add3A_500 = arith.addi %shift_left3A_403, %add3A_499 : vector<16xi32>
        %gather3A_501 = tpu.vector_load_idx %arg14[%iota3A, %add3A_500] : memref<16x128xf32, #tpu.memory_space<vmem>>[vector<16xi32>, vector<16xi32>], vector<16xf32>,
        %sub3A_502 = arith.subf %gather3A_497, %gather3A_501 : vector<16xf32>
        %mul3A_503 = arith.mulf %sub3A_502, %sub3A_502 : vector<16xf32>
        %add3A_504 = arith.addf %add3A_494, %mul3A_503 : vector<16xf32>
        %broadcast_in_dim3A_505 = arith.constant 10 : i32
        %broadcast_in_dim3A_506 = vector.broadcast %broadcast_in_dim3A_505 : i32 to vector<16xi32>
        %gather3A_507 = tpu.vector_load_idx %arg9[%broadcast_in_dim3A_506, %min3A_387] : memref<16x1536xf32, #tpu.memory_space<vmem>>[vector<16xi32>, vector<16xi32>], vector<16xf32>,
        %add3A_508 = arith.constant 10 : i32
        %add3A_509 = vector.broadcast %add3A_508 : i32 to vector<16xi32>
        %add3A_510 = arith.addi %shift_left3A_403, %add3A_509 : vector<16xi32>
        %gather3A_511 = tpu.vector_load_idx %arg14[%iota3A, %add3A_510] : memref<16x128xf32, #tpu.memory_space<vmem>>[vector<16xi32>, vector<16xi32>], vector<16xf32>,
        %sub3A_512 = arith.subf %gather3A_507, %gather3A_511 : vector<16xf32>
        %mul3A_513 = arith.mulf %sub3A_512, %sub3A_512 : vector<16xf32>
        %add3A_514 = arith.addf %add3A_504, %mul3A_513 : vector<16xf32>
        %broadcast_in_dim3A_515 = arith.constant 11 : i32
        %broadcast_in_dim3A_516 = vector.broadcast %broadcast_in_dim3A_515 : i32 to vector<16xi32>
        %gather3A_517 = tpu.vector_load_idx %arg9[%broadcast_in_dim3A_516, %min3A_387] : memref<16x1536xf32, #tpu.memory_space<vmem>>[vector<16xi32>, vector<16xi32>], vector<16xf32>,
        %add3A_518 = arith.constant 11 : i32
        %add3A_519 = vector.broadcast %add3A_518 : i32 to vector<16xi32>
        %add3A_520 = arith.addi %shift_left3A_403, %add3A_519 : vector<16xi32>
        %gather3A_521 = tpu.vector_load_idx %arg14[%iota3A, %add3A_520] : memref<16x128xf32, #tpu.memory_space<vmem>>[vector<16xi32>, vector<16xi32>], vector<16xf32>,
        %sub3A_522 = arith.subf %gather3A_517, %gather3A_521 : vector<16xf32>
        %mul3A_523 = arith.mulf %sub3A_522, %sub3A_522 : vector<16xf32>
        %add3A_524 = arith.addf %add3A_514, %mul3A_523 : vector<16xf32>
        %broadcast_in_dim3A_525 = arith.constant 12 : i32
        %broadcast_in_dim3A_526 = vector.broadcast %broadcast_in_dim3A_525 : i32 to vector<16xi32>
        %gather3A_527 = tpu.vector_load_idx %arg9[%broadcast_in_dim3A_526, %min3A_387] : memref<16x1536xf32, #tpu.memory_space<vmem>>[vector<16xi32>, vector<16xi32>], vector<16xf32>,
        %add3A_528 = arith.constant 12 : i32
        %add3A_529 = vector.broadcast %add3A_528 : i32 to vector<16xi32>
        %add3A_530 = arith.addi %shift_left3A_403, %add3A_529 : vector<16xi32>
        %gather3A_531 = tpu.vector_load_idx %arg14[%iota3A, %add3A_530] : memref<16x128xf32, #tpu.memory_space<vmem>>[vector<16xi32>, vector<16xi32>], vector<16xf32>,
        %sub3A_532 = arith.subf %gather3A_527, %gather3A_531 : vector<16xf32>
        %mul3A_533 = arith.mulf %sub3A_532, %sub3A_532 : vector<16xf32>
        %add3A_534 = arith.addf %add3A_524, %mul3A_533 : vector<16xf32>
        %broadcast_in_dim3A_535 = arith.constant 13 : i32
        %broadcast_in_dim3A_536 = vector.broadcast %broadcast_in_dim3A_535 : i32 to vector<16xi32>
        %gather3A_537 = tpu.vector_load_idx %arg9[%broadcast_in_dim3A_536, %min3A_387] : memref<16x1536xf32, #tpu.memory_space<vmem>>[vector<16xi32>, vector<16xi32>], vector<16xf32>,
        %add3A_538 = arith.constant 13 : i32
        %add3A_539 = vector.broadcast %add3A_538 : i32 to vector<16xi32>
        %add3A_540 = arith.addi %shift_left3A_403, %add3A_539 : vector<16xi32>
        %gather3A_541 = tpu.vector_load_idx %arg14[%iota3A, %add3A_540] : memref<16x128xf32, #tpu.memory_space<vmem>>[vector<16xi32>, vector<16xi32>], vector<16xf32>,
        %sub3A_542 = arith.subf %gather3A_537, %gather3A_541 : vector<16xf32>
        %mul3A_543 = arith.mulf %sub3A_542, %sub3A_542 : vector<16xf32>
        %add3A_544 = arith.addf %add3A_534, %mul3A_543 : vector<16xf32>
        %broadcast_in_dim3A_545 = arith.constant 14 : i32
        %broadcast_in_dim3A_546 = vector.broadcast %broadcast_in_dim3A_545 : i32 to vector<16xi32>
        %gather3A_547 = tpu.vector_load_idx %arg9[%broadcast_in_dim3A_546, %min3A_387] : memref<16x1536xf32, #tpu.memory_space<vmem>>[vector<16xi32>, vector<16xi32>], vector<16xf32>,
        %add3A_548 = arith.constant 14 : i32
        %add3A_549 = vector.broadcast %add3A_548 : i32 to vector<16xi32>
        %add3A_550 = arith.addi %shift_left3A_403, %add3A_549 : vector<16xi32>
        %gather3A_551 = tpu.vector_load_idx %arg14[%iota3A, %add3A_550] : memref<16x128xf32, #tpu.memory_space<vmem>>[vector<16xi32>, vector<16xi32>], vector<16xf32>,
        %sub3A_552 = arith.subf %gather3A_547, %gather3A_551 : vector<16xf32>
        %mul3A_553 = arith.mulf %sub3A_552, %sub3A_552 : vector<16xf32>
        %add3A_554 = arith.addf %add3A_544, %mul3A_553 : vector<16xf32>
        %broadcast_in_dim3A_555 = arith.constant 15 : i32
        %broadcast_in_dim3A_556 = vector.broadcast %broadcast_in_dim3A_555 : i32 to vector<16xi32>
        %gather3A_557 = tpu.vector_load_idx %arg9[%broadcast_in_dim3A_556, %min3A_387] : memref<16x1536xf32, #tpu.memory_space<vmem>>[vector<16xi32>, vector<16xi32>], vector<16xf32>,
        %add3A_558 = arith.constant 15 : i32
        %add3A_559 = vector.broadcast %add3A_558 : i32 to vector<16xi32>
        %add3A_560 = arith.addi %shift_left3A_403, %add3A_559 : vector<16xi32>
        %gather3A_561 = tpu.vector_load_idx %arg14[%iota3A, %add3A_560] : memref<16x128xf32, #tpu.memory_space<vmem>>[vector<16xi32>, vector<16xi32>], vector<16xf32>,
        %sub3A_562 = arith.subf %gather3A_557, %gather3A_561 : vector<16xf32>
        %mul3A_563 = arith.mulf %sub3A_562, %sub3A_562 : vector<16xf32>
        %add3A_564 = arith.addf %add3A_554, %mul3A_563 : vector<16xf32>
        %jit3A_565 = arith.constant 0.000000e+00 : f32
        %broadcast_in_dim3A_566 = vector.broadcast %jit3A_565 : f32 to vector<16xf32>
        %select_n3A_567 = arith.select %lt3A_377, %add3A_564, %broadcast_in_dim3A_566 : vector<16xi1>, vector<16xf32>
        %add3A_568 = arith.addf %while3A_369, %select_n3A_567 : vector<16xf32>
        scf.yield %add3A_568 : vector<16xf32>
      }
      scf.yield %while3A_367 : vector<16xf32>
    }
    %scan3A_159 = arith.constant 7 : i32
    %dma_wait3A_160 = arith.constant 0 : i32
    %dma_wait3A_161 = arith.constant 0 : i32
    %dma_wait3A_162 = tpu.memref_slice %arg2[%dma_wait3A_160, %dma_wait3A_161] : memref<16x1000000xf32, #tpu.memory_space<hbm>> -> memref<16x1536xf32, #tpu.memory_space<hbm>>
    %dma_wait3A_163 = arith.constant 0 : i32
    %dma_wait3A_164 = arith.constant 0 : i32
    %dma_wait3A_165 = tpu.memref_slice %arg2[%dma_wait3A_163, %dma_wait3A_164] : memref<16x1000000xf32, #tpu.memory_space<hbm>> -> memref<16x1536xf32, #tpu.memory_space<hbm>>
    tpu.wait_dma2 semaphore(%arg18 : memref<!tpu.dma_semaphore, #tpu.memory_space<semaphore_mem>>) src(%dma_wait3A_165 : memref<16x1536xf32, #tpu.memory_space<hbm>>) dst(%arg7 : memref<16x1536xf32, #tpu.memory_space<vmem>>)
    %dma_wait3A_166 = arith.constant 0 : i32
    %dma_wait3A_167 = arith.constant 0 : i32
    %dma_wait3A_168 = tpu.memref_slice %arg2[%dma_wait3A_166, %dma_wait3A_167] : memref<16x1000000xf32, #tpu.memory_space<hbm>> -> memref<16x1536xf32, #tpu.memory_space<hbm>>
    %dma_wait3A_169 = arith.constant 0 : i32
    %dma_wait3A_170 = arith.constant 0 : i32
    %dma_wait3A_171 = tpu.memref_slice %arg2[%dma_wait3A_169, %dma_wait3A_170] : memref<16x1000000xf32, #tpu.memory_space<hbm>> -> memref<16x1536xf32, #tpu.memory_space<hbm>>
    tpu.wait_dma2 semaphore(%arg18 : memref<!tpu.dma_semaphore, #tpu.memory_space<semaphore_mem>>) src(%dma_wait3A_171 : memref<16x1536xf32, #tpu.memory_space<hbm>>) dst(%arg7 : memref<16x1536xf32, #tpu.memory_space<vmem>>)
    %sub3A = arith.constant 999936 : i32
    %sub3A_172 = arith.subi %sub3A, %mul3A_6 : i32
    %while3A = arith.constant 262144 : i32
    %while3A_173 = arith.constant 0 : i32
    %while3A_174 = arith.constant 0 : i32
    %while3A_175 = arith.subi %shift_right_arithmetic3A_152, %while3A_173 : i32
    %while3A_176 = arith.addi %while3A_173, %while3A_175 : i32
    %while3A_177 = arith.constant 1 : i32
    %while3A_178 = arith.divsi %while3A_175, %while3A_177 : i32
    %while3A_179 = arith.muli %while3A_178, %while3A_177 : i32
    %while3A_180 = arith.addi %while3A_173, %while3A_179 : i32
    %while3A_181 = arith.constant 1 : i32
    %while3A_182 = scf.for %while3A_203 = %while3A_173 to %while3A_180 step %while3A_181 iter_args(%while3A_204 = %while3A_174) -> (i32)  : i32 {
      %mul3A_205 = arith.constant 16 : i32
      %mul3A_206 = arith.muli %while3A_203, %mul3A_205 : i32
      %get3A = arith.index_cast %mul3A_206 : i32 to index
      %get3A_207 = tpu.vector_load %arg10[%get3A] {strides = array<i32>} : memref<16400xi32, #tpu.memory_space<vmem>>, vector<16xi32>,
      %shift_right_arithmetic3A_208 = arith.constant 14 : i32
      %shift_right_arithmetic3A_209 = vector.broadcast %shift_right_arithmetic3A_208 : i32 to vector<16xi32>
      %shift_right_arithmetic3A_210 = arith.shrsi %get3A_207, %shift_right_arithmetic3A_209 : vector<16xi32>
      %mul3A_211 = arith.constant 16 : i32
      %mul3A_212 = arith.muli %while3A_203, %mul3A_211 : i32
      %add3A_213 = vector.broadcast %mul3A_212 : i32 to vector<16xi32>
      %add3A_214 = arith.addi %add3A_213, %iota3A : vector<16xi32>
      %lt3A = vector.broadcast %scan3A_148 : i32 to vector<16xi32>
      %lt3A_215 = arith.cmpi slt, %add3A_214, %lt3A : vector<16xi32>
      %ge3A = vector.broadcast %sub3A_172 : i32 to vector<16xi32>
      %ge3A_216 = arith.cmpi sge, %shift_right_arithmetic3A_210, %ge3A : vector<16xi32>
      %lt3A_217 = vector.broadcast %while3A : i32 to vector<16xi32>
      %lt3A_218 = arith.cmpi slt, %shift_right_arithmetic3A_210, %lt3A_217 : vector<16xi32>
      %and3A = arith.andi %ge3A_216, %lt3A_218 : vector<16xi1>
      %and3A_219 = arith.andi %and3A, %lt3A_215 : vector<16xi1>
      %swap3A_220 = arith.index_cast %while3A_204 : i32 to index
      %swap3A_221 = tpu.vector_load %arg11[%swap3A_220] masked %and3A_219 {strides = array<i32>} : memref<16400xi32, #tpu.memory_space<vmem>>, vector<16xi32>, vector<16xi1>
      tpu.vector_store %arg11[%swap3A_220], %get3A_207 masked %and3A_219 {strides = array<i32>} : memref<16400xi32, #tpu.memory_space<vmem>>, vector<16xi32>, vector<16xi1>
      %all_reduce_population_count3A = tpu.all_reduce %and3A_219 {dim = 0 : i64, kind = #tpu.reduction_kind<sum>} : vector<16xi1> -> vector<16xi32>
      %slice3A = vector.extract_strided_slice %all_reduce_population_count3A {offsets = [0], sizes = [1], strides = [1]} : vector<16xi32> to vector<1xi32>
      %squeeze3A = vector.extract %slice3A[0] : i32 from vector<1xi32>
      %add3A_222 = arith.addi %while3A_204, %squeeze3A : i32
      scf.yield %add3A_222 : i32
    }
    %while3A_183 = arith.constant 1 : i32
    %while3A_184 = scf.for %while3A_203 = %while3A_180 to %while3A_176 step %while3A_183 iter_args(%while3A_204 = %while3A_182) -> (i32)  : i32 {
      %mul3A_205 = arith.constant 16 : i32
      %mul3A_206 = arith.muli %while3A_203, %mul3A_205 : i32
      %get3A = arith.index_cast %mul3A_206 : i32 to index
      %get3A_207 = tpu.vector_load %arg10[%get3A] {strides = array<i32>} : memref<16400xi32, #tpu.memory_space<vmem>>, vector<16xi32>,
      %shift_right_arithmetic3A_208 = arith.constant 14 : i32
      %shift_right_arithmetic3A_209 = vector.broadcast %shift_right_arithmetic3A_208 : i32 to vector<16xi32>
      %shift_right_arithmetic3A_210 = arith.shrsi %get3A_207, %shift_right_arithmetic3A_209 : vector<16xi32>
      %mul3A_211 = arith.constant 16 : i32
      %mul3A_212 = arith.muli %while3A_203, %mul3A_211 : i32
      %add3A_213 = vector.broadcast %mul3A_212 : i32 to vector<16xi32>
      %add3A_214 = arith.addi %add3A_213, %iota3A : vector<16xi32>
      %lt3A = vector.broadcast %scan3A_148 : i32 to vector<16xi32>
      %lt3A_215 = arith.cmpi slt, %add3A_214, %lt3A : vector<16xi32>
      %ge3A = vector.broadcast %sub3A_172 : i32 to vector<16xi32>
      %ge3A_216 = arith.cmpi sge, %shift_right_arithmetic3A_210, %ge3A : vector<16xi32>
      %lt3A_217 = vector.broadcast %while3A : i32 to vector<16xi32>
      %lt3A_218 = arith.cmpi slt, %shift_right_arithmetic3A_210, %lt3A_217 : vector<16xi32>
      %and3A = arith.andi %ge3A_216, %lt3A_218 : vector<16xi1>
      %and3A_219 = arith.andi %and3A, %lt3A_215 : vector<16xi1>
      %swap3A_220 = arith.index_cast %while3A_204 : i32 to index
      %swap3A_221 = tpu.vector_load %arg11[%swap3A_220] masked %and3A_219 {strides = array<i32>} : memref<16400xi32, #tpu.memory_space<vmem>>, vector<16xi32>, vector<16xi1>
      tpu.vector_store %arg11[%swap3A_220], %get3A_207 masked %and3A_219 {strides = array<i32>} : memref<16400xi32, #tpu.memory_space<vmem>>, vector<16xi32>, vector<16xi1>
      %all_reduce_population_count3A = tpu.all_reduce %and3A_219 {dim = 0 : i64, kind = #tpu.reduction_kind<sum>} : vector<16xi1> -> vector<16xi32>
      %slice3A = vector.extract_strided_slice %all_reduce_population_count3A {offsets = [0], sizes = [1], strides = [1]} : vector<16xi32> to vector<1xi32>
      %squeeze3A = vector.extract %slice3A[0] : i32 from vector<1xi32>
      %add3A_222 = arith.addi %while3A_204, %squeeze3A : i32
      scf.yield %add3A_222 : i32
    }
    %add3A_185 = arith.constant 15 : i32
    %add3A_186 = arith.addi %while3A_184, %add3A_185 : i32
    %shift_right_arithmetic3A_187 = arith.constant 4 : i32
    %shift_right_arithmetic3A_188 = arith.shrsi %add3A_186, %shift_right_arithmetic3A_187 : i32
    %while3A_189 = arith.constant 0 : i32
    %while3A_190 = arith.subi %shift_right_arithmetic3A_188, %while3A_189 : i32
    %while3A_191 = arith.addi %while3A_189, %while3A_190 : i32
    %while3A_192 = arith.constant 1 : i32
    %while3A_193 = arith.divsi %while3A_190, %while3A_192 : i32
    %while3A_194 = arith.muli %while3A_193, %while3A_192 : i32
    %while3A_195 = arith.addi %while3A_189, %while3A_194 : i32
    %while3A_196 = arith.constant 1 : i32
    %while3A_197 = scf.for %while3A_203 = %while3A_189 to %while3A_195 step %while3A_196 iter_args(%while3A_204 = %scan3A_158) -> (vector<16xf32>)  : i32 {
      %mul3A_205 = arith.constant 16 : i32
      %mul3A_206 = arith.muli %while3A_203, %mul3A_205 : i32
      %get3A = arith.index_cast %mul3A_206 : i32 to index
      %get3A_207 = tpu.vector_load %arg11[%get3A] {strides = array<i32>} : memref<16400xi32, #tpu.memory_space<vmem>>, vector<16xi32>,
      %mul3A_208 = arith.constant 16 : i32
      %mul3A_209 = arith.muli %while3A_203, %mul3A_208 : i32
      %add3A_210 = vector.broadcast %mul3A_209 : i32 to vector<16xi32>
      %add3A_211 = arith.addi %add3A_210, %iota3A : vector<16xi32>
      %lt3A = vector.broadcast %while3A_184 : i32 to vector<16xi32>
      %lt3A_212 = arith.cmpi slt, %add3A_211, %lt3A : vector<16xi32>
      %shift_right_arithmetic3A_213 = arith.constant 14 : i32
      %shift_right_arithmetic3A_214 = vector.broadcast %shift_right_arithmetic3A_213 : i32 to vector<16xi32>
      %shift_right_arithmetic3A_215 = arith.shrsi %get3A_207, %shift_right_arithmetic3A_214 : vector<16xi32>
      %sub3A_216 = vector.broadcast %sub3A_172 : i32 to vector<16xi32>
      %sub3A_217 = arith.subi %shift_right_arithmetic3A_215, %sub3A_216 : vector<16xi32>
      %max3A = arith.constant 0 : i32
      %max3A_218 = vector.broadcast %max3A : i32 to vector<16xi32>
      %max3A_219 = arith.maxsi %sub3A_217, %max3A_218 : vector<16xi32>
      %min3A_220 = arith.constant 63 : i32
      %min3A_221 = vector.broadcast %min3A_220 : i32 to vector<16xi32>
      %min3A_222 = arith.minsi %max3A_219, %min3A_221 : vector<16xi32>
      %and3A = arith.constant 16383 : i32
      %and3A_223 = vector.broadcast %and3A : i32 to vector<16xi32>
      %and3A_224 = arith.andi %get3A_207, %and3A_223 : vector<16xi32>
      %shift_right_arithmetic3A_225 = arith.constant 3 : i32
      %shift_right_arithmetic3A_226 = vector.broadcast %shift_right_arithmetic3A_225 : i32 to vector<16xi32>
      %shift_right_arithmetic3A_227 = arith.shrsi %and3A_224, %shift_right_arithmetic3A_226 : vector<16xi32>
      %dma_start3A_228 = arith.constant 0 : i32
      %dma_start3A_229 = arith.constant 0 : i32
      %dma_start3A_230 = tpu.memref_slice %arg17[%dma_start3A_228, %dma_start3A_229] : memref<2048x128xf32, #tpu.memory_space<vmem_shared>> -> memref<2048x128xf32, #tpu.memory_space<vmem_shared>>
      tpu.enqueue_indirect_dma source(%dma_start3A_230 : memref<2048x128xf32, #tpu.memory_space<vmem_shared>>) target(%arg14 : memref<16x128xf32, #tpu.memory_space<vmem>>) offsets(%shift_right_arithmetic3A_227 : vector<16xi32>) semaphore(%arg19 : memref<!tpu.dma_semaphore, #tpu.memory_space<semaphore_mem>>)
      %dma_wait3A_231 = arith.constant 0 : i32
      %dma_wait3A_232 = arith.constant 0 : i32
      %dma_wait3A_233 = tpu.memref_slice %arg17[%dma_wait3A_231, %dma_wait3A_232] : memref<2048x128xf32, #tpu.memory_space<vmem_shared>> -> memref<2048x128xf32, #tpu.memory_space<vmem_shared>>
      tpu.wait_indirect_dma semaphore(%arg19 : memref<!tpu.dma_semaphore, #tpu.memory_space<semaphore_mem>>) src(%dma_wait3A_233 : memref<2048x128xf32, #tpu.memory_space<vmem_shared>>) dst(%arg14 : memref<16x128xf32, #tpu.memory_space<vmem>>)
      %and3A_234 = arith.constant 7 : i32
      %and3A_235 = vector.broadcast %and3A_234 : i32 to vector<16xi32>
      %and3A_236 = arith.andi %and3A_224, %and3A_235 : vector<16xi32>
      %shift_left3A = arith.constant 4 : i32
      %shift_left3A_237 = vector.broadcast %shift_left3A : i32 to vector<16xi32>
      %shift_left3A_238 = arith.shli %and3A_236, %shift_left3A_237 : vector<16xi32>
      %broadcast_in_dim3A_239 = arith.constant 0.000000e+00 : f32
      %broadcast_in_dim3A_240 = vector.broadcast %broadcast_in_dim3A_239 : f32 to vector<16xf32>
      %shift_left3A_241 = arith.constant 4 : i32
      %shift_left3A_242 = vector.broadcast %shift_left3A_241 : i32 to vector<16xi32>
      %shift_left3A_243 = arith.shli %min3A_222, %shift_left3A_242 : vector<16xi32>
      %add3A_244 = arith.constant 0 : i32
      %add3A_245 = vector.broadcast %add3A_244 : i32 to vector<16xi32>
      %add3A_246 = arith.addi %shift_left3A_243, %add3A_245 : vector<16xi32>
      %shift_right_arithmetic3A_247 = arith.constant 7 : i32
      %shift_right_arithmetic3A_248 = vector.broadcast %shift_right_arithmetic3A_247 : i32 to vector<16xi32>
      %shift_right_arithmetic3A_249 = arith.shrsi %add3A_246, %shift_right_arithmetic3A_248 : vector<16xi32>
      %shift_left3A_250 = arith.constant 4 : i32
      %shift_left3A_251 = vector.broadcast %shift_left3A_250 : i32 to vector<16xi32>
      %shift_left3A_252 = arith.shli %min3A_222, %shift_left3A_251 : vector<16xi32>
      %add3A_253 = arith.constant 0 : i32
      %add3A_254 = vector.broadcast %add3A_253 : i32 to vector<16xi32>
      %add3A_255 = arith.addi %shift_left3A_252, %add3A_254 : vector<16xi32>
      %and3A_256 = arith.constant 127 : i32
      %and3A_257 = vector.broadcast %and3A_256 : i32 to vector<16xi32>
      %and3A_258 = arith.andi %add3A_255, %and3A_257 : vector<16xi32>
      %gather3A = tpu.vector_load_idx %arg15[%shift_right_arithmetic3A_249, %and3A_258] : memref<8x128xf32, #tpu.memory_space<vmem>>[vector<16xi32>, vector<16xi32>], vector<16xf32>,
      %add3A_259 = arith.constant 0 : i32
      %add3A_260 = vector.broadcast %add3A_259 : i32 to vector<16xi32>
      %add3A_261 = arith.addi %shift_left3A_238, %add3A_260 : vector<16xi32>
      %gather3A_262 = tpu.vector_load_idx %arg14[%iota3A, %add3A_261] : memref<16x128xf32, #tpu.memory_space<vmem>>[vector<16xi32>, vector<16xi32>], vector<16xf32>,
      %sub3A_263 = arith.subf %gather3A, %gather3A_262 : vector<16xf32>
      %mul3A_264 = arith.mulf %sub3A_263, %sub3A_263 : vector<16xf32>
      %add3A_265 = arith.addf %broadcast_in_dim3A_240, %mul3A_264 : vector<16xf32>
      %shift_left3A_266 = arith.constant 4 : i32
      %shift_left3A_267 = vector.broadcast %shift_left3A_266 : i32 to vector<16xi32>
      %shift_left3A_268 = arith.shli %min3A_222, %shift_left3A_267 : vector<16xi32>
      %add3A_269 = arith.constant 1 : i32
      %add3A_270 = vector.broadcast %add3A_269 : i32 to vector<16xi32>
      %add3A_271 = arith.addi %shift_left3A_268, %add3A_270 : vector<16xi32>
      %shift_right_arithmetic3A_272 = arith.constant 7 : i32
      %shift_right_arithmetic3A_273 = vector.broadcast %shift_right_arithmetic3A_272 : i32 to vector<16xi32>
      %shift_right_arithmetic3A_274 = arith.shrsi %add3A_271, %shift_right_arithmetic3A_273 : vector<16xi32>
      %shift_left3A_275 = arith.constant 4 : i32
      %shift_left3A_276 = vector.broadcast %shift_left3A_275 : i32 to vector<16xi32>
      %shift_left3A_277 = arith.shli %min3A_222, %shift_left3A_276 : vector<16xi32>
      %add3A_278 = arith.constant 1 : i32
      %add3A_279 = vector.broadcast %add3A_278 : i32 to vector<16xi32>
      %add3A_280 = arith.addi %shift_left3A_277, %add3A_279 : vector<16xi32>
      %and3A_281 = arith.constant 127 : i32
      %and3A_282 = vector.broadcast %and3A_281 : i32 to vector<16xi32>
      %and3A_283 = arith.andi %add3A_280, %and3A_282 : vector<16xi32>
      %gather3A_284 = tpu.vector_load_idx %arg15[%shift_right_arithmetic3A_274, %and3A_283] : memref<8x128xf32, #tpu.memory_space<vmem>>[vector<16xi32>, vector<16xi32>], vector<16xf32>,
      %add3A_285 = arith.constant 1 : i32
      %add3A_286 = vector.broadcast %add3A_285 : i32 to vector<16xi32>
      %add3A_287 = arith.addi %shift_left3A_238, %add3A_286 : vector<16xi32>
      %gather3A_288 = tpu.vector_load_idx %arg14[%iota3A, %add3A_287] : memref<16x128xf32, #tpu.memory_space<vmem>>[vector<16xi32>, vector<16xi32>], vector<16xf32>,
      %sub3A_289 = arith.subf %gather3A_284, %gather3A_288 : vector<16xf32>
      %mul3A_290 = arith.mulf %sub3A_289, %sub3A_289 : vector<16xf32>
      %add3A_291 = arith.addf %add3A_265, %mul3A_290 : vector<16xf32>
      %shift_left3A_292 = arith.constant 4 : i32
      %shift_left3A_293 = vector.broadcast %shift_left3A_292 : i32 to vector<16xi32>
      %shift_left3A_294 = arith.shli %min3A_222, %shift_left3A_293 : vector<16xi32>
      %add3A_295 = arith.constant 2 : i32
      %add3A_296 = vector.broadcast %add3A_295 : i32 to vector<16xi32>
      %add3A_297 = arith.addi %shift_left3A_294, %add3A_296 : vector<16xi32>
      %shift_right_arithmetic3A_298 = arith.constant 7 : i32
      %shift_right_arithmetic3A_299 = vector.broadcast %shift_right_arithmetic3A_298 : i32 to vector<16xi32>
      %shift_right_arithmetic3A_300 = arith.shrsi %add3A_297, %shift_right_arithmetic3A_299 : vector<16xi32>
      %shift_left3A_301 = arith.constant 4 : i32
      %shift_left3A_302 = vector.broadcast %shift_left3A_301 : i32 to vector<16xi32>
      %shift_left3A_303 = arith.shli %min3A_222, %shift_left3A_302 : vector<16xi32>
      %add3A_304 = arith.constant 2 : i32
      %add3A_305 = vector.broadcast %add3A_304 : i32 to vector<16xi32>
      %add3A_306 = arith.addi %shift_left3A_303, %add3A_305 : vector<16xi32>
      %and3A_307 = arith.constant 127 : i32
      %and3A_308 = vector.broadcast %and3A_307 : i32 to vector<16xi32>
      %and3A_309 = arith.andi %add3A_306, %and3A_308 : vector<16xi32>
      %gather3A_310 = tpu.vector_load_idx %arg15[%shift_right_arithmetic3A_300, %and3A_309] : memref<8x128xf32, #tpu.memory_space<vmem>>[vector<16xi32>, vector<16xi32>], vector<16xf32>,
      %add3A_311 = arith.constant 2 : i32
      %add3A_312 = vector.broadcast %add3A_311 : i32 to vector<16xi32>
      %add3A_313 = arith.addi %shift_left3A_238, %add3A_312 : vector<16xi32>
      %gather3A_314 = tpu.vector_load_idx %arg14[%iota3A, %add3A_313] : memref<16x128xf32, #tpu.memory_space<vmem>>[vector<16xi32>, vector<16xi32>], vector<16xf32>,
      %sub3A_315 = arith.subf %gather3A_310, %gather3A_314 : vector<16xf32>
      %mul3A_316 = arith.mulf %sub3A_315, %sub3A_315 : vector<16xf32>
      %add3A_317 = arith.addf %add3A_291, %mul3A_316 : vector<16xf32>
      %shift_left3A_318 = arith.constant 4 : i32
      %shift_left3A_319 = vector.broadcast %shift_left3A_318 : i32 to vector<16xi32>
      %shift_left3A_320 = arith.shli %min3A_222, %shift_left3A_319 : vector<16xi32>
      %add3A_321 = arith.constant 3 : i32
      %add3A_322 = vector.broadcast %add3A_321 : i32 to vector<16xi32>
      %add3A_323 = arith.addi %shift_left3A_320, %add3A_322 : vector<16xi32>
      %shift_right_arithmetic3A_324 = arith.constant 7 : i32
      %shift_right_arithmetic3A_325 = vector.broadcast %shift_right_arithmetic3A_324 : i32 to vector<16xi32>
      %shift_right_arithmetic3A_326 = arith.shrsi %add3A_323, %shift_right_arithmetic3A_325 : vector<16xi32>
      %shift_left3A_327 = arith.constant 4 : i32
      %shift_left3A_328 = vector.broadcast %shift_left3A_327 : i32 to vector<16xi32>
      %shift_left3A_329 = arith.shli %min3A_222, %shift_left3A_328 : vector<16xi32>
      %add3A_330 = arith.constant 3 : i32
      %add3A_331 = vector.broadcast %add3A_330 : i32 to vector<16xi32>
      %add3A_332 = arith.addi %shift_left3A_329, %add3A_331 : vector<16xi32>
      %and3A_333 = arith.constant 127 : i32
      %and3A_334 = vector.broadcast %and3A_333 : i32 to vector<16xi32>
      %and3A_335 = arith.andi %add3A_332, %and3A_334 : vector<16xi32>
      %gather3A_336 = tpu.vector_load_idx %arg15[%shift_right_arithmetic3A_326, %and3A_335] : memref<8x128xf32, #tpu.memory_space<vmem>>[vector<16xi32>, vector<16xi32>], vector<16xf32>,
      %add3A_337 = arith.constant 3 : i32
      %add3A_338 = vector.broadcast %add3A_337 : i32 to vector<16xi32>
      %add3A_339 = arith.addi %shift_left3A_238, %add3A_338 : vector<16xi32>
      %gather3A_340 = tpu.vector_load_idx %arg14[%iota3A, %add3A_339] : memref<16x128xf32, #tpu.memory_space<vmem>>[vector<16xi32>, vector<16xi32>], vector<16xf32>,
      %sub3A_341 = arith.subf %gather3A_336, %gather3A_340 : vector<16xf32>
      %mul3A_342 = arith.mulf %sub3A_341, %sub3A_341 : vector<16xf32>
      %add3A_343 = arith.addf %add3A_317, %mul3A_342 : vector<16xf32>
      %shift_left3A_344 = arith.constant 4 : i32
      %shift_left3A_345 = vector.broadcast %shift_left3A_344 : i32 to vector<16xi32>
      %shift_left3A_346 = arith.shli %min3A_222, %shift_left3A_345 : vector<16xi32>
      %add3A_347 = arith.constant 4 : i32
      %add3A_348 = vector.broadcast %add3A_347 : i32 to vector<16xi32>
      %add3A_349 = arith.addi %shift_left3A_346, %add3A_348 : vector<16xi32>
      %shift_right_arithmetic3A_350 = arith.constant 7 : i32
      %shift_right_arithmetic3A_351 = vector.broadcast %shift_right_arithmetic3A_350 : i32 to vector<16xi32>
      %shift_right_arithmetic3A_352 = arith.shrsi %add3A_349, %shift_right_arithmetic3A_351 : vector<16xi32>
      %shift_left3A_353 = arith.constant 4 : i32
      %shift_left3A_354 = vector.broadcast %shift_left3A_353 : i32 to vector<16xi32>
      %shift_left3A_355 = arith.shli %min3A_222, %shift_left3A_354 : vector<16xi32>
      %add3A_356 = arith.constant 4 : i32
      %add3A_357 = vector.broadcast %add3A_356 : i32 to vector<16xi32>
      %add3A_358 = arith.addi %shift_left3A_355, %add3A_357 : vector<16xi32>
      %and3A_359 = arith.constant 127 : i32
      %and3A_360 = vector.broadcast %and3A_359 : i32 to vector<16xi32>
      %and3A_361 = arith.andi %add3A_358, %and3A_360 : vector<16xi32>
      %gather3A_362 = tpu.vector_load_idx %arg15[%shift_right_arithmetic3A_352, %and3A_361] : memref<8x128xf32, #tpu.memory_space<vmem>>[vector<16xi32>, vector<16xi32>], vector<16xf32>,
      %add3A_363 = arith.constant 4 : i32
      %add3A_364 = vector.broadcast %add3A_363 : i32 to vector<16xi32>
      %add3A_365 = arith.addi %shift_left3A_238, %add3A_364 : vector<16xi32>
      %gather3A_366 = tpu.vector_load_idx %arg14[%iota3A, %add3A_365] : memref<16x128xf32, #tpu.memory_space<vmem>>[vector<16xi32>, vector<16xi32>], vector<16xf32>,
      %sub3A_367 = arith.subf %gather3A_362, %gather3A_366 : vector<16xf32>
      %mul3A_368 = arith.mulf %sub3A_367, %sub3A_367 : vector<16xf32>
      %add3A_369 = arith.addf %add3A_343, %mul3A_368 : vector<16xf32>
      %shift_left3A_370 = arith.constant 4 : i32
      %shift_left3A_371 = vector.broadcast %shift_left3A_370 : i32 to vector<16xi32>
      %shift_left3A_372 = arith.shli %min3A_222, %shift_left3A_371 : vector<16xi32>
      %add3A_373 = arith.constant 5 : i32
      %add3A_374 = vector.broadcast %add3A_373 : i32 to vector<16xi32>
      %add3A_375 = arith.addi %shift_left3A_372, %add3A_374 : vector<16xi32>
      %shift_right_arithmetic3A_376 = arith.constant 7 : i32
      %shift_right_arithmetic3A_377 = vector.broadcast %shift_right_arithmetic3A_376 : i32 to vector<16xi32>
      %shift_right_arithmetic3A_378 = arith.shrsi %add3A_375, %shift_right_arithmetic3A_377 : vector<16xi32>
      %shift_left3A_379 = arith.constant 4 : i32
      %shift_left3A_380 = vector.broadcast %shift_left3A_379 : i32 to vector<16xi32>
      %shift_left3A_381 = arith.shli %min3A_222, %shift_left3A_380 : vector<16xi32>
      %add3A_382 = arith.constant 5 : i32
      %add3A_383 = vector.broadcast %add3A_382 : i32 to vector<16xi32>
      %add3A_384 = arith.addi %shift_left3A_381, %add3A_383 : vector<16xi32>
      %and3A_385 = arith.constant 127 : i32
      %and3A_386 = vector.broadcast %and3A_385 : i32 to vector<16xi32>
      %and3A_387 = arith.andi %add3A_384, %and3A_386 : vector<16xi32>
      %gather3A_388 = tpu.vector_load_idx %arg15[%shift_right_arithmetic3A_378, %and3A_387] : memref<8x128xf32, #tpu.memory_space<vmem>>[vector<16xi32>, vector<16xi32>], vector<16xf32>,
      %add3A_389 = arith.constant 5 : i32
      %add3A_390 = vector.broadcast %add3A_389 : i32 to vector<16xi32>
      %add3A_391 = arith.addi %shift_left3A_238, %add3A_390 : vector<16xi32>
      %gather3A_392 = tpu.vector_load_idx %arg14[%iota3A, %add3A_391] : memref<16x128xf32, #tpu.memory_space<vmem>>[vector<16xi32>, vector<16xi32>], vector<16xf32>,
      %sub3A_393 = arith.subf %gather3A_388, %gather3A_392 : vector<16xf32>
      %mul3A_394 = arith.mulf %sub3A_393, %sub3A_393 : vector<16xf32>
      %add3A_395 = arith.addf %add3A_369, %mul3A_394 : vector<16xf32>
      %shift_left3A_396 = arith.constant 4 : i32
      %shift_left3A_397 = vector.broadcast %shift_left3A_396 : i32 to vector<16xi32>
      %shift_left3A_398 = arith.shli %min3A_222, %shift_left3A_397 : vector<16xi32>
      %add3A_399 = arith.constant 6 : i32
      %add3A_400 = vector.broadcast %add3A_399 : i32 to vector<16xi32>
      %add3A_401 = arith.addi %shift_left3A_398, %add3A_400 : vector<16xi32>
      %shift_right_arithmetic3A_402 = arith.constant 7 : i32
      %shift_right_arithmetic3A_403 = vector.broadcast %shift_right_arithmetic3A_402 : i32 to vector<16xi32>
      %shift_right_arithmetic3A_404 = arith.shrsi %add3A_401, %shift_right_arithmetic3A_403 : vector<16xi32>
      %shift_left3A_405 = arith.constant 4 : i32
      %shift_left3A_406 = vector.broadcast %shift_left3A_405 : i32 to vector<16xi32>
      %shift_left3A_407 = arith.shli %min3A_222, %shift_left3A_406 : vector<16xi32>
      %add3A_408 = arith.constant 6 : i32
      %add3A_409 = vector.broadcast %add3A_408 : i32 to vector<16xi32>
      %add3A_410 = arith.addi %shift_left3A_407, %add3A_409 : vector<16xi32>
      %and3A_411 = arith.constant 127 : i32
      %and3A_412 = vector.broadcast %and3A_411 : i32 to vector<16xi32>
      %and3A_413 = arith.andi %add3A_410, %and3A_412 : vector<16xi32>
      %gather3A_414 = tpu.vector_load_idx %arg15[%shift_right_arithmetic3A_404, %and3A_413] : memref<8x128xf32, #tpu.memory_space<vmem>>[vector<16xi32>, vector<16xi32>], vector<16xf32>,
      %add3A_415 = arith.constant 6 : i32
      %add3A_416 = vector.broadcast %add3A_415 : i32 to vector<16xi32>
      %add3A_417 = arith.addi %shift_left3A_238, %add3A_416 : vector<16xi32>
      %gather3A_418 = tpu.vector_load_idx %arg14[%iota3A, %add3A_417] : memref<16x128xf32, #tpu.memory_space<vmem>>[vector<16xi32>, vector<16xi32>], vector<16xf32>,
      %sub3A_419 = arith.subf %gather3A_414, %gather3A_418 : vector<16xf32>
      %mul3A_420 = arith.mulf %sub3A_419, %sub3A_419 : vector<16xf32>
      %add3A_421 = arith.addf %add3A_395, %mul3A_420 : vector<16xf32>
      %shift_left3A_422 = arith.constant 4 : i32
      %shift_left3A_423 = vector.broadcast %shift_left3A_422 : i32 to vector<16xi32>
      %shift_left3A_424 = arith.shli %min3A_222, %shift_left3A_423 : vector<16xi32>
      %add3A_425 = arith.constant 7 : i32
      %add3A_426 = vector.broadcast %add3A_425 : i32 to vector<16xi32>
      %add3A_427 = arith.addi %shift_left3A_424, %add3A_426 : vector<16xi32>
      %shift_right_arithmetic3A_428 = arith.constant 7 : i32
      %shift_right_arithmetic3A_429 = vector.broadcast %shift_right_arithmetic3A_428 : i32 to vector<16xi32>
      %shift_right_arithmetic3A_430 = arith.shrsi %add3A_427, %shift_right_arithmetic3A_429 : vector<16xi32>
      %shift_left3A_431 = arith.constant 4 : i32
      %shift_left3A_432 = vector.broadcast %shift_left3A_431 : i32 to vector<16xi32>
      %shift_left3A_433 = arith.shli %min3A_222, %shift_left3A_432 : vector<16xi32>
      %add3A_434 = arith.constant 7 : i32
      %add3A_435 = vector.broadcast %add3A_434 : i32 to vector<16xi32>
      %add3A_436 = arith.addi %shift_left3A_433, %add3A_435 : vector<16xi32>
      %and3A_437 = arith.constant 127 : i32
      %and3A_438 = vector.broadcast %and3A_437 : i32 to vector<16xi32>
      %and3A_439 = arith.andi %add3A_436, %and3A_438 : vector<16xi32>
      %gather3A_440 = tpu.vector_load_idx %arg15[%shift_right_arithmetic3A_430, %and3A_439] : memref<8x128xf32, #tpu.memory_space<vmem>>[vector<16xi32>, vector<16xi32>], vector<16xf32>,
      %add3A_441 = arith.constant 7 : i32
      %add3A_442 = vector.broadcast %add3A_441 : i32 to vector<16xi32>
      %add3A_443 = arith.addi %shift_left3A_238, %add3A_442 : vector<16xi32>
      %gather3A_444 = tpu.vector_load_idx %arg14[%iota3A, %add3A_443] : memref<16x128xf32, #tpu.memory_space<vmem>>[vector<16xi32>, vector<16xi32>], vector<16xf32>,
      %sub3A_445 = arith.subf %gather3A_440, %gather3A_444 : vector<16xf32>
      %mul3A_446 = arith.mulf %sub3A_445, %sub3A_445 : vector<16xf32>
      %add3A_447 = arith.addf %add3A_421, %mul3A_446 : vector<16xf32>
      %shift_left3A_448 = arith.constant 4 : i32
      %shift_left3A_449 = vector.broadcast %shift_left3A_448 : i32 to vector<16xi32>
      %shift_left3A_450 = arith.shli %min3A_222, %shift_left3A_449 : vector<16xi32>
      %add3A_451 = arith.constant 8 : i32
      %add3A_452 = vector.broadcast %add3A_451 : i32 to vector<16xi32>
      %add3A_453 = arith.addi %shift_left3A_450, %add3A_452 : vector<16xi32>
      %shift_right_arithmetic3A_454 = arith.constant 7 : i32
      %shift_right_arithmetic3A_455 = vector.broadcast %shift_right_arithmetic3A_454 : i32 to vector<16xi32>
      %shift_right_arithmetic3A_456 = arith.shrsi %add3A_453, %shift_right_arithmetic3A_455 : vector<16xi32>
      %shift_left3A_457 = arith.constant 4 : i32
      %shift_left3A_458 = vector.broadcast %shift_left3A_457 : i32 to vector<16xi32>
      %shift_left3A_459 = arith.shli %min3A_222, %shift_left3A_458 : vector<16xi32>
      %add3A_460 = arith.constant 8 : i32
      %add3A_461 = vector.broadcast %add3A_460 : i32 to vector<16xi32>
      %add3A_462 = arith.addi %shift_left3A_459, %add3A_461 : vector<16xi32>
      %and3A_463 = arith.constant 127 : i32
      %and3A_464 = vector.broadcast %and3A_463 : i32 to vector<16xi32>
      %and3A_465 = arith.andi %add3A_462, %and3A_464 : vector<16xi32>
      %gather3A_466 = tpu.vector_load_idx %arg15[%shift_right_arithmetic3A_456, %and3A_465] : memref<8x128xf32, #tpu.memory_space<vmem>>[vector<16xi32>, vector<16xi32>], vector<16xf32>,
      %add3A_467 = arith.constant 8 : i32
      %add3A_468 = vector.broadcast %add3A_467 : i32 to vector<16xi32>
      %add3A_469 = arith.addi %shift_left3A_238, %add3A_468 : vector<16xi32>
      %gather3A_470 = tpu.vector_load_idx %arg14[%iota3A, %add3A_469] : memref<16x128xf32, #tpu.memory_space<vmem>>[vector<16xi32>, vector<16xi32>], vector<16xf32>,
      %sub3A_471 = arith.subf %gather3A_466, %gather3A_470 : vector<16xf32>
      %mul3A_472 = arith.mulf %sub3A_471, %sub3A_471 : vector<16xf32>
      %add3A_473 = arith.addf %add3A_447, %mul3A_472 : vector<16xf32>
      %shift_left3A_474 = arith.constant 4 : i32
      %shift_left3A_475 = vector.broadcast %shift_left3A_474 : i32 to vector<16xi32>
      %shift_left3A_476 = arith.shli %min3A_222, %shift_left3A_475 : vector<16xi32>
      %add3A_477 = arith.constant 9 : i32
      %add3A_478 = vector.broadcast %add3A_477 : i32 to vector<16xi32>
      %add3A_479 = arith.addi %shift_left3A_476, %add3A_478 : vector<16xi32>
      %shift_right_arithmetic3A_480 = arith.constant 7 : i32
      %shift_right_arithmetic3A_481 = vector.broadcast %shift_right_arithmetic3A_480 : i32 to vector<16xi32>
      %shift_right_arithmetic3A_482 = arith.shrsi %add3A_479, %shift_right_arithmetic3A_481 : vector<16xi32>
      %shift_left3A_483 = arith.constant 4 : i32
      %shift_left3A_484 = vector.broadcast %shift_left3A_483 : i32 to vector<16xi32>
      %shift_left3A_485 = arith.shli %min3A_222, %shift_left3A_484 : vector<16xi32>
      %add3A_486 = arith.constant 9 : i32
      %add3A_487 = vector.broadcast %add3A_486 : i32 to vector<16xi32>
      %add3A_488 = arith.addi %shift_left3A_485, %add3A_487 : vector<16xi32>
      %and3A_489 = arith.constant 127 : i32
      %and3A_490 = vector.broadcast %and3A_489 : i32 to vector<16xi32>
      %and3A_491 = arith.andi %add3A_488, %and3A_490 : vector<16xi32>
      %gather3A_492 = tpu.vector_load_idx %arg15[%shift_right_arithmetic3A_482, %and3A_491] : memref<8x128xf32, #tpu.memory_space<vmem>>[vector<16xi32>, vector<16xi32>], vector<16xf32>,
      %add3A_493 = arith.constant 9 : i32
      %add3A_494 = vector.broadcast %add3A_493 : i32 to vector<16xi32>
      %add3A_495 = arith.addi %shift_left3A_238, %add3A_494 : vector<16xi32>
      %gather3A_496 = tpu.vector_load_idx %arg14[%iota3A, %add3A_495] : memref<16x128xf32, #tpu.memory_space<vmem>>[vector<16xi32>, vector<16xi32>], vector<16xf32>,
      %sub3A_497 = arith.subf %gather3A_492, %gather3A_496 : vector<16xf32>
      %mul3A_498 = arith.mulf %sub3A_497, %sub3A_497 : vector<16xf32>
      %add3A_499 = arith.addf %add3A_473, %mul3A_498 : vector<16xf32>
      %shift_left3A_500 = arith.constant 4 : i32
      %shift_left3A_501 = vector.broadcast %shift_left3A_500 : i32 to vector<16xi32>
      %shift_left3A_502 = arith.shli %min3A_222, %shift_left3A_501 : vector<16xi32>
      %add3A_503 = arith.constant 10 : i32
      %add3A_504 = vector.broadcast %add3A_503 : i32 to vector<16xi32>
      %add3A_505 = arith.addi %shift_left3A_502, %add3A_504 : vector<16xi32>
      %shift_right_arithmetic3A_506 = arith.constant 7 : i32
      %shift_right_arithmetic3A_507 = vector.broadcast %shift_right_arithmetic3A_506 : i32 to vector<16xi32>
      %shift_right_arithmetic3A_508 = arith.shrsi %add3A_505, %shift_right_arithmetic3A_507 : vector<16xi32>
      %shift_left3A_509 = arith.constant 4 : i32
      %shift_left3A_510 = vector.broadcast %shift_left3A_509 : i32 to vector<16xi32>
      %shift_left3A_511 = arith.shli %min3A_222, %shift_left3A_510 : vector<16xi32>
      %add3A_512 = arith.constant 10 : i32
      %add3A_513 = vector.broadcast %add3A_512 : i32 to vector<16xi32>
      %add3A_514 = arith.addi %shift_left3A_511, %add3A_513 : vector<16xi32>
      %and3A_515 = arith.constant 127 : i32
      %and3A_516 = vector.broadcast %and3A_515 : i32 to vector<16xi32>
      %and3A_517 = arith.andi %add3A_514, %and3A_516 : vector<16xi32>
      %gather3A_518 = tpu.vector_load_idx %arg15[%shift_right_arithmetic3A_508, %and3A_517] : memref<8x128xf32, #tpu.memory_space<vmem>>[vector<16xi32>, vector<16xi32>], vector<16xf32>,
      %add3A_519 = arith.constant 10 : i32
      %add3A_520 = vector.broadcast %add3A_519 : i32 to vector<16xi32>
      %add3A_521 = arith.addi %shift_left3A_238, %add3A_520 : vector<16xi32>
      %gather3A_522 = tpu.vector_load_idx %arg14[%iota3A, %add3A_521] : memref<16x128xf32, #tpu.memory_space<vmem>>[vector<16xi32>, vector<16xi32>], vector<16xf32>,
      %sub3A_523 = arith.subf %gather3A_518, %gather3A_522 : vector<16xf32>
      %mul3A_524 = arith.mulf %sub3A_523, %sub3A_523 : vector<16xf32>
      %add3A_525 = arith.addf %add3A_499, %mul3A_524 : vector<16xf32>
      %shift_left3A_526 = arith.constant 4 : i32
      %shift_left3A_527 = vector.broadcast %shift_left3A_526 : i32 to vector<16xi32>
      %shift_left3A_528 = arith.shli %min3A_222, %shift_left3A_527 : vector<16xi32>
      %add3A_529 = arith.constant 11 : i32
      %add3A_530 = vector.broadcast %add3A_529 : i32 to vector<16xi32>
      %add3A_531 = arith.addi %shift_left3A_528, %add3A_530 : vector<16xi32>
      %shift_right_arithmetic3A_532 = arith.constant 7 : i32
      %shift_right_arithmetic3A_533 = vector.broadcast %shift_right_arithmetic3A_532 : i32 to vector<16xi32>
      %shift_right_arithmetic3A_534 = arith.shrsi %add3A_531, %shift_right_arithmetic3A_533 : vector<16xi32>
      %shift_left3A_535 = arith.constant 4 : i32
      %shift_left3A_536 = vector.broadcast %shift_left3A_535 : i32 to vector<16xi32>
      %shift_left3A_537 = arith.shli %min3A_222, %shift_left3A_536 : vector<16xi32>
      %add3A_538 = arith.constant 11 : i32
      %add3A_539 = vector.broadcast %add3A_538 : i32 to vector<16xi32>
      %add3A_540 = arith.addi %shift_left3A_537, %add3A_539 : vector<16xi32>
      %and3A_541 = arith.constant 127 : i32
      %and3A_542 = vector.broadcast %and3A_541 : i32 to vector<16xi32>
      %and3A_543 = arith.andi %add3A_540, %and3A_542 : vector<16xi32>
      %gather3A_544 = tpu.vector_load_idx %arg15[%shift_right_arithmetic3A_534, %and3A_543] : memref<8x128xf32, #tpu.memory_space<vmem>>[vector<16xi32>, vector<16xi32>], vector<16xf32>,
      %add3A_545 = arith.constant 11 : i32
      %add3A_546 = vector.broadcast %add3A_545 : i32 to vector<16xi32>
      %add3A_547 = arith.addi %shift_left3A_238, %add3A_546 : vector<16xi32>
      %gather3A_548 = tpu.vector_load_idx %arg14[%iota3A, %add3A_547] : memref<16x128xf32, #tpu.memory_space<vmem>>[vector<16xi32>, vector<16xi32>], vector<16xf32>,
      %sub3A_549 = arith.subf %gather3A_544, %gather3A_548 : vector<16xf32>
      %mul3A_550 = arith.mulf %sub3A_549, %sub3A_549 : vector<16xf32>
      %add3A_551 = arith.addf %add3A_525, %mul3A_550 : vector<16xf32>
      %shift_left3A_552 = arith.constant 4 : i32
      %shift_left3A_553 = vector.broadcast %shift_left3A_552 : i32 to vector<16xi32>
      %shift_left3A_554 = arith.shli %min3A_222, %shift_left3A_553 : vector<16xi32>
      %add3A_555 = arith.constant 12 : i32
      %add3A_556 = vector.broadcast %add3A_555 : i32 to vector<16xi32>
      %add3A_557 = arith.addi %shift_left3A_554, %add3A_556 : vector<16xi32>
      %shift_right_arithmetic3A_558 = arith.constant 7 : i32
      %shift_right_arithmetic3A_559 = vector.broadcast %shift_right_arithmetic3A_558 : i32 to vector<16xi32>
      %shift_right_arithmetic3A_560 = arith.shrsi %add3A_557, %shift_right_arithmetic3A_559 : vector<16xi32>
      %shift_left3A_561 = arith.constant 4 : i32
      %shift_left3A_562 = vector.broadcast %shift_left3A_561 : i32 to vector<16xi32>
      %shift_left3A_563 = arith.shli %min3A_222, %shift_left3A_562 : vector<16xi32>
      %add3A_564 = arith.constant 12 : i32
      %add3A_565 = vector.broadcast %add3A_564 : i32 to vector<16xi32>
      %add3A_566 = arith.addi %shift_left3A_563, %add3A_565 : vector<16xi32>
      %and3A_567 = arith.constant 127 : i32
      %and3A_568 = vector.broadcast %and3A_567 : i32 to vector<16xi32>
      %and3A_569 = arith.andi %add3A_566, %and3A_568 : vector<16xi32>
      %gather3A_570 = tpu.vector_load_idx %arg15[%shift_right_arithmetic3A_560, %and3A_569] : memref<8x128xf32, #tpu.memory_space<vmem>>[vector<16xi32>, vector<16xi32>], vector<16xf32>,
      %add3A_571 = arith.constant 12 : i32
      %add3A_572 = vector.broadcast %add3A_571 : i32 to vector<16xi32>
      %add3A_573 = arith.addi %shift_left3A_238, %add3A_572 : vector<16xi32>
      %gather3A_574 = tpu.vector_load_idx %arg14[%iota3A, %add3A_573] : memref<16x128xf32, #tpu.memory_space<vmem>>[vector<16xi32>, vector<16xi32>], vector<16xf32>,
      %sub3A_575 = arith.subf %gather3A_570, %gather3A_574 : vector<16xf32>
      %mul3A_576 = arith.mulf %sub3A_575, %sub3A_575 : vector<16xf32>
      %add3A_577 = arith.addf %add3A_551, %mul3A_576 : vector<16xf32>
      %shift_left3A_578 = arith.constant 4 : i32
      %shift_left3A_579 = vector.broadcast %shift_left3A_578 : i32 to vector<16xi32>
      %shift_left3A_580 = arith.shli %min3A_222, %shift_left3A_579 : vector<16xi32>
      %add3A_581 = arith.constant 13 : i32
      %add3A_582 = vector.broadcast %add3A_581 : i32 to vector<16xi32>
      %add3A_583 = arith.addi %shift_left3A_580, %add3A_582 : vector<16xi32>
      %shift_right_arithmetic3A_584 = arith.constant 7 : i32
      %shift_right_arithmetic3A_585 = vector.broadcast %shift_right_arithmetic3A_584 : i32 to vector<16xi32>
      %shift_right_arithmetic3A_586 = arith.shrsi %add3A_583, %shift_right_arithmetic3A_585 : vector<16xi32>
      %shift_left3A_587 = arith.constant 4 : i32
      %shift_left3A_588 = vector.broadcast %shift_left3A_587 : i32 to vector<16xi32>
      %shift_left3A_589 = arith.shli %min3A_222, %shift_left3A_588 : vector<16xi32>
      %add3A_590 = arith.constant 13 : i32
      %add3A_591 = vector.broadcast %add3A_590 : i32 to vector<16xi32>
      %add3A_592 = arith.addi %shift_left3A_589, %add3A_591 : vector<16xi32>
      %and3A_593 = arith.constant 127 : i32
      %and3A_594 = vector.broadcast %and3A_593 : i32 to vector<16xi32>
      %and3A_595 = arith.andi %add3A_592, %and3A_594 : vector<16xi32>
      %gather3A_596 = tpu.vector_load_idx %arg15[%shift_right_arithmetic3A_586, %and3A_595] : memref<8x128xf32, #tpu.memory_space<vmem>>[vector<16xi32>, vector<16xi32>], vector<16xf32>,
      %add3A_597 = arith.constant 13 : i32
      %add3A_598 = vector.broadcast %add3A_597 : i32 to vector<16xi32>
      %add3A_599 = arith.addi %shift_left3A_238, %add3A_598 : vector<16xi32>
      %gather3A_600 = tpu.vector_load_idx %arg14[%iota3A, %add3A_599] : memref<16x128xf32, #tpu.memory_space<vmem>>[vector<16xi32>, vector<16xi32>], vector<16xf32>,
      %sub3A_601 = arith.subf %gather3A_596, %gather3A_600 : vector<16xf32>
      %mul3A_602 = arith.mulf %sub3A_601, %sub3A_601 : vector<16xf32>
      %add3A_603 = arith.addf %add3A_577, %mul3A_602 : vector<16xf32>
      %shift_left3A_604 = arith.constant 4 : i32
      %shift_left3A_605 = vector.broadcast %shift_left3A_604 : i32 to vector<16xi32>
      %shift_left3A_606 = arith.shli %min3A_222, %shift_left3A_605 : vector<16xi32>
      %add3A_607 = arith.constant 14 : i32
      %add3A_608 = vector.broadcast %add3A_607 : i32 to vector<16xi32>
      %add3A_609 = arith.addi %shift_left3A_606, %add3A_608 : vector<16xi32>
      %shift_right_arithmetic3A_610 = arith.constant 7 : i32
      %shift_right_arithmetic3A_611 = vector.broadcast %shift_right_arithmetic3A_610 : i32 to vector<16xi32>
      %shift_right_arithmetic3A_612 = arith.shrsi %add3A_609, %shift_right_arithmetic3A_611 : vector<16xi32>
      %shift_left3A_613 = arith.constant 4 : i32
      %shift_left3A_614 = vector.broadcast %shift_left3A_613 : i32 to vector<16xi32>
      %shift_left3A_615 = arith.shli %min3A_222, %shift_left3A_614 : vector<16xi32>
      %add3A_616 = arith.constant 14 : i32
      %add3A_617 = vector.broadcast %add3A_616 : i32 to vector<16xi32>
      %add3A_618 = arith.addi %shift_left3A_615, %add3A_617 : vector<16xi32>
      %and3A_619 = arith.constant 127 : i32
      %and3A_620 = vector.broadcast %and3A_619 : i32 to vector<16xi32>
      %and3A_621 = arith.andi %add3A_618, %and3A_620 : vector<16xi32>
      %gather3A_622 = tpu.vector_load_idx %arg15[%shift_right_arithmetic3A_612, %and3A_621] : memref<8x128xf32, #tpu.memory_space<vmem>>[vector<16xi32>, vector<16xi32>], vector<16xf32>,
      %add3A_623 = arith.constant 14 : i32
      %add3A_624 = vector.broadcast %add3A_623 : i32 to vector<16xi32>
      %add3A_625 = arith.addi %shift_left3A_238, %add3A_624 : vector<16xi32>
      %gather3A_626 = tpu.vector_load_idx %arg14[%iota3A, %add3A_625] : memref<16x128xf32, #tpu.memory_space<vmem>>[vector<16xi32>, vector<16xi32>], vector<16xf32>,
      %sub3A_627 = arith.subf %gather3A_622, %gather3A_626 : vector<16xf32>
      %mul3A_628 = arith.mulf %sub3A_627, %sub3A_627 : vector<16xf32>
      %add3A_629 = arith.addf %add3A_603, %mul3A_628 : vector<16xf32>
      %shift_left3A_630 = arith.constant 4 : i32
      %shift_left3A_631 = vector.broadcast %shift_left3A_630 : i32 to vector<16xi32>
      %shift_left3A_632 = arith.shli %min3A_222, %shift_left3A_631 : vector<16xi32>
      %add3A_633 = arith.constant 15 : i32
      %add3A_634 = vector.broadcast %add3A_633 : i32 to vector<16xi32>
      %add3A_635 = arith.addi %shift_left3A_632, %add3A_634 : vector<16xi32>
      %shift_right_arithmetic3A_636 = arith.constant 7 : i32
      %shift_right_arithmetic3A_637 = vector.broadcast %shift_right_arithmetic3A_636 : i32 to vector<16xi32>
      %shift_right_arithmetic3A_638 = arith.shrsi %add3A_635, %shift_right_arithmetic3A_637 : vector<16xi32>
      %shift_left3A_639 = arith.constant 4 : i32
      %shift_left3A_640 = vector.broadcast %shift_left3A_639 : i32 to vector<16xi32>
      %shift_left3A_641 = arith.shli %min3A_222, %shift_left3A_640 : vector<16xi32>
      %add3A_642 = arith.constant 15 : i32
      %add3A_643 = vector.broadcast %add3A_642 : i32 to vector<16xi32>
      %add3A_644 = arith.addi %shift_left3A_641, %add3A_643 : vector<16xi32>
      %and3A_645 = arith.constant 127 : i32
      %and3A_646 = vector.broadcast %and3A_645 : i32 to vector<16xi32>
      %and3A_647 = arith.andi %add3A_644, %and3A_646 : vector<16xi32>
      %gather3A_648 = tpu.vector_load_idx %arg15[%shift_right_arithmetic3A_638, %and3A_647] : memref<8x128xf32, #tpu.memory_space<vmem>>[vector<16xi32>, vector<16xi32>], vector<16xf32>,
      %add3A_649 = arith.constant 15 : i32
      %add3A_650 = vector.broadcast %add3A_649 : i32 to vector<16xi32>
      %add3A_651 = arith.addi %shift_left3A_238, %add3A_650 : vector<16xi32>
      %gather3A_652 = tpu.vector_load_idx %arg14[%iota3A, %add3A_651] : memref<16x128xf32, #tpu.memory_space<vmem>>[vector<16xi32>, vector<16xi32>], vector<16xf32>,
      %sub3A_653 = arith.subf %gather3A_648, %gather3A_652 : vector<16xf32>
      %mul3A_654 = arith.mulf %sub3A_653, %sub3A_653 : vector<16xf32>
      %add3A_655 = arith.addf %add3A_629, %mul3A_654 : vector<16xf32>
      %jit3A_656 = arith.constant 0.000000e+00 : f32
      %broadcast_in_dim3A_657 = vector.broadcast %jit3A_656 : f32 to vector<16xf32>
      %select_n3A_658 = arith.select %lt3A_212, %add3A_655, %broadcast_in_dim3A_657 : vector<16xi1>, vector<16xf32>
      %add3A_659 = arith.addf %while3A_204, %select_n3A_658 : vector<16xf32>
      scf.yield %add3A_659 : vector<16xf32>
    }
    %while3A_198 = arith.constant 1 : i32
    %while3A_199 = scf.for %while3A_203 = %while3A_195 to %while3A_191 step %while3A_198 iter_args(%while3A_204 = %while3A_197) -> (vector<16xf32>)  : i32 {
      %mul3A_205 = arith.constant 16 : i32
      %mul3A_206 = arith.muli %while3A_203, %mul3A_205 : i32
      %get3A = arith.index_cast %mul3A_206 : i32 to index
      %get3A_207 = tpu.vector_load %arg11[%get3A] {strides = array<i32>} : memref<16400xi32, #tpu.memory_space<vmem>>, vector<16xi32>,
      %mul3A_208 = arith.constant 16 : i32
      %mul3A_209 = arith.muli %while3A_203, %mul3A_208 : i32
      %add3A_210 = vector.broadcast %mul3A_209 : i32 to vector<16xi32>
      %add3A_211 = arith.addi %add3A_210, %iota3A : vector<16xi32>
      %lt3A = vector.broadcast %while3A_184 : i32 to vector<16xi32>
      %lt3A_212 = arith.cmpi slt, %add3A_211, %lt3A : vector<16xi32>
      %shift_right_arithmetic3A_213 = arith.constant 14 : i32
      %shift_right_arithmetic3A_214 = vector.broadcast %shift_right_arithmetic3A_213 : i32 to vector<16xi32>
      %shift_right_arithmetic3A_215 = arith.shrsi %get3A_207, %shift_right_arithmetic3A_214 : vector<16xi32>
      %sub3A_216 = vector.broadcast %sub3A_172 : i32 to vector<16xi32>
      %sub3A_217 = arith.subi %shift_right_arithmetic3A_215, %sub3A_216 : vector<16xi32>
      %max3A = arith.constant 0 : i32
      %max3A_218 = vector.broadcast %max3A : i32 to vector<16xi32>
      %max3A_219 = arith.maxsi %sub3A_217, %max3A_218 : vector<16xi32>
      %min3A_220 = arith.constant 63 : i32
      %min3A_221 = vector.broadcast %min3A_220 : i32 to vector<16xi32>
      %min3A_222 = arith.minsi %max3A_219, %min3A_221 : vector<16xi32>
      %and3A = arith.constant 16383 : i32
      %and3A_223 = vector.broadcast %and3A : i32 to vector<16xi32>
      %and3A_224 = arith.andi %get3A_207, %and3A_223 : vector<16xi32>
      %shift_right_arithmetic3A_225 = arith.constant 3 : i32
      %shift_right_arithmetic3A_226 = vector.broadcast %shift_right_arithmetic3A_225 : i32 to vector<16xi32>
      %shift_right_arithmetic3A_227 = arith.shrsi %and3A_224, %shift_right_arithmetic3A_226 : vector<16xi32>
      %dma_start3A_228 = arith.constant 0 : i32
      %dma_start3A_229 = arith.constant 0 : i32
      %dma_start3A_230 = tpu.memref_slice %arg17[%dma_start3A_228, %dma_start3A_229] : memref<2048x128xf32, #tpu.memory_space<vmem_shared>> -> memref<2048x128xf32, #tpu.memory_space<vmem_shared>>
      tpu.enqueue_indirect_dma source(%dma_start3A_230 : memref<2048x128xf32, #tpu.memory_space<vmem_shared>>) target(%arg14 : memref<16x128xf32, #tpu.memory_space<vmem>>) offsets(%shift_right_arithmetic3A_227 : vector<16xi32>) semaphore(%arg19 : memref<!tpu.dma_semaphore, #tpu.memory_space<semaphore_mem>>)
      %dma_wait3A_231 = arith.constant 0 : i32
      %dma_wait3A_232 = arith.constant 0 : i32
      %dma_wait3A_233 = tpu.memref_slice %arg17[%dma_wait3A_231, %dma_wait3A_232] : memref<2048x128xf32, #tpu.memory_space<vmem_shared>> -> memref<2048x128xf32, #tpu.memory_space<vmem_shared>>
      tpu.wait_indirect_dma semaphore(%arg19 : memref<!tpu.dma_semaphore, #tpu.memory_space<semaphore_mem>>) src(%dma_wait3A_233 : memref<2048x128xf32, #tpu.memory_space<vmem_shared>>) dst(%arg14 : memref<16x128xf32, #tpu.memory_space<vmem>>)
      %and3A_234 = arith.constant 7 : i32
      %and3A_235 = vector.broadcast %and3A_234 : i32 to vector<16xi32>
      %and3A_236 = arith.andi %and3A_224, %and3A_235 : vector<16xi32>
      %shift_left3A = arith.constant 4 : i32
      %shift_left3A_237 = vector.broadcast %shift_left3A : i32 to vector<16xi32>
      %shift_left3A_238 = arith.shli %and3A_236, %shift_left3A_237 : vector<16xi32>
      %broadcast_in_dim3A_239 = arith.constant 0.000000e+00 : f32
      %broadcast_in_dim3A_240 = vector.broadcast %broadcast_in_dim3A_239 : f32 to vector<16xf32>
      %shift_left3A_241 = arith.constant 4 : i32
      %shift_left3A_242 = vector.broadcast %shift_left3A_241 : i32 to vector<16xi32>
      %shift_left3A_243 = arith.shli %min3A_222, %shift_left3A_242 : vector<16xi32>
      %add3A_244 = arith.constant 0 : i32
      %add3A_245 = vector.broadcast %add3A_244 : i32 to vector<16xi32>
      %add3A_246 = arith.addi %shift_left3A_243, %add3A_245 : vector<16xi32>
      %shift_right_arithmetic3A_247 = arith.constant 7 : i32
      %shift_right_arithmetic3A_248 = vector.broadcast %shift_right_arithmetic3A_247 : i32 to vector<16xi32>
      %shift_right_arithmetic3A_249 = arith.shrsi %add3A_246, %shift_right_arithmetic3A_248 : vector<16xi32>
      %shift_left3A_250 = arith.constant 4 : i32
      %shift_left3A_251 = vector.broadcast %shift_left3A_250 : i32 to vector<16xi32>
      %shift_left3A_252 = arith.shli %min3A_222, %shift_left3A_251 : vector<16xi32>
      %add3A_253 = arith.constant 0 : i32
      %add3A_254 = vector.broadcast %add3A_253 : i32 to vector<16xi32>
      %add3A_255 = arith.addi %shift_left3A_252, %add3A_254 : vector<16xi32>
      %and3A_256 = arith.constant 127 : i32
      %and3A_257 = vector.broadcast %and3A_256 : i32 to vector<16xi32>
      %and3A_258 = arith.andi %add3A_255, %and3A_257 : vector<16xi32>
      %gather3A = tpu.vector_load_idx %arg15[%shift_right_arithmetic3A_249, %and3A_258] : memref<8x128xf32, #tpu.memory_space<vmem>>[vector<16xi32>, vector<16xi32>], vector<16xf32>,
      %add3A_259 = arith.constant 0 : i32
      %add3A_260 = vector.broadcast %add3A_259 : i32 to vector<16xi32>
      %add3A_261 = arith.addi %shift_left3A_238, %add3A_260 : vector<16xi32>
      %gather3A_262 = tpu.vector_load_idx %arg14[%iota3A, %add3A_261] : memref<16x128xf32, #tpu.memory_space<vmem>>[vector<16xi32>, vector<16xi32>], vector<16xf32>,
      %sub3A_263 = arith.subf %gather3A, %gather3A_262 : vector<16xf32>
      %mul3A_264 = arith.mulf %sub3A_263, %sub3A_263 : vector<16xf32>
      %add3A_265 = arith.addf %broadcast_in_dim3A_240, %mul3A_264 : vector<16xf32>
      %shift_left3A_266 = arith.constant 4 : i32
      %shift_left3A_267 = vector.broadcast %shift_left3A_266 : i32 to vector<16xi32>
      %shift_left3A_268 = arith.shli %min3A_222, %shift_left3A_267 : vector<16xi32>
      %add3A_269 = arith.constant 1 : i32
      %add3A_270 = vector.broadcast %add3A_269 : i32 to vector<16xi32>
      %add3A_271 = arith.addi %shift_left3A_268, %add3A_270 : vector<16xi32>
      %shift_right_arithmetic3A_272 = arith.constant 7 : i32
      %shift_right_arithmetic3A_273 = vector.broadcast %shift_right_arithmetic3A_272 : i32 to vector<16xi32>
      %shift_right_arithmetic3A_274 = arith.shrsi %add3A_271, %shift_right_arithmetic3A_273 : vector<16xi32>
      %shift_left3A_275 = arith.constant 4 : i32
      %shift_left3A_276 = vector.broadcast %shift_left3A_275 : i32 to vector<16xi32>
      %shift_left3A_277 = arith.shli %min3A_222, %shift_left3A_276 : vector<16xi32>
      %add3A_278 = arith.constant 1 : i32
      %add3A_279 = vector.broadcast %add3A_278 : i32 to vector<16xi32>
      %add3A_280 = arith.addi %shift_left3A_277, %add3A_279 : vector<16xi32>
      %and3A_281 = arith.constant 127 : i32
      %and3A_282 = vector.broadcast %and3A_281 : i32 to vector<16xi32>
      %and3A_283 = arith.andi %add3A_280, %and3A_282 : vector<16xi32>
      %gather3A_284 = tpu.vector_load_idx %arg15[%shift_right_arithmetic3A_274, %and3A_283] : memref<8x128xf32, #tpu.memory_space<vmem>>[vector<16xi32>, vector<16xi32>], vector<16xf32>,
      %add3A_285 = arith.constant 1 : i32
      %add3A_286 = vector.broadcast %add3A_285 : i32 to vector<16xi32>
      %add3A_287 = arith.addi %shift_left3A_238, %add3A_286 : vector<16xi32>
      %gather3A_288 = tpu.vector_load_idx %arg14[%iota3A, %add3A_287] : memref<16x128xf32, #tpu.memory_space<vmem>>[vector<16xi32>, vector<16xi32>], vector<16xf32>,
      %sub3A_289 = arith.subf %gather3A_284, %gather3A_288 : vector<16xf32>
      %mul3A_290 = arith.mulf %sub3A_289, %sub3A_289 : vector<16xf32>
      %add3A_291 = arith.addf %add3A_265, %mul3A_290 : vector<16xf32>
      %shift_left3A_292 = arith.constant 4 : i32
      %shift_left3A_293 = vector.broadcast %shift_left3A_292 : i32 to vector<16xi32>
      %shift_left3A_294 = arith.shli %min3A_222, %shift_left3A_293 : vector<16xi32>
      %add3A_295 = arith.constant 2 : i32
      %add3A_296 = vector.broadcast %add3A_295 : i32 to vector<16xi32>
      %add3A_297 = arith.addi %shift_left3A_294, %add3A_296 : vector<16xi32>
      %shift_right_arithmetic3A_298 = arith.constant 7 : i32
      %shift_right_arithmetic3A_299 = vector.broadcast %shift_right_arithmetic3A_298 : i32 to vector<16xi32>
      %shift_right_arithmetic3A_300 = arith.shrsi %add3A_297, %shift_right_arithmetic3A_299 : vector<16xi32>
      %shift_left3A_301 = arith.constant 4 : i32
      %shift_left3A_302 = vector.broadcast %shift_left3A_301 : i32 to vector<16xi32>
      %shift_left3A_303 = arith.shli %min3A_222, %shift_left3A_302 : vector<16xi32>
      %add3A_304 = arith.constant 2 : i32
      %add3A_305 = vector.broadcast %add3A_304 : i32 to vector<16xi32>
      %add3A_306 = arith.addi %shift_left3A_303, %add3A_305 : vector<16xi32>
      %and3A_307 = arith.constant 127 : i32
      %and3A_308 = vector.broadcast %and3A_307 : i32 to vector<16xi32>
      %and3A_309 = arith.andi %add3A_306, %and3A_308 : vector<16xi32>
      %gather3A_310 = tpu.vector_load_idx %arg15[%shift_right_arithmetic3A_300, %and3A_309] : memref<8x128xf32, #tpu.memory_space<vmem>>[vector<16xi32>, vector<16xi32>], vector<16xf32>,
      %add3A_311 = arith.constant 2 : i32
      %add3A_312 = vector.broadcast %add3A_311 : i32 to vector<16xi32>
      %add3A_313 = arith.addi %shift_left3A_238, %add3A_312 : vector<16xi32>
      %gather3A_314 = tpu.vector_load_idx %arg14[%iota3A, %add3A_313] : memref<16x128xf32, #tpu.memory_space<vmem>>[vector<16xi32>, vector<16xi32>], vector<16xf32>,
      %sub3A_315 = arith.subf %gather3A_310, %gather3A_314 : vector<16xf32>
      %mul3A_316 = arith.mulf %sub3A_315, %sub3A_315 : vector<16xf32>
      %add3A_317 = arith.addf %add3A_291, %mul3A_316 : vector<16xf32>
      %shift_left3A_318 = arith.constant 4 : i32
      %shift_left3A_319 = vector.broadcast %shift_left3A_318 : i32 to vector<16xi32>
      %shift_left3A_320 = arith.shli %min3A_222, %shift_left3A_319 : vector<16xi32>
      %add3A_321 = arith.constant 3 : i32
      %add3A_322 = vector.broadcast %add3A_321 : i32 to vector<16xi32>
      %add3A_323 = arith.addi %shift_left3A_320, %add3A_322 : vector<16xi32>
      %shift_right_arithmetic3A_324 = arith.constant 7 : i32
      %shift_right_arithmetic3A_325 = vector.broadcast %shift_right_arithmetic3A_324 : i32 to vector<16xi32>
      %shift_right_arithmetic3A_326 = arith.shrsi %add3A_323, %shift_right_arithmetic3A_325 : vector<16xi32>
      %shift_left3A_327 = arith.constant 4 : i32
      %shift_left3A_328 = vector.broadcast %shift_left3A_327 : i32 to vector<16xi32>
      %shift_left3A_329 = arith.shli %min3A_222, %shift_left3A_328 : vector<16xi32>
      %add3A_330 = arith.constant 3 : i32
      %add3A_331 = vector.broadcast %add3A_330 : i32 to vector<16xi32>
      %add3A_332 = arith.addi %shift_left3A_329, %add3A_331 : vector<16xi32>
      %and3A_333 = arith.constant 127 : i32
      %and3A_334 = vector.broadcast %and3A_333 : i32 to vector<16xi32>
      %and3A_335 = arith.andi %add3A_332, %and3A_334 : vector<16xi32>
      %gather3A_336 = tpu.vector_load_idx %arg15[%shift_right_arithmetic3A_326, %and3A_335] : memref<8x128xf32, #tpu.memory_space<vmem>>[vector<16xi32>, vector<16xi32>], vector<16xf32>,
      %add3A_337 = arith.constant 3 : i32
      %add3A_338 = vector.broadcast %add3A_337 : i32 to vector<16xi32>
      %add3A_339 = arith.addi %shift_left3A_238, %add3A_338 : vector<16xi32>
      %gather3A_340 = tpu.vector_load_idx %arg14[%iota3A, %add3A_339] : memref<16x128xf32, #tpu.memory_space<vmem>>[vector<16xi32>, vector<16xi32>], vector<16xf32>,
      %sub3A_341 = arith.subf %gather3A_336, %gather3A_340 : vector<16xf32>
      %mul3A_342 = arith.mulf %sub3A_341, %sub3A_341 : vector<16xf32>
      %add3A_343 = arith.addf %add3A_317, %mul3A_342 : vector<16xf32>
      %shift_left3A_344 = arith.constant 4 : i32
      %shift_left3A_345 = vector.broadcast %shift_left3A_344 : i32 to vector<16xi32>
      %shift_left3A_346 = arith.shli %min3A_222, %shift_left3A_345 : vector<16xi32>
      %add3A_347 = arith.constant 4 : i32
      %add3A_348 = vector.broadcast %add3A_347 : i32 to vector<16xi32>
      %add3A_349 = arith.addi %shift_left3A_346, %add3A_348 : vector<16xi32>
      %shift_right_arithmetic3A_350 = arith.constant 7 : i32
      %shift_right_arithmetic3A_351 = vector.broadcast %shift_right_arithmetic3A_350 : i32 to vector<16xi32>
      %shift_right_arithmetic3A_352 = arith.shrsi %add3A_349, %shift_right_arithmetic3A_351 : vector<16xi32>
      %shift_left3A_353 = arith.constant 4 : i32
      %shift_left3A_354 = vector.broadcast %shift_left3A_353 : i32 to vector<16xi32>
      %shift_left3A_355 = arith.shli %min3A_222, %shift_left3A_354 : vector<16xi32>
      %add3A_356 = arith.constant 4 : i32
      %add3A_357 = vector.broadcast %add3A_356 : i32 to vector<16xi32>
      %add3A_358 = arith.addi %shift_left3A_355, %add3A_357 : vector<16xi32>
      %and3A_359 = arith.constant 127 : i32
      %and3A_360 = vector.broadcast %and3A_359 : i32 to vector<16xi32>
      %and3A_361 = arith.andi %add3A_358, %and3A_360 : vector<16xi32>
      %gather3A_362 = tpu.vector_load_idx %arg15[%shift_right_arithmetic3A_352, %and3A_361] : memref<8x128xf32, #tpu.memory_space<vmem>>[vector<16xi32>, vector<16xi32>], vector<16xf32>,
      %add3A_363 = arith.constant 4 : i32
      %add3A_364 = vector.broadcast %add3A_363 : i32 to vector<16xi32>
      %add3A_365 = arith.addi %shift_left3A_238, %add3A_364 : vector<16xi32>
      %gather3A_366 = tpu.vector_load_idx %arg14[%iota3A, %add3A_365] : memref<16x128xf32, #tpu.memory_space<vmem>>[vector<16xi32>, vector<16xi32>], vector<16xf32>,
      %sub3A_367 = arith.subf %gather3A_362, %gather3A_366 : vector<16xf32>
      %mul3A_368 = arith.mulf %sub3A_367, %sub3A_367 : vector<16xf32>
      %add3A_369 = arith.addf %add3A_343, %mul3A_368 : vector<16xf32>
      %shift_left3A_370 = arith.constant 4 : i32
      %shift_left3A_371 = vector.broadcast %shift_left3A_370 : i32 to vector<16xi32>
      %shift_left3A_372 = arith.shli %min3A_222, %shift_left3A_371 : vector<16xi32>
      %add3A_373 = arith.constant 5 : i32
      %add3A_374 = vector.broadcast %add3A_373 : i32 to vector<16xi32>
      %add3A_375 = arith.addi %shift_left3A_372, %add3A_374 : vector<16xi32>
      %shift_right_arithmetic3A_376 = arith.constant 7 : i32
      %shift_right_arithmetic3A_377 = vector.broadcast %shift_right_arithmetic3A_376 : i32 to vector<16xi32>
      %shift_right_arithmetic3A_378 = arith.shrsi %add3A_375, %shift_right_arithmetic3A_377 : vector<16xi32>
      %shift_left3A_379 = arith.constant 4 : i32
      %shift_left3A_380 = vector.broadcast %shift_left3A_379 : i32 to vector<16xi32>
      %shift_left3A_381 = arith.shli %min3A_222, %shift_left3A_380 : vector<16xi32>
      %add3A_382 = arith.constant 5 : i32
      %add3A_383 = vector.broadcast %add3A_382 : i32 to vector<16xi32>
      %add3A_384 = arith.addi %shift_left3A_381, %add3A_383 : vector<16xi32>
      %and3A_385 = arith.constant 127 : i32
      %and3A_386 = vector.broadcast %and3A_385 : i32 to vector<16xi32>
      %and3A_387 = arith.andi %add3A_384, %and3A_386 : vector<16xi32>
      %gather3A_388 = tpu.vector_load_idx %arg15[%shift_right_arithmetic3A_378, %and3A_387] : memref<8x128xf32, #tpu.memory_space<vmem>>[vector<16xi32>, vector<16xi32>], vector<16xf32>,
      %add3A_389 = arith.constant 5 : i32
      %add3A_390 = vector.broadcast %add3A_389 : i32 to vector<16xi32>
      %add3A_391 = arith.addi %shift_left3A_238, %add3A_390 : vector<16xi32>
      %gather3A_392 = tpu.vector_load_idx %arg14[%iota3A, %add3A_391] : memref<16x128xf32, #tpu.memory_space<vmem>>[vector<16xi32>, vector<16xi32>], vector<16xf32>,
      %sub3A_393 = arith.subf %gather3A_388, %gather3A_392 : vector<16xf32>
      %mul3A_394 = arith.mulf %sub3A_393, %sub3A_393 : vector<16xf32>
      %add3A_395 = arith.addf %add3A_369, %mul3A_394 : vector<16xf32>
      %shift_left3A_396 = arith.constant 4 : i32
      %shift_left3A_397 = vector.broadcast %shift_left3A_396 : i32 to vector<16xi32>
      %shift_left3A_398 = arith.shli %min3A_222, %shift_left3A_397 : vector<16xi32>
      %add3A_399 = arith.constant 6 : i32
      %add3A_400 = vector.broadcast %add3A_399 : i32 to vector<16xi32>
      %add3A_401 = arith.addi %shift_left3A_398, %add3A_400 : vector<16xi32>
      %shift_right_arithmetic3A_402 = arith.constant 7 : i32
      %shift_right_arithmetic3A_403 = vector.broadcast %shift_right_arithmetic3A_402 : i32 to vector<16xi32>
      %shift_right_arithmetic3A_404 = arith.shrsi %add3A_401, %shift_right_arithmetic3A_403 : vector<16xi32>
      %shift_left3A_405 = arith.constant 4 : i32
      %shift_left3A_406 = vector.broadcast %shift_left3A_405 : i32 to vector<16xi32>
      %shift_left3A_407 = arith.shli %min3A_222, %shift_left3A_406 : vector<16xi32>
      %add3A_408 = arith.constant 6 : i32
      %add3A_409 = vector.broadcast %add3A_408 : i32 to vector<16xi32>
      %add3A_410 = arith.addi %shift_left3A_407, %add3A_409 : vector<16xi32>
      %and3A_411 = arith.constant 127 : i32
      %and3A_412 = vector.broadcast %and3A_411 : i32 to vector<16xi32>
      %and3A_413 = arith.andi %add3A_410, %and3A_412 : vector<16xi32>
      %gather3A_414 = tpu.vector_load_idx %arg15[%shift_right_arithmetic3A_404, %and3A_413] : memref<8x128xf32, #tpu.memory_space<vmem>>[vector<16xi32>, vector<16xi32>], vector<16xf32>,
      %add3A_415 = arith.constant 6 : i32
      %add3A_416 = vector.broadcast %add3A_415 : i32 to vector<16xi32>
      %add3A_417 = arith.addi %shift_left3A_238, %add3A_416 : vector<16xi32>
      %gather3A_418 = tpu.vector_load_idx %arg14[%iota3A, %add3A_417] : memref<16x128xf32, #tpu.memory_space<vmem>>[vector<16xi32>, vector<16xi32>], vector<16xf32>,
      %sub3A_419 = arith.subf %gather3A_414, %gather3A_418 : vector<16xf32>
      %mul3A_420 = arith.mulf %sub3A_419, %sub3A_419 : vector<16xf32>
      %add3A_421 = arith.addf %add3A_395, %mul3A_420 : vector<16xf32>
      %shift_left3A_422 = arith.constant 4 : i32
      %shift_left3A_423 = vector.broadcast %shift_left3A_422 : i32 to vector<16xi32>
      %shift_left3A_424 = arith.shli %min3A_222, %shift_left3A_423 : vector<16xi32>
      %add3A_425 = arith.constant 7 : i32
      %add3A_426 = vector.broadcast %add3A_425 : i32 to vector<16xi32>
      %add3A_427 = arith.addi %shift_left3A_424, %add3A_426 : vector<16xi32>
      %shift_right_arithmetic3A_428 = arith.constant 7 : i32
      %shift_right_arithmetic3A_429 = vector.broadcast %shift_right_arithmetic3A_428 : i32 to vector<16xi32>
      %shift_right_arithmetic3A_430 = arith.shrsi %add3A_427, %shift_right_arithmetic3A_429 : vector<16xi32>
      %shift_left3A_431 = arith.constant 4 : i32
      %shift_left3A_432 = vector.broadcast %shift_left3A_431 : i32 to vector<16xi32>
      %shift_left3A_433 = arith.shli %min3A_222, %shift_left3A_432 : vector<16xi32>
      %add3A_434 = arith.constant 7 : i32
      %add3A_435 = vector.broadcast %add3A_434 : i32 to vector<16xi32>
      %add3A_436 = arith.addi %shift_left3A_433, %add3A_435 : vector<16xi32>
      %and3A_437 = arith.constant 127 : i32
      %and3A_438 = vector.broadcast %and3A_437 : i32 to vector<16xi32>
      %and3A_439 = arith.andi %add3A_436, %and3A_438 : vector<16xi32>
      %gather3A_440 = tpu.vector_load_idx %arg15[%shift_right_arithmetic3A_430, %and3A_439] : memref<8x128xf32, #tpu.memory_space<vmem>>[vector<16xi32>, vector<16xi32>], vector<16xf32>,
      %add3A_441 = arith.constant 7 : i32
      %add3A_442 = vector.broadcast %add3A_441 : i32 to vector<16xi32>
      %add3A_443 = arith.addi %shift_left3A_238, %add3A_442 : vector<16xi32>
      %gather3A_444 = tpu.vector_load_idx %arg14[%iota3A, %add3A_443] : memref<16x128xf32, #tpu.memory_space<vmem>>[vector<16xi32>, vector<16xi32>], vector<16xf32>,
      %sub3A_445 = arith.subf %gather3A_440, %gather3A_444 : vector<16xf32>
      %mul3A_446 = arith.mulf %sub3A_445, %sub3A_445 : vector<16xf32>
      %add3A_447 = arith.addf %add3A_421, %mul3A_446 : vector<16xf32>
      %shift_left3A_448 = arith.constant 4 : i32
      %shift_left3A_449 = vector.broadcast %shift_left3A_448 : i32 to vector<16xi32>
      %shift_left3A_450 = arith.shli %min3A_222, %shift_left3A_449 : vector<16xi32>
      %add3A_451 = arith.constant 8 : i32
      %add3A_452 = vector.broadcast %add3A_451 : i32 to vector<16xi32>
      %add3A_453 = arith.addi %shift_left3A_450, %add3A_452 : vector<16xi32>
      %shift_right_arithmetic3A_454 = arith.constant 7 : i32
      %shift_right_arithmetic3A_455 = vector.broadcast %shift_right_arithmetic3A_454 : i32 to vector<16xi32>
      %shift_right_arithmetic3A_456 = arith.shrsi %add3A_453, %shift_right_arithmetic3A_455 : vector<16xi32>
      %shift_left3A_457 = arith.constant 4 : i32
      %shift_left3A_458 = vector.broadcast %shift_left3A_457 : i32 to vector<16xi32>
      %shift_left3A_459 = arith.shli %min3A_222, %shift_left3A_458 : vector<16xi32>
      %add3A_460 = arith.constant 8 : i32
      %add3A_461 = vector.broadcast %add3A_460 : i32 to vector<16xi32>
      %add3A_462 = arith.addi %shift_left3A_459, %add3A_461 : vector<16xi32>
      %and3A_463 = arith.constant 127 : i32
      %and3A_464 = vector.broadcast %and3A_463 : i32 to vector<16xi32>
      %and3A_465 = arith.andi %add3A_462, %and3A_464 : vector<16xi32>
      %gather3A_466 = tpu.vector_load_idx %arg15[%shift_right_arithmetic3A_456, %and3A_465] : memref<8x128xf32, #tpu.memory_space<vmem>>[vector<16xi32>, vector<16xi32>], vector<16xf32>,
      %add3A_467 = arith.constant 8 : i32
      %add3A_468 = vector.broadcast %add3A_467 : i32 to vector<16xi32>
      %add3A_469 = arith.addi %shift_left3A_238, %add3A_468 : vector<16xi32>
      %gather3A_470 = tpu.vector_load_idx %arg14[%iota3A, %add3A_469] : memref<16x128xf32, #tpu.memory_space<vmem>>[vector<16xi32>, vector<16xi32>], vector<16xf32>,
      %sub3A_471 = arith.subf %gather3A_466, %gather3A_470 : vector<16xf32>
      %mul3A_472 = arith.mulf %sub3A_471, %sub3A_471 : vector<16xf32>
      %add3A_473 = arith.addf %add3A_447, %mul3A_472 : vector<16xf32>
      %shift_left3A_474 = arith.constant 4 : i32
      %shift_left3A_475 = vector.broadcast %shift_left3A_474 : i32 to vector<16xi32>
      %shift_left3A_476 = arith.shli %min3A_222, %shift_left3A_475 : vector<16xi32>
      %add3A_477 = arith.constant 9 : i32
      %add3A_478 = vector.broadcast %add3A_477 : i32 to vector<16xi32>
      %add3A_479 = arith.addi %shift_left3A_476, %add3A_478 : vector<16xi32>
      %shift_right_arithmetic3A_480 = arith.constant 7 : i32
      %shift_right_arithmetic3A_481 = vector.broadcast %shift_right_arithmetic3A_480 : i32 to vector<16xi32>
      %shift_right_arithmetic3A_482 = arith.shrsi %add3A_479, %shift_right_arithmetic3A_481 : vector<16xi32>
      %shift_left3A_483 = arith.constant 4 : i32
      %shift_left3A_484 = vector.broadcast %shift_left3A_483 : i32 to vector<16xi32>
      %shift_left3A_485 = arith.shli %min3A_222, %shift_left3A_484 : vector<16xi32>
      %add3A_486 = arith.constant 9 : i32
      %add3A_487 = vector.broadcast %add3A_486 : i32 to vector<16xi32>
      %add3A_488 = arith.addi %shift_left3A_485, %add3A_487 : vector<16xi32>
      %and3A_489 = arith.constant 127 : i32
      %and3A_490 = vector.broadcast %and3A_489 : i32 to vector<16xi32>
      %and3A_491 = arith.andi %add3A_488, %and3A_490 : vector<16xi32>
      %gather3A_492 = tpu.vector_load_idx %arg15[%shift_right_arithmetic3A_482, %and3A_491] : memref<8x128xf32, #tpu.memory_space<vmem>>[vector<16xi32>, vector<16xi32>], vector<16xf32>,
      %add3A_493 = arith.constant 9 : i32
      %add3A_494 = vector.broadcast %add3A_493 : i32 to vector<16xi32>
      %add3A_495 = arith.addi %shift_left3A_238, %add3A_494 : vector<16xi32>
      %gather3A_496 = tpu.vector_load_idx %arg14[%iota3A, %add3A_495] : memref<16x128xf32, #tpu.memory_space<vmem>>[vector<16xi32>, vector<16xi32>], vector<16xf32>,
      %sub3A_497 = arith.subf %gather3A_492, %gather3A_496 : vector<16xf32>
      %mul3A_498 = arith.mulf %sub3A_497, %sub3A_497 : vector<16xf32>
      %add3A_499 = arith.addf %add3A_473, %mul3A_498 : vector<16xf32>
      %shift_left3A_500 = arith.constant 4 : i32
      %shift_left3A_501 = vector.broadcast %shift_left3A_500 : i32 to vector<16xi32>
      %shift_left3A_502 = arith.shli %min3A_222, %shift_left3A_501 : vector<16xi32>
      %add3A_503 = arith.constant 10 : i32
      %add3A_504 = vector.broadcast %add3A_503 : i32 to vector<16xi32>
      %add3A_505 = arith.addi %shift_left3A_502, %add3A_504 : vector<16xi32>
      %shift_right_arithmetic3A_506 = arith.constant 7 : i32
      %shift_right_arithmetic3A_507 = vector.broadcast %shift_right_arithmetic3A_506 : i32 to vector<16xi32>
      %shift_right_arithmetic3A_508 = arith.shrsi %add3A_505, %shift_right_arithmetic3A_507 : vector<16xi32>
      %shift_left3A_509 = arith.constant 4 : i32
      %shift_left3A_510 = vector.broadcast %shift_left3A_509 : i32 to vector<16xi32>
      %shift_left3A_511 = arith.shli %min3A_222, %shift_left3A_510 : vector<16xi32>
      %add3A_512 = arith.constant 10 : i32
      %add3A_513 = vector.broadcast %add3A_512 : i32 to vector<16xi32>
      %add3A_514 = arith.addi %shift_left3A_511, %add3A_513 : vector<16xi32>
      %and3A_515 = arith.constant 127 : i32
      %and3A_516 = vector.broadcast %and3A_515 : i32 to vector<16xi32>
      %and3A_517 = arith.andi %add3A_514, %and3A_516 : vector<16xi32>
      %gather3A_518 = tpu.vector_load_idx %arg15[%shift_right_arithmetic3A_508, %and3A_517] : memref<8x128xf32, #tpu.memory_space<vmem>>[vector<16xi32>, vector<16xi32>], vector<16xf32>,
      %add3A_519 = arith.constant 10 : i32
      %add3A_520 = vector.broadcast %add3A_519 : i32 to vector<16xi32>
      %add3A_521 = arith.addi %shift_left3A_238, %add3A_520 : vector<16xi32>
      %gather3A_522 = tpu.vector_load_idx %arg14[%iota3A, %add3A_521] : memref<16x128xf32, #tpu.memory_space<vmem>>[vector<16xi32>, vector<16xi32>], vector<16xf32>,
      %sub3A_523 = arith.subf %gather3A_518, %gather3A_522 : vector<16xf32>
      %mul3A_524 = arith.mulf %sub3A_523, %sub3A_523 : vector<16xf32>
      %add3A_525 = arith.addf %add3A_499, %mul3A_524 : vector<16xf32>
      %shift_left3A_526 = arith.constant 4 : i32
      %shift_left3A_527 = vector.broadcast %shift_left3A_526 : i32 to vector<16xi32>
      %shift_left3A_528 = arith.shli %min3A_222, %shift_left3A_527 : vector<16xi32>
      %add3A_529 = arith.constant 11 : i32
      %add3A_530 = vector.broadcast %add3A_529 : i32 to vector<16xi32>
      %add3A_531 = arith.addi %shift_left3A_528, %add3A_530 : vector<16xi32>
      %shift_right_arithmetic3A_532 = arith.constant 7 : i32
      %shift_right_arithmetic3A_533 = vector.broadcast %shift_right_arithmetic3A_532 : i32 to vector<16xi32>
      %shift_right_arithmetic3A_534 = arith.shrsi %add3A_531, %shift_right_arithmetic3A_533 : vector<16xi32>
      %shift_left3A_535 = arith.constant 4 : i32
      %shift_left3A_536 = vector.broadcast %shift_left3A_535 : i32 to vector<16xi32>
      %shift_left3A_537 = arith.shli %min3A_222, %shift_left3A_536 : vector<16xi32>
      %add3A_538 = arith.constant 11 : i32
      %add3A_539 = vector.broadcast %add3A_538 : i32 to vector<16xi32>
      %add3A_540 = arith.addi %shift_left3A_537, %add3A_539 : vector<16xi32>
      %and3A_541 = arith.constant 127 : i32
      %and3A_542 = vector.broadcast %and3A_541 : i32 to vector<16xi32>
      %and3A_543 = arith.andi %add3A_540, %and3A_542 : vector<16xi32>
      %gather3A_544 = tpu.vector_load_idx %arg15[%shift_right_arithmetic3A_534, %and3A_543] : memref<8x128xf32, #tpu.memory_space<vmem>>[vector<16xi32>, vector<16xi32>], vector<16xf32>,
      %add3A_545 = arith.constant 11 : i32
      %add3A_546 = vector.broadcast %add3A_545 : i32 to vector<16xi32>
      %add3A_547 = arith.addi %shift_left3A_238, %add3A_546 : vector<16xi32>
      %gather3A_548 = tpu.vector_load_idx %arg14[%iota3A, %add3A_547] : memref<16x128xf32, #tpu.memory_space<vmem>>[vector<16xi32>, vector<16xi32>], vector<16xf32>,
      %sub3A_549 = arith.subf %gather3A_544, %gather3A_548 : vector<16xf32>
      %mul3A_550 = arith.mulf %sub3A_549, %sub3A_549 : vector<16xf32>
      %add3A_551 = arith.addf %add3A_525, %mul3A_550 : vector<16xf32>
      %shift_left3A_552 = arith.constant 4 : i32
      %shift_left3A_553 = vector.broadcast %shift_left3A_552 : i32 to vector<16xi32>
      %shift_left3A_554 = arith.shli %min3A_222, %shift_left3A_553 : vector<16xi32>
      %add3A_555 = arith.constant 12 : i32
      %add3A_556 = vector.broadcast %add3A_555 : i32 to vector<16xi32>
      %add3A_557 = arith.addi %shift_left3A_554, %add3A_556 : vector<16xi32>
      %shift_right_arithmetic3A_558 = arith.constant 7 : i32
      %shift_right_arithmetic3A_559 = vector.broadcast %shift_right_arithmetic3A_558 : i32 to vector<16xi32>
      %shift_right_arithmetic3A_560 = arith.shrsi %add3A_557, %shift_right_arithmetic3A_559 : vector<16xi32>
      %shift_left3A_561 = arith.constant 4 : i32
      %shift_left3A_562 = vector.broadcast %shift_left3A_561 : i32 to vector<16xi32>
      %shift_left3A_563 = arith.shli %min3A_222, %shift_left3A_562 : vector<16xi32>
      %add3A_564 = arith.constant 12 : i32
      %add3A_565 = vector.broadcast %add3A_564 : i32 to vector<16xi32>
      %add3A_566 = arith.addi %shift_left3A_563, %add3A_565 : vector<16xi32>
      %and3A_567 = arith.constant 127 : i32
      %and3A_568 = vector.broadcast %and3A_567 : i32 to vector<16xi32>
      %and3A_569 = arith.andi %add3A_566, %and3A_568 : vector<16xi32>
      %gather3A_570 = tpu.vector_load_idx %arg15[%shift_right_arithmetic3A_560, %and3A_569] : memref<8x128xf32, #tpu.memory_space<vmem>>[vector<16xi32>, vector<16xi32>], vector<16xf32>,
      %add3A_571 = arith.constant 12 : i32
      %add3A_572 = vector.broadcast %add3A_571 : i32 to vector<16xi32>
      %add3A_573 = arith.addi %shift_left3A_238, %add3A_572 : vector<16xi32>
      %gather3A_574 = tpu.vector_load_idx %arg14[%iota3A, %add3A_573] : memref<16x128xf32, #tpu.memory_space<vmem>>[vector<16xi32>, vector<16xi32>], vector<16xf32>,
      %sub3A_575 = arith.subf %gather3A_570, %gather3A_574 : vector<16xf32>
      %mul3A_576 = arith.mulf %sub3A_575, %sub3A_575 : vector<16xf32>
      %add3A_577 = arith.addf %add3A_551, %mul3A_576 : vector<16xf32>
      %shift_left3A_578 = arith.constant 4 : i32
      %shift_left3A_579 = vector.broadcast %shift_left3A_578 : i32 to vector<16xi32>
      %shift_left3A_580 = arith.shli %min3A_222, %shift_left3A_579 : vector<16xi32>
      %add3A_581 = arith.constant 13 : i32
      %add3A_582 = vector.broadcast %add3A_581 : i32 to vector<16xi32>
      %add3A_583 = arith.addi %shift_left3A_580, %add3A_582 : vector<16xi32>
      %shift_right_arithmetic3A_584 = arith.constant 7 : i32
      %shift_right_arithmetic3A_585 = vector.broadcast %shift_right_arithmetic3A_584 : i32 to vector<16xi32>
      %shift_right_arithmetic3A_586 = arith.shrsi %add3A_583, %shift_right_arithmetic3A_585 : vector<16xi32>
      %shift_left3A_587 = arith.constant 4 : i32
      %shift_left3A_588 = vector.broadcast %shift_left3A_587 : i32 to vector<16xi32>
      %shift_left3A_589 = arith.shli %min3A_222, %shift_left3A_588 : vector<16xi32>
      %add3A_590 = arith.constant 13 : i32
      %add3A_591 = vector.broadcast %add3A_590 : i32 to vector<16xi32>
      %add3A_592 = arith.addi %shift_left3A_589, %add3A_591 : vector<16xi32>
      %and3A_593 = arith.constant 127 : i32
      %and3A_594 = vector.broadcast %and3A_593 : i32 to vector<16xi32>
      %and3A_595 = arith.andi %add3A_592, %and3A_594 : vector<16xi32>
      %gather3A_596 = tpu.vector_load_idx %arg15[%shift_right_arithmetic3A_586, %and3A_595] : memref<8x128xf32, #tpu.memory_space<vmem>>[vector<16xi32>, vector<16xi32>], vector<16xf32>,
      %add3A_597 = arith.constant 13 : i32
      %add3A_598 = vector.broadcast %add3A_597 : i32 to vector<16xi32>
      %add3A_599 = arith.addi %shift_left3A_238, %add3A_598 : vector<16xi32>
      %gather3A_600 = tpu.vector_load_idx %arg14[%iota3A, %add3A_599] : memref<16x128xf32, #tpu.memory_space<vmem>>[vector<16xi32>, vector<16xi32>], vector<16xf32>,
      %sub3A_601 = arith.subf %gather3A_596, %gather3A_600 : vector<16xf32>
      %mul3A_602 = arith.mulf %sub3A_601, %sub3A_601 : vector<16xf32>
      %add3A_603 = arith.addf %add3A_577, %mul3A_602 : vector<16xf32>
      %shift_left3A_604 = arith.constant 4 : i32
      %shift_left3A_605 = vector.broadcast %shift_left3A_604 : i32 to vector<16xi32>
      %shift_left3A_606 = arith.shli %min3A_222, %shift_left3A_605 : vector<16xi32>
      %add3A_607 = arith.constant 14 : i32
      %add3A_608 = vector.broadcast %add3A_607 : i32 to vector<16xi32>
      %add3A_609 = arith.addi %shift_left3A_606, %add3A_608 : vector<16xi32>
      %shift_right_arithmetic3A_610 = arith.constant 7 : i32
      %shift_right_arithmetic3A_611 = vector.broadcast %shift_right_arithmetic3A_610 : i32 to vector<16xi32>
      %shift_right_arithmetic3A_612 = arith.shrsi %add3A_609, %shift_right_arithmetic3A_611 : vector<16xi32>
      %shift_left3A_613 = arith.constant 4 : i32
      %shift_left3A_614 = vector.broadcast %shift_left3A_613 : i32 to vector<16xi32>
      %shift_left3A_615 = arith.shli %min3A_222, %shift_left3A_614 : vector<16xi32>
      %add3A_616 = arith.constant 14 : i32
      %add3A_617 = vector.broadcast %add3A_616 : i32 to vector<16xi32>
      %add3A_618 = arith.addi %shift_left3A_615, %add3A_617 : vector<16xi32>
      %and3A_619 = arith.constant 127 : i32
      %and3A_620 = vector.broadcast %and3A_619 : i32 to vector<16xi32>
      %and3A_621 = arith.andi %add3A_618, %and3A_620 : vector<16xi32>
      %gather3A_622 = tpu.vector_load_idx %arg15[%shift_right_arithmetic3A_612, %and3A_621] : memref<8x128xf32, #tpu.memory_space<vmem>>[vector<16xi32>, vector<16xi32>], vector<16xf32>,
      %add3A_623 = arith.constant 14 : i32
      %add3A_624 = vector.broadcast %add3A_623 : i32 to vector<16xi32>
      %add3A_625 = arith.addi %shift_left3A_238, %add3A_624 : vector<16xi32>
      %gather3A_626 = tpu.vector_load_idx %arg14[%iota3A, %add3A_625] : memref<16x128xf32, #tpu.memory_space<vmem>>[vector<16xi32>, vector<16xi32>], vector<16xf32>,
      %sub3A_627 = arith.subf %gather3A_622, %gather3A_626 : vector<16xf32>
      %mul3A_628 = arith.mulf %sub3A_627, %sub3A_627 : vector<16xf32>
      %add3A_629 = arith.addf %add3A_603, %mul3A_628 : vector<16xf32>
      %shift_left3A_630 = arith.constant 4 : i32
      %shift_left3A_631 = vector.broadcast %shift_left3A_630 : i32 to vector<16xi32>
      %shift_left3A_632 = arith.shli %min3A_222, %shift_left3A_631 : vector<16xi32>
      %add3A_633 = arith.constant 15 : i32
      %add3A_634 = vector.broadcast %add3A_633 : i32 to vector<16xi32>
      %add3A_635 = arith.addi %shift_left3A_632, %add3A_634 : vector<16xi32>
      %shift_right_arithmetic3A_636 = arith.constant 7 : i32
      %shift_right_arithmetic3A_637 = vector.broadcast %shift_right_arithmetic3A_636 : i32 to vector<16xi32>
      %shift_right_arithmetic3A_638 = arith.shrsi %add3A_635, %shift_right_arithmetic3A_637 : vector<16xi32>
      %shift_left3A_639 = arith.constant 4 : i32
      %shift_left3A_640 = vector.broadcast %shift_left3A_639 : i32 to vector<16xi32>
      %shift_left3A_641 = arith.shli %min3A_222, %shift_left3A_640 : vector<16xi32>
      %add3A_642 = arith.constant 15 : i32
      %add3A_643 = vector.broadcast %add3A_642 : i32 to vector<16xi32>
      %add3A_644 = arith.addi %shift_left3A_641, %add3A_643 : vector<16xi32>
      %and3A_645 = arith.constant 127 : i32
      %and3A_646 = vector.broadcast %and3A_645 : i32 to vector<16xi32>
      %and3A_647 = arith.andi %add3A_644, %and3A_646 : vector<16xi32>
      %gather3A_648 = tpu.vector_load_idx %arg15[%shift_right_arithmetic3A_638, %and3A_647] : memref<8x128xf32, #tpu.memory_space<vmem>>[vector<16xi32>, vector<16xi32>], vector<16xf32>,
      %add3A_649 = arith.constant 15 : i32
      %add3A_650 = vector.broadcast %add3A_649 : i32 to vector<16xi32>
      %add3A_651 = arith.addi %shift_left3A_238, %add3A_650 : vector<16xi32>
      %gather3A_652 = tpu.vector_load_idx %arg14[%iota3A, %add3A_651] : memref<16x128xf32, #tpu.memory_space<vmem>>[vector<16xi32>, vector<16xi32>], vector<16xf32>,
      %sub3A_653 = arith.subf %gather3A_648, %gather3A_652 : vector<16xf32>
      %mul3A_654 = arith.mulf %sub3A_653, %sub3A_653 : vector<16xf32>
      %add3A_655 = arith.addf %add3A_629, %mul3A_654 : vector<16xf32>
      %jit3A_656 = arith.constant 0.000000e+00 : f32
      %broadcast_in_dim3A_657 = vector.broadcast %jit3A_656 : f32 to vector<16xf32>
      %select_n3A_658 = arith.select %lt3A_212, %add3A_655, %broadcast_in_dim3A_657 : vector<16xi1>, vector<16xf32>
      %add3A_659 = arith.addf %while3A_204, %select_n3A_658 : vector<16xf32>
      scf.yield %add3A_659 : vector<16xf32>
    }
    %swap3A = arith.constant 0 : index
    %swap3A_200 = tpu.vector_load %arg16[%swap3A] {strides = array<i32>} : memref<16xf32, #tpu.memory_space<vmem>>, vector<16xf32>,
    tpu.vector_store %arg16[%swap3A], %while3A_199 {strides = array<i32>} : memref<16xf32, #tpu.memory_space<vmem>>, vector<16xf32>,
    %mul3A_201 = arith.constant 16 : i32
    %mul3A_202 = arith.muli %add3A, %mul3A_201 : i32
    "tpu.region"() ({
      %run_scoped3A = tpu.sem_alloc : memref<!tpu.dma_semaphore, #tpu.memory_space<semaphore_mem>>
      %dma_start3A_203 = tpu.memref_slice %arg6[%mul3A_202] : memref<512xf32, #tpu.memory_space<hbm>> -> memref<16xf32, #tpu.memory_space<hbm>>
      %dma_start3A_204 = tpu.memref_slice %arg6[%mul3A_202] : memref<512xf32, #tpu.memory_space<hbm>> -> memref<16xf32, #tpu.memory_space<hbm>>
      tpu.enqueue_dma source(%arg16 : memref<16xf32, #tpu.memory_space<vmem>>) target(%dma_start3A_204 : memref<16xf32, #tpu.memory_space<hbm>>) target_semaphore(%run_scoped3A : memref<!tpu.dma_semaphore, #tpu.memory_space<semaphore_mem>>)
      %dma_wait3A_205 = tpu.memref_slice %arg6[%mul3A_202] : memref<512xf32, #tpu.memory_space<hbm>> -> memref<16xf32, #tpu.memory_space<hbm>>
      %dma_wait3A_206 = tpu.memref_slice %arg6[%mul3A_202] : memref<512xf32, #tpu.memory_space<hbm>> -> memref<16xf32, #tpu.memory_space<hbm>>
      tpu.wait_dma2 semaphore(%run_scoped3A : memref<!tpu.dma_semaphore, #tpu.memory_space<semaphore_mem>>) src(%arg16 : memref<16xf32, #tpu.memory_space<vmem>>) dst(%dma_wait3A_206 : memref<16xf32, #tpu.memory_space<hbm>>)
      tpu.yield
    }) : () -> ()
    return
  }
}

</mosaic_0001>

<sc_bundles>
// kernel: kernel.3.cloned.1.call-start
scs
__scs_entry_jumppad:
0x0: {  	(pc) =	sbr.rel $0x88, $3  }
0x1: {  	(tag) =	ssettag $0x0;
	lr =	simm.s32 $0x1  }
0x2: {  	[smem:$0x3F9E] =	sst lr;
	_ =	strace $0xD0000000  }
0x3: {  	_ = 	snop  }
0x4: {  	_ = 	snop  }
0x5: {  	_ = 	snop  }
0x6: {  	_ = 	snop  }
0x7: {  	_ = 	snop  }
__scs_overlays_trampoline_lowered:
0x8: {  	[smem:$0x3FAD] =	sst s0  }
0x9: {  	[smem:$0x3FAE] =	sst s1  }
0xa: {  	[smem:$0x3FAF] =	sst s2  }
0xb: {  	[smem:$0x3FB0] =	sst s3  }
0xc: {  	[smem:$0x3FB1] =	sst s4  }
0xd: {  	[smem:$0x3FB2] =	sst s5  }
0xe: {  	[smem:$0x3FB3] =	sst s6  }
0xf: {  	[smem:$0x3FB4] =	sst s7  }
0x10: {  	[smem:$0x3FB5] =	sst s8  }
0x11: {  	[smem:$0x3FB6] =	sst s9;
	s0 =	simm.s32 @!p0 $0x0  }
0x12: {  	s1 =	sld [smem:$0x3F9C];
	s0 =	simm.s32 @p0 $0x1  }
0x13: {  	[smem:$0x3FB7] =	sst s0;
	s0 =	simm.s32 @!p1 $0x0  }
0x14: {  	s2 =	sld [smem:$0x3F9B];
	s0 =	simm.s32 @p1 $0x1  }
0x15: {  	[smem:$0x3FB8] =	sst s0;
	s0 =	simm.s32 @!p2 $0x0  }
0x16: {  	s3 =	sld [smem:$0x3FDB];
	s0 =	simm.s32 @p2 $0x1  }
0x17: {  	s4 =	simm.s32 $0x1BF5;
	[smem:$0x3FBA] =	sst s0  }
0x18: {  	s0 =	sld [smem:$0x3F9D];
	_ =	swait.ge [sflag:s4], $0x0  }
0x19: {  	s7 =	sld [smem:$0x3F9E]  }
0x1a: {  	s8 =	sadd.s32 $0xFFFFE003, lr  }
0x1b: {  	s9 =	sadd.s32 $0xFFFFFEF7, lr;
	s5 =	simm.s32 $0xFFFFFFFF;
	p2 =	slt.u32 s8, $0xFFFFF086  }
0x1c: {  	p1 =	slt.u32 s9, $0xF7A;
	s5 =	simm.s32 @!p2 $0x0  }
0x1d: {  	s5 =	simm.s32 @p1 $0x1;
	p0 =	seq.s32 s7, s2  }
0x1e: {  	s7 =	smul.u32 @!p0 $0xF7A, s2;
	p2 =	seq.s32 @!p0 s5, $0x0  }
0x1f: {  	s9 =	smul.u32 $0xF7A, s1;
	s8 =	simm.s32 @!p0 $0x1BF5;
	p2 =	por !p2, p0  }
0x20: {  	[sflag:s8] =	ssyncset.s32 @!p0 $0xFFFFF086;
	s6 =	sadd.s32 @!p0 s3, s7;
	s7 =	simm.s32 @!p0 $0x108  }
0x21: {  	s3 =	sadd.s32 s3, s9;
	s6 =	sadd.s32 @!p0 $0x88, s6;
	s7 =	simm.s32 @p2 $0x1082  }
0x22: {  	[simem:s7], [sflag:s8] =	dma.local @!p0 [hbm:s6], $0xF7A  }
0x23: {  	s9 =	sor.u32 $0xD0000000, s2;
	s6 =	simm.s32 $0x108;
	_ =	swait.ge @!p0 [sflag:s8], $0x0  }
0x24: {  	s3 =	sadd.s32 $0x88, s3;
	s6 =	simm.s32 @!p1 $0x1082;
	[sflag:s4] =	ssyncset.s32 $0xFFFFF086  }
0x25: {  	[simem:s6], [sflag:s4] =	dma.local [hbm:s3], $0xF7A  }
0x26: {  	[smem:$0x3F9E] =	sst s1;
	(tag) =	ssettag s2;
	_ =	strace s9  }
0x27: {  	s1 =	sld [smem:$0x3FAE]  }
0x28: {  	s2 =	sld [smem:$0x3FAF]  }
0x29: {  	s4 =	sld [smem:$0x3FB1]  }
0x2a: {  	p0 =	seq.s32 s5, $0x0;
	s5 =	sld [smem:$0x3FB2]  }
0x2b: {  	s6 =	sld [smem:$0x3FB3]  }
0x2c: {  	s7 =	sld [smem:$0x3FB4]  }
0x2d: {  	s3 =	simm.s32 $0x108;
	s8 =	sld [smem:$0x3FB5]  }
0x2e: {  	s3 =	simm.s32 @!p0 $0x1082;
	s9 =	sld [smem:$0x3FB6]  }
0x2f: {  	lr =	sadd.s32 s0, s3;
	s0 =	sld [smem:$0x3FAD]  }
0x30: {  	s3 =	sld [smem:$0x3FB0]  }
0x31: {  	[smem:$0x3FB9] =	sst s10  }
0x32: {  	s10 =	sld [smem:$0x3FB7];
	_ =	sdelay $0x3  }
0x33: {  	p0 =	seq.s32 s10, $0x1;
	s10 =	sld [smem:$0x3FB9];
	_ =	sdelay $0x3  }
0x34: {  	[smem:$0x3FB9] =	sst s10  }
0x35: {  	s10 =	sld [smem:$0x3FB8];
	_ =	sdelay $0x3  }
0x36: {  	p1 =	seq.s32 s10, $0x1;
	s10 =	sld [smem:$0x3FB9];
	_ =	sdelay $0x3  }
0x37: {  	[smem:$0x3FB9] =	sst s10  }
0x38: {  	s10 =	sld [smem:$0x3FBA]  }
0x39: {  	_ = 	snop;
	(pc) =	sbr.ind lr, $3  }
0x3a: {  	_ = 	snop  }
0x3b: {  	_ = 	snop  }
0x3c: {  	p2 =	seq.s32 s10, $0x1;
	s10 =	sld [smem:$0x3FB9]  }
0x3d: {  	_ =	shalt  }
0x3e: {  	_ =	shalt  }
0x3f: {  	_ =	shalt  }
0x40: {  	_ =	shalt  }
0x41: {  	_ =	shalt  }
0x42: {  	_ =	shalt  }
0x43: {  	_ =	shalt  }
0x44: {  	_ =	shalt  }
0x45: {  	_ =	shalt  }
0x46: {  	_ =	shalt  }
0x47: {  	_ =	shalt  }
0x48: {  	_ =	shalt  }
0x49: {  	_ =	shalt  }
0x4a: {  	_ =	shalt  }
0x4b: {  	_ =	shalt  }
0x4c: {  	_ =	shalt  }
0x4d: {  	_ =	shalt  }
0x4e: {  	_ =	shalt  }
0x4f: {  	_ =	shalt  }
0x50: {  	_ =	shalt  }
0x51: {  	_ =	shalt  }
0x52: {  	_ =	shalt  }
0x53: {  	_ =	shalt  }
0x54: {  	_ =	shalt  }
0x55: {  	_ =	shalt  }
0x56: {  	_ =	shalt  }
0x57: {  	_ =	shalt  }
0x58: {  	_ =	shalt  }
0x59: {  	_ =	shalt  }
0x5a: {  	_ =	shalt  }
0x5b: {  	_ =	shalt  }
0x5c: {  	_ =	shalt  }
0x5d: {  	_ =	shalt  }
0x5e: {  	_ =	shalt  }
0x5f: {  	_ =	shalt  }
0x60: {  	_ =	shalt  }
0x61: {  	_ =	shalt  }
0x62: {  	_ =	shalt  }
0x63: {  	_ =	shalt  }
0x64: {  	_ =	shalt  }
0x65: {  	_ =	shalt  }
0x66: {  	_ =	shalt  }
0x67: {  	_ =	shalt  }
0x68: {  	_ =	shalt  }
0x69: {  	_ =	shalt  }
0x6a: {  	_ =	shalt  }
0x6b: {  	_ =	shalt  }
0x6c: {  	_ =	shalt  }
0x6d: {  	_ =	shalt  }
0x6e: {  	_ =	shalt  }
0x6f: {  	_ =	shalt  }
0x70: {  	_ =	shalt  }
0x71: {  	_ =	shalt  }
0x72: {  	_ =	shalt  }
0x73: {  	_ =	shalt  }
0x74: {  	_ =	shalt  }
0x75: {  	_ =	shalt  }
0x76: {  	_ =	shalt  }
0x77: {  	_ =	shalt  }
0x78: {  	_ =	shalt  }
0x79: {  	_ =	shalt  }
0x7a: {  	_ =	shalt  }
0x7b: {  	_ =	shalt  }
0x7c: {  	_ =	shalt  }
0x7d: {  	_ =	shalt  }
0x7e: {  	_ =	shalt  }
0x7f: {  	_ =	shalt  }
0x80: {  	_ =	shalt  }
0x81: {  	_ =	shalt  }
0x82: {  	_ =	shalt  }
0x83: {  	_ =	shalt  }
0x84: {  	_ =	shalt  }
0x85: {  	_ =	shalt  }
0x86: {  	_ =	shalt  }
0x87: {  	_ =	shalt  }
.Lfunc_end0:
.L_simem_size_0:
called_computation_lowered:
.L_overlay_start_0:
0x88: {  	s2 =	sld [smem:$0x3FD9]  }
0x89: {  	s3 =	sld [smem:$0x3FFE];
	_ =	sdelay $0x1  }
0x8a: {  	s1 =	srdreg.scid  }
0x8b: {  	s0 =	sand.u32 $0x1, s1  }
0x8c: {  	s17 =	sshll.u32 s0, $0xA;
	s2 =	sadd.s32 s3, s2  }
0x8d: {  	s2 =	sadd.s32 s2, s17  }
0x8e: {  	[smem:$0x3FC5] =	sst s2  }
0x8f: {  	_ = 	snop  }
0x90: {  	s2 =	sld [smem:$0x3FC8]  }
0x91: {  	s18 =	sld [smem:$0x3FC7];
	(tm) =	ssettm $0x1  }
0x92: {  	s4 =	sld [smem:$0x3FFB];
	_ =	sdelay $0x3  }
0x93: {  	_ =	strace s4  }
0x94: {  	s4 =	sld [smem:$0x3FFC];
	_ =	sdelay $0x3  }
0x95: {  	_ =	strace s4  }
0x96: {  	s4 =	sld [smem:$0x3FFD];
	_ =	sdelay $0x3  }
0x97: {  	_ =	strace s4  }
0x98: {  	_ =	strace $0x8FFFFFFF  }
0x99: {  	s19 =	sld [smem:$0x3FDB];
	_ =	sdelay $0x1  }
0x9a: {  	s5 =	simm.s32 $_scs_section_size  }
0x9b: {  	s6 =	simm.s32 $_size__tile_overlayer_lowered;
	s7 =	simm.s32 $_tile_overlayer_lowered  }
0x9c: {  	s22 =	simm.s32 $0x1BFF;
	s21 =	sshll.u32 s7, $0x1;
	s4 =	sadd.s32 s5, s19  }
0x9d: {  	s8 =	simm.s32 $0x0;
	s20 =	sshll.u32 s6, $0x1;
	s6 =	sadd.s32 s21, s4  }
0x9e: {  	[timem:s8], [sflag:s22] =	dma.local [hbm:s6], s20  }
0x9f: {  	_ =	swait.ge [sflag:s22], s20  }
0xa0: {  	s5 =	ssub.s32 $0x0, s20;
	[sflag:s22] =	ssyncset.done $0x0  }
0xa1: {  	[sflag:s22] =	ssyncadd.s32 s5;
	_ =	sdelay $0x1  }
0xa2: {  	s23 =	simm.s32 $0x1B8B  }
0xa3: {  	_ =	swait.ge [sflag:s23], $0x1  }
0xa4: {  	[sflag:s23] =	ssyncset.done $0x0  }
0xa5: {  	s25 =	simm.s32 $0x1B8E;
	s24 =	sld [smem:$0x3FFE];
	[sflag:s23] =	ssyncadd.s32 $0xFFFFFFFF  }
0xa6: {  	s26 =	simm.s32 $execute0_lowered;
	[smem:$0x3FD2] =	sst s25  }
0xa7: {  	s6 =	sshll.u32 s26, $0x1;
	_ =	strace $0x80000046;
	[dreg:$0x1] =	wrdreg $0xFFFFFFFF  }
0xa8: {  	s28 =	simm.s32 $_size_execute0_lowered;
	s4 =	sadd.s32 s4, s6;
	[dreg:$0x0] =	wrdreg $0x0  }
0xa9: {  	s6 =	sshll.u32 s28, $0x1;
	[dreg:$0x2] =	wrdreg s4  }
0xaa: {  	[dreg:$0x3] =	wrdreg s6  }
0xab: {  	[dreg:$0x4] =	wrdreg $0xC0  }
0xac: {  	_ =	task [dreg:s8], $0x5FFFF  }
0xad: {  	[dreg:$0x1] =	wrdreg $0xFFFFFFFF  }
0xae: {  	[dreg:$0x0] =	wrdreg $0x60  }
0xaf: {  	[dreg:$0x2] =	wrdreg s18  }
0xb0: {  	[dreg:$0x3] =	wrdreg s2  }
0xb1: {  	[dreg:$0x4] =	wrdreg s24  }
0xb2: {  	[dreg:$0x5] =	wrdreg $0x1BD800  }
0xb3: {  	[dreg:$0x6] =	wrdreg $0x9  }
0xb4: {  	_ =	task.clear_ibuf [dreg:s8], $0x7FFFF;
	_ =	strace $0x90000046  }
0xb5: {  	s29 =	simm.s32 $0x9;
	_ =	strace $0x80000048  }
0xb6: {  	_ =	swait.ge [sflag:s29], $0x1  }
0xb7: {  	[sflag:s29] =	ssyncadd.s32 $0xFFFFFFFF  }
0xb8: {  	_ =	strace $0x90000048  }
0xb9: {  	_ =	sfence  }
0xba: {  	s30 =	sld [smem:$0x0];
	_ =	sdelay $0x2  }
0xbb: {  	s31 =	sshll.u32 s1, $0xD;
	s1 =	sshrl.u32 s1, $0x2  }
0xbc: {  	s3 =	sand.u32 $0x4000, s31;
	s1 =	sadd.s32 s1, s30  }
0xbd: {  	s0 =	sor.u32 s3, s0;
	s1 =	sshll.u32 s1, $0x11  }
0xbe: {  	s0 =	sor.u32 s1, s0  }
0xbf: {  	s0 =	sadd.s32 $0x8F2B, s0  }
0xc0: {  	[sflag:s0] =	ssyncadd.remote.s32 $0x1  }
0xc1: {  	_ =	sfence.sel $0xFFFF  }
0xc2: {  	[dreg:$0x0] =	wrdreg $0xFFFFFFFF;
	(pc) =	sbr.abs _section_cstart, $3  }
0xc3: {  	[dreg:$0x1] =	wrdreg $0xFFFFFFFF  }
0xc4: {  	_ =	task.clear_ibuf [dreg:s8], $0x2FFFF;
	_ =	strace $0x9FFFFFFF  }
0xc5: {  	(tm) =	ssettm $0x7FFFFFFF  }
tec
execute0_lowered:
.L_overlay_start_1:
0x0: {  	(tag) =	ssettag $0x1  }
0x1: {  	s0 =	rddreg [dreg:$0x0]  }
0x2: {  	s12 =	rddreg [dreg:$0x1];
	s1 =	srdreg.scid  }
0x3: {  	s2 =	stileid.u32;
	s10 =	rddreg [dreg:$0x2]  }
0x4: {  	s4 =	rddreg [dreg:$0x3];
	s5 =	simm.s32 $0x0;
	v0 =	vlaneseq.u32;
	s28 =	simm.s32 $0x6000  }
0x5: {  	s29 =	simm.s32 $0x1A100;
	[smem:$0x7FF] =	sst s5;
	s11 =	sadd.s32 $0x8000, s10;
	v19 =	vmul.u32 $0x80, v0  }
0x6: {  	s19 =	sadd.s32 $0x100, s12;
	_ =	strace $0x80000047;
	[dreg:$0x5] =	wrdreg s11  }
0x7: {  	s30 =	simm.s32 $0x1A900;
	s20 =	sadd.s32 $0x200, s12;
	[dreg:$0x8] =	wrdreg s19;
	v17 =	vor.u32 $0x1, v19;
	[tilespmem:$0x1FEF0] =	vst v19  }
0x8: {  	s31 =	simm.s32 $0x2;
	s21 =	sadd.s32 $0x300, s12;
	[dreg:$0x9] =	wrdreg s20;
	v18 =	vor.u32 $0x4, v19;
	[tilespmem:$0x1FF00] =	vst v17  }
0x9: {  	s1 =	sand.u32 $0x1, s1;
	s22 =	sadd.s32 $0x400, s12;
	[dreg:$0xa] =	wrdreg s21;
	v45 =	vor.u32 $0x7, v19;
	[tilespmem:$0x1FF10] =	vst v18  }
0xa: {  	s3 =	sshll.u32 s2, $0x1;
	s23 =	sadd.s32 $0x500, s12;
	[dreg:$0xb] =	wrdreg s22;
	v59 =	vor.u32 $0x8, v19;
	[tilespmem:$0x1FF20] =	vst v45  }
0xb: {  	s24 =	sadd.s32 $0x600, s12;
	s25 =	sadd.s32 $0x700, s12;
	[dreg:$0xc] =	wrdreg s23;
	v60 =	vor.u32 $0x9, v19;
	[tilespmem:$0x1FF30] =	vst v59  }
0xc: {  	s3 =	sor.u32 s1, s3;
	s1 =	ssub.s32 $0x2, s1;
	[dreg:$0xd] =	wrdreg s24;
	v63 =	vor.u32 $0xA, v19;
	[tilespmem:$0x1FF40] =	vst v60  }
0xd: {  	[dreg:$0xe] =	wrdreg s25;
	s23 =	simm.s32 $0x1B900;
	s24 =	simm.s32 $0x3;
	v58 =	vor.u32 $0xB, v19;
	[tilespmem:$0x1FF50] =	vst v63  }
0xe: {  	s25 =	simm.s32 $0x3000;
	s7 =	smul.u32 $0x14, s3;
	s6 =	smin.u32 s3, $0xB;
	v62 =	vor.u32 $0xC, v19;
	[tilespmem:$0x1FF60] =	vst v58  }
0xf: {  	s8 =	sadd.s32 $0x1, s3;
	s16 =	sshll.u32 s3, $0x1;
	s17 =	sshrl.u32 s1, $0x1;
	v46 =	vor.u32 $0xD, v19;
	[tilespmem:$0x1FF70] =	vst v62  }
0x10: {  	p0 =	seq.s32 s3, $0x1F;
	v57 =	vor.u32 $0x5, v19;
	s8 =	smin.u32 s8, $0xB;
	s10 =	sadd.s32 s16, s10;
	[tilespmem:$0x1FF80] =	vst v46  }
0x11: {  	v48 =	vor.u32 $0x2, v19;
	s1 =	ssub.s32 s1, s17;
	[tilespmem:$0x1FFB0] =	vst v57;
	s6 =	sadd.s32 s6, s7;
	s7 =	sadd.s32 s8, s7  }
0x12: {  	v61 =	vor.u32 $0xE, v19;
	[tilespmem:$0x1FFC0] =	vst v48;
	s26 =	sadd.s32 $0x8200, s10;
	s1 =	smax.u32 s1, $0x1;
	s7 =	smul.u32 $0x600, s7  }
0x13: {  	v44 =	vor.u32 $0xF, v19;
	[tilespmem:$0x1FFD0] =	vst v61;
	s9 =	smul.u32 $0x600, s6;
	s19 =	sadd.s32 $0x4, s6;
	[dreg:$0xf] =	wrdreg s26  }
0x14: {  	v22 =	vor.u32 $0x3, v19;
	[tilespmem:$0x1FFE0] =	vst v44;
	[dreg:$0x10] =	wrdreg s1;
	s26 =	simm.s32 $0x7A1400;
	s3 =	sadd.s32 $0x7800, s7  }
.Ltmp0:
0x15: {  	[tilespmem:$0x1FFF0] =	vst v22;
	s18 =	sadd.s32 s0, s9;
	v4 =	vmov s9;
	s17 =	ssub.s32 $0xF4200, s9;
	(pc) =	sbr.rel .LBB2_1-.Ltmp0, $4  }
0x16: {  	s3 =	simm.s32 @p0 $0xF4240;
	[dreg:$0x6] =	wrdreg s18;
	s7 =	sadd.s32 $0x600, s18;
	v1 =	vmov s17;
	[tilespmem:$0x1FF90] =	vst v4  }
0x17: {  	s18 =	sadd.s32 $0x3, s6;
	p0 =	sne.s32 s2, $0x0;
	s2 =	simm.s32 $0xC000;
	[tilespmem:$0x1FED0] =	vst v1;
	v1 =	vor.u32 $0x6, v19  }
0x18: {  	[dreg:$0x7] =	wrdreg s7;
	v3 =	vmov s3;
	s1 =	sshrl.u32 @!p0 s4, $0x3;
	s3 =	simm.s32 $0x1;
	[tilespmem:$0x1FEE0] =	vst v1  }
0x19: {  	vm0 =	vmmov $0xffff;
	s7 =	simm.s32 $0x0;
	[dreg:$0x11] =	wrdreg s1;
	s1 =	simm.s32 $0x1B100;
	[tilespmem:$0x1FFA0] =	vst v3  }
.LBB2_70:
0x1a: {  	v3 =	vld [tilespmem:$0x1FFA0]  }
.LBB2_86:
0x1b: {  	[tilespmem:$0x1BD00] =	vst v15;
	s8 =	rddreg [dreg:$0xf];
	s9 =	simm.s32 $0x1BD00  }
0x1c: {  	[hbm4b:s8+s5] =	stream.linear.scatter [tilespmem:s9], [sflag:$0x3], $0x10, $0x38;
	[tilespmem:$0x1FD80] =	vst v63  }
0x1d: {  	_ =	swait.ge [sflag:s24], $0x10  }
0x1e: {  	s7 =	sadd.s32 $0x1, s7;
	s22 =	rddreg [dreg:$0x10]  }
0x1f: {  	p1 =	sne.s32 s7, s22  }
.Ltmp1:
0x20: {  	_ = 	snop;
	(pc) =	sbr.rel @!p1 .LBB2_87-.Ltmp1, $3  }
0x21: {  	_ =	sdelay $0x1  }
0x22: {  	[sflag:s24] =	ssyncset.done $0x0  }
0x23: {  	v4 =	vld [tilespmem:$0x1FF90];
	[sflag:s24] =	ssyncadd.s32 $0xFFFFFFF0  }
.LBB2_1:
0x24: {  	s8 =	rddreg [dreg:$0x2]  }
0x25: {  	s9 =	simm.s32 @!p0 $0x1C03;
	s10 =	rddreg [dreg:$0x11]  }
0x26: {  	[spmem:s10], [sflag:s9] =	dma.local @!p0 [hbm:s8], $0x8000  }
0x27: {  	s9 =	simm.s32 @!p0 $0x3  }
0x28: {  	_ =	swait.ge @!p0 [sflag:s9], $0x8000  }
0x29: {  	[sflag:s9] =	ssyncset.done @!p0 $0x0  }
0x2a: {  	s12 =	rddreg [dreg:$0x5];
	[sflag:s9] =	ssyncadd.s32 @!p0 $0xFFFF8000  }
0x2b: {  	[tilespmem:s23], [sflag:$0x3] =	stream.linear.gather [hbm4b:s12+s5], $0x400, $0x38;
	[tilespmem:$0x1FD80] =	vst v63  }
0x2c: {  	_ =	swait.ge [sflag:s24], $0x400  }
0x2d: {  	[sflag:s24] =	ssyncset.done $0x0  }
0x2e: {  	s13 =	rddreg [dreg:$0x6];
	[sflag:s24] =	ssyncadd.s32 $0xFFFFFC00  }
0x2f: {  	[tilespmem:s5], [sflag:$0x1] =	stream.strided.gather [hbm4b:s13+s25], $0x6000, s26, s25, $0x38;
	[tilespmem:$0x1FD80] =	vst v63  }
0x30: {  	s14 =	rddreg [dreg:$0x7]  }
0x31: {  	[tilespmem:s28], [sflag:$0x1] =	stream.strided.gather [hbm4b:s14+s25], $0x6000, s26, s25, $0x38;
	[tilespmem:$0x1FD80] =	vst v63  }
0x32: {  	s15 =	rddreg [dreg:$0x1]  }
0x33: {  	[tilespmem:s29], [sflag:$0x2] =	stream.linear.gather [hbm4b:s15+s5], $0x800, $0x38;
	[tilespmem:$0x1FD80] =	vst v63  }
0x34: {  	s16 =	rddreg [dreg:$0x8]  }
0x35: {  	[tilespmem:s30], [sflag:$0x2] =	stream.linear.gather [hbm4b:s16+s5], $0x800, $0x38;
	[tilespmem:$0x1FD80] =	vst v63  }
0x36: {  	_ =	swait.ge [sflag:s31], $0x800  }
0x37: {  	[sflag:s31] =	ssyncset.done $0x0  }
0x38: {  	s20 =	simm.s32 $0x1A110;
	[sflag:s31] =	ssyncadd.s32 $0xFFFFF800  }
0x39: {  	v1 =	vld [tilespmem:s20+$0xFFFFFFF0];
	_ =	sdelay $0x4  }
0x3a: {  	vm1 =	vge.s32 v1, v4;
	vm2 =	vlt.s32 v1, v3;
	v1 =	vsub.s32 v1, v4  }
0x3b: {  	vm1 =	vmand vm1, vm2;
	v1 =	vshll.u32 v1, $0xE  }
0x3c: {  	v1 =	vadd.s32 s5, v1;
	v2 =	vmpcnt.ones.xlane vm1  }
0x3d: {  	v1 =	vadd.s32 v0, v1  }
0x3e: {  	[tilespmem:s5+$0x12000] =	vst.msk vm1, v1;
	(v2sf) =	vpush v2, $0x0  }
0x3f: {  	v1 =	vld [tilespmem:s20+$0x0];
	_ =	sdelay $0x4  }
0x40: {  	vm1 =	vge.s32 v1, v4;
	vm2 =	vlt.s32 v1, v3  }
0x41: {  	vm1 =	vmand vm1, vm2  }
0x42: {  	v2 =	vmpcnt.ones.xlane vm1;
	_ =	sdelay $0x1  }
0x43: {  	(v2sf) =	vpush v2, $0x0;
	_ =	sdelay $0x2  }
0x44: {  	v1 =	vsub.s32 v1, v4  }
0x45: {  	s21 =	simm.s32 $0x10;
	v1 =	vshll.u32 v1, $0xE  }
0x46: {  	v1 =	vadd.s32 s21, v1;
	s22 =	spop (v2sf)  }
0x47: {  	v1 =	vadd.s32 v0, v1;
	s12 =	sadd.s32 $0x0, s22  }
0x48: {  	s10 =	simm.s32 $0x1A130;
	[tilespmem:s12+$0x12000] =	vst.msk vm1, v1  }
0x49: {  	v1 =	vld [tilespmem:s10+$0xFFFFFFF0];
	_ =	sdelay $0x4  }
0x4a: {  	vm1 =	vge.s32 v1, v4;
	vm2 =	vlt.s32 v1, v3;
	v1 =	vsub.s32 v1, v4  }
0x4b: {  	s9 =	simm.s32 $0x20;
	vm1 =	vmand vm1, vm2;
	v1 =	vshll.u32 v1, $0xE  }
0x4c: {  	s11 =	simm.s32 $0x40;
	v2 =	vadd.s32 s9, v1;
	v1 =	vmpcnt.ones.xlane vm1;
	s13 =	spop (v2sf)  }
.LBB2_2:
0x4d: {  	p1 =	sne.s32 s11, $0x7E0  }
0x4e: {  	v2 =	vadd.s32 v0, v2;
	s12 =	sadd.s32 s12, s13;
	s13 =	smov.u32 s11;
	s11 =	sadd.s32 $0x20, s11  }
0x4f: {  	[tilespmem:s12+$0x12000] =	vst.msk vm1, v2;
	(v2sf) =	vpush v1, $0x0  }
0x50: {  	v1 =	vld [tilespmem:s10+$0x0];
	_ =	sdelay $0x4  }
0x51: {  	vm1 =	vge.s32 v1, v4;
	vm2 =	vlt.s32 v1, v3;
	v1 =	vsub.s32 v1, v4  }
0x52: {  	s14 =	sadd.s32 $0x10, s9;
	s9 =	smov.u32 s13;
	vm1 =	vmand vm1, vm2;
	v1 =	vshll.u32 v1, $0xE  }
0x53: {  	v1 =	vadd.s32 s14, v1;
	v2 =	vmpcnt.ones.xlane vm1;
	_ =	sdelay $0x1  }
0x54: {  	(v2sf) =	vpush v2, $0x0;
	_ =	sdelay $0x4  }
0x55: {  	s13 =	spop (v2sf)  }
0x56: {  	v1 =	vadd.s32 v0, v1;
	s12 =	sadd.s32 s12, s13  }
0x57: {  	s10 =	sadd.s32 $0x20, s10;
	[tilespmem:s12+$0x12000] =	vst.msk vm1, v1  }
0x58: {  	v1 =	vld [tilespmem:s10+$0xFFFFFFF0];
	_ =	sdelay $0x2  }
.Ltmp2:
0x59: {  	(pc) =	sbr.rel @p1 .LBB2_2-.Ltmp2, $4  }
0x5a: {  	_ = 	snop  }
0x5b: {  	vm1 =	vge.s32 v1, v4;
	vm2 =	vlt.s32 v1, v3;
	v1 =	vsub.s32 v1, v4  }
0x5c: {  	vm1 =	vmand vm1, vm2;
	v1 =	vshll.u32 v1, $0xE  }
0x5d: {  	v2 =	vadd.s32 s9, v1;
	v1 =	vmpcnt.ones.xlane vm1;
	s13 =	spop (v2sf)  }
0x5e: {  	v2 =	vadd.s32 v0, v2;
	s11 =	sadd.s32 s12, s13  }
0x5f: {  	[tilespmem:s11+$0x12000] =	vst.msk vm1, v2  }
0x60: {  	v2 =	vld [tilespmem:s10+$0x0];
	_ =	sdelay $0x4  }
0x61: {  	(v2sf) =	vpush v1, $0x0;
	vm1 =	vge.s32 v2, v4;
	vm2 =	vlt.s32 v2, v3  }
0x62: {  	vm1 =	vmand vm1, vm2  }
0x63: {  	v1 =	vmpcnt.ones.xlane vm1;
	_ =	sdelay $0x1  }
0x64: {  	(v2sf) =	vpush v1, $0x0;
	_ =	sdelay $0x8  }
0x65: {  	v1 =	vsub.s32 v2, v4  }
0x66: {  	s9 =	sadd.s32 $0x10, s9;
	v1 =	vshll.u32 v1, $0xE  }
0x67: {  	v1 =	vadd.s32 s9, v1;
	s14 =	spop (v2sf)  }
0x68: {  	v1 =	vadd.s32 v0, v1;
	s9 =	sadd.s32 s11, s14  }
0x69: {  	s8 =	rddreg [dreg:$0x9];
	[tilespmem:s9+$0x12000] =	vst.msk vm1, v1  }
0x6a: {  	[tilespmem:s29], [sflag:$0x2] =	stream.linear.gather [hbm4b:s8+s5], $0x800, $0x38;
	[tilespmem:$0x1FD80] =	vst v63  }
0x6b: {  	s15 =	spop (v2sf)  }
0x6c: {  	_ =	swait.ge [sflag:s31], $0x800  }
0x6d: {  	[sflag:s31] =	ssyncset.done $0x0  }
0x6e: {  	s16 =	simm.s32 $0x1A910;
	[sflag:s31] =	ssyncadd.s32 $0xFFFFF800  }
0x6f: {  	v1 =	vld [tilespmem:s16+$0xFFFFFFF0];
	_ =	sdelay $0x4  }
0x70: {  	vm1 =	vge.s32 v1, v4;
	vm2 =	vlt.s32 v1, v3;
	v1 =	vsub.s32 v1, v4  }
0x71: {  	s20 =	simm.s32 $0x800;
	vm1 =	vmand vm1, vm2;
	v1 =	vshll.u32 v1, $0xE  }
0x72: {  	v1 =	vadd.s32 s20, v1;
	v2 =	vmpcnt.ones.xlane vm1  }
0x73: {  	s9 =	sadd.s32 s9, s15;
	v1 =	vadd.s32 v0, v1  }
0x74: {  	[tilespmem:s9+$0x12000] =	vst.msk vm1, v1;
	(v2sf) =	vpush v2, $0x0  }
0x75: {  	v1 =	vld [tilespmem:s16+$0x0];
	_ =	sdelay $0x4  }
0x76: {  	vm1 =	vge.s32 v1, v4;
	vm2 =	vlt.s32 v1, v3  }
0x77: {  	vm1 =	vmand vm1, vm2  }
0x78: {  	v2 =	vmpcnt.ones.xlane vm1;
	_ =	sdelay $0x1  }
0x79: {  	(v2sf) =	vpush v2, $0x0;
	_ =	sdelay $0x2  }
0x7a: {  	v1 =	vsub.s32 v1, v4  }
0x7b: {  	s21 =	simm.s32 $0x810;
	v1 =	vshll.u32 v1, $0xE  }
0x7c: {  	v1 =	vadd.s32 s21, v1;
	s22 =	spop (v2sf)  }
0x7d: {  	v1 =	vadd.s32 v0, v1;
	s12 =	sadd.s32 s9, s22  }
0x7e: {  	s10 =	simm.s32 $0x1A930;
	[tilespmem:s12+$0x12000] =	vst.msk vm1, v1  }
0x7f: {  	v1 =	vld [tilespmem:s10+$0xFFFFFFF0];
	_ =	sdelay $0x4  }
0x80: {  	vm1 =	vge.s32 v1, v4;
	vm2 =	vlt.s32 v1, v3;
	v1 =	vsub.s32 v1, v4  }
0x81: {  	s9 =	simm.s32 $0x820;
	vm1 =	vmand vm1, vm2;
	v1 =	vshll.u32 v1, $0xE  }
0x82: {  	s11 =	simm.s32 $0x840;
	v2 =	vadd.s32 s9, v1;
	v1 =	vmpcnt.ones.xlane vm1;
	s13 =	spop (v2sf)  }
.LBB2_4:
0x83: {  	p1 =	sne.s32 s11, $0xFE0  }
0x84: {  	v2 =	vadd.s32 v0, v2;
	s12 =	sadd.s32 s12, s13;
	s13 =	smov.u32 s11;
	s11 =	sadd.s32 $0x20, s11  }
0x85: {  	[tilespmem:s12+$0x12000] =	vst.msk vm1, v2;
	(v2sf) =	vpush v1, $0x0  }
0x86: {  	v1 =	vld [tilespmem:s10+$0x0];
	_ =	sdelay $0x4  }
0x87: {  	vm1 =	vge.s32 v1, v4;
	vm2 =	vlt.s32 v1, v3;
	v1 =	vsub.s32 v1, v4  }
0x88: {  	s14 =	sadd.s32 $0x10, s9;
	s9 =	smov.u32 s13;
	vm1 =	vmand vm1, vm2;
	v1 =	vshll.u32 v1, $0xE  }
0x89: {  	v1 =	vadd.s32 s14, v1;
	v2 =	vmpcnt.ones.xlane vm1;
	_ =	sdelay $0x1  }
0x8a: {  	(v2sf) =	vpush v2, $0x0;
	_ =	sdelay $0x4  }
0x8b: {  	s13 =	spop (v2sf)  }
0x8c: {  	v1 =	vadd.s32 v0, v1;
	s12 =	sadd.s32 s12, s13  }
0x8d: {  	s10 =	sadd.s32 $0x20, s10;
	[tilespmem:s12+$0x12000] =	vst.msk vm1, v1  }
0x8e: {  	v1 =	vld [tilespmem:s10+$0xFFFFFFF0];
	_ =	sdelay $0x2  }
.Ltmp3:
0x8f: {  	(pc) =	sbr.rel @p1 .LBB2_4-.Ltmp3, $4  }
0x90: {  	_ = 	snop  }
0x91: {  	vm1 =	vge.s32 v1, v4;
	vm2 =	vlt.s32 v1, v3;
	v1 =	vsub.s32 v1, v4  }
0x92: {  	vm1 =	vmand vm1, vm2;
	v1 =	vshll.u32 v1, $0xE  }
0x93: {  	v2 =	vadd.s32 s9, v1;
	v1 =	vmpcnt.ones.xlane vm1;
	s13 =	spop (v2sf)  }
0x94: {  	v2 =	vadd.s32 v0, v2;
	s11 =	sadd.s32 s12, s13  }
0x95: {  	[tilespmem:s11+$0x12000] =	vst.msk vm1, v2  }
0x96: {  	v2 =	vld [tilespmem:s10+$0x0];
	_ =	sdelay $0x4  }
0x97: {  	(v2sf) =	vpush v1, $0x0;
	vm1 =	vge.s32 v2, v4;
	vm2 =	vlt.s32 v2, v3  }
0x98: {  	vm1 =	vmand vm1, vm2  }
0x99: {  	v1 =	vmpcnt.ones.xlane vm1;
	_ =	sdelay $0x1  }
0x9a: {  	(v2sf) =	vpush v1, $0x0;
	_ =	sdelay $0x8  }
0x9b: {  	v1 =	vsub.s32 v2, v4  }
0x9c: {  	s9 =	sadd.s32 $0x10, s9;
	v1 =	vshll.u32 v1, $0xE  }
0x9d: {  	v1 =	vadd.s32 s9, v1;
	s14 =	spop (v2sf)  }
0x9e: {  	v1 =	vadd.s32 v0, v1;
	s9 =	sadd.s32 s11, s14  }
0x9f: {  	s8 =	rddreg [dreg:$0xa];
	[tilespmem:s9+$0x12000] =	vst.msk vm1, v1  }
0xa0: {  	[tilespmem:s30], [sflag:$0x2] =	stream.linear.gather [hbm4b:s8+s5], $0x800, $0x38;
	[tilespmem:$0x1FD80] =	vst v63  }
0xa1: {  	s15 =	spop (v2sf)  }
0xa2: {  	_ =	swait.ge [sflag:s31], $0x800  }
0xa3: {  	[sflag:s31] =	ssyncset.done $0x0  }
0xa4: {  	s16 =	simm.s32 $0x1A110;
	[sflag:s31] =	ssyncadd.s32 $0xFFFFF800  }
0xa5: {  	v1 =	vld [tilespmem:s16+$0xFFFFFFF0];
	_ =	sdelay $0x4  }
0xa6: {  	vm1 =	vge.s32 v1, v4;
	vm2 =	vlt.s32 v1, v3;
	v1 =	vsub.s32 v1, v4  }
0xa7: {  	s20 =	simm.s32 $0x1000;
	vm1 =	vmand vm1, vm2;
	v1 =	vshll.u32 v1, $0xE  }
0xa8: {  	v1 =	vadd.s32 s20, v1;
	v2 =	vmpcnt.ones.xlane vm1  }
0xa9: {  	s9 =	sadd.s32 s9, s15;
	v1 =	vadd.s32 v0, v1  }
0xaa: {  	[tilespmem:s9+$0x12000] =	vst.msk vm1, v1;
	(v2sf) =	vpush v2, $0x0  }
0xab: {  	v1 =	vld [tilespmem:s16+$0x0];
	_ =	sdelay $0x4  }
0xac: {  	vm1 =	vge.s32 v1, v4;
	vm2 =	vlt.s32 v1, v3  }
0xad: {  	vm1 =	vmand vm1, vm2  }
0xae: {  	v2 =	vmpcnt.ones.xlane vm1;
	_ =	sdelay $0x1  }
0xaf: {  	(v2sf) =	vpush v2, $0x0;
	_ =	sdelay $0x2  }
0xb0: {  	v1 =	vsub.s32 v1, v4  }
0xb1: {  	s21 =	simm.s32 $0x1010;
	v1 =	vshll.u32 v1, $0xE  }
0xb2: {  	v1 =	vadd.s32 s21, v1;
	s22 =	spop (v2sf)  }
0xb3: {  	v1 =	vadd.s32 v0, v1;
	s12 =	sadd.s32 s9, s22  }
0xb4: {  	s10 =	simm.s32 $0x1A130;
	[tilespmem:s12+$0x12000] =	vst.msk vm1, v1  }
0xb5: {  	v1 =	vld [tilespmem:s10+$0xFFFFFFF0];
	_ =	sdelay $0x4  }
0xb6: {  	vm1 =	vge.s32 v1, v4;
	vm2 =	vlt.s32 v1, v3;
	v1 =	vsub.s32 v1, v4  }
0xb7: {  	s9 =	simm.s32 $0x1020;
	vm1 =	vmand vm1, vm2;
	v1 =	vshll.u32 v1, $0xE  }
0xb8: {  	s11 =	simm.s32 $0x1040;
	v2 =	vadd.s32 s9, v1;
	v1 =	vmpcnt.ones.xlane vm1;
	s13 =	spop (v2sf)  }
.LBB2_6:
0xb9: {  	p1 =	sne.s32 s11, $0x17E0  }
0xba: {  	v2 =	vadd.s32 v0, v2;
	s12 =	sadd.s32 s12, s13;
	s13 =	smov.u32 s11;
	s11 =	sadd.s32 $0x20, s11  }
0xbb: {  	[tilespmem:s12+$0x12000] =	vst.msk vm1, v2;
	(v2sf) =	vpush v1, $0x0  }
0xbc: {  	v1 =	vld [tilespmem:s10+$0x0];
	_ =	sdelay $0x4  }
0xbd: {  	vm1 =	vge.s32 v1, v4;
	vm2 =	vlt.s32 v1, v3;
	v1 =	vsub.s32 v1, v4  }
0xbe: {  	s14 =	sadd.s32 $0x10, s9;
	s9 =	smov.u32 s13;
	vm1 =	vmand vm1, vm2;
	v1 =	vshll.u32 v1, $0xE  }
0xbf: {  	v1 =	vadd.s32 s14, v1;
	v2 =	vmpcnt.ones.xlane vm1;
	_ =	sdelay $0x1  }
0xc0: {  	(v2sf) =	vpush v2, $0x0;
	_ =	sdelay $0x4  }
0xc1: {  	s13 =	spop (v2sf)  }
0xc2: {  	v1 =	vadd.s32 v0, v1;
	s12 =	sadd.s32 s12, s13  }
0xc3: {  	s10 =	sadd.s32 $0x20, s10;
	[tilespmem:s12+$0x12000] =	vst.msk vm1, v1  }
0xc4: {  	v1 =	vld [tilespmem:s10+$0xFFFFFFF0];
	_ =	sdelay $0x2  }
.Ltmp4:
0xc5: {  	(pc) =	sbr.rel @p1 .LBB2_6-.Ltmp4, $4  }
0xc6: {  	_ = 	snop  }
0xc7: {  	vm1 =	vge.s32 v1, v4;
	vm2 =	vlt.s32 v1, v3;
	v1 =	vsub.s32 v1, v4  }
0xc8: {  	vm1 =	vmand vm1, vm2;
	v1 =	vshll.u32 v1, $0xE  }
0xc9: {  	v2 =	vadd.s32 s9, v1;
	v1 =	vmpcnt.ones.xlane vm1;
	s13 =	spop (v2sf)  }
0xca: {  	v2 =	vadd.s32 v0, v2;
	s11 =	sadd.s32 s12, s13  }
0xcb: {  	[tilespmem:s11+$0x12000] =	vst.msk vm1, v2  }
0xcc: {  	v2 =	vld [tilespmem:s10+$0x0];
	_ =	sdelay $0x4  }
0xcd: {  	(v2sf) =	vpush v1, $0x0;
	vm1 =	vge.s32 v2, v4;
	vm2 =	vlt.s32 v2, v3  }
0xce: {  	vm1 =	vmand vm1, vm2  }
0xcf: {  	v1 =	vmpcnt.ones.xlane vm1;
	_ =	sdelay $0x1  }
0xd0: {  	(v2sf) =	vpush v1, $0x0;
	_ =	sdelay $0x8  }
0xd1: {  	v1 =	vsub.s32 v2, v4  }
0xd2: {  	s9 =	sadd.s32 $0x10, s9;
	v1 =	vshll.u32 v1, $0xE  }
0xd3: {  	v1 =	vadd.s32 s9, v1;
	s14 =	spop (v2sf)  }
0xd4: {  	v1 =	vadd.s32 v0, v1;
	s9 =	sadd.s32 s11, s14  }
0xd5: {  	s8 =	rddreg [dreg:$0xb];
	[tilespmem:s9+$0x12000] =	vst.msk vm1, v1  }
0xd6: {  	[tilespmem:s29], [sflag:$0x2] =	stream.linear.gather [hbm4b:s8+s5], $0x800, $0x38;
	[tilespmem:$0x1FD80] =	vst v63  }
0xd7: {  	s15 =	spop (v2sf)  }
0xd8: {  	_ =	swait.ge [sflag:s31], $0x800  }
0xd9: {  	[sflag:s31] =	ssyncset.done $0x0  }
0xda: {  	s16 =	simm.s32 $0x1A910;
	[sflag:s31] =	ssyncadd.s32 $0xFFFFF800  }
0xdb: {  	v1 =	vld [tilespmem:s16+$0xFFFFFFF0];
	_ =	sdelay $0x4  }
0xdc: {  	vm1 =	vge.s32 v1, v4;
	vm2 =	vlt.s32 v1, v3;
	v1 =	vsub.s32 v1, v4  }
0xdd: {  	s20 =	simm.s32 $0x1800;
	vm1 =	vmand vm1, vm2;
	v1 =	vshll.u32 v1, $0xE  }
0xde: {  	v1 =	vadd.s32 s20, v1;
	v2 =	vmpcnt.ones.xlane vm1  }
0xdf: {  	s9 =	sadd.s32 s9, s15;
	v1 =	vadd.s32 v0, v1  }
0xe0: {  	[tilespmem:s9+$0x12000] =	vst.msk vm1, v1;
	(v2sf) =	vpush v2, $0x0  }
0xe1: {  	v1 =	vld [tilespmem:s16+$0x0];
	_ =	sdelay $0x4  }
0xe2: {  	vm1 =	vge.s32 v1, v4;
	vm2 =	vlt.s32 v1, v3  }
0xe3: {  	vm1 =	vmand vm1, vm2  }
0xe4: {  	v2 =	vmpcnt.ones.xlane vm1;
	_ =	sdelay $0x1  }
0xe5: {  	(v2sf) =	vpush v2, $0x0;
	_ =	sdelay $0x2  }
0xe6: {  	v1 =	vsub.s32 v1, v4  }
0xe7: {  	s21 =	simm.s32 $0x1810;
	v1 =	vshll.u32 v1, $0xE  }
0xe8: {  	v1 =	vadd.s32 s21, v1;
	s22 =	spop (v2sf)  }
0xe9: {  	v1 =	vadd.s32 v0, v1;
	s12 =	sadd.s32 s9, s22  }
0xea: {  	s10 =	simm.s32 $0x1A930;
	[tilespmem:s12+$0x12000] =	vst.msk vm1, v1  }
0xeb: {  	v1 =	vld [tilespmem:s10+$0xFFFFFFF0];
	_ =	sdelay $0x4  }
0xec: {  	vm1 =	vge.s32 v1, v4;
	vm2 =	vlt.s32 v1, v3;
	v1 =	vsub.s32 v1, v4  }
0xed: {  	s9 =	simm.s32 $0x1820;
	vm1 =	vmand vm1, vm2;
	v1 =	vshll.u32 v1, $0xE  }
0xee: {  	s11 =	simm.s32 $0x1840;
	v2 =	vadd.s32 s9, v1;
	v1 =	vmpcnt.ones.xlane vm1;
	s13 =	spop (v2sf)  }
.LBB2_8:
0xef: {  	p1 =	sne.s32 s11, $0x1FE0  }
0xf0: {  	v2 =	vadd.s32 v0, v2;
	s12 =	sadd.s32 s12, s13;
	s13 =	smov.u32 s11;
	s11 =	sadd.s32 $0x20, s11  }
0xf1: {  	[tilespmem:s12+$0x12000] =	vst.msk vm1, v2;
	(v2sf) =	vpush v1, $0x0  }
0xf2: {  	v1 =	vld [tilespmem:s10+$0x0];
	_ =	sdelay $0x4  }
0xf3: {  	vm1 =	vge.s32 v1, v4;
	vm2 =	vlt.s32 v1, v3;
	v1 =	vsub.s32 v1, v4  }
0xf4: {  	s14 =	sadd.s32 $0x10, s9;
	s9 =	smov.u32 s13;
	vm1 =	vmand vm1, vm2;
	v1 =	vshll.u32 v1, $0xE  }
0xf5: {  	v1 =	vadd.s32 s14, v1;
	v2 =	vmpcnt.ones.xlane vm1;
	_ =	sdelay $0x1  }
0xf6: {  	(v2sf) =	vpush v2, $0x0;
	_ =	sdelay $0x4  }
0xf7: {  	s13 =	spop (v2sf)  }
0xf8: {  	v1 =	vadd.s32 v0, v1;
	s12 =	sadd.s32 s12, s13  }
0xf9: {  	s10 =	sadd.s32 $0x20, s10;
	[tilespmem:s12+$0x12000] =	vst.msk vm1, v1  }
0xfa: {  	v1 =	vld [tilespmem:s10+$0xFFFFFFF0];
	_ =	sdelay $0x2  }
.Ltmp5:
0xfb: {  	(pc) =	sbr.rel @p1 .LBB2_8-.Ltmp5, $4  }
0xfc: {  	_ = 	snop  }
0xfd: {  	vm1 =	vge.s32 v1, v4;
	vm2 =	vlt.s32 v1, v3;
	v1 =	vsub.s32 v1, v4  }
0xfe: {  	vm1 =	vmand vm1, vm2;
	v1 =	vshll.u32 v1, $0xE  }
0xff: {  	v2 =	vadd.s32 s9, v1;
	v1 =	vmpcnt.ones.xlane vm1;
	s13 =	spop (v2sf)  }
0x100: {  	v2 =	vadd.s32 v0, v2;
	s11 =	sadd.s32 s12, s13  }
0x101: {  	[tilespmem:s11+$0x12000] =	vst.msk vm1, v2  }
0x102: {  	v2 =	vld [tilespmem:s10+$0x0];
	_ =	sdelay $0x4  }
0x103: {  	(v2sf) =	vpush v1, $0x0;
	vm1 =	vge.s32 v2, v4;
	vm2 =	vlt.s32 v2, v3  }
0x104: {  	vm1 =	vmand vm1, vm2  }
0x105: {  	v1 =	vmpcnt.ones.xlane vm1;
	_ =	sdelay $0x1  }
0x106: {  	(v2sf) =	vpush v1, $0x0;
	_ =	sdelay $0x8  }
0x107: {  	v1 =	vsub.s32 v2, v4  }
0x108: {  	s9 =	sadd.s32 $0x10, s9;
	v1 =	vshll.u32 v1, $0xE  }
0x109: {  	v1 =	vadd.s32 s9, v1;
	s14 =	spop (v2sf)  }
0x10a: {  	v1 =	vadd.s32 v0, v1;
	s9 =	sadd.s32 s11, s14  }
0x10b: {  	s8 =	rddreg [dreg:$0xc];
	[tilespmem:s9+$0x12000] =	vst.msk vm1, v1  }
0x10c: {  	[tilespmem:s30], [sflag:$0x2] =	stream.linear.gather [hbm4b:s8+s5], $0x800, $0x38;
	[tilespmem:$0x1FD80] =	vst v63  }
0x10d: {  	s15 =	spop (v2sf)  }
0x10e: {  	_ =	swait.ge [sflag:s31], $0x800  }
0x10f: {  	[sflag:s31] =	ssyncset.done $0x0  }
0x110: {  	s16 =	simm.s32 $0x1A110;
	[sflag:s31] =	ssyncadd.s32 $0xFFFFF800  }
0x111: {  	v1 =	vld [tilespmem:s16+$0xFFFFFFF0];
	_ =	sdelay $0x4  }
0x112: {  	vm1 =	vge.s32 v1, v4;
	vm2 =	vlt.s32 v1, v3;
	v1 =	vsub.s32 v1, v4  }
0x113: {  	s20 =	simm.s32 $0x2000;
	vm1 =	vmand vm1, vm2;
	v1 =	vshll.u32 v1, $0xE  }
0x114: {  	v1 =	vadd.s32 s20, v1;
	v2 =	vmpcnt.ones.xlane vm1  }
0x115: {  	s9 =	sadd.s32 s9, s15;
	v1 =	vadd.s32 v0, v1  }
0x116: {  	[tilespmem:s9+$0x12000] =	vst.msk vm1, v1;
	(v2sf) =	vpush v2, $0x0  }
0x117: {  	v1 =	vld [tilespmem:s16+$0x0];
	_ =	sdelay $0x4  }
0x118: {  	vm1 =	vge.s32 v1, v4;
	vm2 =	vlt.s32 v1, v3  }
0x119: {  	vm1 =	vmand vm1, vm2  }
0x11a: {  	v2 =	vmpcnt.ones.xlane vm1;
	_ =	sdelay $0x1  }
0x11b: {  	(v2sf) =	vpush v2, $0x0;
	_ =	sdelay $0x2  }
0x11c: {  	v1 =	vsub.s32 v1, v4  }
0x11d: {  	s21 =	simm.s32 $0x2010;
	v1 =	vshll.u32 v1, $0xE  }
0x11e: {  	v1 =	vadd.s32 s21, v1;
	s22 =	spop (v2sf)  }
0x11f: {  	v1 =	vadd.s32 v0, v1;
	s12 =	sadd.s32 s9, s22  }
0x120: {  	s10 =	simm.s32 $0x1A130;
	[tilespmem:s12+$0x12000] =	vst.msk vm1, v1  }
0x121: {  	v1 =	vld [tilespmem:s10+$0xFFFFFFF0];
	_ =	sdelay $0x4  }
0x122: {  	vm1 =	vge.s32 v1, v4;
	vm2 =	vlt.s32 v1, v3;
	v1 =	vsub.s32 v1, v4  }
0x123: {  	s9 =	simm.s32 $0x2020;
	vm1 =	vmand vm1, vm2;
	v1 =	vshll.u32 v1, $0xE  }
0x124: {  	s11 =	simm.s32 $0x2040;
	v2 =	vadd.s32 s9, v1;
	v1 =	vmpcnt.ones.xlane vm1;
	s13 =	spop (v2sf)  }
.LBB2_10:
0x125: {  	p1 =	sne.s32 s11, $0x27E0  }
0x126: {  	v2 =	vadd.s32 v0, v2;
	s12 =	sadd.s32 s12, s13;
	s13 =	smov.u32 s11;
	s11 =	sadd.s32 $0x20, s11  }
0x127: {  	[tilespmem:s12+$0x12000] =	vst.msk vm1, v2;
	(v2sf) =	vpush v1, $0x0  }
0x128: {  	v1 =	vld [tilespmem:s10+$0x0];
	_ =	sdelay $0x4  }
0x129: {  	vm1 =	vge.s32 v1, v4;
	vm2 =	vlt.s32 v1, v3;
	v1 =	vsub.s32 v1, v4  }
0x12a: {  	s14 =	sadd.s32 $0x10, s9;
	s9 =	smov.u32 s13;
	vm1 =	vmand vm1, vm2;
	v1 =	vshll.u32 v1, $0xE  }
0x12b: {  	v1 =	vadd.s32 s14, v1;
	v2 =	vmpcnt.ones.xlane vm1;
	_ =	sdelay $0x1  }
0x12c: {  	(v2sf) =	vpush v2, $0x0;
	_ =	sdelay $0x4  }
0x12d: {  	s13 =	spop (v2sf)  }
0x12e: {  	v1 =	vadd.s32 v0, v1;
	s12 =	sadd.s32 s12, s13  }
0x12f: {  	s10 =	sadd.s32 $0x20, s10;
	[tilespmem:s12+$0x12000] =	vst.msk vm1, v1  }
0x130: {  	v1 =	vld [tilespmem:s10+$0xFFFFFFF0];
	_ =	sdelay $0x2  }
.Ltmp6:
0x131: {  	(pc) =	sbr.rel @p1 .LBB2_10-.Ltmp6, $4  }
0x132: {  	_ = 	snop  }
0x133: {  	vm1 =	vge.s32 v1, v4;
	vm2 =	vlt.s32 v1, v3;
	v1 =	vsub.s32 v1, v4  }
0x134: {  	vm1 =	vmand vm1, vm2;
	v1 =	vshll.u32 v1, $0xE  }
0x135: {  	v2 =	vadd.s32 s9, v1;
	v1 =	vmpcnt.ones.xlane vm1;
	s13 =	spop (v2sf)  }
0x136: {  	v2 =	vadd.s32 v0, v2;
	s11 =	sadd.s32 s12, s13  }
0x137: {  	[tilespmem:s11+$0x12000] =	vst.msk vm1, v2  }
0x138: {  	v2 =	vld [tilespmem:s10+$0x0];
	_ =	sdelay $0x4  }
0x139: {  	(v2sf) =	vpush v1, $0x0;
	vm1 =	vge.s32 v2, v4;
	vm2 =	vlt.s32 v2, v3  }
0x13a: {  	vm1 =	vmand vm1, vm2  }
0x13b: {  	v1 =	vmpcnt.ones.xlane vm1;
	_ =	sdelay $0x1  }
0x13c: {  	(v2sf) =	vpush v1, $0x0;
	_ =	sdelay $0x8  }
0x13d: {  	v1 =	vsub.s32 v2, v4  }
0x13e: {  	s9 =	sadd.s32 $0x10, s9;
	v1 =	vshll.u32 v1, $0xE  }
0x13f: {  	v1 =	vadd.s32 s9, v1;
	s14 =	spop (v2sf)  }
0x140: {  	v1 =	vadd.s32 v0, v1;
	s9 =	sadd.s32 s11, s14  }
0x141: {  	s8 =	rddreg [dreg:$0xd];
	[tilespmem:s9+$0x12000] =	vst.msk vm1, v1  }
0x142: {  	[tilespmem:s29], [sflag:$0x2] =	stream.linear.gather [hbm4b:s8+s5], $0x800, $0x38;
	[tilespmem:$0x1FD80] =	vst v63  }
0x143: {  	s15 =	spop (v2sf)  }
0x144: {  	_ =	swait.ge [sflag:s31], $0x800  }
0x145: {  	[sflag:s31] =	ssyncset.done $0x0  }
0x146: {  	s16 =	simm.s32 $0x1A910;
	[sflag:s31] =	ssyncadd.s32 $0xFFFFF800  }
0x147: {  	v1 =	vld [tilespmem:s16+$0xFFFFFFF0];
	_ =	sdelay $0x4  }
0x148: {  	vm1 =	vge.s32 v1, v4;
	vm2 =	vlt.s32 v1, v3;
	v1 =	vsub.s32 v1, v4  }
0x149: {  	s20 =	simm.s32 $0x2800;
	vm1 =	vmand vm1, vm2;
	v1 =	vshll.u32 v1, $0xE  }
0x14a: {  	v1 =	vadd.s32 s20, v1;
	v2 =	vmpcnt.ones.xlane vm1  }
0x14b: {  	s9 =	sadd.s32 s9, s15;
	v1 =	vadd.s32 v0, v1  }
0x14c: {  	[tilespmem:s9+$0x12000] =	vst.msk vm1, v1;
	(v2sf) =	vpush v2, $0x0  }
0x14d: {  	v1 =	vld [tilespmem:s16+$0x0];
	_ =	sdelay $0x4  }
0x14e: {  	vm1 =	vge.s32 v1, v4;
	vm2 =	vlt.s32 v1, v3  }
0x14f: {  	vm1 =	vmand vm1, vm2  }
0x150: {  	v2 =	vmpcnt.ones.xlane vm1;
	_ =	sdelay $0x1  }
0x151: {  	(v2sf) =	vpush v2, $0x0;
	_ =	sdelay $0x2  }
0x152: {  	v1 =	vsub.s32 v1, v4  }
0x153: {  	s21 =	simm.s32 $0x2810;
	v1 =	vshll.u32 v1, $0xE  }
0x154: {  	v1 =	vadd.s32 s21, v1;
	s22 =	spop (v2sf)  }
0x155: {  	v1 =	vadd.s32 v0, v1;
	s12 =	sadd.s32 s9, s22  }
0x156: {  	s10 =	simm.s32 $0x1A930;
	[tilespmem:s12+$0x12000] =	vst.msk vm1, v1  }
0x157: {  	v1 =	vld [tilespmem:s10+$0xFFFFFFF0];
	_ =	sdelay $0x4  }
0x158: {  	vm1 =	vge.s32 v1, v4;
	vm2 =	vlt.s32 v1, v3;
	v1 =	vsub.s32 v1, v4  }
0x159: {  	s9 =	simm.s32 $0x2820;
	vm1 =	vmand vm1, vm2;
	v1 =	vshll.u32 v1, $0xE  }
0x15a: {  	s11 =	simm.s32 $0x2840;
	v2 =	vadd.s32 s9, v1;
	v1 =	vmpcnt.ones.xlane vm1;
	s13 =	spop (v2sf)  }
.LBB2_12:
0x15b: {  	p1 =	sne.s32 s11, $0x2FE0  }
0x15c: {  	v2 =	vadd.s32 v0, v2;
	s12 =	sadd.s32 s12, s13;
	s13 =	smov.u32 s11;
	s11 =	sadd.s32 $0x20, s11  }
0x15d: {  	[tilespmem:s12+$0x12000] =	vst.msk vm1, v2;
	(v2sf) =	vpush v1, $0x0  }
0x15e: {  	v1 =	vld [tilespmem:s10+$0x0];
	_ =	sdelay $0x4  }
0x15f: {  	vm1 =	vge.s32 v1, v4;
	vm2 =	vlt.s32 v1, v3;
	v1 =	vsub.s32 v1, v4  }
0x160: {  	s14 =	sadd.s32 $0x10, s9;
	s9 =	smov.u32 s13;
	vm1 =	vmand vm1, vm2;
	v1 =	vshll.u32 v1, $0xE  }
0x161: {  	v1 =	vadd.s32 s14, v1;
	v2 =	vmpcnt.ones.xlane vm1;
	_ =	sdelay $0x1  }
0x162: {  	(v2sf) =	vpush v2, $0x0;
	_ =	sdelay $0x4  }
0x163: {  	s13 =	spop (v2sf)  }
0x164: {  	v1 =	vadd.s32 v0, v1;
	s12 =	sadd.s32 s12, s13  }
0x165: {  	s10 =	sadd.s32 $0x20, s10;
	[tilespmem:s12+$0x12000] =	vst.msk vm1, v1  }
0x166: {  	v1 =	vld [tilespmem:s10+$0xFFFFFFF0];
	_ =	sdelay $0x2  }
.Ltmp7:
0x167: {  	(pc) =	sbr.rel @p1 .LBB2_12-.Ltmp7, $4  }
0x168: {  	_ = 	snop  }
0x169: {  	vm1 =	vge.s32 v1, v4;
	vm2 =	vlt.s32 v1, v3;
	v1 =	vsub.s32 v1, v4  }
0x16a: {  	vm1 =	vmand vm1, vm2;
	v1 =	vshll.u32 v1, $0xE  }
0x16b: {  	v2 =	vadd.s32 s9, v1;
	v1 =	vmpcnt.ones.xlane vm1;
	s13 =	spop (v2sf)  }
0x16c: {  	v2 =	vadd.s32 v0, v2;
	s11 =	sadd.s32 s12, s13  }
0x16d: {  	[tilespmem:s11+$0x12000] =	vst.msk vm1, v2  }
0x16e: {  	v2 =	vld [tilespmem:s10+$0x0];
	_ =	sdelay $0x4  }
0x16f: {  	(v2sf) =	vpush v1, $0x0;
	vm1 =	vge.s32 v2, v4;
	vm2 =	vlt.s32 v2, v3  }
0x170: {  	vm1 =	vmand vm1, vm2  }
0x171: {  	v1 =	vmpcnt.ones.xlane vm1;
	_ =	sdelay $0x1  }
0x172: {  	(v2sf) =	vpush v1, $0x0;
	_ =	sdelay $0x8  }
0x173: {  	v1 =	vsub.s32 v2, v4  }
0x174: {  	s9 =	sadd.s32 $0x10, s9;
	v1 =	vshll.u32 v1, $0xE  }
0x175: {  	v1 =	vadd.s32 s9, v1;
	s14 =	spop (v2sf)  }
0x176: {  	v1 =	vadd.s32 v0, v1;
	s9 =	sadd.s32 s11, s14  }
0x177: {  	s8 =	rddreg [dreg:$0xe];
	[tilespmem:s9+$0x12000] =	vst.msk vm1, v1  }
0x178: {  	[tilespmem:s30], [sflag:$0x2] =	stream.linear.gather [hbm4b:s8+s5], $0x800, $0x38;
	[tilespmem:$0x1FD80] =	vst v63  }
0x179: {  	s15 =	spop (v2sf)  }
0x17a: {  	_ =	swait.ge [sflag:s31], $0x800  }
0x17b: {  	[sflag:s31] =	ssyncset.done $0x0  }
0x17c: {  	s16 =	simm.s32 $0x1A110;
	[sflag:s31] =	ssyncadd.s32 $0xFFFFF800  }
0x17d: {  	v1 =	vld [tilespmem:s16+$0xFFFFFFF0];
	_ =	sdelay $0x4  }
0x17e: {  	vm1 =	vge.s32 v1, v4;
	vm2 =	vlt.s32 v1, v3;
	v1 =	vsub.s32 v1, v4  }
0x17f: {  	s20 =	simm.s32 $0x3000;
	vm1 =	vmand vm1, vm2;
	v1 =	vshll.u32 v1, $0xE  }
0x180: {  	v1 =	vadd.s32 s20, v1;
	v2 =	vmpcnt.ones.xlane vm1  }
0x181: {  	s9 =	sadd.s32 s9, s15;
	v1 =	vadd.s32 v0, v1  }
0x182: {  	[tilespmem:s9+$0x12000] =	vst.msk vm1, v1;
	(v2sf) =	vpush v2, $0x0  }
0x183: {  	v1 =	vld [tilespmem:s16+$0x0];
	_ =	sdelay $0x4  }
0x184: {  	vm1 =	vge.s32 v1, v4;
	vm2 =	vlt.s32 v1, v3  }
0x185: {  	vm1 =	vmand vm1, vm2  }
0x186: {  	v2 =	vmpcnt.ones.xlane vm1;
	_ =	sdelay $0x1  }
0x187: {  	(v2sf) =	vpush v2, $0x0;
	_ =	sdelay $0x2  }
0x188: {  	v1 =	vsub.s32 v1, v4  }
0x189: {  	s21 =	simm.s32 $0x3010;
	v1 =	vshll.u32 v1, $0xE  }
0x18a: {  	v1 =	vadd.s32 s21, v1;
	s22 =	spop (v2sf)  }
0x18b: {  	v1 =	vadd.s32 v0, v1;
	s12 =	sadd.s32 s9, s22  }
0x18c: {  	s10 =	simm.s32 $0x1A130;
	[tilespmem:s12+$0x12000] =	vst.msk vm1, v1  }
0x18d: {  	v1 =	vld [tilespmem:s10+$0xFFFFFFF0];
	_ =	sdelay $0x4  }
0x18e: {  	vm1 =	vge.s32 v1, v4;
	vm2 =	vlt.s32 v1, v3;
	v1 =	vsub.s32 v1, v4  }
0x18f: {  	s9 =	simm.s32 $0x3020;
	vm1 =	vmand vm1, vm2;
	v1 =	vshll.u32 v1, $0xE  }
0x190: {  	s11 =	simm.s32 $0x3040;
	v2 =	vadd.s32 s9, v1;
	v1 =	vmpcnt.ones.xlane vm1;
	s13 =	spop (v2sf)  }
.LBB2_14:
0x191: {  	p1 =	sne.s32 s11, $0x37E0  }
0x192: {  	v2 =	vadd.s32 v0, v2;
	s12 =	sadd.s32 s12, s13;
	s13 =	smov.u32 s11;
	s11 =	sadd.s32 $0x20, s11  }
0x193: {  	[tilespmem:s12+$0x12000] =	vst.msk vm1, v2;
	(v2sf) =	vpush v1, $0x0  }
0x194: {  	v1 =	vld [tilespmem:s10+$0x0];
	_ =	sdelay $0x4  }
0x195: {  	vm1 =	vge.s32 v1, v4;
	vm2 =	vlt.s32 v1, v3;
	v1 =	vsub.s32 v1, v4  }
0x196: {  	s14 =	sadd.s32 $0x10, s9;
	s9 =	smov.u32 s13;
	vm1 =	vmand vm1, vm2;
	v1 =	vshll.u32 v1, $0xE  }
0x197: {  	v1 =	vadd.s32 s14, v1;
	v2 =	vmpcnt.ones.xlane vm1;
	_ =	sdelay $0x1  }
0x198: {  	(v2sf) =	vpush v2, $0x0;
	_ =	sdelay $0x4  }
0x199: {  	s13 =	spop (v2sf)  }
0x19a: {  	v1 =	vadd.s32 v0, v1;
	s12 =	sadd.s32 s12, s13  }
0x19b: {  	s10 =	sadd.s32 $0x20, s10;
	[tilespmem:s12+$0x12000] =	vst.msk vm1, v1  }
0x19c: {  	v1 =	vld [tilespmem:s10+$0xFFFFFFF0];
	_ =	sdelay $0x2  }
.Ltmp8:
0x19d: {  	(pc) =	sbr.rel @p1 .LBB2_14-.Ltmp8, $4  }
0x19e: {  	_ = 	snop  }
0x19f: {  	vm1 =	vge.s32 v1, v4;
	vm2 =	vlt.s32 v1, v3;
	v1 =	vsub.s32 v1, v4  }
0x1a0: {  	vm1 =	vmand vm1, vm2;
	v1 =	vshll.u32 v1, $0xE  }
0x1a1: {  	v2 =	vadd.s32 s9, v1;
	v1 =	vmpcnt.ones.xlane vm1;
	s13 =	spop (v2sf)  }
0x1a2: {  	v2 =	vadd.s32 v0, v2;
	s11 =	sadd.s32 s12, s13  }
0x1a3: {  	[tilespmem:s11+$0x12000] =	vst.msk vm1, v2  }
0x1a4: {  	v2 =	vld [tilespmem:s10+$0x0];
	_ =	sdelay $0x4  }
0x1a5: {  	vm1 =	vge.s32 v2, v4;
	vm2 =	vlt.s32 v2, v3  }
0x1a6: {  	vm1 =	vmand vm1, vm2  }
0x1a7: {  	(v2sf) =	vpush v1, $0x0;
	v1 =	vmpcnt.ones.xlane vm1;
	_ =	sdelay $0x1  }
0x1a8: {  	(v2sf) =	vpush v1, $0x0;
	_ =	sdelay $0xa  }
0x1a9: {  	v1 =	vsub.s32 v2, v4  }
0x1aa: {  	s9 =	sadd.s32 $0x10, s9;
	v1 =	vshll.u32 v1, $0xE  }
0x1ab: {  	v1 =	vadd.s32 s9, v1;
	s14 =	spop (v2sf)  }
0x1ac: {  	v1 =	vadd.s32 v0, v1;
	s9 =	sadd.s32 s11, s14  }
0x1ad: {  	[tilespmem:s9+$0x12000] =	vst.msk vm1, v1;
	s15 =	spop (v2sf)  }
0x1ae: {  	_ =	swait.ge [sflag:s31], $0x800  }
0x1af: {  	[sflag:s31] =	ssyncset.done $0x0  }
0x1b0: {  	s16 =	simm.s32 $0x1A910;
	[sflag:s31] =	ssyncadd.s32 $0xFFFFF800  }
0x1b1: {  	v1 =	vld [tilespmem:s16+$0xFFFFFFF0];
	_ =	sdelay $0x4  }
0x1b2: {  	vm1 =	vge.s32 v1, v4;
	vm2 =	vlt.s32 v1, v3;
	v1 =	vsub.s32 v1, v4  }
0x1b3: {  	s20 =	simm.s32 $0x3800;
	vm1 =	vmand vm1, vm2;
	v1 =	vshll.u32 v1, $0xE  }
0x1b4: {  	v1 =	vadd.s32 s20, v1;
	v2 =	vmpcnt.ones.xlane vm1  }
0x1b5: {  	s9 =	sadd.s32 s9, s15;
	v1 =	vadd.s32 v0, v1  }
0x1b6: {  	[tilespmem:s9+$0x12000] =	vst.msk vm1, v1;
	(v2sf) =	vpush v2, $0x0  }
0x1b7: {  	v1 =	vld [tilespmem:s16+$0x0];
	_ =	sdelay $0x4  }
0x1b8: {  	vm1 =	vge.s32 v1, v4;
	vm2 =	vlt.s32 v1, v3  }
0x1b9: {  	vm1 =	vmand vm1, vm2  }
0x1ba: {  	v2 =	vmpcnt.ones.xlane vm1;
	_ =	sdelay $0x1  }
0x1bb: {  	(v2sf) =	vpush v2, $0x0;
	_ =	sdelay $0x2  }
0x1bc: {  	v1 =	vsub.s32 v1, v4  }
0x1bd: {  	s21 =	simm.s32 $0x3810;
	v1 =	vshll.u32 v1, $0xE  }
0x1be: {  	v1 =	vadd.s32 s21, v1;
	s22 =	spop (v2sf)  }
0x1bf: {  	v1 =	vadd.s32 v0, v1;
	s12 =	sadd.s32 s9, s22  }
0x1c0: {  	s10 =	simm.s32 $0x1A930;
	[tilespmem:s12+$0x12000] =	vst.msk vm1, v1  }
0x1c1: {  	v1 =	vld [tilespmem:s10+$0xFFFFFFF0];
	_ =	sdelay $0x4  }
0x1c2: {  	vm1 =	vge.s32 v1, v4;
	vm2 =	vlt.s32 v1, v3;
	v1 =	vsub.s32 v1, v4  }
0x1c3: {  	s9 =	simm.s32 $0x3820;
	vm1 =	vmand vm1, vm2;
	v1 =	vshll.u32 v1, $0xE  }
0x1c4: {  	s11 =	simm.s32 $0x3840;
	v2 =	vadd.s32 s9, v1;
	v1 =	vmpcnt.ones.xlane vm1;
	s13 =	spop (v2sf)  }
.LBB2_16:
0x1c5: {  	p1 =	sne.s32 s11, $0x3FE0  }
0x1c6: {  	v2 =	vadd.s32 v0, v2;
	s12 =	sadd.s32 s12, s13;
	s13 =	smov.u32 s11;
	s11 =	sadd.s32 $0x20, s11  }
0x1c7: {  	[tilespmem:s12+$0x12000] =	vst.msk vm1, v2;
	(v2sf) =	vpush v1, $0x0  }
0x1c8: {  	v1 =	vld [tilespmem:s10+$0x0];
	_ =	sdelay $0x4  }
0x1c9: {  	vm1 =	vge.s32 v1, v4;
	vm2 =	vlt.s32 v1, v3;
	v1 =	vsub.s32 v1, v4  }
0x1ca: {  	s14 =	sadd.s32 $0x10, s9;
	s9 =	smov.u32 s13;
	vm1 =	vmand vm1, vm2;
	v1 =	vshll.u32 v1, $0xE  }
0x1cb: {  	v1 =	vadd.s32 s14, v1;
	v2 =	vmpcnt.ones.xlane vm1;
	_ =	sdelay $0x1  }
0x1cc: {  	(v2sf) =	vpush v2, $0x0;
	_ =	sdelay $0x4  }
0x1cd: {  	s13 =	spop (v2sf)  }
0x1ce: {  	v1 =	vadd.s32 v0, v1;
	s12 =	sadd.s32 s12, s13  }
0x1cf: {  	s10 =	sadd.s32 $0x20, s10;
	[tilespmem:s12+$0x12000] =	vst.msk vm1, v1  }
0x1d0: {  	v1 =	vld [tilespmem:s10+$0xFFFFFFF0];
	_ =	sdelay $0x2  }
.Ltmp9:
0x1d1: {  	(pc) =	sbr.rel @p1 .LBB2_16-.Ltmp9, $4  }
0x1d2: {  	_ = 	snop  }
0x1d3: {  	vm1 =	vge.s32 v1, v4;
	vm2 =	vlt.s32 v1, v3;
	v1 =	vsub.s32 v1, v4  }
0x1d4: {  	vm1 =	vmand vm1, vm2;
	v1 =	vshll.u32 v1, $0xE  }
0x1d5: {  	v2 =	vadd.s32 s9, v1;
	v1 =	vmpcnt.ones.xlane vm1;
	s13 =	spop (v2sf)  }
0x1d6: {  	v2 =	vadd.s32 v0, v2;
	s11 =	sadd.s32 s12, s13  }
0x1d7: {  	[tilespmem:s11+$0x12000] =	vst.msk vm1, v2  }
0x1d8: {  	v2 =	vld [tilespmem:s10+$0x0];
	_ =	sdelay $0x4  }
0x1d9: {  	vm1 =	vge.s32 v2, v4;
	vm2 =	vlt.s32 v2, v3  }
0x1da: {  	vm1 =	vmand vm1, vm2  }
0x1db: {  	v3 =	vmpcnt.ones.xlane vm1  }
0x1dc: {  	(v2sf) =	vpush v1, $0x0  }
0x1dd: {  	(v2sf) =	vpush v3, $0x0;
	_ =	sdelay $0xc  }
0x1de: {  	v1 =	vsub.s32 v2, v4  }
0x1df: {  	s9 =	sadd.s32 $0x10, s9;
	v1 =	vshll.u32 v1, $0xE;
	s20 =	spop (v2sf)  }
.Ltmp10:
0x1e0: {  	v1 =	vadd.s32 s9, v1;
	s10 =	sadd.s32 s11, s20;
	s21 =	spop (v2sf);
	(pc) =	sbr.rel .LBB2_18-.Ltmp10, $4  }
0x1e1: {  	v1 =	vadd.s32 v0, v1;
	s11 =	sadd.s32 s10, s21  }
0x1e2: {  	[tilespmem:s10+$0x12000] =	vst.msk vm1, v1;
	s22 =	sadd.s32 $0xF, s11  }
0x1e3: {  	[bflag:$0x0] =	sbarrier.arrive $0xFFFF;
	v56 =	vmov s11;
	s9 =	sshra.s32 s22, $0x4  }
0x1e4: {  	v15 =	vimm.f32 $0.0e+00;
	s10 =	simm.s32 $0x0;
	[tilespmem:$0x1FEC0] =	vst v56;
	p1 =	slt.s32 s9, $0x1  }
.LBB2_58:
0x1e5: {  	v63 =	vld [tilespmem:$0x1FF50]  }
0x1e6: {  	v58 =	vld [tilespmem:$0x1FF60]  }
.LBB2_68:
0x1e7: {  	s10 =	sadd.s32 $0x1, s10  }
0x1e8: {  	p2 =	sne.s32 s10, $0x7  }
.Ltmp11:
0x1e9: {  	_ = 	snop;
	(pc) =	sbr.rel @!p2 .LBB2_69-.Ltmp11, $1  }
0x1ea: {  	_ =	sdelay $0x3  }
.LBB2_18:
0x1eb: {  	s12 =	smul.u32 $0x3, s10;
	_ =	sdelay $0x1  }
0x1ec: {  	s11 =	sadd.s32 $0x2, s12  }
0x1ed: {  	s13 =	sadd.s32 s6, s11  }
0x1ee: {  	s13 =	smul.u32 $0x600, s13;
	_ =	sdelay $0x1  }
0x1ef: {  	s13 =	smin.u32 s13, $0xF3C00  }
.Ltmp12:
0x1f0: {  	s13 =	sadd.s32 s0, s13;
	(pc) =	sbr.rel @p1 .LBB2_34-.Ltmp12, $4  }
0x1f1: {  	[tilespmem:s2], [sflag:$0x1] =	stream.strided.gather [hbm4b:s13+s25], $0x6000, s26, s25, $0x38;
	[tilespmem:$0x1FD80] =	vst v63  }
0x1f2: {  	s13 =	smul.u32 $0x1200, s10;
	_ =	swait.ge [sflag:s3], $0x6000  }
0x1f3: {  	[sflag:s3] =	ssyncset.done $0x0  }
0x1f4: {  	s14 =	sadd.s32 $0x600, s13;
	[sflag:s3] =	ssyncadd.s32 $0xFFFFA000  }
0x1f5: {  	p3 =	sne.s32 s9, $0x1  }
.Ltmp13:
0x1f6: {  	_ = 	snop;
	(pc) =	sbr.rel @!p3 .LBB2_20-.Ltmp13, $3  }
0x1f7: {  	_ =	sdelay $0x1  }
0x1f8: {  	s15 =	smin.u32 s14, s17;
	s16 =	simm.s32 $0x12000  }
0x1f9: {  	v23 =	vmov s13;
	p2 =	por $0x0, $0x0;
	v2 =	vmov s15;
	s15 =	simm.s32 $0x0;
	v1 =	vld [tilespmem:s16+$0x0];
	s16 =	sadd.s32 $0xFFFFFFFF, s9  }
0x1fa: {  	_ =	sdelay $0x3  }
0x1fb: {  	v4 =	vor.u32 s15, v0;
	v3 =	vshra.s32 v1, $0xE  }
0x1fc: {  	vm1 =	vlt.s32 v4, v56;
	vm2 =	vlt.s32 v3, v2  }
0x1fd: {  	vm3 =	vge.s32 v3, v23;
	vm1 =	vmand vm2, vm1  }
0x1fe: {  	vm1 =	vmand vm1, vm3  }
0x1ff: {  	v3 =	vmpcnt.ones.xlane vm1;
	_ =	sdelay $0x1  }
0x200: {  	p3 =	sne.s32 s16, $0x1;
	(v2sf) =	vpush v3, $0x0  }
.Ltmp14:
0x201: {  	_ = 	snop;
	(pc) =	sbr.rel @!p3 .LBB2_22-.Ltmp14, $3  }
0x202: {  	_ =	sdelay $0x1  }
0x203: {  	s21 =	simm.s32 $0x12010;
	s22 =	sadd.s32 $0xFFFFFFFF, s16;
	[tilespmem:s15+$0x16080] =	vst.msk vm1, v1  }
0x204: {  	p2 =	por $0x1, $0x1;
	s20 =	simm.s32 $0x0;
	s16 =	simm.s32 $0x0;
	v1 =	vld [tilespmem:s21+$0x0]  }
.LBB2_23:
0x205: {  	p3 =	sne.s32 s22, $0x1;
	_ =	sdelay $0x2  }
0x206: {  	s20 =	sadd.s32 $0x10, s20  }
0x207: {  	v4 =	vor.u32 s20, v0;
	v3 =	vshra.s32 v1, $0xE  }
0x208: {  	vm1 =	vlt.s32 v4, v56;
	vm2 =	vlt.s32 v3, v2  }
0x209: {  	vm3 =	vge.s32 v3, v23;
	vm1 =	vmand vm2, vm1  }
0x20a: {  	vm1 =	vmand vm1, vm3  }
0x20b: {  	v3 =	vmpcnt.ones.xlane vm1  }
0x20c: {  	s8 =	spop (v2sf)  }
0x20d: {  	(v2sf) =	vpush v3, $0x0;
	s16 =	sadd.s32 s16, s8  }
.Ltmp15:
0x20e: {  	[tilespmem:s16+$0x16080] =	vst.msk vm1, v1;
	(pc) =	sbr.rel @p3 .LBB2_23-.Ltmp15, $3  }
0x20f: {  	_ =	sdelay $0x1  }
0x210: {  	s21 =	sadd.s32 $0x10, s21  }
0x211: {  	s22 =	sadd.s32 $0xFFFFFFFF, s22;
	v1 =	vld [tilespmem:s21+$0x0]  }
.LBB2_24:
0x212: {  	_ =	sdelay $0x1  }
0x213: {  	s8 =	sadd.s32 @p2 $0x10, s20;
	s20 =	simm.s32 $0x0  }
0x214: {  	s20 =	smov.u32 @p2 s8  }
0x215: {  	v4 =	vor.u32 s20, v0;
	v3 =	vshra.s32 v1, $0xE  }
0x216: {  	vm1 =	vlt.s32 v4, v56;
	vm2 =	vlt.s32 v3, v2  }
0x217: {  	vm3 =	vge.s32 v3, v23;
	vm1 =	vmand vm2, vm1  }
0x218: {  	vm1 =	vmand vm1, vm3  }
0x219: {  	v2 =	vmpcnt.ones.xlane vm1;
	_ =	sdelay $0x1  }
0x21a: {  	(v2sf) =	vpush v2, $0x0;
	_ =	sdelay $0xc  }
0x21b: {  	s8 =	spop @p2 (v2sf)  }
0x21c: {  	s8 =	sadd.s32 @p2 s16, s8  }
0x21d: {  	s15 =	smov.u32 @p2 s8;
	s22 =	spop (v2sf)  }
0x21e: {  	s20 =	sadd.s32 s15, s22  }
0x21f: {  	s8 =	sadd.s32 $0xF, s20  }
0x220: {  	s16 =	sshra.s32 s8, $0x4  }
0x221: {  	p2 =	slt.s32 s16, $0x1  }
.Ltmp16:
0x222: {  	_ = 	snop;
	(pc) =	sbr.rel @p2 .LBB2_34-.Ltmp16, $2  }
0x223: {  	_ =	sdelay $0x2  }
0x224: {  	[tilespmem:s15+$0x16080] =	vst.msk vm1, v1  }
0x225: {  	s8 =	simm.s32 $0x16080  }
0x226: {  	v1 =	vld [tilespmem:s8+$0x0];
	_ =	sdelay $0x4  }
0x227: {  	v2 =	vshra.s32 v1, $0xE;
	v3 =	vshrl.u32 v1, $0x3  }
0x228: {  	v2 =	vsub.s32 v2, v23;
	v3 =	vand.u32 $0x7FF, v3  }
0x229: {  	vm1 =	vgt.s32 v2, $0x0  }
0x22a: {  	v2 =	vnsel vm1, $0x0, v2  }
0x22b: {  	v1 =	vshll.u32 v1, $0x4;
	v2 =	vmin.u32 v2, $0x5FF  }
0x22c: {  	v24 =	vand.u32 $0x70, v1;
	v1 =	vshll.u32 v2, $0x3  }
0x22d: {  	v2 =	vand.u32 $0x7F, v2;
	v1 =	vand.u32 $0x3C00, v1;
	[tilespmem:s1], [sflag:$0x2] =	stream.indirect_vreg.gather [spmem:s4], $0x80, v3, vm0, $0xb8;
	[tilespmem:$0x1FD80] =	vst v63  }
0x22e: {  	v40 =	vor.u32 v2, v1;
	_ =	swait.ge [sflag:s31], $0x800;
	v2 =	vmov s20  }
0x22f: {  	[tilespmem:$0x1FEA0] =	vst v2;
	v2 =	vor.u32 $0x100, v40;
	_ =	sdelay $0x2  }
0x230: {  	v4 =	vor.u32 v44, v24;
	[sflag:s31] =	ssyncset.done $0x0  }
0x231: {  	v7 =	vor.u32 v18, v24;
	[sflag:s31] =	ssyncadd.s32 $0xFFFFF800  }
0x232: {  	v42 =	vor.u32 v19, v24;
	v3 =	vor.u32 v46, v24;
	v32 =	vld.idx.msk [tilespmem:v2+s5+$0x0], $0xffff  }
0x233: {  	p4 =	sne.s32 s16, $0x1;
	v43 =	vor.u32 v48, v24;
	v9 =	vor.u32 v57, v24;
	v1 =	vor.u32 v62, v24;
	v2 =	vld [tilespmem:$0x1FEE0]  }
.Ltmp17:
0x234: {  	v10 =	vor.u32 v45, v24;
	v63 =	vor.u32 v22, v24;
	v6 =	vor.u32 $0x80, v40;
	(pc) =	sbr.rel @!p4 .LBB2_26-.Ltmp17, $4  }
0x235: {  	v31 =	vor.u32 $0x180, v40;
	v33 =	vor.u32 $0x200, v40;
	v58 =	vor.u32 $0x280, v40;
	v30 =	vld.idx.msk [tilespmem:v4+s1+$0x0], $0xffff  }
0x236: {  	v38 =	vor.u32 $0x300, v40;
	v5 =	vor.u32 $0x380, v40;
	v50 =	vadd.s32 $0x3000, v40;
	v53 =	vld.idx.msk [tilespmem:v7+s1+$0x0], $0xffff  }
0x237: {  	s15 =	simm.s32 $0x0;
	v49 =	vadd.s32 $0x3080, v40;
	v62 =	vadd.s32 $0x3100, v40;
	v51 =	vadd.s32 $0x3200, v40;
	v41 =	vld.idx.msk [tilespmem:v3+s1+$0x0], $0xffff  }
0x238: {  	s16 =	sadd.s32 $0xFFFFFFFF, s16;
	p2 =	por $0x0, $0x0;
	p3 =	por $0x0, $0x0;
	v20 =	vadd.s32 $0x3280, v40;
	[tilespmem:$0x1FEB0] =	vst v15;
	v36 =	vld.idx.msk [tilespmem:v1+s1+$0x0], $0xffff;
	v1 =	vadd.s32 $0x3180, v40;
	v2 =	vor.u32 v2, v24  }
0x239: {  	_ =	sdelay $0x3  }
0x23a: {  	v3 =	vld.idx.msk [tilespmem:v6+s5+$0x0], $0xffff  }
0x23b: {  	v6 =	vld.idx.msk [tilespmem:v9+s1+$0x0], $0xffff  }
0x23c: {  	v7 =	vld.idx.msk [tilespmem:v40+s5+$0x0], $0xffff  }
0x23d: {  	v5 =	vld.idx.msk [tilespmem:v5+s5+$0x0], $0xffff  }
0x23e: {  	v8 =	vld.idx.msk [tilespmem:v10+s1+$0x0], $0xffff  }
0x23f: {  	v25 =	vld.idx.msk [tilespmem:v1+s5+$0x0], $0xffff  }
0x240: {  	v28 =	vld.idx.msk [tilespmem:v62+s5+$0x0], $0xffff  }
0x241: {  	v26 =	vld.idx.msk [tilespmem:v20+s5+$0x0], $0xffff  }
0x242: {  	v4 =	vor.u32 v61, v24;
	v10 =	vld.idx.msk [tilespmem:v51+s5+$0x0], $0xffff  }
0x243: {  	v12 =	vld.idx.msk [tilespmem:v42+s1+$0x0], $0xffff  }
0x244: {  	v34 =	vld.idx.msk [tilespmem:v50+s5+$0x0], $0xffff  }
0x245: {  	v37 =	vld.idx.msk [tilespmem:v49+s5+$0x0], $0xffff  }
0x246: {  	v14 =	vld [tilespmem:$0x1FF50]  }
0x247: {  	v4 =	vld.idx.msk [tilespmem:v4+s1+$0x0], $0xffff  }
0x248: {  	v39 =	vld.idx.msk [tilespmem:v2+s1+$0x0], $0xffff  }
0x249: {  	s8 =	simm.s32 $0x16090;
	v13 =	vld.idx.msk [tilespmem:v63+s1+$0x0], $0xffff  }
0x24a: {  	v1 =	vld [tilespmem:s8+$0x0]  }
0x24b: {  	v11 =	vadd.s32 $0x3380, v40;
	v20 =	vor.u32 v14, v24;
	v14 =	vld [tilespmem:$0x1FF60]  }
0x24c: {  	v9 =	vadd.s32 $0x3300, v40;
	[tilespmem:$0x1FE70] =	vst v4;
	v4 =	vld.idx.msk [tilespmem:v58+s5+$0x0], $0xffff  }
0x24d: {  	v2 =	vor.u32 v59, v24;
	v47 =	vld.idx.msk [tilespmem:v38+s5+$0x0], $0xffff  }
0x24e: {  	v54 =	vld.idx.msk [tilespmem:v33+s5+$0x0], $0xffff  }
0x24f: {  	v38 =	vor.u32 v17, v24;
	v50 =	vld.idx.msk [tilespmem:v31+s5+$0x0], $0xffff  }
0x250: {  	v27 =	vld.idx.msk [tilespmem:v11+s5+$0x0], $0xffff;
	v11 =	vor.u32 v60, v24;
	v7 =	vsub.f32 v7, v12;
	v49 =	vor.u32 v14, v24  }
0x251: {  	v29 =	vld.idx.msk [tilespmem:v9+s5+$0x0], $0xffff;
	v24 =	vshra.s32 v1, $0xE;
	v35 =	vsub.f32 v4, v6;
	v4 =	vshrl.u32 v1, $0x3  }
0x252: {  	v59 =	vld.idx.msk [tilespmem:v2+s1+$0x0], $0xffff;
	v2 =	vsub.f32 v10, v36;
	v6 =	vsub.s32 v24, v23;
	v12 =	vand.u32 $0x7FF, v4  }
0x253: {  	v9 =	vld.idx.msk [tilespmem:v43+s1+$0x0], $0xffff;
	vm1 =	vgt.s32 v6, $0x0  }
0x254: {  	v10 =	vld.idx.msk [tilespmem:v38+s1+$0x0], $0xffff;
	[tilespmem:$0x1FE80] =	vst v2;
	v1 =	vshll.u32 v1, $0x4;
	v2 =	vnsel vm1, $0x0, v6  }
0x255: {  	v16 =	vmovc v44;
	v45 =	vsub.f32 v5, v8;
	v60 =	vld.idx.msk [tilespmem:v11+s1+$0x0], $0xffff;
	v24 =	vand.u32 $0x70, v1;
	v2 =	vmin.u32 v2, $0x5FF  }
0x256: {  	v5 =	vor.u32 s15, v0;
	v52 =	vld.idx.msk [tilespmem:v20+s1+$0x0], $0xffff;
	v8 =	vor.u32 v16, v24;
	v1 =	vshll.u32 v2, $0x3  }
0x257: {  	[tilespmem:$0x1FE90] =	vst v5;
	v55 =	vld.idx.msk [tilespmem:v49+s1+$0x0], $0xffff;
	v2 =	vand.u32 $0x7F, v2;
	v1 =	vand.u32 $0x3C00, v1;
	[tilespmem:s1], [sflag:$0x2] =	stream.indirect_vreg.gather [spmem:s4], $0x80, v12, vm0, $0xb8  }
0x258: {  	v40 =	vor.u32 v2, v1;
	v2 =	vor.u32 v18, v24;
	_ =	swait.ge [sflag:s31], $0x800  }
0x259: {  	v5 =	vld [tilespmem:$0x1FF70];
	[sflag:s31] =	ssyncset.done $0x0  }
0x25a: {  	v3 =	vsub.f32 v3, v10;
	[sflag:s31] =	ssyncadd.s32 $0xFFFFF800  }
0x25b: {  	v11 =	vsub.f32 v50, v13;
	v44 =	vld.idx.msk [tilespmem:v8+s1+$0x0], $0xffff  }
0x25c: {  	v13 =	vmul.f32 v3, v3;
	v4 =	vmul.f32 v7, v7;
	v1 =	vor.u32 v46, v24;
	v8 =	vld [tilespmem:$0x1FF20]  }
0x25d: {  	v7 =	vsub.f32 v32, v9;
	v42 =	vor.u32 v19, v24;
	v20 =	vor.u32 $0x100, v40;
	v3 =	vld.idx.msk [tilespmem:v2+s1+$0x0], $0xffff  }
0x25e: {  	p4 =	sne.s32 s16, $0x1;
	v43 =	vor.u32 v48, v24;
	v9 =	vor.u32 v57, v24;
	v2 =	vld [tilespmem:$0x1FEE0];
	v12 =	vor.u32 v5, v24  }
.Ltmp18:
0x25f: {  	v63 =	vor.u32 v22, v24;
	v6 =	vor.u32 $0x80, v40;
	v31 =	vor.u32 $0x180, v40;
	(pc) =	sbr.rel @!p4 .LBB2_28-.Ltmp18, $4  }
0x260: {  	v33 =	vor.u32 $0x200, v40;
	v58 =	vor.u32 $0x280, v40;
	v38 =	vor.u32 $0x300, v40  }
0x261: {  	v21 =	vmovc v48;
	v50 =	vadd.s32 $0x3000, v40;
	v49 =	vadd.s32 $0x3080, v40;
	v62 =	vadd.s32 $0x3100, v40;
	v48 =	vld.idx.msk [tilespmem:v1+s1+$0x0], $0xffff  }
0x262: {  	v51 =	vadd.s32 $0x3200, v40;
	v1 =	vadd.s32 $0x3180, v40;
	v32 =	vld.idx.msk [tilespmem:v20+s5+$0x0], $0xffff;
	v20 =	vadd.s32 $0x3280, v40  }
0x263: {  	s21 =	sadd.s32 $0xFFFFFFFF, s16;
	p2 =	por $0x1, $0x1;
	v5 =	vor.u32 $0x380, v40;
	v10 =	vor.u32 v8, v24;
	v2 =	vor.u32 v2, v24;
	v36 =	vld.idx.msk [tilespmem:v12+s1+$0x0], $0xffff  }
0x264: {  	v4 =	vadd.f32 v13, v4;
	v7 =	vmul.f32 v7, v7;
	_ =	sdelay $0x1  }
0x265: {  	v13 =	vsub.f32 v54, v53;
	v11 =	vmul.f32 v11, v11;
	v4 =	vadd.f32 v7, v4;
	_ =	sdelay $0x1  }
0x266: {  	v7 =	vmul.f32 v13, v13;
	v4 =	vadd.f32 v11, v4;
	_ =	sdelay $0x1  }
0x267: {  	v8 =	vld.idx.msk [tilespmem:v6+s5+$0x0], $0xffff;
	v39 =	vsub.f32 v47, v39;
	v4 =	vadd.f32 v7, v4;
	v7 =	vmul.f32 v35, v35  }
0x268: {  	v9 =	vld.idx.msk [tilespmem:v9+s1+$0x0], $0xffff  }
0x269: {  	v12 =	vld.idx.msk [tilespmem:v40+s5+$0x0], $0xffff;
	v39 =	vmul.f32 v39, v39;
	v4 =	vadd.f32 v7, v4  }
0x26a: {  	v5 =	vld.idx.msk [tilespmem:v5+s5+$0x0], $0xffff  }
0x26b: {  	v10 =	vld.idx.msk [tilespmem:v10+s1+$0x0], $0xffff;
	v45 =	vmul.f32 v45, v45;
	v4 =	vadd.f32 v39, v4  }
0x26c: {  	v39 =	vld.idx.msk [tilespmem:v2+s1+$0x0], $0xffff  }
0x26d: {  	v2 =	vadd.f32 v45, v4;
	v4 =	vld [tilespmem:$0x1FF30]  }
0x26e: {  	v6 =	vor.u32 v61, v24;
	v61 =	vld.idx.msk [tilespmem:v58+s5+$0x0], $0xffff  }
0x26f: {  	v42 =	vld.idx.msk [tilespmem:v42+s1+$0x0], $0xffff  }
0x270: {  	v47 =	vld.idx.msk [tilespmem:v38+s5+$0x0], $0xffff  }
0x271: {  	v54 =	vld.idx.msk [tilespmem:v33+s5+$0x0], $0xffff  }
0x272: {  	v34 =	vsub.f32 v34, v59;
	s16 =	simm.s32 $0x10;
	v59 =	vor.u32 v4, v24;
	v4 =	vld [tilespmem:$0x1FF40]  }
0x273: {  	s20 =	simm.s32 $0x160A0;
	v56 =	vor.u32 s16, v0;
	v0 =	vld [tilespmem:$0x1FE70]  }
0x274: {  	v13 =	vld [tilespmem:s20+$0x0]  }
0x275: {  	v11 =	vsub.f32 v26, v41;
	v26 =	vld.idx.msk [tilespmem:v20+s5+$0x0], $0xffff  }
0x276: {  	v15 =	vmov v57;
	v20 =	vadd.s32 $0x3300, v40;
	v57 =	vld.idx.msk [tilespmem:v6+s1+$0x0], $0xffff  }
0x277: {  	v35 =	vsub.f32 v61, v9;
	v9 =	vor.u32 v4, v24;
	v4 =	vld [tilespmem:$0x1FF50]  }
0x278: {  	v6 =	vsub.f32 v25, v55;
	v25 =	vld.idx.msk [tilespmem:v1+s5+$0x0], $0xffff  }
0x279: {  	v1 =	vsub.f32 v28, v52;
	v28 =	vld.idx.msk [tilespmem:v62+s5+$0x0], $0xffff  }
0x27a: {  	v62 =	vld.idx.msk [tilespmem:v51+s5+$0x0], $0xffff  }
0x27b: {  	v37 =	vsub.f32 v37, v60;
	v58 =	vsub.f32 v29, v0;
	v7 =	vadd.s32 $0x3380, v40;
	v29 =	vld.idx.msk [tilespmem:v20+s5+$0x0], $0xffff  }
0x27c: {  	v20 =	vor.u32 v4, v24;
	v4 =	vld [tilespmem:$0x1FF60]  }
0x27d: {  	v46 =	vmul.f32 v37, v37;
	v37 =	vld.idx.msk [tilespmem:v49+s5+$0x0], $0xffff  }
0x27e: {  	v55 =	vmul.f32 v34, v34;
	v34 =	vld.idx.msk [tilespmem:v50+s5+$0x0], $0xffff  }
0x27f: {  	v0 =	vld [tilespmem:$0x1FEA0]  }
0x280: {  	v30 =	vsub.f32 v27, v30;
	v51 =	vor.u32 v17, v24;
	v27 =	vld.idx.msk [tilespmem:v7+s5+$0x0], $0xffff;
	v2 =	vadd.f32 v55, v2  }
0x281: {  	v61 =	vsub.f32 v62, v36;
	v36 =	vor.u32 v4, v24;
	v4 =	vld [tilespmem:$0x1FE90];
	v24 =	vshra.s32 v13, $0xE  }
0x282: {  	v1 =	vmul.f32 v1, v1;
	v7 =	vld.idx.msk [tilespmem:v43+s1+$0x0], $0xffff;
	v2 =	vadd.f32 v46, v2;
	v24 =	vsub.s32 v24, v23  }
0x283: {  	v46 =	vmul.f32 v30, v30;
	v30 =	vshrl.u32 v13, $0x3;
	v59 =	vld.idx.msk [tilespmem:v59+s1+$0x0], $0xffff;
	vm2 =	vgt.s32 v24, $0x0  }
0x284: {  	v45 =	vsub.f32 v5, v10;
	v30 =	vand.u32 $0x7FF, v30;
	v60 =	vld.idx.msk [tilespmem:v9+s1+$0x0], $0xffff;
	v24 =	vnsel vm2, $0x0, v24  }
0x285: {  	v1 =	vadd.f32 v1, v2;
	v2 =	vshll.u32 v13, $0x4;
	v13 =	vld.idx.msk [tilespmem:v31+s5+$0x0], $0xffff;
	v5 =	vmin.u32 v24, $0x5FF  }
0x286: {  	v24 =	vand.u32 $0x70, v2;
	vm1 =	vlt.s32 v4, v0;
	v0 =	vld [tilespmem:$0x1FE80];
	v2 =	vshll.u32 v5, $0x3  }
0x287: {  	v52 =	vld.idx.msk [tilespmem:v20+s1+$0x0], $0xffff;
	v5 =	vand.u32 $0x7F, v5;
	v2 =	vand.u32 $0x3C00, v2  }
0x288: {  	v40 =	vor.u32 v5, v2;
	v5 =	vld [tilespmem:$0x1FF80]  }
0x289: {  	v6 =	vmul.f32 v6, v6;
	v20 =	vld.idx.msk [tilespmem:v51+s1+$0x0], $0xffff  }
0x28a: {  	v4 =	vsub.f32 v12, v42;
	v12 =	vld.idx.msk [tilespmem:v63+s1+$0x0], $0xffff  }
0x28b: {  	v1 =	vadd.f32 v6, v1;
	v55 =	vld.idx.msk [tilespmem:v36+s1+$0x0], $0xffff;
	[tilespmem:s1], [sflag:$0x2] =	stream.indirect_vreg.gather [spmem:s4], $0x80, v30, vm0, $0xb8;
	v31 =	vmul.f32 v0, v0  }
0x28c: {  	v14 =	vld [tilespmem:$0x1FEE0];
	v10 =	vor.u32 v16, v24;
	_ =	swait.ge [sflag:s31], $0x800  }
0x28d: {  	v11 =	vmul.f32 v11, v11;
	v1 =	vadd.f32 v31, v1;
	v36 =	vor.u32 v5, v24;
	v5 =	vld [tilespmem:$0x1FF70]  }
0x28e: {  	v53 =	vmov v18;
	v41 =	vmul.f32 v58, v58  }
0x28f: {  	v18 =	vmovc v22;
	v22 =	vmovc v21;
	v7 =	vsub.f32 v32, v7;
	v32 =	vor.u32 $0x100, v40;
	[sflag:s31] =	ssyncset.done $0x0;
	v1 =	vadd.f32 v11, v1  }
0x290: {  	v42 =	vor.u32 v19, v24;
	v43 =	vor.u32 v22, v24;
	v9 =	vor.u32 v15, v24;
	[sflag:s31] =	ssyncadd.s32 $0xFFFFF800  }
0x291: {  	v8 =	vsub.f32 v8, v20;
	v63 =	vor.u32 v18, v24;
	v30 =	vld.idx.msk [tilespmem:v10+s1+$0x0], $0xffff;
	v10 =	vadd.f32 v41, v1  }
0x292: {  	v21 =	vmovc v53;
	v4 =	vmul.f32 v4, v4;
	v2 =	vor.u32 v53, v24;
	v53 =	vor.u32 v5, v24  }
0x293: {  	p4 =	sne.s32 s21, $0x1;
	v6 =	vor.u32 $0x80, v40;
	v11 =	vsub.f32 v13, v12;
	v12 =	vadd.f32 v46, v10;
	v10 =	vld [tilespmem:$0x1FF20]  }
.Ltmp19:
0x294: {  	v33 =	vor.u32 $0x200, v40;
	v58 =	vor.u32 $0x280, v40;
	v38 =	vor.u32 $0x300, v40;
	v32 =	vld.idx.msk [tilespmem:v32+s5+$0x0], $0xffff;
	(pc) =	sbr.rel @!p4 .LBB2_30-.Ltmp19, $4  }
0x295: {  	v50 =	vadd.s32 $0x3000, v40;
	v49 =	vadd.s32 $0x3080, v40;
	v62 =	vadd.s32 $0x3100, v40;
	v41 =	vld.idx.msk [tilespmem:v36+s1+$0x0], $0xffff  }
0x296: {  	v17 =	vmovc v16;
	v19 =	vmovc v15;
	v51 =	vadd.s32 $0x3200, v40;
	v20 =	vadd.s32 $0x3280, v40;
	v31 =	vor.u32 $0x180, v40;
	v46 =	vld [tilespmem:$0x1FEB0]  }
0x297: {  	v0 =	vmovc v22;
	v22 =	vmovc v18;
	v13 =	vmul.f32 v8, v8;
	v1 =	vadd.s32 $0x3180, v40;
	v5 =	vor.u32 $0x380, v40;
	v36 =	vld.idx.msk [tilespmem:v53+s1+$0x0], $0xffff  }
0x298: {  	s21 =	sadd.s32 $0xFFFFFFFF, s21;
	p3 =	por $0x1, $0x1;
	v18 =	vmovc v14;
	v8 =	vnsel vm1, $0x0, v12;
	v53 =	vld.idx.msk [tilespmem:v2+s1+$0x0], $0xffff;
	v2 =	vor.u32 v14, v24;
	v10 =	vor.u32 v10, v24  }
.LBB2_31:
0x299: {  	v12 =	vld.idx.msk [tilespmem:v6+s5+$0x0], $0xffff  }
0x29a: {  	v14 =	vld [tilespmem:$0x1FFD0];
	v7 =	vmul.f32 v7, v7;
	v4 =	vadd.f32 v13, v4  }
0x29b: {  	v6 =	vadd.s32 $0x3300, v40;
	v15 =	vadd.s32 $0x3380, v40;
	v9 =	vld.idx.msk [tilespmem:v9+s1+$0x0], $0xffff  }
0x29c: {  	v11 =	vmul.f32 v11, v11;
	v3 =	vsub.f32 v54, v3;
	v40 =	vld.idx.msk [tilespmem:v40+s5+$0x0], $0xffff;
	v4 =	vadd.f32 v7, v4  }
0x29d: {  	v34 =	vsub.f32 v34, v59;
	v46 =	vadd.f32 v8, v46;
	v5 =	vld.idx.msk [tilespmem:v5+s5+$0x0], $0xffff  }
0x29e: {  	v8 =	vsub.f32 v26, v48;
	v10 =	vld.idx.msk [tilespmem:v10+s1+$0x0], $0xffff;
	v7 =	vmul.f32 v3, v3;
	v4 =	vadd.f32 v11, v4  }
0x29f: {  	v26 =	vsub.f32 v28, v52;
	v59 =	vsub.f32 v25, v55;
	v25 =	vld.idx.msk [tilespmem:v1+s5+$0x0], $0xffff  }
0x2a0: {  	v28 =	vld.idx.msk [tilespmem:v62+s5+$0x0], $0xffff;
	v13 =	vsub.f32 v47, v39;
	v4 =	vadd.f32 v7, v4;
	v7 =	vmul.f32 v35, v35  }
0x2a1: {  	v62 =	vsub.f32 v27, v44;
	v27 =	vld.idx.msk [tilespmem:v58+s5+$0x0], $0xffff  }
0x2a2: {  	v44 =	vmov v30;
	v30 =	vld.idx.msk [tilespmem:v51+s5+$0x0], $0xffff;
	v1 =	vmul.f32 v13, v13;
	v4 =	vadd.f32 v7, v4  }
0x2a3: {  	v39 =	vld.idx.msk [tilespmem:v2+s1+$0x0], $0xffff  }
0x2a4: {  	v1 =	vadd.f32 v1, v4;
	v4 =	vld [tilespmem:$0x1FF40]  }
0x2a5: {  	v2 =	vld [tilespmem:$0x1FF30]  }
0x2a6: {  	v3 =	vld [tilespmem:$0x1FF00]  }
0x2a7: {  	v35 =	vsub.f32 v27, v9;
	v27 =	vld.idx.msk [tilespmem:v15+s5+$0x0], $0xffff  }
0x2a8: {  	v14 =	vor.u32 v14, v24;
	v15 =	vld [tilespmem:$0x1FF60]  }
0x2a9: {  	s20 =	sadd.s32 $0x10, s20;
	v9 =	vor.u32 v4, v24;
	v4 =	vld [tilespmem:$0x1FF50]  }
0x2aa: {  	v37 =	vsub.f32 v37, v60;
	v60 =	vld [tilespmem:s20+$0x0]  }
0x2ab: {  	v47 =	vmul.f32 v34, v34;
	v34 =	vld.idx.msk [tilespmem:v50+s5+$0x0], $0xffff  }
0x2ac: {  	s16 =	sadd.s32 $0x10, s16;
	v16 =	vlaneseq.u32;
	v52 =	vsub.f32 v29, v57;
	v29 =	vld.idx.msk [tilespmem:v6+s5+$0x0], $0xffff  }
0x2ad: {  	v54 =	vor.u32 s16, v16;
	v2 =	vor.u32 v2, v24;
	v14 =	vld.idx.msk [tilespmem:v14+s1+$0x0], $0xffff  }
0x2ae: {  	v16 =	vor.u32 v3, v24;
	v15 =	vor.u32 v15, v24;
	v6 =	vor.u32 v4, v24;
	v24 =	vld [tilespmem:$0x1FEA0]  }
0x2af: {  	v13 =	vmul.f32 v37, v37;
	v37 =	vld.idx.msk [tilespmem:v49+s5+$0x0], $0xffff  }
0x2b0: {  	v7 =	vld.idx.msk [tilespmem:v42+s1+$0x0], $0xffff  }
0x2b1: {  	v49 =	vld.idx.msk [tilespmem:v31+s5+$0x0], $0xffff  }
0x2b2: {  	v11 =	vmul.f32 v26, v26;
	v26 =	vld.idx.msk [tilespmem:v20+s5+$0x0], $0xffff;
	v57 =	vmov v14;
	v14 =	vmul.f32 v45, v45  }
0x2b3: {  	v20 =	vmul.f32 v59, v59;
	v59 =	vld.idx.msk [tilespmem:v2+s1+$0x0], $0xffff;
	vm1 =	vlt.s32 v56, v24;
	v24 =	vshra.s32 v60, $0xE  }
0x2b4: {  	v1 =	vadd.f32 v14, v1;
	v14 =	vld.idx.msk [tilespmem:v43+s1+$0x0], $0xffff;
	v24 =	vsub.s32 v24, v23  }
0x2b5: {  	v31 =	vmul.f32 v61, v61;
	v7 =	vsub.f32 v40, v7;
	v55 =	vld.idx.msk [tilespmem:v15+s1+$0x0], $0xffff;
	vm2 =	vgt.s32 v24, $0x0  }
0x2b6: {  	v45 =	vsub.f32 v5, v10;
	v15 =	vld.idx.msk [tilespmem:v16+s1+$0x0], $0xffff;
	v1 =	vadd.f32 v47, v1;
	v24 =	vnsel vm2, $0x0, v24  }
0x2b7: {  	v4 =	vsub.f32 v30, v36;
	v30 =	vld.idx.msk [tilespmem:v63+s1+$0x0], $0xffff;
	v63 =	vshrl.u32 v60, $0x3;
	v2 =	vmin.u32 v24, $0x5FF  }
0x2b8: {  	v47 =	vld.idx.msk [tilespmem:v38+s5+$0x0], $0xffff;
	v1 =	vadd.f32 v13, v1;
	v36 =	vand.u32 $0x7FF, v63;
	v5 =	vshll.u32 v2, $0x3  }
0x2b9: {  	v61 =	vmovc v4;
	v4 =	vmul.f32 v7, v7;
	v7 =	vld [tilespmem:$0x1FEF0];
	v2 =	vand.u32 $0x7F, v2;
	v5 =	vand.u32 $0x3C00, v5  }
0x2ba: {  	v1 =	vadd.f32 v11, v1;
	v40 =	vor.u32 v2, v5;
	v5 =	vld [tilespmem:$0x1FF80]  }
0x2bb: {  	v56 =	vmov v54;
	v54 =	vld.idx.msk [tilespmem:v33+s5+$0x0], $0xffff  }
0x2bc: {  	v11 =	vshll.u32 v60, $0x4;
	v1 =	vadd.f32 v20, v1;
	v60 =	vld.idx.msk [tilespmem:v9+s1+$0x0], $0xffff  }
0x2bd: {  	v48 =	vmov v41;
	v41 =	vmul.f32 v52, v52;
	v52 =	vld.idx.msk [tilespmem:v6+s1+$0x0], $0xffff;
	[tilespmem:s1], [sflag:$0x2] =	stream.indirect_vreg.gather [spmem:s4], $0x80, v36, vm0, $0xb8;
	v24 =	vand.u32 $0x70, v11  }
0x2be: {  	v8 =	vmul.f32 v8, v8;
	v1 =	vadd.f32 v31, v1;
	v10 =	vor.u32 v17, v24;
	_ =	swait.ge [sflag:s31], $0x800  }
0x2bf: {  	v16 =	vor.u32 v5, v24;
	v5 =	vld [tilespmem:$0x1FF70]  }
0x2c0: {  	v13 =	vmul.f32 v62, v62;
	v12 =	vsub.f32 v12, v15;
	v1 =	vadd.f32 v8, v1  }
0x2c1: {  	v11 =	vsub.f32 v49, v30;
	v42 =	vor.u32 v7, v24;
	v2 =	vor.u32 v21, v24;
	[sflag:s31] =	ssyncset.done $0x0  }
0x2c2: {  	v7 =	vsub.f32 v32, v14;
	v8 =	vadd.f32 v41, v1;
	v14 =	vor.u32 $0x100, v40;
	[sflag:s31] =	ssyncadd.s32 $0xFFFFF800  }
0x2c3: {  	v43 =	vor.u32 v0, v24;
	v9 =	vor.u32 v19, v24;
	v63 =	vor.u32 v22, v24;
	v30 =	vld.idx.msk [tilespmem:v10+s1+$0x0], $0xffff  }
0x2c4: {  	p4 =	sne.s32 s21, $0x1;
	v8 =	vadd.f32 v13, v8;
	v13 =	vmul.f32 v12, v12;
	v10 =	vld [tilespmem:$0x1FF20];
	v20 =	vor.u32 v5, v24  }
.Ltmp20:
0x2c5: {  	v6 =	vor.u32 $0x80, v40;
	v31 =	vor.u32 $0x180, v40;
	v33 =	vor.u32 $0x200, v40;
	(pc) =	sbr.rel @p4 .LBB2_31-.Ltmp20, $4  }
0x2c6: {  	v3 =	vmovc v53;
	v58 =	vor.u32 $0x280, v40;
	v38 =	vor.u32 $0x300, v40;
	v50 =	vadd.s32 $0x3000, v40;
	v53 =	vld.idx.msk [tilespmem:v2+s1+$0x0], $0xffff  }
0x2c7: {  	v49 =	vadd.s32 $0x3080, v40;
	v62 =	vadd.s32 $0x3100, v40;
	v1 =	vadd.s32 $0x3180, v40;
	v32 =	vld.idx.msk [tilespmem:v14+s5+$0x0], $0xffff  }
0x2c8: {  	v51 =	vadd.s32 $0x3200, v40;
	v8 =	vnsel vm1, $0x0, v8;
	v2 =	vor.u32 v18, v24;
	v41 =	vld.idx.msk [tilespmem:v16+s1+$0x0], $0xffff  }
0x2c9: {  	s21 =	sadd.s32 $0xFFFFFFFF, s21;
	v10 =	vor.u32 v10, v24;
	v5 =	vor.u32 $0x380, v40;
	v36 =	vld.idx.msk [tilespmem:v20+s1+$0x0], $0xffff;
	v20 =	vadd.s32 $0x3280, v40  }
0x2ca: {  	[tilespmem:$0x1FE80] =	vst v61;
	v61 =	vld [tilespmem:$0x1FFD0]  }
0x2cb: {  	v14 =	vmov v57;
	v57 =	vmov v19;
	v19 =	vld [tilespmem:$0x1FEF0]  }
0x2cc: {  	v12 =	vmovc v3;
	[tilespmem:$0x1FE60] =	vst v48;
	v23 =	vmov v44;
	v44 =	vmov v17;
	v3 =	vmov v21;
	v17 =	vld [tilespmem:$0x1FF00]  }
0x2cd: {  	[tilespmem:$0x1FE90] =	vst v56;
	v48 =	vmovc v0;
	v56 =	vld [tilespmem:$0x1FEC0];
	v0 =	vlaneseq.u32;
	v21 =	vmov v14;
	v18 =	vmov v3  }
.LBB2_33:
0x2ce: {  	_ =	sdelay $0x3  }
0x2cf: {  	v6 =	vld.idx.msk [tilespmem:v6+s5+$0x0], $0xffff  }
0x2d0: {  	v14 =	vld.idx.msk [tilespmem:v40+s5+$0x0], $0xffff  }
0x2d1: {  	v15 =	vld.idx.msk [tilespmem:v42+s1+$0x0], $0xffff  }
0x2d2: {  	v16 =	vld.idx.msk [tilespmem:v43+s1+$0x0], $0xffff;
	v3 =	vor.u32 v17, v24  }
0x2d3: {  	v4 =	vadd.f32 @p2 v13, v4;
	v13 =	vld.idx.msk [tilespmem:v63+s1+$0x0], $0xffff  }
0x2d4: {  	v31 =	vld.idx.msk [tilespmem:v31+s5+$0x0], $0xffff  }
0x2d5: {  	v7 =	vmul.f32 @p2 v7, v7;
	v12 =	vsub.f32 @p2 v54, v12;
	v54 =	vld.idx.msk [tilespmem:v9+s1+$0x0], $0xffff  }
0x2d6: {  	v2 =	vld.idx.msk [tilespmem:v2+s1+$0x0], $0xffff  }
0x2d7: {  	v4 =	vadd.f32 @p2 v7, v4;
	v7 =	vmul.f32 @p2 v11, v11;
	v3 =	vld.idx.msk [tilespmem:v3+s1+$0x0], $0xffff  }
0x2d8: {  	v37 =	vsub.f32 @p2 v37, v60;
	v60 =	vld [tilespmem:$0x1FF40]  }
0x2d9: {  	v34 =	vsub.f32 @p2 v34, v59;
	v59 =	vld [tilespmem:$0x1FF30];
	v4 =	vadd.f32 @p2 v7, v4;
	v7 =	vmul.f32 @p2 v12, v12  }
0x2da: {  	v5 =	vld.idx.msk [tilespmem:v5+s5+$0x0], $0xffff  }
0x2db: {  	v12 =	vld.idx.msk [tilespmem:v33+s5+$0x0], $0xffff;
	v33 =	vsub.f32 v31, v13;
	v13 =	vmul.f32 @p2 v35, v35;
	v4 =	vadd.f32 @p2 v7, v4  }
0x2dc: {  	v10 =	vld.idx.msk [tilespmem:v10+s1+$0x0], $0xffff;
	v43 =	vsub.f32 v14, v15;
	v3 =	vsub.f32 v6, v3  }
0x2dd: {  	v63 =	vld [tilespmem:$0x1FF50];
	v4 =	vadd.f32 @p2 v13, v4;
	v13 =	vor.u32 v60, v24  }
0x2de: {  	v14 =	vsub.f32 v32, v16;
	v15 =	vld.idx.msk [tilespmem:v58+s5+$0x0], $0xffff;
	v11 =	vmul.f32 v43, v43;
	v3 =	vmul.f32 v3, v3  }
0x2df: {  	v9 =	vsub.f32 @p2 v47, v39;
	v42 =	vld.idx.msk [tilespmem:v49+s5+$0x0], $0xffff;
	v35 =	vor.u32 v59, v24  }
0x2e0: {  	v16 =	vld.idx.msk [tilespmem:v38+s5+$0x0], $0xffff;
	v14 =	vmul.f32 v14, v14;
	v3 =	vadd.f32 v3, v11  }
0x2e1: {  	v9 =	vmul.f32 @p2 v9, v9;
	v58 =	vld [tilespmem:$0x1FF60]  }
0x2e2: {  	v7 =	vmul.f32 v33, v33;
	v12 =	vsub.f32 v12, v53;
	v13 =	vld.idx.msk [tilespmem:v13+s1+$0x0], $0xffff;
	v3 =	vadd.f32 v14, v3  }
0x2e3: {  	v38 =	vld.idx.msk [tilespmem:v50+s5+$0x0], $0xffff;
	v39 =	vor.u32 v63, v24;
	v4 =	vadd.f32 @p2 v9, v4;
	v6 =	vsub.f32 v15, v54  }
0x2e4: {  	v12 =	vmul.f32 v12, v12;
	v11 =	vld.idx.msk [tilespmem:v35+s1+$0x0], $0xffff;
	v14 =	vmul.f32 @p2 v45, v45;
	v3 =	vadd.f32 v7, v3  }
0x2e5: {  	v5 =	vsub.f32 v5, v10;
	v2 =	vsub.f32 v16, v2;
	v6 =	vmul.f32 v6, v6  }
0x2e6: {  	v1 =	vld.idx.msk [tilespmem:v1+s5+$0x0], $0xffff;
	v4 =	vadd.f32 @p2 v14, v4;
	v14 =	vmul.f32 @p2 v34, v34;
	v3 =	vadd.f32 v12, v3  }
0x2e7: {  	v16 =	vld.idx.msk [tilespmem:v62+s5+$0x0], $0xffff;
	v2 =	vmul.f32 v2, v2;
	v47 =	vsub.f32 v42, v13;
	v12 =	vor.u32 v58, v24  }
0x2e8: {  	v13 =	vld [tilespmem:$0x1FE60];
	v4 =	vadd.f32 @p2 v14, v4;
	v14 =	vmul.f32 @p2 v37, v37;
	v3 =	vadd.f32 v6, v3  }
0x2e9: {  	v43 =	vld.idx.msk [tilespmem:v39+s1+$0x0], $0xffff;
	v15 =	vsub.f32 @p2 v28, v52;
	v45 =	vsub.f32 v38, v11  }
0x2ea: {  	v4 =	vadd.f32 @p2 v14, v4;
	v14 =	vld [tilespmem:$0x1FE80];
	v2 =	vadd.f32 v2, v3;
	v3 =	vmul.f32 v5, v5  }
0x2eb: {  	v49 =	vor.u32 v61, v24;
	v50 =	vld.idx.msk [tilespmem:v51+s5+$0x0], $0xffff;
	v9 =	vsub.f32 @p2 v25, v55;
	v11 =	vmul.f32 @p2 v15, v15  }
0x2ec: {  	v51 =	vadd.s32 $0x3380, v40;
	v10 =	vmul.f32 v45, v45;
	v12 =	vld.idx.msk [tilespmem:v12+s1+$0x0], $0xffff;
	v2 =	vadd.f32 v3, v2  }
0x2ed: {  	v9 =	vmul.f32 @p2 v9, v9;
	v13 =	vsub.f32 @p2 v26, v13;
	v4 =	vadd.f32 @p2 v11, v4  }
0x2ee: {  	v6 =	vsub.f32 v16, v43;
	v5 =	vmul.f32 v47, v47;
	v2 =	vadd.f32 v10, v2  }
0x2ef: {  	v3 =	vadd.s32 $0x3300, v40;
	v4 =	vadd.f32 @p2 v9, v4;
	v14 =	vmul.f32 @p2 v14, v14  }
0x2f0: {  	v7 =	vsub.f32 @p2 v29, v21;
	v6 =	vmul.f32 v6, v6;
	v2 =	vadd.f32 v5, v2  }
0x2f1: {  	v52 =	vld.idx.msk [tilespmem:v20+s5+$0x0], $0xffff;
	v4 =	vadd.f32 @p2 v14, v4;
	v1 =	vsub.f32 v1, v12;
	v12 =	vmul.f32 @p2 v13, v13  }
0x2f2: {  	v2 =	vadd.f32 v6, v2  }
0x2f3: {  	v53 =	vld.idx.msk [tilespmem:v49+s1+$0x0], $0xffff;
	v7 =	vmul.f32 @p2 v7, v7;
	v6 =	vsub.f32 @p2 v27, v23;
	v4 =	vadd.f32 @p2 v12, v4  }
0x2f4: {  	v11 =	vsub.f32 v50, v36;
	v3 =	vld.idx.msk [tilespmem:v3+s5+$0x0], $0xffff  }
0x2f5: {  	v10 =	vld.idx.msk [tilespmem:v51+s5+$0x0], $0xffff;
	v1 =	vmul.f32 v1, v1;
	v4 =	vadd.f32 @p2 v7, v4;
	v6 =	vmul.f32 @p2 v6, v6  }
0x2f6: {  	v9 =	vsub.f32 v52, v41;
	v7 =	vld [tilespmem:$0x1FE90]  }
0x2f7: {  	v1 =	vadd.f32 v1, v2;
	v2 =	vmul.f32 v11, v11;
	v4 =	vadd.f32 @p2 v6, v4;
	v6 =	vld [tilespmem:$0x1FEA0];
	_ =	sdelay $0x1  }
0x2f8: {  	v62 =	vld [tilespmem:$0x1FEB0];
	v3 =	vsub.f32 v3, v53;
	v1 =	vadd.f32 v2, v1;
	v2 =	vmul.f32 v9, v9;
	_ =	sdelay $0x1  }
0x2f9: {  	v54 =	vsub.f32 v10, v30;
	v1 =	vadd.f32 v2, v1;
	v2 =	vmul.f32 v3, v3  }
0x2fa: {  	v3 =	vadd.f32 @p3 v8, v46;
	vm1 =	vlt.s32 @p2 v7, v6  }
0x2fb: {  	s8 =	sadd.s32 @p2 $0x10, s16;
	v55 =	vmul.f32 v54, v54;
	v1 =	vadd.f32 v2, v1;
	v2 =	vnsel @p2 vm1, $0x0, v4  }
0x2fc: {  	s15 =	smov.u32 @p2 s8;
	v3 =	vpsel p3, v3, v62;
	v2 =	vpsel p2, v2, v0  }
0x2fd: {  	v1 =	vadd.f32 v55, v1;
	v2 =	vadd.f32 @p2 v2, v3;
	v3 =	vor.u32 s15, v0  }
0x2fe: {  	vm1 =	vlt.s32 v3, v6  }
0x2ff: {  	v45 =	vld [tilespmem:$0x1FF20];
	v2 =	vpsel p2, v2, v62;
	v1 =	vnsel vm1, $0x0, v1  }
0x300: {  	v46 =	vld [tilespmem:$0x1FF80];
	v15 =	vadd.f32 v1, v2  }
0x301: {  	v62 =	vld [tilespmem:$0x1FF70]  }
.LBB2_34:
0x302: {  	s8 =	sadd.s32 s12, s18  }
0x303: {  	s8 =	smul.u32 $0x600, s8;
	_ =	sdelay $0x1  }
0x304: {  	s8 =	smin.u32 s8, $0xF3C00  }
.Ltmp21:
0x305: {  	s8 =	sadd.s32 s0, s8;
	(pc) =	sbr.rel @p1 .LBB2_51-.Ltmp21, $4  }
0x306: {  	[tilespmem:s5], [sflag:$0x1] =	stream.strided.gather [hbm4b:s8+s25], $0x6000, s26, s25, $0x38;
	[tilespmem:$0x1FD80] =	vst v63  }
0x307: {  	_ =	swait.ge [sflag:s3], $0x6000  }
0x308: {  	[sflag:s3] =	ssyncset.done $0x0  }
0x309: {  	[sflag:s3] =	ssyncadd.s32 $0xFFFFA000  }
0x30a: {  	p3 =	sne.s32 s9, $0x1  }
.Ltmp22:
0x30b: {  	_ = 	snop;
	(pc) =	sbr.rel @!p3 .LBB2_36-.Ltmp22, $3  }
0x30c: {  	_ =	sdelay $0x1  }
0x30d: {  	s8 =	sadd.s32 $0xC00, s13;
	s15 =	simm.s32 $0x12000  }
0x30e: {  	v23 =	vmov s14;
	s13 =	simm.s32 $0x0;
	s14 =	sadd.s32 $0xFFFFFFFF, s9;
	p2 =	por $0x0, $0x0;
	v2 =	vmov s8;
	v1 =	vld [tilespmem:s15+$0x0]  }
0x30f: {  	_ =	sdelay $0x3  }
0x310: {  	v4 =	vor.u32 s13, v0;
	v3 =	vshra.s32 v1, $0xE  }
0x311: {  	vm1 =	vlt.s32 v4, v56;
	vm2 =	vlt.s32 v3, v2  }
0x312: {  	vm3 =	vge.s32 v3, v23;
	vm1 =	vmand vm2, vm1  }
0x313: {  	vm1 =	vmand vm1, vm3  }
0x314: {  	v3 =	vmpcnt.ones.xlane vm1;
	_ =	sdelay $0x1  }
0x315: {  	p3 =	sne.s32 s14, $0x1;
	(v2sf) =	vpush v3, $0x0  }
.Ltmp23:
0x316: {  	_ = 	snop;
	(pc) =	sbr.rel @!p3 .LBB2_38-.Ltmp23, $3  }
0x317: {  	_ =	sdelay $0x1  }
0x318: {  	s16 =	simm.s32 $0x12010;
	s20 =	sadd.s32 $0xFFFFFFFF, s14;
	[tilespmem:s13+$0x16080] =	vst.msk vm1, v1  }
0x319: {  	p2 =	por $0x1, $0x1;
	s15 =	simm.s32 $0x0;
	s14 =	simm.s32 $0x0;
	v1 =	vld [tilespmem:s16+$0x0]  }
.LBB2_39:
0x31a: {  	p3 =	sne.s32 s20, $0x1;
	_ =	sdelay $0x2  }
0x31b: {  	s15 =	sadd.s32 $0x10, s15  }
0x31c: {  	v4 =	vor.u32 s15, v0;
	v3 =	vshra.s32 v1, $0xE  }
0x31d: {  	vm1 =	vlt.s32 v4, v56;
	vm2 =	vlt.s32 v3, v2  }
0x31e: {  	vm3 =	vge.s32 v3, v23;
	vm1 =	vmand vm2, vm1  }
0x31f: {  	vm1 =	vmand vm1, vm3  }
0x320: {  	v3 =	vmpcnt.ones.xlane vm1  }
0x321: {  	s8 =	spop (v2sf)  }
0x322: {  	(v2sf) =	vpush v3, $0x0;
	s14 =	sadd.s32 s14, s8  }
.Ltmp24:
0x323: {  	[tilespmem:s14+$0x16080] =	vst.msk vm1, v1;
	(pc) =	sbr.rel @p3 .LBB2_39-.Ltmp24, $3  }
0x324: {  	_ =	sdelay $0x1  }
0x325: {  	s16 =	sadd.s32 $0x10, s16  }
0x326: {  	s20 =	sadd.s32 $0xFFFFFFFF, s20;
	v1 =	vld [tilespmem:s16+$0x0]  }
.LBB2_40:
0x327: {  	_ =	sdelay $0x1  }
0x328: {  	s8 =	sadd.s32 @p2 $0x10, s15;
	s15 =	simm.s32 $0x0  }
0x329: {  	s15 =	smov.u32 @p2 s8  }
0x32a: {  	v4 =	vor.u32 s15, v0;
	v3 =	vshra.s32 v1, $0xE  }
0x32b: {  	vm1 =	vlt.s32 v4, v56;
	vm2 =	vlt.s32 v3, v2  }
0x32c: {  	vm3 =	vge.s32 v3, v23;
	vm1 =	vmand vm2, vm1  }
0x32d: {  	vm1 =	vmand vm1, vm3  }
0x32e: {  	v2 =	vmpcnt.ones.xlane vm1;
	_ =	sdelay $0x1  }
0x32f: {  	(v2sf) =	vpush v2, $0x0;
	_ =	sdelay $0xc  }
0x330: {  	s8 =	spop @p2 (v2sf)  }
0x331: {  	s8 =	sadd.s32 @p2 s14, s8  }
0x332: {  	s13 =	smov.u32 @p2 s8;
	s22 =	spop (v2sf)  }
0x333: {  	s15 =	sadd.s32 s13, s22  }
0x334: {  	s8 =	sadd.s32 $0xF, s15  }
0x335: {  	s14 =	sshra.s32 s8, $0x4  }
0x336: {  	p2 =	slt.s32 s14, $0x1  }
.Ltmp25:
0x337: {  	_ = 	snop;
	(pc) =	sbr.rel @p2 .LBB2_41-.Ltmp25, $2  }
0x338: {  	_ =	sdelay $0x2  }
0x339: {  	[tilespmem:s13+$0x16080] =	vst.msk vm1, v1  }
0x33a: {  	s8 =	simm.s32 $0x16080  }
0x33b: {  	v1 =	vld [tilespmem:s8+$0x0];
	_ =	sdelay $0x4  }
0x33c: {  	v2 =	vshra.s32 v1, $0xE  }
0x33d: {  	v2 =	vsub.s32 v2, v23  }
0x33e: {  	vm1 =	vgt.s32 v2, $0x0  }
0x33f: {  	v3 =	vshrl.u32 v1, $0x3;
	v2 =	vnsel vm1, $0x0, v2  }
0x340: {  	v1 =	vshll.u32 v1, $0x4;
	v3 =	vand.u32 $0x7FF, v3;
	v2 =	vmin.u32 v2, $0x5FF  }
0x341: {  	v24 =	vand.u32 $0x70, v1;
	v1 =	vshll.u32 v2, $0x3  }
0x342: {  	v2 =	vand.u32 $0x7F, v2;
	v1 =	vand.u32 $0x3C00, v1  }
0x343: {  	v40 =	vor.u32 v2, v1  }
0x344: {  	v2 =	vor.u32 $0x100, v40  }
0x345: {  	[tilespmem:s1], [sflag:$0x2] =	stream.indirect_vreg.gather [spmem:s4], $0x80, v3, vm0, $0xb8;
	[tilespmem:$0x1FD80] =	vst v63  }
0x346: {  	_ =	swait.ge [sflag:s31], $0x800  }
0x347: {  	v4 =	vor.u32 v44, v24;
	[sflag:s31] =	ssyncset.done $0x0  }
0x348: {  	v53 =	vmov v18;
	v18 =	vmov v46;
	v3 =	vor.u32 v46, v24;
	[sflag:s31] =	ssyncadd.s32 $0xFFFFF800  }
0x349: {  	v7 =	vor.u32 v53, v24;
	v43 =	vor.u32 v48, v24;
	v9 =	vor.u32 v57, v24;
	v32 =	vld.idx.msk [tilespmem:v2+s28+$0x0], $0xffff  }
0x34a: {  	p4 =	sne.s32 s14, $0x1;
	v10 =	vor.u32 v45, v24;
	v63 =	vor.u32 v22, v24;
	v46 =	vmovc v19;
	v1 =	vor.u32 v62, v24;
	v2 =	vld [tilespmem:$0x1FEE0]  }
.Ltmp26:
0x34b: {  	v19 =	vmov s15;
	v42 =	vor.u32 v46, v24;
	v6 =	vor.u32 $0x80, v40;
	(pc) =	sbr.rel @!p4 .LBB2_43-.Ltmp26, $4  }
0x34c: {  	v31 =	vor.u32 $0x180, v40;
	v33 =	vor.u32 $0x200, v40;
	v58 =	vor.u32 $0x280, v40;
	v30 =	vld.idx.msk [tilespmem:v4+s1+$0x0], $0xffff  }
0x34d: {  	v38 =	vor.u32 $0x300, v40;
	v5 =	vor.u32 $0x380, v40;
	v50 =	vadd.s32 $0x3000, v40;
	v41 =	vld.idx.msk [tilespmem:v3+s1+$0x0], $0xffff  }
0x34e: {  	s13 =	simm.s32 $0x0;
	v49 =	vadd.s32 $0x3080, v40;
	v62 =	vadd.s32 $0x3100, v40;
	v51 =	vadd.s32 $0x3200, v40;
	v3 =	vld.idx.msk [tilespmem:v7+s1+$0x0], $0xffff  }
0x34f: {  	s14 =	sadd.s32 $0xFFFFFFFF, s14;
	p2 =	por $0x0, $0x0;
	p3 =	por $0x0, $0x0;
	v20 =	vadd.s32 $0x3280, v40;
	[tilespmem:$0x1FEB0] =	vst v15;
	v36 =	vld.idx.msk [tilespmem:v1+s1+$0x0], $0xffff;
	v1 =	vadd.s32 $0x3180, v40;
	v2 =	vor.u32 v2, v24  }
0x350: {  	_ =	sdelay $0x3  }
0x351: {  	v8 =	vld.idx.msk [tilespmem:v6+s28+$0x0], $0xffff  }
0x352: {  	v6 =	vld.idx.msk [tilespmem:v9+s1+$0x0], $0xffff  }
0x353: {  	v7 =	vld.idx.msk [tilespmem:v40+s28+$0x0], $0xffff  }
0x354: {  	v5 =	vld.idx.msk [tilespmem:v5+s28+$0x0], $0xffff  }
0x355: {  	v9 =	vld.idx.msk [tilespmem:v10+s1+$0x0], $0xffff  }
0x356: {  	v25 =	vld.idx.msk [tilespmem:v1+s28+$0x0], $0xffff  }
0x357: {  	v28 =	vld.idx.msk [tilespmem:v62+s28+$0x0], $0xffff  }
0x358: {  	v26 =	vld.idx.msk [tilespmem:v20+s28+$0x0], $0xffff  }
0x359: {  	v4 =	vor.u32 v61, v24;
	v11 =	vld.idx.msk [tilespmem:v51+s28+$0x0], $0xffff  }
0x35a: {  	v13 =	vld.idx.msk [tilespmem:v42+s1+$0x0], $0xffff  }
0x35b: {  	v34 =	vld.idx.msk [tilespmem:v50+s28+$0x0], $0xffff  }
0x35c: {  	v37 =	vld.idx.msk [tilespmem:v49+s28+$0x0], $0xffff  }
0x35d: {  	v39 =	vld.idx.msk [tilespmem:v2+s1+$0x0], $0xffff  }
0x35e: {  	v4 =	vld.idx.msk [tilespmem:v4+s1+$0x0], $0xffff  }
0x35f: {  	v14 =	vld.idx.msk [tilespmem:v63+s1+$0x0], $0xffff  }
0x360: {  	v15 =	vld [tilespmem:$0x1FF50]  }
0x361: {  	s8 =	simm.s32 $0x16090;
	v12 =	vadd.s32 $0x3380, v40;
	v20 =	vld [tilespmem:$0x1FF60]  }
0x362: {  	v1 =	vld [tilespmem:s8+$0x0]  }
0x363: {  	v10 =	vadd.s32 $0x3300, v40;
	[tilespmem:$0x1FE40] =	vst v4;
	v4 =	vld.idx.msk [tilespmem:v58+s28+$0x0], $0xffff  }
0x364: {  	v47 =	vld.idx.msk [tilespmem:v38+s28+$0x0], $0xffff  }
0x365: {  	v2 =	vor.u32 v59, v24;
	v54 =	vld.idx.msk [tilespmem:v33+s28+$0x0], $0xffff  }
0x366: {  	v27 =	vld.idx.msk [tilespmem:v12+s28+$0x0], $0xffff;
	v12 =	vor.u32 v60, v24  }
0x367: {  	v50 =	vld.idx.msk [tilespmem:v31+s28+$0x0], $0xffff;
	v15 =	vor.u32 v15, v24  }
0x368: {  	v29 =	vld.idx.msk [tilespmem:v10+s28+$0x0], $0xffff;
	v20 =	vor.u32 v20, v24;
	v35 =	vsub.f32 v4, v6;
	v4 =	vshrl.u32 v1, $0x3  }
0x369: {  	v16 =	vor.u32 v17, v24;
	v10 =	vld.idx.msk [tilespmem:v43+s1+$0x0], $0xffff;
	v7 =	vsub.f32 v7, v13;
	v13 =	vand.u32 $0x7FF, v4  }
0x36a: {  	v59 =	vld.idx.msk [tilespmem:v2+s1+$0x0], $0xffff  }
0x36b: {  	v60 =	vld.idx.msk [tilespmem:v12+s1+$0x0], $0xffff  }
0x36c: {  	v2 =	vsub.f32 v11, v36;
	v52 =	vld.idx.msk [tilespmem:v15+s1+$0x0], $0xffff  }
0x36d: {  	[tilespmem:$0x1FE30] =	vst v19;
	v55 =	vld.idx.msk [tilespmem:v20+s1+$0x0], $0xffff  }
0x36e: {  	[tilespmem:$0x1FE50] =	vst v2;
	v12 =	vld.idx.msk [tilespmem:v16+s1+$0x0], $0xffff;
	[tilespmem:s1], [sflag:$0x2] =	stream.indirect_vreg.gather [spmem:s4], $0x80, v13, vm0, $0xb8  }
0x36f: {  	v61 =	vld [tilespmem:$0x1FEE0];
	_ =	swait.ge [sflag:s31], $0x800  }
0x370: {  	v45 =	vsub.f32 v5, v9;
	v5 =	vld [tilespmem:$0x1FF70];
	_ =	sdelay $0x1  }
0x371: {  	v24 =	vshra.s32 v1, $0xE  }
0x372: {  	v6 =	vsub.s32 v24, v23;
	v1 =	vshll.u32 v1, $0x4  }
0x373: {  	vm1 =	vgt.s32 v6, $0x0;
	v4 =	vmul.f32 v7, v7;
	v24 =	vand.u32 $0x70, v1  }
0x374: {  	v7 =	vsub.f32 v32, v10;
	v2 =	vnsel vm1, $0x0, v6;
	v10 =	vor.u32 v5, v24  }
0x375: {  	v2 =	vmin.u32 v2, $0x5FF  }
0x376: {  	v21 =	vmovc v44;
	v11 =	vsub.f32 v50, v14;
	v15 =	vor.u32 s13, v0;
	v1 =	vshll.u32 v2, $0x3  }
0x377: {  	v9 =	vor.u32 v21, v24;
	v2 =	vand.u32 $0x7F, v2;
	v1 =	vand.u32 $0x3C00, v1;
	[sflag:s31] =	ssyncset.done $0x0  }
0x378: {  	v8 =	vsub.f32 v8, v12;
	v40 =	vor.u32 v2, v1;
	v1 =	vor.u32 v18, v24;
	[sflag:s31] =	ssyncadd.s32 $0xFFFFF800  }
0x379: {  	v42 =	vor.u32 v46, v24;
	v43 =	vor.u32 v48, v24;
	v2 =	vor.u32 v53, v24;
	v36 =	vld.idx.msk [tilespmem:v10+s1+$0x0], $0xffff  }
0x37a: {  	p4 =	sne.s32 s14, $0x1;
	v63 =	vor.u32 v22, v24;
	v6 =	vor.u32 $0x80, v40;
	v13 =	vor.u32 $0x100, v40;
	v10 =	vld [tilespmem:$0x1FF20]  }
.Ltmp27:
0x37b: {  	v31 =	vor.u32 $0x180, v40;
	v33 =	vor.u32 $0x200, v40;
	v58 =	vor.u32 $0x280, v40;
	(pc) =	sbr.rel @!p4 .LBB2_45-.Ltmp27, $4  }
0x37c: {  	v38 =	vor.u32 $0x300, v40;
	v50 =	vadd.s32 $0x3000, v40;
	v49 =	vadd.s32 $0x3080, v40;
	v44 =	vld.idx.msk [tilespmem:v9+s1+$0x0], $0xffff  }
0x37d: {  	v19 =	vmovc v48;
	v62 =	vadd.s32 $0x3100, v40;
	v51 =	vadd.s32 $0x3200, v40;
	v20 =	vadd.s32 $0x3280, v40;
	v48 =	vld.idx.msk [tilespmem:v1+s1+$0x0], $0xffff  }
0x37e: {  	v9 =	vor.u32 v57, v24;
	v1 =	vadd.s32 $0x3180, v40;
	v53 =	vld.idx.msk [tilespmem:v2+s1+$0x0], $0xffff;
	v2 =	vor.u32 v61, v24  }
0x37f: {  	s16 =	sadd.s32 $0xFFFFFFFF, s14;
	p2 =	por $0x1, $0x1;
	v32 =	vld.idx.msk [tilespmem:v13+s28+$0x0], $0xffff;
	v13 =	vmul.f32 v8, v8;
	v5 =	vor.u32 $0x380, v40;
	v10 =	vor.u32 v10, v24  }
0x380: {  	_ =	sdelay $0x3  }
0x381: {  	v6 =	vld.idx.msk [tilespmem:v6+s28+$0x0], $0xffff  }
0x382: {  	v61 =	vld [tilespmem:$0x1FFD0]  }
0x383: {  	v9 =	vld.idx.msk [tilespmem:v9+s1+$0x0], $0xffff  }
0x384: {  	v12 =	vld.idx.msk [tilespmem:v40+s28+$0x0], $0xffff  }
0x385: {  	v5 =	vld.idx.msk [tilespmem:v5+s28+$0x0], $0xffff  }
0x386: {  	v10 =	vld.idx.msk [tilespmem:v10+s1+$0x0], $0xffff  }
0x387: {  	v7 =	vmul.f32 v7, v7;
	v16 =	vld.idx.msk [tilespmem:v58+s28+$0x0], $0xffff;
	v4 =	vadd.f32 v13, v4  }
0x388: {  	v3 =	vsub.f32 v54, v3;
	v11 =	vmul.f32 v11, v11;
	v54 =	vld.idx.msk [tilespmem:v33+s28+$0x0], $0xffff;
	v13 =	vsub.f32 v47, v39  }
0x389: {  	v47 =	vmov v15;
	v15 =	vsub.f32 v34, v59;
	v59 =	vld.idx.msk [tilespmem:v42+s1+$0x0], $0xffff;
	v4 =	vadd.f32 v7, v4  }
0x38a: {  	v34 =	vld.idx.msk [tilespmem:v50+s28+$0x0], $0xffff  }
0x38b: {  	v39 =	vld.idx.msk [tilespmem:v2+s1+$0x0], $0xffff;
	v3 =	vmul.f32 v3, v3;
	v4 =	vadd.f32 v11, v4  }
0x38c: {  	v18 =	vmov v46;
	v46 =	vor.u32 v17, v24;
	v50 =	vld.idx.msk [tilespmem:v31+s28+$0x0], $0xffff  }
0x38d: {  	s15 =	simm.s32 $0x160A0;
	v17 =	vld [tilespmem:$0x1FEE0];
	[tilespmem:$0x1FE10] =	vst v6;
	v6 =	vor.u32 v61, v24;
	v3 =	vadd.f32 v3, v4;
	v4 =	vmul.f32 v35, v35  }
0x38e: {  	v7 =	vld [tilespmem:s15+$0x0];
	v13 =	vmul.f32 v13, v13  }
0x38f: {  	v11 =	vsub.f32 v26, v41;
	v26 =	vld.idx.msk [tilespmem:v20+s28+$0x0], $0xffff;
	v3 =	vadd.f32 v4, v3;
	v4 =	vadd.s32 $0x3380, v40  }
0x390: {  	v35 =	vsub.f32 v16, v9;
	v9 =	vld [tilespmem:$0x1FF40]  }
0x391: {  	v14 =	vadd.s32 $0x3300, v40;
	v42 =	vmul.f32 v45, v45;
	v3 =	vadd.f32 v13, v3;
	v13 =	vld [tilespmem:$0x1FE40]  }
0x392: {  	v8 =	vmov v57;
	v57 =	vld.idx.msk [tilespmem:v6+s1+$0x0], $0xffff  }
0x393: {  	v2 =	vadd.f32 v42, v3;
	v3 =	vmul.f32 v11, v11;
	v11 =	vld [tilespmem:$0x1FF30]  }
0x394: {  	v30 =	vsub.f32 v27, v30;
	v27 =	vld.idx.msk [tilespmem:v4+s28+$0x0], $0xffff  }
0x395: {  	v4 =	vld [tilespmem:$0x1FF60]  }
0x396: {  	v15 =	vmul.f32 v15, v15;
	v20 =	vsub.f32 v37, v60;
	v13 =	vsub.f32 v29, v13;
	v29 =	vld.idx.msk [tilespmem:v14+s28+$0x0], $0xffff  }
0x397: {  	v6 =	vsub.f32 v25, v55;
	v14 =	vld [tilespmem:$0x1FF50]  }
0x398: {  	v20 =	vmul.f32 v20, v20;
	v25 =	vld.idx.msk [tilespmem:v1+s28+$0x0], $0xffff;
	v1 =	vsub.f32 v28, v52;
	v2 =	vadd.f32 v15, v2  }
0x399: {  	v37 =	vld.idx.msk [tilespmem:v49+s28+$0x0], $0xffff  }
0x39a: {  	v28 =	vld.idx.msk [tilespmem:v62+s28+$0x0], $0xffff;
	v1 =	vmul.f32 v1, v1;
	v9 =	vor.u32 v9, v24;
	v2 =	vadd.f32 v20, v2  }
0x39b: {  	v20 =	vmul.f32 v30, v30;
	v30 =	vshrl.u32 v7, $0x3;
	v16 =	vor.u32 v4, v24;
	v4 =	vld [tilespmem:$0x1FE30]  }
0x39c: {  	v62 =	vld.idx.msk [tilespmem:v51+s28+$0x0], $0xffff;
	v11 =	vor.u32 v11, v24;
	v14 =	vor.u32 v14, v24;
	v24 =	vshra.s32 v7, $0xE  }
0x39d: {  	v1 =	vadd.f32 v1, v2;
	v2 =	vshll.u32 v7, $0x4;
	v7 =	vld [tilespmem:$0x1FE50];
	v24 =	vsub.s32 v24, v23  }
0x39e: {  	v45 =	vsub.f32 v5, v10;
	v15 =	vld.idx.msk [tilespmem:v43+s1+$0x0], $0xffff;
	vm2 =	vgt.s32 v24, $0x0  }
0x39f: {  	v6 =	vmul.f32 v6, v6;
	v60 =	vld.idx.msk [tilespmem:v9+s1+$0x0], $0xffff;
	v30 =	vand.u32 $0x7FF, v30;
	v24 =	vnsel vm2, $0x0, v24  }
0x3a0: {  	vm1 =	vlt.s32 v47, v4;
	v4 =	vsub.f32 v12, v59;
	v12 =	vld.idx.msk [tilespmem:v63+s1+$0x0], $0xffff;
	v5 =	vmin.u32 v24, $0x5FF  }
0x3a1: {  	v1 =	vadd.f32 v6, v1;
	v47 =	vld.idx.msk [tilespmem:v38+s28+$0x0], $0xffff;
	v24 =	vand.u32 $0x70, v2;
	v2 =	vshll.u32 v5, $0x3  }
0x3a2: {  	v59 =	vld.idx.msk [tilespmem:v11+s1+$0x0], $0xffff;
	v7 =	vmul.f32 v7, v7;
	v5 =	vand.u32 $0x7F, v5;
	v2 =	vand.u32 $0x3C00, v2  }
0x3a3: {  	v40 =	vor.u32 v5, v2;
	v5 =	vld [tilespmem:$0x1FF80]  }
0x3a4: {  	v55 =	vld.idx.msk [tilespmem:v16+s1+$0x0], $0xffff;
	v1 =	vadd.f32 v7, v1  }
0x3a5: {  	v52 =	vld.idx.msk [tilespmem:v14+s1+$0x0], $0xffff  }
0x3a6: {  	v13 =	vmul.f32 v13, v13;
	v14 =	vld.idx.msk [tilespmem:v46+s1+$0x0], $0xffff;
	[tilespmem:s1], [sflag:$0x2] =	stream.indirect_vreg.gather [spmem:s4], $0x80, v30, vm0, $0xb8;
	v1 =	vadd.f32 v3, v1  }
0x3a7: {  	v51 =	vmov v21;
	v21 =	vld [tilespmem:$0x1FF10];
	_ =	swait.ge [sflag:s31], $0x800  }
0x3a8: {  	v10 =	vor.u32 v51, v24;
	v3 =	vadd.f32 v13, v1;
	v16 =	vor.u32 v5, v24;
	v5 =	vld [tilespmem:$0x1FF70];
	_ =	sdelay $0x1  }
0x3a9: {  	v11 =	vsub.f32 v50, v12;
	v12 =	vadd.f32 v20, v3;
	v3 =	vld [tilespmem:$0x1FF20]  }
0x3aa: {  	v7 =	vsub.f32 v32, v15;
	v15 =	vor.u32 $0x100, v40;
	[sflag:s31] =	ssyncset.done $0x0  }
0x3ab: {  	s14 =	simm.s32 $0x10;
	[sflag:s31] =	ssyncadd.s32 $0xFFFFF800  }
0x3ac: {  	v56 =	vor.u32 s14, v0;
	v30 =	vld.idx.msk [tilespmem:v10+s1+$0x0], $0xffff;
	v46 =	vor.u32 v5, v24  }
0x3ad: {  	v61 =	vsub.f32 v62, v36;
	v4 =	vmul.f32 v4, v4;
	v42 =	vor.u32 v18, v24;
	v1 =	vld [tilespmem:$0x1FE10]  }
0x3ae: {  	v43 =	vor.u32 v19, v24;
	v2 =	vor.u32 v21, v24;
	v10 =	vor.u32 v3, v24;
	v3 =	vld [tilespmem:$0x1FFF0]  }
0x3af: {  	p4 =	sne.s32 s16, $0x1;
	v9 =	vor.u32 v8, v24;
	v6 =	vor.u32 $0x80, v40;
	v31 =	vor.u32 $0x180, v40;
	v32 =	vld.idx.msk [tilespmem:v15+s28+$0x0], $0xffff  }
.Ltmp28:
0x3b0: {  	v33 =	vor.u32 $0x200, v40;
	v58 =	vor.u32 $0x280, v40;
	v38 =	vor.u32 $0x300, v40;
	v41 =	vld.idx.msk [tilespmem:v16+s1+$0x0], $0xffff;
	(pc) =	sbr.rel @!p4 .LBB2_47-.Ltmp28, $4  }
0x3b1: {  	v50 =	vadd.s32 $0x3000, v40;
	v49 =	vadd.s32 $0x3080, v40;
	v62 =	vadd.s32 $0x3100, v40;
	v36 =	vld.idx.msk [tilespmem:v46+s1+$0x0], $0xffff  }
0x3b2: {  	v18 =	vmovc v8;
	v51 =	vadd.s32 $0x3200, v40;
	v20 =	vadd.s32 $0x3280, v40;
	v8 =	vsub.f32 v1, v14;
	v46 =	vld [tilespmem:$0x1FEB0]  }
0x3b3: {  	v21 =	vmovc v19;
	v1 =	vadd.s32 $0x3180, v40;
	v5 =	vor.u32 $0x380, v40;
	v19 =	vmovc v3;
	v63 =	vor.u32 v3, v24;
	v3 =	vld.idx.msk [tilespmem:v2+s1+$0x0], $0xffff  }
0x3b4: {  	s16 =	sadd.s32 $0xFFFFFFFF, s16;
	p3 =	por $0x1, $0x1;
	v22 =	vmovc v17;
	v13 =	vmul.f32 v8, v8;
	v8 =	vnsel vm1, $0x0, v12;
	v2 =	vor.u32 v17, v24;
	v17 =	vld [tilespmem:$0x1FF00]  }
.LBB2_48:
0x3b5: {  	v12 =	vld.idx.msk [tilespmem:v6+s28+$0x0], $0xffff  }
0x3b6: {  	v14 =	vld [tilespmem:$0x1FFD0]  }
0x3b7: {  	v9 =	vld.idx.msk [tilespmem:v9+s1+$0x0], $0xffff  }
0x3b8: {  	v6 =	vadd.s32 $0x3300, v40;
	v15 =	vadd.s32 $0x3380, v40;
	v40 =	vld.idx.msk [tilespmem:v40+s28+$0x0], $0xffff  }
0x3b9: {  	v5 =	vld.idx.msk [tilespmem:v5+s28+$0x0], $0xffff  }
0x3ba: {  	v46 =	vadd.f32 v8, v46;
	v10 =	vld.idx.msk [tilespmem:v10+s1+$0x0], $0xffff  }
0x3bb: {  	s14 =	sadd.s32 $0x10, s14;
	v8 =	vsub.f32 v26, v48;
	v26 =	vsub.f32 v28, v52;
	v28 =	vld.idx.msk [tilespmem:v62+s28+$0x0], $0xffff  }
0x3bc: {  	v16 =	vsub.f32 v54, v53;
	v34 =	vsub.f32 v34, v59;
	v54 =	vor.u32 s14, v0;
	v0 =	vld [tilespmem:$0x1FF00]  }
0x3bd: {  	v4 =	vadd.f32 v13, v4;
	v13 =	vsub.f32 v47, v39;
	v39 =	vld.idx.msk [tilespmem:v2+s1+$0x0], $0xffff  }
0x3be: {  	v2 =	vld [tilespmem:$0x1FF30]  }
0x3bf: {  	v7 =	vmul.f32 v7, v7;
	v47 =	vmul.f32 v34, v34;
	v34 =	vld.idx.msk [tilespmem:v50+s28+$0x0], $0xffff;
	v14 =	vor.u32 v14, v24  }
0x3c0: {  	v37 =	vsub.f32 v37, v60;
	v11 =	vmul.f32 v11, v11;
	v50 =	vld.idx.msk [tilespmem:v31+s28+$0x0], $0xffff  }
0x3c1: {  	v4 =	vadd.f32 v7, v4;
	v7 =	vmul.f32 v16, v16;
	v16 =	vsub.f32 v25, v55;
	v25 =	vld.idx.msk [tilespmem:v1+s28+$0x0], $0xffff  }
0x3c2: {  	v1 =	vmul.f32 v13, v13;
	v13 =	vmul.f32 v37, v37;
	v37 =	vld.idx.msk [tilespmem:v49+s28+$0x0], $0xffff  }
0x3c3: {  	v52 =	vsub.f32 v29, v57;
	v4 =	vadd.f32 v11, v4;
	v29 =	vld.idx.msk [tilespmem:v6+s28+$0x0], $0xffff  }
0x3c4: {  	v14 =	vld.idx.msk [tilespmem:v14+s1+$0x0], $0xffff  }
0x3c5: {  	v53 =	vmov v3;
	v6 =	vld [tilespmem:$0x1FF50];
	v3 =	vadd.f32 v7, v4;
	v4 =	vmul.f32 v35, v35  }
0x3c6: {  	v62 =	vsub.f32 v27, v44;
	v27 =	vld.idx.msk [tilespmem:v15+s28+$0x0], $0xffff  }
0x3c7: {  	v15 =	vld [tilespmem:$0x1FF60];
	v3 =	vadd.f32 v4, v3  }
0x3c8: {  	s15 =	sadd.s32 $0x10, s15;
	v11 =	vmul.f32 v26, v26;
	v26 =	vld.idx.msk [tilespmem:v20+s28+$0x0], $0xffff  }
0x3c9: {  	v60 =	vld [tilespmem:s15+$0x0];
	v2 =	vor.u32 v2, v24;
	v1 =	vadd.f32 v1, v3;
	v57 =	vmovc v14;
	v14 =	vmul.f32 v45, v45  }
0x3ca: {  	v7 =	vmul.f32 v16, v16;
	v16 =	vld.idx.msk [tilespmem:v58+s28+$0x0], $0xffff  }
0x3cb: {  	v20 =	vld.idx.msk [tilespmem:v51+s28+$0x0], $0xffff;
	v6 =	vor.u32 v6, v24;
	v1 =	vadd.f32 v14, v1  }
0x3cc: {  	v4 =	vld.idx.msk [tilespmem:v42+s1+$0x0], $0xffff;
	v15 =	vor.u32 v15, v24  }
0x3cd: {  	v17 =	vor.u32 v0, v24;
	v3 =	vmul.f32 v8, v8;
	v8 =	vld [tilespmem:$0x1FF40];
	v1 =	vadd.f32 v47, v1  }
0x3ce: {  	v59 =	vld.idx.msk [tilespmem:v2+s1+$0x0], $0xffff  }
0x3cf: {  	v35 =	vsub.f32 v16, v9;
	v16 =	vld [tilespmem:$0x1FE30];
	v1 =	vadd.f32 v13, v1  }
0x3d0: {  	v9 =	vsub.f32 v20, v36;
	v20 =	vshra.s32 v60, $0xE;
	v36 =	vmul.f32 v52, v52;
	v52 =	vld.idx.msk [tilespmem:v6+s1+$0x0], $0xffff  }
0x3d1: {  	v20 =	vsub.s32 v20, v23;
	v55 =	vld.idx.msk [tilespmem:v15+s1+$0x0], $0xffff;
	v1 =	vadd.f32 v11, v1  }
0x3d2: {  	vm2 =	vgt.s32 v20, $0x0;
	v45 =	vsub.f32 v5, v10;
	v10 =	vld.idx.msk [tilespmem:v17+s1+$0x0], $0xffff  }
0x3d3: {  	v31 =	vmul.f32 v61, v61;
	v61 =	vmovc v9;
	v9 =	vnsel vm2, $0x0, v20;
	v1 =	vadd.f32 v7, v1;
	v7 =	vld [tilespmem:$0x1FEF0]  }
0x3d4: {  	v8 =	vor.u32 v8, v24;
	v24 =	vshrl.u32 v60, $0x3;
	v2 =	vmin.u32 v9, $0x5FF;
	v14 =	vld.idx.msk [tilespmem:v43+s1+$0x0], $0xffff  }
0x3d5: {  	v44 =	vmovc v30;
	vm1 =	vlt.s32 v56, v16;
	v16 =	vld.idx.msk [tilespmem:v63+s1+$0x0], $0xffff;
	v30 =	vand.u32 $0x7FF, v24;
	v5 =	vshll.u32 v2, $0x3  }
0x3d6: {  	v56 =	vmovc v54;
	v54 =	vld.idx.msk [tilespmem:v33+s28+$0x0], $0xffff;
	v2 =	vand.u32 $0x7F, v2;
	v5 =	vand.u32 $0x3C00, v5;
	v11 =	vshll.u32 v60, $0x4  }
0x3d7: {  	v4 =	vsub.f32 v40, v4;
	v40 =	vor.u32 v2, v5;
	v5 =	vld [tilespmem:$0x1FF80];
	v24 =	vand.u32 $0x70, v11  }
0x3d8: {  	v42 =	vor.u32 v7, v24;
	v7 =	vld [tilespmem:$0x1FFE0]  }
0x3d9: {  	v47 =	vld.idx.msk [tilespmem:v38+s28+$0x0], $0xffff  }
0x3da: {  	v60 =	vld.idx.msk [tilespmem:v8+s1+$0x0], $0xffff;
	[tilespmem:s1], [sflag:$0x2] =	stream.indirect_vreg.gather [spmem:s4], $0x80, v30, vm0, $0xb8  }
0x3db: {  	v2 =	vld [tilespmem:$0x1FF10];
	_ =	swait.ge [sflag:s31], $0x800  }
0x3dc: {  	v15 =	vor.u32 v5, v24;
	v5 =	vld [tilespmem:$0x1FF70]  }
0x3dd: {  	v1 =	vadd.f32 v31, v1;
	v8 =	vor.u32 v7, v24  }
0x3de: {  	v0 =	vlaneseq.u32  }
0x3df: {  	v4 =	vmul.f32 v4, v4;
	v6 =	vor.u32 $0x80, v40;
	v1 =	vadd.f32 v3, v1  }
0x3e0: {  	v33 =	vor.u32 $0x200, v40;
	[sflag:s31] =	ssyncset.done $0x0;
	v7 =	vsub.f32 v32, v14;
	v14 =	vor.u32 $0x100, v40  }
0x3e1: {  	v13 =	vmul.f32 v62, v62;
	v3 =	vadd.f32 v36, v1;
	[sflag:s31] =	ssyncadd.s32 $0xFFFFF800;
	v17 =	vor.u32 v5, v24  }
0x3e2: {  	v58 =	vor.u32 $0x280, v40;
	v38 =	vor.u32 $0x300, v40;
	v49 =	vadd.s32 $0x3080, v40;
	v30 =	vld.idx.msk [tilespmem:v8+s1+$0x0], $0xffff  }
0x3e3: {  	p4 =	sne.s32 s16, $0x1;
	v2 =	vor.u32 v2, v24;
	v8 =	vsub.f32 v12, v10;
	v12 =	vadd.f32 v13, v3;
	v3 =	vld [tilespmem:$0x1FF20]  }
.Ltmp29:
0x3e4: {  	v48 =	vmovc v41;
	v51 =	vadd.s32 $0x3200, v40;
	v20 =	vadd.s32 $0x3280, v40;
	v62 =	vadd.s32 $0x3100, v40;
	v41 =	vld.idx.msk [tilespmem:v15+s1+$0x0], $0xffff;
	(pc) =	sbr.rel @p4 .LBB2_48-.Ltmp29, $4  }
0x3e5: {  	v11 =	vsub.f32 v50, v16;
	v50 =	vadd.s32 $0x3000, v40;
	v43 =	vor.u32 v21, v24;
	v32 =	vld.idx.msk [tilespmem:v14+s28+$0x0], $0xffff  }
0x3e6: {  	v9 =	vor.u32 v18, v24;
	v63 =	vor.u32 v19, v24;
	v31 =	vor.u32 $0x180, v40;
	v36 =	vld.idx.msk [tilespmem:v17+s1+$0x0], $0xffff  }
0x3e7: {  	v1 =	vadd.s32 $0x3180, v40;
	v5 =	vor.u32 $0x380, v40;
	v17 =	vld [tilespmem:$0x1FF00];
	v13 =	vmul.f32 v8, v8  }
0x3e8: {  	s16 =	sadd.s32 $0xFFFFFFFF, s16;
	v8 =	vnsel vm1, $0x0, v12;
	v10 =	vor.u32 v3, v24;
	v3 =	vld.idx.msk [tilespmem:v2+s1+$0x0], $0xffff;
	v2 =	vor.u32 v22, v24  }
0x3e9: {  	[tilespmem:$0x1FE50] =	vst v61;
	v61 =	vld [tilespmem:$0x1FFD0]  }
0x3ea: {  	v18 =	vld [tilespmem:$0x1FF10]  }
0x3eb: {  	v23 =	vmov v44;
	v44 =	vld [tilespmem:$0x1FFE0]  }
0x3ec: {  	v12 =	vmov v53;
	v53 =	vmov v57;
	v57 =	vld [tilespmem:$0x1FEF0]  }
0x3ed: {  	[tilespmem:$0x1FE20] =	vst v48;
	v48 =	vmov v21;
	v21 =	vmov v56;
	v56 =	vld [tilespmem:$0x1FEC0]  }
0x3ee: {  	v22 =	vmov v19;
	v19 =	vld [tilespmem:$0x1FE30]  }
.LBB2_50:
0x3ef: {  	_ =	sdelay $0x3  }
0x3f0: {  	v6 =	vld.idx.msk [tilespmem:v6+s28+$0x0], $0xffff  }
0x3f1: {  	v15 =	vld.idx.msk [tilespmem:v40+s28+$0x0], $0xffff  }
0x3f2: {  	v16 =	vld.idx.msk [tilespmem:v42+s1+$0x0], $0xffff;
	v14 =	vor.u32 v17, v24  }
0x3f3: {  	v4 =	vadd.f32 @p2 v13, v4;
	v13 =	vld.idx.msk [tilespmem:v63+s1+$0x0], $0xffff  }
0x3f4: {  	v31 =	vld.idx.msk [tilespmem:v31+s28+$0x0], $0xffff  }
0x3f5: {  	v7 =	vmul.f32 @p2 v7, v7;
	v9 =	vld.idx.msk [tilespmem:v9+s1+$0x0], $0xffff  }
0x3f6: {  	v2 =	vld.idx.msk [tilespmem:v2+s1+$0x0], $0xffff  }
0x3f7: {  	v12 =	vsub.f32 @p2 v54, v12;
	v4 =	vadd.f32 @p2 v7, v4;
	v7 =	vmul.f32 @p2 v11, v11;
	v14 =	vld.idx.msk [tilespmem:v14+s1+$0x0], $0xffff  }
0x3f8: {  	v37 =	vsub.f32 @p2 v37, v60;
	v60 =	vld [tilespmem:$0x1FF40]  }
0x3f9: {  	v17 =	vld.idx.msk [tilespmem:v43+s1+$0x0], $0xffff;
	v4 =	vadd.f32 @p2 v7, v4;
	v7 =	vmul.f32 @p2 v12, v12  }
0x3fa: {  	v34 =	vsub.f32 @p2 v34, v59;
	v59 =	vld [tilespmem:$0x1FF30]  }
0x3fb: {  	v12 =	vld.idx.msk [tilespmem:v33+s28+$0x0], $0xffff;
	v33 =	vsub.f32 v31, v13;
	v13 =	vmul.f32 @p2 v35, v35;
	v4 =	vadd.f32 @p2 v7, v4  }
0x3fc: {  	v5 =	vld.idx.msk [tilespmem:v5+s28+$0x0], $0xffff;
	v63 =	vsub.f32 v15, v16;
	v6 =	vsub.f32 v6, v14  }
0x3fd: {  	v10 =	vld.idx.msk [tilespmem:v10+s1+$0x0], $0xffff;
	v4 =	vadd.f32 @p2 v13, v4;
	v13 =	vor.u32 v60, v24  }
0x3fe: {  	v16 =	vld.idx.msk [tilespmem:v58+s28+$0x0], $0xffff;
	v11 =	vmul.f32 v63, v63;
	v15 =	vsub.f32 v32, v17;
	v6 =	vmul.f32 v6, v6  }
0x3ff: {  	v35 =	vor.u32 v59, v24;
	v63 =	vld [tilespmem:$0x1FF50]  }
0x400: {  	v58 =	vld [tilespmem:$0x1FF60];
	v15 =	vmul.f32 v15, v15;
	v14 =	vsub.f32 @p2 v47, v39;
	v6 =	vadd.f32 v6, v11  }
0x401: {  	v17 =	vld.idx.msk [tilespmem:v38+s28+$0x0], $0xffff;
	v3 =	vsub.f32 v12, v3  }
0x402: {  	v7 =	vmul.f32 v33, v33;
	v13 =	vld.idx.msk [tilespmem:v13+s1+$0x0], $0xffff;
	v14 =	vmul.f32 @p2 v14, v14;
	v6 =	vadd.f32 v15, v6  }
0x403: {  	v9 =	vsub.f32 v16, v9;
	v3 =	vmul.f32 v3, v3;
	v39 =	vld.idx.msk [tilespmem:v49+s28+$0x0], $0xffff  }
0x404: {  	v4 =	vadd.f32 @p2 v14, v4;
	v14 =	vor.u32 v63, v24;
	v11 =	vld.idx.msk [tilespmem:v35+s1+$0x0], $0xffff;
	v6 =	vadd.f32 v7, v6  }
0x405: {  	v5 =	vsub.f32 v5, v10;
	v12 =	vmul.f32 @p2 v45, v45;
	v42 =	vor.u32 v58, v24;
	v15 =	vld.idx.msk [tilespmem:v50+s28+$0x0], $0xffff  }
0x406: {  	v1 =	vld.idx.msk [tilespmem:v1+s28+$0x0], $0xffff;
	v9 =	vmul.f32 v9, v9;
	v2 =	vsub.f32 v17, v2;
	v3 =	vadd.f32 v3, v6  }
0x407: {  	v10 =	vsub.f32 @p2 v25, v55;
	v17 =	vld.idx.msk [tilespmem:v62+s28+$0x0], $0xffff;
	v4 =	vadd.f32 @p2 v12, v4;
	v12 =	vmul.f32 @p2 v34, v34  }
0x408: {  	v2 =	vmul.f32 v2, v2;
	v45 =	vsub.f32 v39, v13;
	v13 =	vld [tilespmem:$0x1FE20];
	v3 =	vadd.f32 v9, v3  }
0x409: {  	v16 =	vsub.f32 @p2 v28, v52;
	v4 =	vadd.f32 @p2 v12, v4;
	v12 =	vmul.f32 @p2 v37, v37;
	v43 =	vld.idx.msk [tilespmem:v14+s1+$0x0], $0xffff  }
0x40a: {  	v14 =	vld [tilespmem:$0x1FE50];
	v11 =	vsub.f32 v15, v11;
	v2 =	vadd.f32 v2, v3;
	v3 =	vmul.f32 v5, v5  }
0x40b: {  	v47 =	vor.u32 v61, v24;
	v4 =	vadd.f32 @p2 v12, v4;
	v12 =	vmul.f32 @p2 v16, v16;
	v6 =	vld.idx.msk [tilespmem:v42+s1+$0x0], $0xffff  }
0x40c: {  	v11 =	vmul.f32 v11, v11;
	v2 =	vadd.f32 v3, v2;
	v3 =	vadd.s32 $0x3300, v40  }
0x40d: {  	v10 =	vmul.f32 @p2 v10, v10;
	v49 =	vadd.s32 $0x3380, v40;
	v4 =	vadd.f32 @p2 v12, v4;
	v12 =	vld.idx.msk [tilespmem:v51+s28+$0x0], $0xffff  }
0x40e: {  	v9 =	vsub.f32 v17, v43;
	v5 =	vmul.f32 v45, v45;
	v2 =	vadd.f32 v11, v2  }
0x40f: {  	v50 =	vld.idx.msk [tilespmem:v20+s28+$0x0], $0xffff;
	v13 =	vsub.f32 @p2 v26, v13;
	v4 =	vadd.f32 @p2 v10, v4;
	v14 =	vmul.f32 @p2 v14, v14  }
0x410: {  	v51 =	vld.idx.msk [tilespmem:v47+s1+$0x0], $0xffff;
	v1 =	vsub.f32 v1, v6;
	v52 =	vmul.f32 v9, v9;
	v2 =	vadd.f32 v5, v2  }
0x411: {  	v7 =	vsub.f32 @p2 v29, v53;
	v4 =	vadd.f32 @p2 v14, v4;
	v9 =	vmul.f32 @p2 v13, v13;
	v3 =	vld.idx.msk [tilespmem:v3+s28+$0x0], $0xffff  }
0x412: {  	v53 =	vld.idx.msk [tilespmem:v49+s28+$0x0], $0xffff;
	v12 =	vsub.f32 v12, v36;
	v1 =	vmul.f32 v1, v1;
	v2 =	vadd.f32 v52, v2  }
0x413: {  	v7 =	vmul.f32 @p2 v7, v7;
	v6 =	vsub.f32 @p2 v27, v23;
	v4 =	vadd.f32 @p2 v9, v4  }
0x414: {  	v10 =	vsub.f32 v50, v41;
	v1 =	vadd.f32 v1, v2;
	v2 =	vmul.f32 v12, v12  }
0x415: {  	v6 =	vmul.f32 @p2 v6, v6;
	v4 =	vadd.f32 @p2 v7, v4  }
0x416: {  	v62 =	vld [tilespmem:$0x1FEB0];
	v3 =	vsub.f32 v3, v51;
	v1 =	vadd.f32 v2, v1;
	v2 =	vmul.f32 v10, v10  }
0x417: {  	v54 =	vsub.f32 v53, v30  }
0x418: {  	v4 =	vadd.f32 @p2 v6, v4;
	v1 =	vadd.f32 v2, v1;
	v2 =	vmul.f32 v3, v3  }
0x419: {  	vm1 =	vlt.s32 @p2 v21, v19;
	v3 =	vadd.f32 @p3 v8, v46  }
0x41a: {  	s8 =	sadd.s32 @p2 $0x10, s14;
	v55 =	vmul.f32 v54, v54;
	v1 =	vadd.f32 v2, v1;
	v2 =	vnsel @p2 vm1, $0x0, v4  }
0x41b: {  	s13 =	smov.u32 @p2 s8;
	v3 =	vpsel p3, v3, v62;
	v2 =	vpsel p2, v2, v0  }
.Ltmp30:
0x41c: {  	v17 =	vld [tilespmem:$0x1FF00];
	v2 =	vadd.f32 @p2 v2, v3;
	v1 =	vadd.f32 v55, v1;
	v3 =	vor.u32 s13, v0;
	(pc) =	sbr.rel .LBB2_51-.Ltmp30, $4  }
0x41d: {  	v45 =	vld [tilespmem:$0x1FF20];
	vm1 =	vlt.s32 v3, v19  }
0x41e: {  	v46 =	vld [tilespmem:$0x1FF80];
	v2 =	vpsel p2, v2, v62;
	v1 =	vnsel vm1, $0x0, v1  }
0x41f: {  	v19 =	vmov v57;
	v57 =	vld [tilespmem:$0x1FFB0];
	v15 =	vadd.f32 v1, v2  }
0x420: {  	v62 =	vld [tilespmem:$0x1FF70]  }
.LBB2_41:
0x421: {  	v63 =	vld [tilespmem:$0x1FF50]  }
0x422: {  	v58 =	vld [tilespmem:$0x1FF60]  }
.LBB2_51:
0x423: {  	s8 =	sadd.s32 s12, s19  }
0x424: {  	s8 =	smul.u32 $0x600, s8;
	_ =	sdelay $0x1  }
0x425: {  	s8 =	smin.u32 s8, $0xF3C00  }
.Ltmp31:
0x426: {  	s8 =	sadd.s32 s0, s8;
	(pc) =	sbr.rel @p1 .LBB2_68-.Ltmp31, $4  }
0x427: {  	[tilespmem:s28], [sflag:$0x1] =	stream.strided.gather [hbm4b:s8+s25], $0x6000, s26, s25, $0x38;
	[tilespmem:$0x1FD80] =	vst v63  }
0x428: {  	_ =	swait.ge [sflag:s3], $0x6000  }
0x429: {  	[sflag:s3] =	ssyncset.done $0x0  }
0x42a: {  	[sflag:s3] =	ssyncadd.s32 $0xFFFFA000  }
0x42b: {  	s8 =	smul.u32 $0x600, s11;
	p3 =	sne.s32 s9, $0x1  }
.Ltmp32:
0x42c: {  	_ = 	snop;
	(pc) =	sbr.rel @!p3 .LBB2_53-.Ltmp32, $4  }
0x42d: {  	s11 =	sadd.s32 $0x600, s8  }
0x42e: {  	s12 =	smov.u32 s17;
	p2 =	slt.s32 s11, s17  }
0x42f: {  	s13 =	simm.s32 $0x12000;
	s12 =	smov.u32 @p2 s11  }
0x430: {  	v1 =	vld [tilespmem:s13+$0x0];
	v23 =	vmov s8;
	s11 =	simm.s32 $0x0;
	p2 =	por $0x0, $0x0;
	v2 =	vmov s12;
	s12 =	sadd.s32 $0xFFFFFFFF, s9  }
0x431: {  	_ =	sdelay $0x3  }
0x432: {  	v4 =	vor.u32 s11, v0;
	v3 =	vshra.s32 v1, $0xE  }
0x433: {  	vm1 =	vlt.s32 v4, v56;
	vm2 =	vlt.s32 v3, v2  }
0x434: {  	vm3 =	vge.s32 v3, v23;
	vm1 =	vmand vm2, vm1  }
0x435: {  	vm1 =	vmand vm1, vm3  }
0x436: {  	v3 =	vmpcnt.ones.xlane vm1;
	_ =	sdelay $0x1  }
0x437: {  	p3 =	sne.s32 s12, $0x1;
	(v2sf) =	vpush v3, $0x0  }
.Ltmp33:
0x438: {  	_ = 	snop;
	(pc) =	sbr.rel @!p3 .LBB2_55-.Ltmp33, $3  }
0x439: {  	_ =	sdelay $0x1  }
0x43a: {  	s14 =	simm.s32 $0x12010;
	s15 =	sadd.s32 $0xFFFFFFFF, s12;
	[tilespmem:s11+$0x16080] =	vst.msk vm1, v1  }
0x43b: {  	p2 =	por $0x1, $0x1;
	s13 =	simm.s32 $0x0;
	s12 =	simm.s32 $0x0;
	v1 =	vld [tilespmem:s14+$0x0]  }
.LBB2_56:
0x43c: {  	p3 =	sne.s32 s15, $0x1;
	_ =	sdelay $0x2  }
0x43d: {  	s13 =	sadd.s32 $0x10, s13  }
0x43e: {  	v4 =	vor.u32 s13, v0;
	v3 =	vshra.s32 v1, $0xE  }
0x43f: {  	vm1 =	vlt.s32 v4, v56;
	vm2 =	vlt.s32 v3, v2  }
0x440: {  	vm3 =	vge.s32 v3, v23;
	vm1 =	vmand vm2, vm1  }
0x441: {  	vm1 =	vmand vm1, vm3  }
0x442: {  	v3 =	vmpcnt.ones.xlane vm1  }
0x443: {  	s8 =	spop (v2sf)  }
0x444: {  	(v2sf) =	vpush v3, $0x0;
	s12 =	sadd.s32 s12, s8  }
.Ltmp34:
0x445: {  	[tilespmem:s12+$0x16080] =	vst.msk vm1, v1;
	(pc) =	sbr.rel @p3 .LBB2_56-.Ltmp34, $3  }
0x446: {  	_ =	sdelay $0x1  }
0x447: {  	s14 =	sadd.s32 $0x10, s14  }
0x448: {  	s15 =	sadd.s32 $0xFFFFFFFF, s15;
	v1 =	vld [tilespmem:s14+$0x0]  }
.LBB2_57:
0x449: {  	_ =	sdelay $0x1  }
0x44a: {  	s8 =	sadd.s32 @p2 $0x10, s13;
	s13 =	simm.s32 $0x0  }
0x44b: {  	s13 =	smov.u32 @p2 s8  }
0x44c: {  	v4 =	vor.u32 s13, v0;
	v3 =	vshra.s32 v1, $0xE  }
0x44d: {  	vm1 =	vlt.s32 v4, v56;
	vm2 =	vlt.s32 v3, v2  }
0x44e: {  	vm3 =	vge.s32 v3, v23;
	vm1 =	vmand vm2, vm1  }
0x44f: {  	vm1 =	vmand vm1, vm3  }
0x450: {  	v2 =	vmpcnt.ones.xlane vm1;
	_ =	sdelay $0x1  }
0x451: {  	(v2sf) =	vpush v2, $0x0;
	_ =	sdelay $0xc  }
0x452: {  	s8 =	spop @p2 (v2sf)  }
0x453: {  	s8 =	sadd.s32 @p2 s12, s8  }
0x454: {  	s11 =	smov.u32 @p2 s8;
	s22 =	spop (v2sf)  }
0x455: {  	s13 =	sadd.s32 s11, s22  }
0x456: {  	s8 =	sadd.s32 $0xF, s13  }
0x457: {  	s12 =	sshra.s32 s8, $0x4  }
0x458: {  	p2 =	slt.s32 s12, $0x1  }
.Ltmp35:
0x459: {  	_ = 	snop;
	(pc) =	sbr.rel @p2 .LBB2_58-.Ltmp35, $2  }
0x45a: {  	_ =	sdelay $0x2  }
0x45b: {  	[tilespmem:s11+$0x16080] =	vst.msk vm1, v1  }
0x45c: {  	s8 =	simm.s32 $0x16080  }
0x45d: {  	v1 =	vld [tilespmem:s8+$0x0];
	_ =	sdelay $0x4  }
0x45e: {  	v3 =	vshrl.u32 v1, $0x3  }
0x45f: {  	v2 =	vshra.s32 v1, $0xE;
	v3 =	vand.u32 $0x7FF, v3  }
0x460: {  	v2 =	vsub.s32 v2, v23  }
0x461: {  	v1 =	vshll.u32 v1, $0x4;
	vm1 =	vgt.s32 v2, $0x0  }
0x462: {  	v24 =	vand.u32 $0x70, v1;
	v2 =	vnsel vm1, $0x0, v2  }
0x463: {  	v4 =	vor.u32 v44, v24;
	v2 =	vmin.u32 v2, $0x5FF  }
0x464: {  	v53 =	vmov s13;
	v1 =	vshll.u32 v2, $0x3;
	[tilespmem:s1], [sflag:$0x2] =	stream.indirect_vreg.gather [spmem:s4], $0x80, v3, vm0, $0xb8;
	v3 =	vor.u32 v46, v24;
	[tilespmem:$0x1FD80] =	vst v63  }
0x465: {  	v7 =	vor.u32 v18, v24;
	v2 =	vand.u32 $0x7F, v2;
	v1 =	vand.u32 $0x3C00, v1;
	_ =	swait.ge [sflag:s31], $0x800  }
0x466: {  	v42 =	vor.u32 v19, v24;
	v40 =	vor.u32 v2, v1;
	v1 =	vor.u32 v62, v24;
	[sflag:s31] =	ssyncset.done $0x0  }
0x467: {  	p4 =	sne.s32 s12, $0x1;
	v43 =	vor.u32 v48, v24;
	v9 =	vor.u32 v57, v24;
	v2 =	vor.u32 $0x100, v40;
	v21 =	vld [tilespmem:$0x1FEE0];
	[sflag:s31] =	ssyncadd.s32 $0xFFFFF800  }
.Ltmp36:
0x468: {  	v10 =	vor.u32 v45, v24;
	v63 =	vor.u32 v22, v24;
	v6 =	vor.u32 $0x80, v40;
	v30 =	vld.idx.msk [tilespmem:v4+s1+$0x0], $0xffff;
	(pc) =	sbr.rel @!p4 .LBB2_60-.Ltmp36, $4  }
0x469: {  	v31 =	vor.u32 $0x180, v40;
	v33 =	vor.u32 $0x200, v40;
	v58 =	vor.u32 $0x280, v40;
	v41 =	vld.idx.msk [tilespmem:v3+s1+$0x0], $0xffff  }
0x46a: {  	v38 =	vor.u32 $0x300, v40;
	v5 =	vor.u32 $0x380, v40;
	v50 =	vadd.s32 $0x3000, v40;
	v3 =	vld.idx.msk [tilespmem:v7+s1+$0x0], $0xffff  }
0x46b: {  	s11 =	simm.s32 $0x0;
	v49 =	vadd.s32 $0x3080, v40;
	v62 =	vadd.s32 $0x3100, v40;
	v51 =	vadd.s32 $0x3200, v40;
	v36 =	vld.idx.msk [tilespmem:v1+s1+$0x0], $0xffff  }
0x46c: {  	s12 =	sadd.s32 $0xFFFFFFFF, s12;
	p2 =	por $0x0, $0x0;
	p3 =	por $0x0, $0x0;
	v56 =	vmovc v22;
	v20 =	vadd.s32 $0x3280, v40;
	[tilespmem:$0x1FEB0] =	vst v15;
	v1 =	vadd.s32 $0x3180, v40;
	v32 =	vld.idx.msk [tilespmem:v2+s2+$0x0], $0xffff;
	v2 =	vor.u32 v21, v24  }
0x46d: {  	_ =	sdelay $0x3  }
0x46e: {  	v8 =	vld.idx.msk [tilespmem:v6+s2+$0x0], $0xffff  }
0x46f: {  	v6 =	vld.idx.msk [tilespmem:v9+s1+$0x0], $0xffff  }
0x470: {  	v7 =	vld.idx.msk [tilespmem:v40+s2+$0x0], $0xffff  }
0x471: {  	v5 =	vld.idx.msk [tilespmem:v5+s2+$0x0], $0xffff  }
0x472: {  	v9 =	vld.idx.msk [tilespmem:v10+s1+$0x0], $0xffff  }
0x473: {  	v25 =	vld.idx.msk [tilespmem:v1+s2+$0x0], $0xffff  }
0x474: {  	v28 =	vld.idx.msk [tilespmem:v62+s2+$0x0], $0xffff  }
0x475: {  	v26 =	vld.idx.msk [tilespmem:v20+s2+$0x0], $0xffff  }
0x476: {  	v11 =	vld.idx.msk [tilespmem:v51+s2+$0x0], $0xffff  }
0x477: {  	v4 =	vor.u32 v61, v24;
	v13 =	vld.idx.msk [tilespmem:v42+s1+$0x0], $0xffff  }
0x478: {  	v34 =	vld.idx.msk [tilespmem:v50+s2+$0x0], $0xffff  }
0x479: {  	v37 =	vld.idx.msk [tilespmem:v49+s2+$0x0], $0xffff  }
0x47a: {  	v39 =	vld.idx.msk [tilespmem:v2+s1+$0x0], $0xffff  }
0x47b: {  	v14 =	vld.idx.msk [tilespmem:v63+s1+$0x0], $0xffff  }
0x47c: {  	v0 =	vld.idx.msk [tilespmem:v4+s1+$0x0], $0xffff  }
0x47d: {  	v47 =	vld.idx.msk [tilespmem:v38+s2+$0x0], $0xffff  }
0x47e: {  	s8 =	simm.s32 $0x16090;
	v12 =	vadd.s32 $0x3380, v40;
	v16 =	vor.u32 v17, v24;
	v17 =	vld [tilespmem:$0x1FF60]  }
0x47f: {  	v10 =	vadd.s32 $0x3300, v40;
	v1 =	vld [tilespmem:s8+$0x0]  }
0x480: {  	v4 =	vld.idx.msk [tilespmem:v58+s2+$0x0], $0xffff  }
0x481: {  	v2 =	vor.u32 v59, v24;
	[tilespmem:$0x1FDD0] =	vst v0;
	v0 =	vld [tilespmem:$0x1FF50]  }
0x482: {  	v54 =	vld.idx.msk [tilespmem:v33+s2+$0x0], $0xffff  }
0x483: {  	v27 =	vld.idx.msk [tilespmem:v12+s2+$0x0], $0xffff;
	v12 =	vor.u32 v60, v24  }
0x484: {  	v29 =	vld.idx.msk [tilespmem:v10+s2+$0x0], $0xffff;
	v17 =	vor.u32 v17, v24  }
0x485: {  	v10 =	vld.idx.msk [tilespmem:v43+s1+$0x0], $0xffff;
	v7 =	vsub.f32 v7, v13;
	v35 =	vsub.f32 v4, v6;
	v4 =	vshrl.u32 v1, $0x3  }
0x486: {  	v59 =	vld.idx.msk [tilespmem:v2+s1+$0x0], $0xffff;
	v20 =	vshra.s32 v1, $0xE;
	v13 =	vand.u32 $0x7FF, v4;
	v15 =	vor.u32 v0, v24  }
0x487: {  	v6 =	vsub.s32 v20, v23;
	v20 =	vld.idx.msk [tilespmem:v31+s2+$0x0], $0xffff  }
0x488: {  	v2 =	vsub.f32 v11, v36;
	v60 =	vld.idx.msk [tilespmem:v12+s1+$0x0], $0xffff  }
0x489: {  	[tilespmem:$0x1FDC0] =	vst v53;
	v55 =	vld.idx.msk [tilespmem:v17+s1+$0x0], $0xffff;
	v0 =	vlaneseq.u32  }
0x48a: {  	[tilespmem:$0x1FDE0] =	vst v2;
	v12 =	vld.idx.msk [tilespmem:v16+s1+$0x0], $0xffff;
	vm1 =	vgt.s32 v6, $0x0;
	v0 =	vor.u32 s11, v0  }
0x48b: {  	v2 =	vnsel vm1, $0x0, v6;
	[tilespmem:$0x1FDF0] =	vst v0;
	v52 =	vld.idx.msk [tilespmem:v15+s1+$0x0], $0xffff;
	[tilespmem:s1], [sflag:$0x2] =	stream.indirect_vreg.gather [spmem:s4], $0x80, v13, vm0, $0xb8  }
0x48c: {  	v1 =	vshll.u32 v1, $0x4;
	v2 =	vmin.u32 v2, $0x5FF;
	_ =	swait.ge [sflag:s31], $0x800  }
0x48d: {  	v24 =	vand.u32 $0x70, v1;
	v1 =	vshll.u32 v2, $0x3;
	v0 =	vld [tilespmem:$0x1FF70]  }
0x48e: {  	v2 =	vand.u32 $0x7F, v2;
	v1 =	vand.u32 $0x3C00, v1  }
0x48f: {  	v45 =	vsub.f32 v5, v9;
	v40 =	vor.u32 v2, v1;
	v1 =	vor.u32 v46, v24  }
0x490: {  	v4 =	vmul.f32 v7, v7;
	v7 =	vsub.f32 v32, v10;
	v2 =	vor.u32 v18, v24  }
0x491: {  	v11 =	vsub.f32 v20, v14;
	v8 =	vsub.f32 v8, v12;
	v13 =	vor.u32 $0x100, v40  }
0x492: {  	v42 =	vor.u32 v19, v24;
	v9 =	vor.u32 v44, v24;
	[sflag:s31] =	ssyncset.done $0x0;
	v10 =	vor.u32 v0, v24;
	v0 =	vmovc v44  }
0x493: {  	p4 =	sne.s32 s12, $0x1;
	v43 =	vor.u32 v48, v24;
	v63 =	vor.u32 v56, v24;
	v6 =	vor.u32 $0x80, v40;
	[sflag:s31] =	ssyncadd.s32 $0xFFFFF800;
	v15 =	vmovc v0;
	v0 =	vld [tilespmem:$0x1FF20]  }
.Ltmp37:
0x494: {  	v22 =	vmovc v18;
	v18 =	vmovc v48;
	v31 =	vor.u32 $0x180, v40;
	v33 =	vor.u32 $0x200, v40;
	v58 =	vor.u32 $0x280, v40;
	v48 =	vld.idx.msk [tilespmem:v1+s1+$0x0], $0xffff;
	(pc) =	sbr.rel @!p4 .LBB2_62-.Ltmp37, $4  }
0x495: {  	v38 =	vor.u32 $0x300, v40;
	v5 =	vor.u32 $0x380, v40;
	v50 =	vadd.s32 $0x3000, v40;
	v53 =	vld.idx.msk [tilespmem:v2+s1+$0x0], $0xffff  }
0x496: {  	v49 =	vadd.s32 $0x3080, v40;
	v62 =	vadd.s32 $0x3100, v40;
	v51 =	vadd.s32 $0x3200, v40;
	v32 =	vld.idx.msk [tilespmem:v13+s2+$0x0], $0xffff  }
0x497: {  	v20 =	vadd.s32 $0x3280, v40;
	[tilespmem:$0x1FE00] =	vst v23;
	v1 =	vadd.s32 $0x3180, v40;
	v2 =	vor.u32 v21, v24;
	v44 =	vld.idx.msk [tilespmem:v9+s1+$0x0], $0xffff  }
0x498: {  	s14 =	sadd.s32 $0xFFFFFFFF, s12;
	p2 =	por $0x1, $0x1;
	v13 =	vmul.f32 v8, v8;
	v9 =	vor.u32 v57, v24;
	v36 =	vld.idx.msk [tilespmem:v10+s1+$0x0], $0xffff;
	v10 =	vor.u32 v0, v24  }
0x499: {  	_ =	sdelay $0x3  }
0x49a: {  	v0 =	vld.idx.msk [tilespmem:v6+s2+$0x0], $0xffff  }
0x49b: {  	v9 =	vld.idx.msk [tilespmem:v9+s1+$0x0], $0xffff  }
0x49c: {  	v12 =	vld.idx.msk [tilespmem:v40+s2+$0x0], $0xffff  }
0x49d: {  	v5 =	vld.idx.msk [tilespmem:v5+s2+$0x0], $0xffff  }
0x49e: {  	v10 =	vld.idx.msk [tilespmem:v10+s1+$0x0], $0xffff  }
0x49f: {  	v16 =	vld.idx.msk [tilespmem:v58+s2+$0x0], $0xffff  }
0x4a0: {  	v23 =	vmov v15;
	v15 =	vsub.f32 v34, v59;
	v59 =	vld.idx.msk [tilespmem:v42+s1+$0x0], $0xffff  }
0x4a1: {  	v34 =	vld.idx.msk [tilespmem:v50+s2+$0x0], $0xffff  }
0x4a2: {  	v7 =	vmul.f32 v7, v7;
	v17 =	vsub.f32 v37, v60;
	v37 =	vld.idx.msk [tilespmem:v49+s2+$0x0], $0xffff;
	v4 =	vadd.f32 v13, v4  }
0x4a3: {  	v3 =	vsub.f32 v54, v3;
	v54 =	vld.idx.msk [tilespmem:v33+s2+$0x0], $0xffff  }
0x4a4: {  	v11 =	vmul.f32 v11, v11;
	v50 =	vld.idx.msk [tilespmem:v31+s2+$0x0], $0xffff;
	v4 =	vadd.f32 v7, v4  }
0x4a5: {  	v6 =	vor.u32 v61, v24;
	v13 =	vsub.f32 v47, v39;
	v39 =	vld.idx.msk [tilespmem:v2+s1+$0x0], $0xffff  }
0x4a6: {  	v4 =	vadd.f32 v11, v4;
	v11 =	vsub.f32 v26, v41;
	v26 =	vld.idx.msk [tilespmem:v20+s2+$0x0], $0xffff  }
0x4a7: {  	s12 =	simm.s32 $0x10;
	v3 =	vmul.f32 v3, v3;
	v20 =	vld.idx.msk [tilespmem:v51+s2+$0x0], $0xffff;
	v51 =	vmov v18;
	v18 =	vlaneseq.u32  }
0x4a8: {  	s13 =	simm.s32 $0x160A0;
	[tilespmem:$0x1FDB0] =	vst v0;
	v0 =	vmov v21;
	v21 =	vmov v56;
	v56 =	vor.u32 s12, v18;
	v18 =	vld [tilespmem:$0x1FF00]  }
0x4a9: {  	v7 =	vld [tilespmem:s13+$0x0];
	v3 =	vadd.f32 v3, v4;
	v4 =	vmul.f32 v35, v35  }
0x4aa: {  	v8 =	vmov v46;
	v46 =	vmov v57;
	v13 =	vmul.f32 v13, v13;
	v57 =	vld.idx.msk [tilespmem:v6+s1+$0x0], $0xffff  }
0x4ab: {  	v6 =	vsub.f32 v25, v55;
	v25 =	vld.idx.msk [tilespmem:v1+s2+$0x0], $0xffff;
	v3 =	vadd.f32 v4, v3;
	v4 =	vadd.s32 $0x3380, v40  }
0x4ac: {  	v35 =	vsub.f32 v16, v9;
	v9 =	vld [tilespmem:$0x1FF40]  }
0x4ad: {  	v47 =	vmul.f32 v45, v45;
	v3 =	vadd.f32 v13, v3;
	v41 =	vor.u32 v18, v24;
	v18 =	vmovc v0;
	v0 =	vld [tilespmem:$0x1FF60]  }
0x4ae: {  	v14 =	vadd.s32 $0x3300, v40;
	v13 =	vld [tilespmem:$0x1FDD0]  }
0x4af: {  	v2 =	vadd.f32 v47, v3;
	v3 =	vmul.f32 v11, v11;
	v11 =	vld [tilespmem:$0x1FF30]  }
0x4b0: {  	v30 =	vsub.f32 v27, v30;
	v27 =	vld.idx.msk [tilespmem:v4+s2+$0x0], $0xffff  }
0x4b1: {  	v4 =	vld [tilespmem:$0x1FDF0]  }
0x4b2: {  	v16 =	vor.u32 v0, v24;
	v0 =	vld [tilespmem:$0x1FDC0]  }
0x4b3: {  	v13 =	vsub.f32 v29, v13;
	v29 =	vld.idx.msk [tilespmem:v14+s2+$0x0], $0xffff  }
0x4b4: {  	v9 =	vor.u32 v9, v24;
	v14 =	vld [tilespmem:$0x1FF50]  }
0x4b5: {  	v1 =	vsub.f32 v28, v52;
	v28 =	vld.idx.msk [tilespmem:v62+s2+$0x0], $0xffff  }
0x4b6: {  	v15 =	vmul.f32 v15, v15;
	v47 =	vld.idx.msk [tilespmem:v38+s2+$0x0], $0xffff  }
0x4b7: {  	vm1 =	vlt.s32 v4, v0;
	v0 =	vld [tilespmem:$0x1FE00]  }
0x4b8: {  	v2 =	vadd.f32 v15, v2;
	v15 =	vld.idx.msk [tilespmem:v43+s1+$0x0], $0xffff;
	v11 =	vor.u32 v11, v24  }
0x4b9: {  	v60 =	vld.idx.msk [tilespmem:v9+s1+$0x0], $0xffff;
	v14 =	vor.u32 v14, v24;
	v24 =	vshrl.u32 v7, $0x3  }
0x4ba: {  	v4 =	vsub.f32 v12, v59;
	v12 =	vld.idx.msk [tilespmem:v63+s1+$0x0], $0xffff;
	v63 =	vmul.f32 v30, v30;
	v30 =	vand.u32 $0x7FF, v24  }
0x4bb: {  	v61 =	vsub.f32 v20, v36;
	v20 =	vshra.s32 v7, $0xE;
	v55 =	vld.idx.msk [tilespmem:v16+s1+$0x0], $0xffff  }
0x4bc: {  	v20 =	vsub.s32 v20, v0;
	v0 =	vld [tilespmem:$0x1FDE0]  }
0x4bd: {  	v17 =	vmul.f32 v17, v17;
	v59 =	vld.idx.msk [tilespmem:v11+s1+$0x0], $0xffff  }
0x4be: {  	v52 =	vld.idx.msk [tilespmem:v14+s1+$0x0], $0xffff  }
0x4bf: {  	v1 =	vmul.f32 v1, v1;
	v2 =	vadd.f32 v17, v2;
	v14 =	vld.idx.msk [tilespmem:v41+s1+$0x0], $0xffff;
	[tilespmem:s1], [sflag:$0x2] =	stream.indirect_vreg.gather [spmem:s4], $0x80, v30, vm0, $0xb8  }
0x4c0: {  	v6 =	vmul.f32 v6, v6;
	_ =	swait.ge [sflag:s31], $0x800  }
0x4c1: {  	v1 =	vadd.f32 v1, v2;
	v2 =	vshll.u32 v7, $0x4;
	v7 =	vmul.f32 v0, v0;
	v0 =	vld [tilespmem:$0x1FF70]  }
0x4c2: {  	v45 =	vsub.f32 v5, v10;
	v13 =	vmul.f32 v13, v13  }
0x4c3: {  	v1 =	vadd.f32 v6, v1;
	v24 =	vand.u32 $0x70, v2;
	vm2 =	vgt.s32 v20, $0x0  }
0x4c4: {  	v4 =	vmul.f32 v4, v4;
	v42 =	vor.u32 v19, v24;
	v20 =	vnsel vm2, $0x0, v20  }
0x4c5: {  	v10 =	vor.u32 v23, v24;
	v16 =	vor.u32 v8, v24;
	v5 =	vmin.u32 v20, $0x5FF  }
0x4c6: {  	v43 =	vor.u32 v51, v24;
	v2 =	vshll.u32 v5, $0x3;
	v20 =	vor.u32 v0, v24;
	v0 =	vld [tilespmem:$0x1FDB0]  }
0x4c7: {  	v9 =	vor.u32 v46, v24;
	v5 =	vand.u32 $0x7F, v5;
	v2 =	vand.u32 $0x3C00, v2  }
0x4c8: {  	v11 =	vsub.f32 v50, v12;
	v40 =	vor.u32 v5, v2;
	v1 =	vadd.f32 v7, v1  }
0x4c9: {  	v2 =	vor.u32 v22, v24;
	v7 =	vsub.f32 v32, v15;
	v6 =	vor.u32 $0x80, v40  }
0x4ca: {  	[sflag:s31] =	ssyncset.done $0x0;
	v46 =	vld [tilespmem:$0x1FEB0];
	v15 =	vor.u32 $0x100, v40;
	v31 =	vor.u32 $0x180, v40;
	v1 =	vadd.f32 v3, v1  }
0x4cb: {  	p4 =	sne.s32 s14, $0x1;
	v17 =	vmovc v8;
	[sflag:s31] =	ssyncadd.s32 $0xFFFFF800;
	v33 =	vor.u32 $0x200, v40;
	v58 =	vor.u32 $0x280, v40;
	v8 =	vsub.f32 v0, v14;
	v0 =	vld [tilespmem:$0x1FF20]  }
.Ltmp38:
0x4cc: {  	v30 =	vld.idx.msk [tilespmem:v10+s1+$0x0], $0xffff;
	v38 =	vor.u32 $0x300, v40;
	v5 =	vor.u32 $0x380, v40;
	v3 =	vadd.f32 v13, v1;
	(pc) =	sbr.rel @!p4 .LBB2_64-.Ltmp38, $4  }
0x4cd: {  	v41 =	vld.idx.msk [tilespmem:v16+s1+$0x0], $0xffff;
	v50 =	vadd.s32 $0x3000, v40;
	v49 =	vadd.s32 $0x3080, v40;
	v62 =	vadd.s32 $0x3100, v40  }
0x4ce: {  	v51 =	vadd.s32 $0x3200, v40;
	v1 =	vadd.s32 $0x3180, v40;
	v12 =	vadd.f32 v63, v3;
	v3 =	vld.idx.msk [tilespmem:v2+s1+$0x0], $0xffff  }
0x4cf: {  	v63 =	vor.u32 v21, v24;
	v2 =	vor.u32 v18, v24;
	v36 =	vld.idx.msk [tilespmem:v20+s1+$0x0], $0xffff;
	v20 =	vadd.s32 $0x3280, v40  }
0x4d0: {  	s14 =	sadd.s32 $0xFFFFFFFF, s14;
	p3 =	por $0x1, $0x1;
	v32 =	vld.idx.msk [tilespmem:v15+s2+$0x0], $0xffff;
	v13 =	vmul.f32 v8, v8;
	v8 =	vnsel vm1, $0x0, v12;
	v10 =	vor.u32 v0, v24;
	v0 =	vmovc v17  }
.LBB2_65:
0x4d1: {  	v12 =	vld.idx.msk [tilespmem:v6+s2+$0x0], $0xffff  }
0x4d2: {  	v14 =	vld [tilespmem:$0x1FFD0]  }
0x4d3: {  	v9 =	vld.idx.msk [tilespmem:v9+s1+$0x0], $0xffff  }
0x4d4: {  	v6 =	vadd.s32 $0x3300, v40;
	v15 =	vadd.s32 $0x3380, v40;
	v40 =	vld.idx.msk [tilespmem:v40+s2+$0x0], $0xffff  }
0x4d5: {  	v5 =	vld.idx.msk [tilespmem:v5+s2+$0x0], $0xffff  }
0x4d6: {  	v46 =	vadd.f32 v8, v46;
	v10 =	vld.idx.msk [tilespmem:v10+s1+$0x0], $0xffff  }
0x4d7: {  	v8 =	vsub.f32 v26, v48;
	v26 =	vsub.f32 v28, v52;
	v28 =	vld.idx.msk [tilespmem:v62+s2+$0x0], $0xffff  }
0x4d8: {  	v17 =	vsub.f32 v37, v60;
	v37 =	vld.idx.msk [tilespmem:v49+s2+$0x0], $0xffff  }
0x4d9: {  	s12 =	sadd.s32 $0x10, s12;
	v18 =	vlaneseq.u32;
	v62 =	vsub.f32 v27, v44;
	v44 =	vmov v30;
	v30 =	vld [tilespmem:$0x1FE00]  }
0x4da: {  	v16 =	vsub.f32 v54, v53;
	v34 =	vsub.f32 v34, v59;
	v54 =	vor.u32 s12, v18;
	v18 =	vld [tilespmem:$0x1FF00]  }
0x4db: {  	v4 =	vadd.f32 v13, v4;
	v13 =	vsub.f32 v47, v39;
	v39 =	vld.idx.msk [tilespmem:v2+s1+$0x0], $0xffff  }
0x4dc: {  	v2 =	vld [tilespmem:$0x1FF30]  }
0x4dd: {  	v7 =	vmul.f32 v7, v7;
	v47 =	vmul.f32 v34, v34;
	v34 =	vld.idx.msk [tilespmem:v50+s2+$0x0], $0xffff  }
0x4de: {  	v11 =	vmul.f32 v11, v11;
	v50 =	vld.idx.msk [tilespmem:v31+s2+$0x0], $0xffff;
	v14 =	vor.u32 v14, v24  }
0x4df: {  	v4 =	vadd.f32 v7, v4;
	v7 =	vmul.f32 v16, v16;
	v16 =	vsub.f32 v25, v55;
	v25 =	vld.idx.msk [tilespmem:v1+s2+$0x0], $0xffff  }
0x4e0: {  	v1 =	vmul.f32 v13, v13;
	v13 =	vmul.f32 v17, v17;
	v17 =	vsub.f32 v29, v57;
	v29 =	vld.idx.msk [tilespmem:v6+s2+$0x0], $0xffff  }
0x4e1: {  	v6 =	vld [tilespmem:$0x1FF50]  }
0x4e2: {  	v4 =	vadd.f32 v11, v4;
	v27 =	vld.idx.msk [tilespmem:v15+s2+$0x0], $0xffff  }
0x4e3: {  	v14 =	vld.idx.msk [tilespmem:v14+s1+$0x0], $0xffff  }
0x4e4: {  	v53 =	vmov v3;
	v15 =	vld [tilespmem:$0x1FF60];
	v3 =	vadd.f32 v7, v4;
	v4 =	vmul.f32 v35, v35  }
0x4e5: {  	v11 =	vmul.f32 v26, v26;
	v26 =	vld.idx.msk [tilespmem:v20+s2+$0x0], $0xffff  }
0x4e6: {  	v20 =	vld.idx.msk [tilespmem:v51+s2+$0x0], $0xffff;
	v2 =	vor.u32 v2, v24;
	v3 =	vadd.f32 v4, v3  }
0x4e7: {  	s13 =	sadd.s32 $0x10, s13;
	v7 =	vmul.f32 v16, v16;
	v16 =	vld.idx.msk [tilespmem:v58+s2+$0x0], $0xffff  }
0x4e8: {  	v60 =	vld [tilespmem:s13+$0x0];
	v6 =	vor.u32 v6, v24;
	v1 =	vadd.f32 v1, v3;
	v57 =	vmovc v14;
	v14 =	vmul.f32 v45, v45  }
0x4e9: {  	v15 =	vor.u32 v15, v24;
	v3 =	vmul.f32 v8, v8;
	v8 =	vld [tilespmem:$0x1FF40]  }
0x4ea: {  	v18 =	vor.u32 v18, v24;
	v4 =	vld.idx.msk [tilespmem:v42+s1+$0x0], $0xffff;
	v1 =	vadd.f32 v14, v1  }
0x4eb: {  	v59 =	vld.idx.msk [tilespmem:v2+s1+$0x0], $0xffff  }
0x4ec: {  	v35 =	vsub.f32 v16, v9;
	v16 =	vld [tilespmem:$0x1FDC0];
	v1 =	vadd.f32 v47, v1  }
0x4ed: {  	v9 =	vsub.f32 v20, v36;
	v20 =	vshra.s32 v60, $0xE;
	v52 =	vld.idx.msk [tilespmem:v6+s1+$0x0], $0xffff  }
0x4ee: {  	v55 =	vld.idx.msk [tilespmem:v15+s1+$0x0], $0xffff;
	v8 =	vor.u32 v8, v24;
	v24 =	vshrl.u32 v60, $0x3;
	v1 =	vadd.f32 v13, v1  }
0x4ef: {  	v20 =	vsub.s32 v20, v30;
	v45 =	vsub.f32 v5, v10;
	v10 =	vld.idx.msk [tilespmem:v18+s1+$0x0], $0xffff;
	v30 =	vand.u32 $0x7FF, v24  }
0x4f0: {  	v14 =	vld.idx.msk [tilespmem:v43+s1+$0x0], $0xffff;
	v1 =	vadd.f32 v11, v1  }
0x4f1: {  	vm1 =	vlt.s32 v56, v16;
	v16 =	vld.idx.msk [tilespmem:v63+s1+$0x0], $0xffff  }
0x4f2: {  	v31 =	vmul.f32 v61, v61;
	v56 =	vmov v54;
	v54 =	vld.idx.msk [tilespmem:v33+s2+$0x0], $0xffff;
	v1 =	vadd.f32 v7, v1  }
0x4f3: {  	v47 =	vld.idx.msk [tilespmem:v38+s2+$0x0], $0xffff  }
0x4f4: {  	vm2 =	vgt.s32 v20, $0x0;
	v11 =	vshll.u32 v60, $0x4;
	v60 =	vld.idx.msk [tilespmem:v8+s1+$0x0], $0xffff;
	[tilespmem:s1], [sflag:$0x2] =	stream.indirect_vreg.gather [spmem:s4], $0x80, v30, vm0, $0xb8;
	v1 =	vadd.f32 v31, v1  }
0x4f5: {  	v61 =	vmov v9;
	v9 =	vnsel vm2, $0x0, v20;
	_ =	swait.ge [sflag:s31], $0x800  }
0x4f6: {  	v2 =	vmin.u32 v9, $0x5FF;
	v24 =	vand.u32 $0x70, v11;
	v1 =	vadd.f32 v3, v1;
	v3 =	vld [tilespmem:$0x1FFB0]  }
0x4f7: {  	v5 =	vshll.u32 v2, $0x3;
	v8 =	vor.u32 v23, v24  }
0x4f8: {  	v2 =	vand.u32 $0x7F, v2;
	v5 =	vand.u32 $0x3C00, v5  }
0x4f9: {  	v17 =	vmul.f32 v17, v17;
	v4 =	vsub.f32 v40, v4;
	v40 =	vor.u32 v2, v5;
	v5 =	vld [tilespmem:$0x1FFC0]  }
0x4fa: {  	[sflag:s31] =	ssyncset.done $0x0  }
0x4fb: {  	v13 =	vmul.f32 v62, v62;
	[sflag:s31] =	ssyncadd.s32 $0xFFFFF800;
	v9 =	vor.u32 v3, v24;
	v3 =	vadd.f32 v17, v1  }
0x4fc: {  	v30 =	vld.idx.msk [tilespmem:v8+s1+$0x0], $0xffff  }
0x4fd: {  	v2 =	vor.u32 v22, v24;
	v8 =	vsub.f32 v12, v10;
	v12 =	vadd.f32 v13, v3;
	v3 =	vld [tilespmem:$0x1FF20]  }
0x4fe: {  	v43 =	vor.u32 v5, v24;
	v5 =	vld [tilespmem:$0x1FF70];
	_ =	sdelay $0x2  }
0x4ff: {  	v4 =	vmul.f32 v4, v4;
	v6 =	vor.u32 $0x80, v40;
	v15 =	vor.u32 v0, v24  }
0x500: {  	v7 =	vsub.f32 v32, v14;
	v14 =	vor.u32 $0x100, v40;
	v10 =	vor.u32 v3, v24;
	v3 =	vld.idx.msk [tilespmem:v2+s1+$0x0], $0xffff  }
0x501: {  	p4 =	sne.s32 s14, $0x1;
	v33 =	vor.u32 $0x200, v40;
	v58 =	vor.u32 $0x280, v40;
	v18 =	vor.u32 v5, v24;
	v2 =	vld [tilespmem:$0x1FEE0]  }
.Ltmp39:
0x502: {  	v38 =	vor.u32 $0x300, v40;
	v49 =	vadd.s32 $0x3080, v40;
	v51 =	vadd.s32 $0x3200, v40;
	(pc) =	sbr.rel @p4 .LBB2_65-.Ltmp39, $4  }
0x503: {  	v20 =	vadd.s32 $0x3280, v40;
	v62 =	vadd.s32 $0x3100, v40;
	v11 =	vsub.f32 v50, v16  }
0x504: {  	v48 =	vmovc v41;
	v50 =	vadd.s32 $0x3000, v40;
	v42 =	vor.u32 v19, v24;
	v63 =	vor.u32 v21, v24;
	v41 =	vld.idx.msk [tilespmem:v15+s1+$0x0], $0xffff  }
0x505: {  	v31 =	vor.u32 $0x180, v40;
	v32 =	vld.idx.msk [tilespmem:v14+s2+$0x0], $0xffff;
	v1 =	vadd.s32 $0x3180, v40;
	v5 =	vor.u32 $0x380, v40  }
0x506: {  	s14 =	sadd.s32 $0xFFFFFFFF, s14;
	v13 =	vmul.f32 v8, v8;
	v8 =	vnsel vm1, $0x0, v12;
	v36 =	vld.idx.msk [tilespmem:v18+s1+$0x0], $0xffff;
	v2 =	vor.u32 v2, v24  }
0x507: {  	v17 =	vld [tilespmem:$0x1FF00]  }
0x508: {  	v19 =	vmov v44;
	v44 =	vmov v56;
	v56 =	vmov v48;
	v48 =	vld [tilespmem:$0x1FFC0]  }
0x509: {  	[tilespmem:$0x1FDE0] =	vst v61;
	v61 =	vld [tilespmem:$0x1FFD0]  }
0x50a: {  	v12 =	vmov v53;
	v0 =	vlaneseq.u32;
	v53 =	vld [tilespmem:$0x1FDC0]  }
.LBB2_67:
0x50b: {  	_ =	sdelay $0x3  }
0x50c: {  	v6 =	vld.idx.msk [tilespmem:v6+s2+$0x0], $0xffff  }
0x50d: {  	v15 =	vld.idx.msk [tilespmem:v40+s2+$0x0], $0xffff;
	v14 =	vor.u32 v17, v24  }
0x50e: {  	v16 =	vld.idx.msk [tilespmem:v42+s1+$0x0], $0xffff  }
0x50f: {  	v4 =	vadd.f32 @p2 v13, v4;
	v13 =	vld.idx.msk [tilespmem:v63+s1+$0x0], $0xffff  }
0x510: {  	v31 =	vld.idx.msk [tilespmem:v31+s2+$0x0], $0xffff  }
0x511: {  	v9 =	vld.idx.msk [tilespmem:v9+s1+$0x0], $0xffff  }
0x512: {  	v7 =	vmul.f32 @p2 v7, v7;
	v14 =	vld.idx.msk [tilespmem:v14+s1+$0x0], $0xffff  }
0x513: {  	v2 =	vld.idx.msk [tilespmem:v2+s1+$0x0], $0xffff  }
0x514: {  	v4 =	vadd.f32 @p2 v7, v4;
	v7 =	vmul.f32 @p2 v11, v11;
	v17 =	vld.idx.msk [tilespmem:v43+s1+$0x0], $0xffff  }
0x515: {  	v12 =	vsub.f32 @p2 v54, v12;
	v34 =	vsub.f32 @p2 v34, v59;
	v59 =	vld [tilespmem:$0x1FF30]  }
0x516: {  	v18 =	vsub.f32 @p2 v37, v60;
	v60 =	vld [tilespmem:$0x1FF40];
	v4 =	vadd.f32 @p2 v7, v4  }
0x517: {  	v7 =	vmul.f32 @p2 v12, v12;
	v12 =	vld.idx.msk [tilespmem:v33+s2+$0x0], $0xffff;
	v63 =	vsub.f32 v15, v16;
	v6 =	vsub.f32 v6, v14  }
0x518: {  	v5 =	vld.idx.msk [tilespmem:v5+s2+$0x0], $0xffff;
	v37 =	vsub.f32 v31, v13;
	v13 =	vmul.f32 @p2 v35, v35  }
0x519: {  	v16 =	vld.idx.msk [tilespmem:v58+s2+$0x0], $0xffff;
	v11 =	vmul.f32 v63, v63;
	v15 =	vsub.f32 v32, v17;
	v6 =	vmul.f32 v6, v6  }
0x51a: {  	v4 =	vadd.f32 @p2 v7, v4;
	v63 =	vld [tilespmem:$0x1FF50];
	v14 =	vsub.f32 @p2 v47, v39;
	v39 =	vor.u32 v59, v24  }
0x51b: {  	v58 =	vld [tilespmem:$0x1FF60];
	v15 =	vmul.f32 v15, v15;
	v6 =	vadd.f32 v6, v11  }
0x51c: {  	v4 =	vadd.f32 @p2 v13, v4;
	v13 =	vor.u32 v60, v24;
	v17 =	vld.idx.msk [tilespmem:v38+s2+$0x0], $0xffff;
	v3 =	vsub.f32 v12, v3  }
0x51d: {  	v10 =	vld.idx.msk [tilespmem:v10+s1+$0x0], $0xffff;
	v7 =	vmul.f32 v37, v37;
	v14 =	vmul.f32 @p2 v14, v14;
	v6 =	vadd.f32 v15, v6  }
0x51e: {  	v42 =	vld.idx.msk [tilespmem:v49+s2+$0x0], $0xffff;
	v9 =	vsub.f32 v16, v9;
	v3 =	vmul.f32 v3, v3  }
0x51f: {  	v4 =	vadd.f32 @p2 v14, v4;
	v14 =	vor.u32 v63, v24;
	v11 =	vld.idx.msk [tilespmem:v39+s1+$0x0], $0xffff;
	v6 =	vadd.f32 v7, v6  }
0x520: {  	v49 =	vor.u32 v61, v24;
	v12 =	vmul.f32 @p2 v45, v45;
	v43 =	vor.u32 v58, v24;
	v15 =	vld.idx.msk [tilespmem:v50+s2+$0x0], $0xffff  }
0x521: {  	v9 =	vmul.f32 v9, v9;
	v13 =	vld.idx.msk [tilespmem:v13+s1+$0x0], $0xffff;
	v2 =	vsub.f32 v17, v2;
	v3 =	vadd.f32 v3, v6  }
0x522: {  	v1 =	vld.idx.msk [tilespmem:v1+s2+$0x0], $0xffff;
	v5 =	vsub.f32 v5, v10;
	v4 =	vadd.f32 @p2 v12, v4;
	v12 =	vmul.f32 @p2 v34, v34  }
0x523: {  	v10 =	vsub.f32 @p2 v25, v55;
	v17 =	vld.idx.msk [tilespmem:v62+s2+$0x0], $0xffff;
	v2 =	vmul.f32 v2, v2;
	v3 =	vadd.f32 v9, v3  }
0x524: {  	v16 =	vsub.f32 @p2 v28, v52;
	v4 =	vadd.f32 @p2 v12, v4;
	v12 =	vmul.f32 @p2 v18, v18;
	v45 =	vld.idx.msk [tilespmem:v14+s1+$0x0], $0xffff  }
0x525: {  	v14 =	vld [tilespmem:$0x1FDE0];
	v11 =	vsub.f32 v15, v11;
	v2 =	vadd.f32 v2, v3;
	v3 =	vmul.f32 v5, v5  }
0x526: {  	v47 =	vsub.f32 v42, v13;
	v4 =	vadd.f32 @p2 v12, v4;
	v12 =	vmul.f32 @p2 v16, v16;
	v6 =	vld.idx.msk [tilespmem:v43+s1+$0x0], $0xffff  }
0x527: {  	v11 =	vmul.f32 v11, v11;
	v2 =	vadd.f32 v3, v2;
	v3 =	vadd.s32 $0x3300, v40  }
0x528: {  	v10 =	vmul.f32 @p2 v10, v10;
	v50 =	vadd.s32 $0x3380, v40;
	v4 =	vadd.f32 @p2 v12, v4;
	v12 =	vld.idx.msk [tilespmem:v51+s2+$0x0], $0xffff  }
0x529: {  	v9 =	vsub.f32 v17, v45;
	v5 =	vmul.f32 v47, v47;
	v2 =	vadd.f32 v11, v2  }
0x52a: {  	v13 =	vsub.f32 @p2 v26, v56;
	v51 =	vld.idx.msk [tilespmem:v20+s2+$0x0], $0xffff;
	v4 =	vadd.f32 @p2 v10, v4;
	v14 =	vmul.f32 @p2 v14, v14  }
0x52b: {  	v52 =	vld.idx.msk [tilespmem:v49+s1+$0x0], $0xffff;
	v1 =	vsub.f32 v1, v6;
	v54 =	vmul.f32 v9, v9;
	v2 =	vadd.f32 v5, v2  }
0x52c: {  	v7 =	vsub.f32 @p2 v29, v57;
	v4 =	vadd.f32 @p2 v14, v4;
	v9 =	vmul.f32 @p2 v13, v13;
	v3 =	vld.idx.msk [tilespmem:v3+s2+$0x0], $0xffff  }
0x52d: {  	v55 =	vld.idx.msk [tilespmem:v50+s2+$0x0], $0xffff;
	v12 =	vsub.f32 v12, v36;
	v1 =	vmul.f32 v1, v1;
	v2 =	vadd.f32 v54, v2  }
0x52e: {  	v7 =	vmul.f32 @p2 v7, v7;
	v6 =	vsub.f32 @p2 v27, v19;
	v4 =	vadd.f32 @p2 v9, v4  }
0x52f: {  	v10 =	vsub.f32 v51, v41;
	v1 =	vadd.f32 v1, v2;
	v2 =	vmul.f32 v12, v12  }
0x530: {  	v6 =	vmul.f32 @p2 v6, v6;
	v4 =	vadd.f32 @p2 v7, v4  }
0x531: {  	v62 =	vld [tilespmem:$0x1FEB0];
	v3 =	vsub.f32 v3, v52;
	v1 =	vadd.f32 v2, v1;
	v2 =	vmul.f32 v10, v10  }
0x532: {  	v56 =	vsub.f32 v55, v30  }
0x533: {  	v4 =	vadd.f32 @p2 v6, v4;
	v1 =	vadd.f32 v2, v1;
	v2 =	vmul.f32 v3, v3  }
0x534: {  	vm1 =	vlt.s32 @p2 v44, v53;
	v3 =	vadd.f32 @p3 v8, v46  }
0x535: {  	s8 =	sadd.s32 @p2 $0x10, s12;
	v17 =	vld [tilespmem:$0x1FF00];
	v57 =	vmul.f32 v56, v56;
	v1 =	vadd.f32 v2, v1;
	v2 =	vnsel @p2 vm1, $0x0, v4  }
0x536: {  	s11 =	smov.u32 @p2 s8;
	v45 =	vld [tilespmem:$0x1FF20];
	v3 =	vpsel p3, v3, v62;
	v2 =	vpsel p2, v2, v0  }
.Ltmp40:
0x537: {  	v19 =	vld [tilespmem:$0x1FEF0];
	v2 =	vadd.f32 @p2 v2, v3;
	v1 =	vadd.f32 v57, v1;
	v3 =	vor.u32 s11, v0;
	(pc) =	sbr.rel .LBB2_68-.Ltmp40, $4  }
0x538: {  	v56 =	vld [tilespmem:$0x1FEC0];
	vm1 =	vlt.s32 v3, v53  }
0x539: {  	v46 =	vld [tilespmem:$0x1FF80];
	v2 =	vpsel p2, v2, v62;
	v1 =	vnsel vm1, $0x0, v1  }
0x53a: {  	v57 =	vld [tilespmem:$0x1FFB0];
	v15 =	vadd.f32 v1, v2  }
0x53b: {  	v44 =	vmov v23;
	v18 =	vmov v22;
	v22 =	vmov v21;
	v62 =	vld [tilespmem:$0x1FF70]  }
.LBB2_20:
.Ltmp41:
0x53c: {  	(pc) =	sbr.rel .LBB2_24-.Ltmp41, $2  }
0x53d: {  	_ =	sdelay $0x2  }
0x53e: {  	s20 =	simm.s32 $0x0;
	s16 =	simm.s32 $0x0  }
.LBB2_36:
.Ltmp42:
0x53f: {  	(pc) =	sbr.rel .LBB2_40-.Ltmp42, $2  }
0x540: {  	_ =	sdelay $0x2  }
0x541: {  	s15 =	simm.s32 $0x0;
	s14 =	simm.s32 $0x0  }
.LBB2_53:
.Ltmp43:
0x542: {  	(pc) =	sbr.rel .LBB2_57-.Ltmp43, $2  }
0x543: {  	_ =	sdelay $0x2  }
0x544: {  	s13 =	simm.s32 $0x0;
	s12 =	simm.s32 $0x0  }
.LBB2_22:
.Ltmp44:
0x545: {  	(pc) =	sbr.rel .LBB2_24-.Ltmp44, $2  }
0x546: {  	_ =	sdelay $0x2  }
0x547: {  	s20 =	simm.s32 $0x0;
	s16 =	simm.s32 $0x0  }
.LBB2_38:
.Ltmp45:
0x548: {  	(pc) =	sbr.rel .LBB2_40-.Ltmp45, $2  }
0x549: {  	_ =	sdelay $0x2  }
0x54a: {  	s15 =	simm.s32 $0x0;
	s14 =	simm.s32 $0x0  }
.LBB2_55:
.Ltmp46:
0x54b: {  	(pc) =	sbr.rel .LBB2_57-.Ltmp46, $2  }
0x54c: {  	_ =	sdelay $0x2  }
0x54d: {  	s13 =	simm.s32 $0x0;
	s12 =	simm.s32 $0x0  }
.LBB2_26:
.Ltmp47:
0x54e: {  	(pc) =	sbr.rel .LBB2_33-.Ltmp47, $4  }
0x54f: {  	_ = 	snop  }
0x550: {  	_ = 	snop  }
0x551: {  	_ = 	snop  }
0x552: {  	s16 =	simm.s32 $0x0;
	v46 =	vmov v15  }
.LBB2_43:
.Ltmp48:
0x553: {  	(pc) =	sbr.rel .LBB2_50-.Ltmp48, $3  }
0x554: {  	_ =	sdelay $0x1  }
0x555: {  	_ = 	snop  }
0x556: {  	v57 =	vmov v46;
	s14 =	simm.s32 $0x0;
	v46 =	vmov v15;
	v18 =	vmov v53  }
.LBB2_60:
.Ltmp49:
0x557: {  	(pc) =	sbr.rel .LBB2_67-.Ltmp49, $2  }
0x558: {  	_ =	sdelay $0x2  }
0x559: {  	v21 =	vmovc v56;
	v22 =	vmov v18;
	v23 =	vmov v44;
	s12 =	simm.s32 $0x0;
	v46 =	vmov v15  }
.LBB2_28:
.Ltmp50:
0x55a: {  	(pc) =	sbr.rel .LBB2_33-.Ltmp50, $3  }
0x55b: {  	_ =	sdelay $0x1  }
0x55c: {  	v12 =	vmov v53;
	v23 =	vmov v30;
	v46 =	vmov v15  }
0x55d: {  	[tilespmem:$0x1FE60] =	vst v41;
	s16 =	simm.s32 $0x0;
	v30 =	vmovc v44;
	v53 =	vmovc v3;
	v44 =	vmov v16;
	v41 =	vmov v48;
	v48 =	vmov v21;
	v21 =	vld [tilespmem:$0x1FE70]  }
.LBB2_45:
.Ltmp51:
0x55e: {  	v57 =	vmov v46;
	v46 =	vld [tilespmem:$0x1FEB0];
	(pc) =	sbr.rel .LBB2_50-.Ltmp51, $4  }
0x55f: {  	v61 =	vld [tilespmem:$0x1FFD0]  }
0x560: {  	v18 =	vld [tilespmem:$0x1FF10]  }
0x561: {  	v12 =	vmov v3;
	[tilespmem:$0x1FE20] =	vst v41;
	v41 =	vmov v48;
	v48 =	vmov v19;
	v19 =	vld [tilespmem:$0x1FE30]  }
0x562: {  	v23 =	vmovc v30;
	s14 =	simm.s32 $0x0;
	v30 =	vmovc v44;
	v44 =	vmov v21;
	v21 =	vmov v15;
	v3 =	vmov v53;
	v53 =	vld [tilespmem:$0x1FE40]  }
.LBB2_62:
.Ltmp52:
0x563: {  	v46 =	vld [tilespmem:$0x1FEB0];
	(pc) =	sbr.rel .LBB2_67-.Ltmp52, $4  }
0x564: {  	v17 =	vld [tilespmem:$0x1FF00]  }
0x565: {  	v57 =	vld [tilespmem:$0x1FDD0]  }
0x566: {  	v21 =	vmovc v56;
	v23 =	vmovc v15;
	v12 =	vmov v3;
	v56 =	vmov v41;
	v3 =	vmov v53;
	v53 =	vld [tilespmem:$0x1FDC0]  }
0x567: {  	v19 =	vmovc v30;
	s12 =	simm.s32 $0x0;
	v41 =	vmovc v48;
	v0 =	vlaneseq.u32;
	v48 =	vmov v18;
	v30 =	vmov v44;
	v44 =	vld [tilespmem:$0x1FDF0]  }
.LBB2_30:
.Ltmp53:
0x568: {  	v46 =	vld [tilespmem:$0x1FEB0];
	(pc) =	sbr.rel .LBB2_33-.Ltmp53, $4  }
0x569: {  	[tilespmem:$0x1FE80] =	vst v61;
	v61 =	vld [tilespmem:$0x1FFD0]  }
0x56a: {  	v14 =	vmov v57;
	v57 =	vmov v19;
	v19 =	vld [tilespmem:$0x1FEF0]  }
0x56b: {  	v12 =	vmovc v3;
	[tilespmem:$0x1FE60] =	vst v48;
	v23 =	vmov v44;
	v44 =	vmov v17;
	v3 =	vmov v21;
	v17 =	vld [tilespmem:$0x1FF00]  }
0x56c: {  	[tilespmem:$0x1FE90] =	vst v56;
	v48 =	vmovc v0;
	v56 =	vld [tilespmem:$0x1FEC0];
	v0 =	vlaneseq.u32;
	v21 =	vmov v14;
	v18 =	vmov v3  }
.LBB2_47:
0x56d: {  	v46 =	vld [tilespmem:$0x1FEB0]  }
0x56e: {  	[tilespmem:$0x1FE50] =	vst v61;
	v61 =	vld [tilespmem:$0x1FFD0]  }
.Ltmp54:
0x56f: {  	v18 =	vld [tilespmem:$0x1FF10];
	(pc) =	sbr.rel .LBB2_50-.Ltmp54, $4  }
0x570: {  	v23 =	vmov v44;
	v44 =	vld [tilespmem:$0x1FFE0]  }
0x571: {  	v12 =	vmov v53;
	v53 =	vmov v57;
	v57 =	vld [tilespmem:$0x1FEF0]  }
0x572: {  	[tilespmem:$0x1FE20] =	vst v48;
	v48 =	vmov v21;
	v21 =	vmov v56;
	v56 =	vld [tilespmem:$0x1FEC0]  }
0x573: {  	v22 =	vmov v19;
	v19 =	vld [tilespmem:$0x1FE30]  }
.LBB2_64:
.Ltmp55:
0x574: {  	v46 =	vld [tilespmem:$0x1FEB0];
	(pc) =	sbr.rel .LBB2_67-.Ltmp55, $4  }
0x575: {  	v17 =	vld [tilespmem:$0x1FF00]  }
0x576: {  	v19 =	vmov v44;
	v44 =	vmov v56;
	v56 =	vmov v48;
	v48 =	vld [tilespmem:$0x1FFC0]  }
0x577: {  	[tilespmem:$0x1FDE0] =	vst v61;
	v61 =	vld [tilespmem:$0x1FFD0]  }
0x578: {  	v12 =	vmov v53;
	v0 =	vlaneseq.u32;
	v53 =	vld [tilespmem:$0x1FDC0]  }
.LBB2_69:
0x579: {  	_ =	swait.ge [sflag:s3], $0x6000  }
.Ltmp56:
0x57a: {  	[sflag:s3] =	ssyncset.done $0x0;
	(pc) =	sbr.rel @p1 .LBB2_70-.Ltmp56, $4  }
0x57b: {  	[sflag:s3] =	ssyncadd.s32 $0xFFFFA000  }
0x57c: {  	_ =	swait.ge [sflag:s3], $0x6000  }
0x57d: {  	[sflag:s3] =	ssyncset.done $0x0  }
0x57e: {  	[sflag:s3] =	ssyncadd.s32 $0xFFFFA000  }
0x57f: {  	p2 =	sne.s32 s9, $0x1  }
.Ltmp57:
0x580: {  	_ = 	snop;
	(pc) =	sbr.rel @!p2 .LBB2_72-.Ltmp57, $3  }
0x581: {  	_ =	sdelay $0x1  }
0x582: {  	s8 =	simm.s32 $0x12000  }
0x583: {  	s10 =	simm.s32 $0x0;
	s9 =	sadd.s32 $0xFFFFFFFF, s9;
	p1 =	por $0x0, $0x0;
	v1 =	vld [tilespmem:s8+$0x0]  }
0x584: {  	v57 =	vld [tilespmem:$0x1FED0];
	_ =	sdelay $0x3  }
0x585: {  	v3 =	vor.u32 s10, v0;
	v2 =	vshra.s32 v1, $0xE  }
0x586: {  	vm1 =	vlt.s32 v3, v56;
	vm2 =	vge.s32 v2, v57  }
0x587: {  	vm1 =	vmand vm1, vm2  }
0x588: {  	v2 =	vmpcnt.ones.xlane vm1;
	_ =	sdelay $0x1  }
0x589: {  	(v2sf) =	vpush v2, $0x0  }
0x58a: {  	p2 =	sne.s32 s9, $0x1  }
.Ltmp58:
0x58b: {  	_ = 	snop;
	(pc) =	sbr.rel @!p2 .LBB2_74-.Ltmp58, $3  }
0x58c: {  	_ =	sdelay $0x1  }
0x58d: {  	s12 =	simm.s32 $0x12010;
	s13 =	sadd.s32 $0xFFFFFFFF, s9;
	[tilespmem:s10+$0x16080] =	vst.msk vm1, v1  }
0x58e: {  	p1 =	por $0x1, $0x1;
	s11 =	simm.s32 $0x0;
	s9 =	simm.s32 $0x0;
	v1 =	vld [tilespmem:s12+$0x0]  }
.LBB2_75:
0x58f: {  	p2 =	sne.s32 s13, $0x1;
	_ =	sdelay $0x2  }
0x590: {  	s11 =	sadd.s32 $0x10, s11  }
0x591: {  	v3 =	vor.u32 s11, v0;
	v2 =	vshra.s32 v1, $0xE  }
0x592: {  	vm1 =	vlt.s32 v3, v56;
	vm2 =	vge.s32 v2, v57  }
0x593: {  	vm1 =	vmand vm1, vm2  }
0x594: {  	v2 =	vmpcnt.ones.xlane vm1  }
0x595: {  	s8 =	spop (v2sf)  }
0x596: {  	(v2sf) =	vpush v2, $0x0;
	s9 =	sadd.s32 s9, s8  }
0x597: {  	[tilespmem:s9+$0x16080] =	vst.msk vm1, v1  }
.Ltmp59:
0x598: {  	(pc) =	sbr.rel @p2 .LBB2_75-.Ltmp59, $3  }
0x599: {  	_ =	sdelay $0x1  }
0x59a: {  	s12 =	sadd.s32 $0x10, s12  }
0x59b: {  	s13 =	sadd.s32 $0xFFFFFFFF, s13;
	v1 =	vld [tilespmem:s12+$0x0]  }
0x59c: {  	v51 =	vmov v44  }
.LBB2_77:
0x59d: {  	_ = 	snop  }
0x59e: {  	s8 =	sadd.s32 @p1 $0x10, s11;
	s11 =	simm.s32 $0x0  }
0x59f: {  	s11 =	smov.u32 @p1 s8  }
0x5a0: {  	v3 =	vor.u32 s11, v0;
	v2 =	vshra.s32 v1, $0xE  }
0x5a1: {  	vm1 =	vlt.s32 v3, v56;
	vm2 =	vge.s32 v2, v57  }
0x5a2: {  	vm1 =	vmand vm1, vm2  }
0x5a3: {  	v2 =	vmpcnt.ones.xlane vm1;
	_ =	sdelay $0x1  }
0x5a4: {  	(v2sf) =	vpush v2, $0x0;
	_ =	sdelay $0xc  }
0x5a5: {  	s8 =	spop @p1 (v2sf)  }
0x5a6: {  	s8 =	sadd.s32 @p1 s9, s8  }
0x5a7: {  	s10 =	smov.u32 @p1 s8;
	s22 =	spop (v2sf)  }
0x5a8: {  	s9 =	sadd.s32 s10, s22  }
0x5a9: {  	s8 =	sadd.s32 $0xF, s9  }
0x5aa: {  	s11 =	sshra.s32 s8, $0x4  }
0x5ab: {  	p1 =	slt.s32 s11, $0x1  }
.Ltmp60:
0x5ac: {  	_ = 	snop;
	(pc) =	sbr.rel @p1 .LBB2_78-.Ltmp60, $2  }
0x5ad: {  	_ =	sdelay $0x2  }
0x5ae: {  	[tilespmem:s10+$0x16080] =	vst.msk vm1, v1  }
0x5af: {  	s8 =	simm.s32 $0x16080  }
0x5b0: {  	v1 =	vld [tilespmem:s8+$0x0];
	_ =	sdelay $0x4  }
0x5b1: {  	v2 =	vshrl.u32 v1, $0x3  }
0x5b2: {  	v2 =	vand.u32 $0x7FF, v2  }
0x5b3: {  	v3 =	vshra.s32 v1, $0xE  }
0x5b4: {  	v0 =	vld [tilespmem:$0x1FEE0];
	v1 =	vshll.u32 v1, $0x4;
	v3 =	vsub.s32 v3, v57  }
0x5b5: {  	v23 =	vand.u32 $0x70, v1;
	vm1 =	vgt.s32 v3, $0x0  }
0x5b6: {  	v1 =	vnsel vm1, $0x0, v3;
	v3 =	vor.u32 v62, v23  }
0x5b7: {  	v5 =	vor.u32 v18, v23;
	v1 =	vmin.u32 v1, $0x3F;
	[tilespmem:s1], [sflag:$0x2] =	stream.indirect_vreg.gather [spmem:s4], $0x80, v2, vm0, $0xb8;
	[tilespmem:$0x1FD80] =	vst v63  }
0x5b8: {  	v21 =	vmov s9;
	v34 =	vshll.u32 v1, $0x4;
	v1 =	vor.u32 v60, v23;
	_ =	swait.ge [sflag:s31], $0x800  }
0x5b9: {  	v39 =	vor.u32 v48, v23;
	v37 =	vor.u32 v17, v23;
	v13 =	vor.u32 v0, v23;
	[sflag:s31] =	ssyncset.done $0x0  }
0x5ba: {  	p2 =	sne.s32 s11, $0x1;
	v6 =	vor.u32 v19, v23;
	v30 =	vor.u32 v45, v23;
	v2 =	vor.u32 $0x3, v34;
	v60 =	vld [tilespmem:$0x1FFB0];
	[sflag:s31] =	ssyncadd.s32 $0xFFFFF800  }
.Ltmp61:
0x5bb: {  	v46 =	vor.u32 v22, v23;
	v38 =	vor.u32 $0x1, v34;
	v40 =	vor.u32 $0x2, v34;
	v27 =	vld.idx.msk [tilespmem:v3+s1+$0x0], $0xffff;
	(pc) =	sbr.rel @!p2 .LBB2_80-.Ltmp61, $4  }
0x5bc: {  	v10 =	vor.u32 $0x4, v34;
	v11 =	vor.u32 $0x5, v34;
	v42 =	vor.u32 $0x6, v34;
	v8 =	vld.idx.msk [tilespmem:v5+s1+$0x0], $0xffff  }
0x5bd: {  	v4 =	vor.u32 $0x7, v34;
	v44 =	vor.u32 $0x9, v34;
	v41 =	vor.u32 $0xC, v34;
	v9 =	vld.idx.msk [tilespmem:v1+s1+$0x0], $0xffff  }
0x5be: {  	v7 =	vor.u32 $0xD, v34;
	v35 =	vor.u32 $0xE, v34;
	v1 =	vor.u32 $0xA, v34;
	v43 =	vld.idx.msk [tilespmem:v13+s1+$0x0], $0xffff  }
0x5bf: {  	s9 =	simm.s32 $0x0;
	s10 =	sadd.s32 $0xFFFFFFFF, s11;
	p1 =	por $0x0, $0x0;
	v59 =	vmovc v22;
	[tilespmem:$0x1FEB0] =	vst v15;
	v3 =	vor.u32 $0xB, v34;
	v12 =	vld.idx.msk [tilespmem:v2+s23+$0x0], $0xffff;
	v2 =	vor.u32 $0xF, v34;
	v47 =	vor.u32 v60, v23  }
0x5c0: {  	_ =	sdelay $0x3  }
0x5c1: {  	v5 =	vld.idx.msk [tilespmem:v47+s1+$0x0], $0xffff  }
0x5c2: {  	v13 =	vld.idx.msk [tilespmem:v44+s23+$0x0], $0xffff  }
0x5c3: {  	v14 =	vld.idx.msk [tilespmem:v46+s1+$0x0], $0xffff  }
0x5c4: {  	v50 =	vmov v15;
	v15 =	vld.idx.msk [tilespmem:v41+s23+$0x0], $0xffff  }
0x5c5: {  	v16 =	vld.idx.msk [tilespmem:v42+s23+$0x0], $0xffff  }
0x5c6: {  	v11 =	vld.idx.msk [tilespmem:v11+s23+$0x0], $0xffff  }
0x5c7: {  	v0 =	vmov v17;
	v17 =	vld.idx.msk [tilespmem:v39+s1+$0x0], $0xffff  }
0x5c8: {  	v10 =	vld.idx.msk [tilespmem:v10+s23+$0x0], $0xffff  }
0x5c9: {  	v54 =	vmov v63;
	v63 =	vld [tilespmem:$0x1FF30]  }
0x5ca: {  	v28 =	vld.idx.msk [tilespmem:v40+s23+$0x0], $0xffff  }
0x5cb: {  	v29 =	vld.idx.msk [tilespmem:v37+s1+$0x0], $0xffff  }
0x5cc: {  	v32 =	vld.idx.msk [tilespmem:v34+s23+$0x0], $0xffff  }
0x5cd: {  	v18 =	vor.u32 $0x8, v34;
	v31 =	vld.idx.msk [tilespmem:v38+s23+$0x0], $0xffff  }
0x5ce: {  	v6 =	vld.idx.msk [tilespmem:v6+s1+$0x0], $0xffff  }
0x5cf: {  	v25 =	vld.idx.msk [tilespmem:v7+s23+$0x0], $0xffff  }
0x5d0: {  	v24 =	vld.idx.msk [tilespmem:v35+s23+$0x0], $0xffff  }
0x5d1: {  	v49 =	vld.idx.msk [tilespmem:v4+s23+$0x0], $0xffff  }
0x5d2: {  	v7 =	vlaneseq.u32;
	s11 =	simm.s32 $0x16090;
	v20 =	vor.u32 v63, v23;
	v18 =	vld.idx.msk [tilespmem:v18+s23+$0x0], $0xffff  }
0x5d3: {  	v52 =	vmovc v19;
	v22 =	vor.u32 s9, v7;
	v26 =	vsub.f32 v13, v9;
	v7 =	vsub.f32 v12, v14;
	v12 =	vld [tilespmem:s11+$0x0]  }
0x5d4: {  	v19 =	vmovc v61;
	v9 =	vsub.f32 v16, v43;
	v5 =	vsub.f32 v11, v5;
	v14 =	vor.u32 v61, v23;
	v61 =	vld [tilespmem:$0x1FF80]  }
0x5d5: {  	v8 =	vsub.f32 v10, v8;
	v10 =	vsub.f32 v28, v17;
	v16 =	vor.u32 v54, v23;
	v28 =	vld.idx.msk [tilespmem:v2+s23+$0x0], $0xffff  }
0x5d6: {  	v13 =	vsub.f32 v31, v29;
	v31 =	vsub.f32 v15, v27;
	v15 =	vld.idx.msk [tilespmem:v3+s23+$0x0], $0xffff  }
0x5d7: {  	v11 =	vor.u32 v51, v23;
	v2 =	vor.u32 v58, v23;
	v35 =	vmul.f32 v8, v8;
	v33 =	vld.idx.msk [tilespmem:v20+s1+$0x0], $0xffff  }
0x5d8: {  	v20 =	vmul.f32 v9, v9;
	v9 =	vmul.f32 v13, v13;
	v13 =	vld.idx.msk [tilespmem:v1+s23+$0x0], $0xffff;
	v1 =	vsub.f32 v32, v6  }
0x5d9: {  	v4 =	vshra.s32 v12, $0xE;
	v6 =	vshrl.u32 v12, $0x3;
	v8 =	vshll.u32 v12, $0x4;
	v12 =	vld.idx.msk [tilespmem:v30+s1+$0x0], $0xffff  }
0x5da: {  	v17 =	vor.u32 v61, v23;
	v16 =	vld.idx.msk [tilespmem:v16+s1+$0x0], $0xffff;
	v6 =	vand.u32 $0x7FF, v6  }
0x5db: {  	v32 =	vld.idx.msk [tilespmem:v14+s1+$0x0], $0xffff  }
0x5dc: {  	v29 =	vmul.f32 v5, v5;
	v36 =	vld.idx.msk [tilespmem:v11+s1+$0x0], $0xffff;
	v4 =	vsub.s32 v4, v57  }
0x5dd: {  	v1 =	vmul.f32 v1, v1;
	vm1 =	vgt.s32 v4, $0x0;
	v5 =	vsub.f32 v18, v33;
	v18 =	vld.idx.msk [tilespmem:v2+s1+$0x0], $0xffff  }
0x5de: {  	v2 =	vnsel vm1, $0x0, v4;
	v4 =	vld [tilespmem:$0x1FF10]  }
0x5df: {  	v3 =	vmul.f32 v10, v10;
	v1 =	vadd.f32 v9, v1;
	v33 =	vld.idx.msk [tilespmem:v17+s1+$0x0], $0xffff;
	v2 =	vmin.u32 v2, $0x3F;
	[tilespmem:s1], [sflag:$0x2] =	stream.indirect_vreg.gather [spmem:s4], $0x80, v6, vm0, $0xb8  }
0x5e0: {  	v34 =	vshll.u32 v2, $0x4;
	v2 =	vld [tilespmem:$0x1FEE0];
	_ =	swait.ge [sflag:s31], $0x800  }
0x5e1: {  	v1 =	vadd.f32 v3, v1;
	v3 =	vld [tilespmem:$0x1FF40]  }
0x5e2: {  	v23 =	vand.u32 $0x70, v8  }
0x5e3: {  	v7 =	vmul.f32 v7, v7;
	v9 =	vor.u32 v62, v23  }
0x5e4: {  	v39 =	vor.u32 v48, v23;
	v37 =	vor.u32 v0, v23;
	v8 =	vor.u32 v4, v23  }
0x5e5: {  	v30 =	vor.u32 v45, v23;
	v46 =	vor.u32 v59, v23;
	v14 =	vor.u32 v2, v23  }
0x5e6: {  	v47 =	vor.u32 v60, v23;
	v13 =	vsub.f32 v13, v16;
	[sflag:s31] =	ssyncset.done $0x0;
	v17 =	vor.u32 v3, v23  }
0x5e7: {  	v6 =	vor.u32 v52, v23;
	v7 =	vadd.f32 v7, v1;
	[sflag:s31] =	ssyncadd.s32 $0xFFFFF800;
	v2 =	vor.u32 $0x3, v34  }
0x5e8: {  	p2 =	sne.s32 s10, $0x1;
	v38 =	vor.u32 $0x1, v34;
	v40 =	vor.u32 $0x2, v34;
	v10 =	vor.u32 $0x4, v34;
	v27 =	vld.idx.msk [tilespmem:v9+s1+$0x0], $0xffff  }
.Ltmp62:
0x5e9: {  	v11 =	vor.u32 $0x5, v34;
	v42 =	vor.u32 $0x6, v34;
	v55 =	vadd.f32 v35, v7;
	v8 =	vld.idx.msk [tilespmem:v8+s1+$0x0], $0xffff;
	(pc) =	sbr.rel @!p2 .LBB2_82-.Ltmp62, $4  }
0x5ea: {  	v44 =	vor.u32 $0x9, v34;
	v1 =	vor.u32 $0xA, v34;
	v41 =	vor.u32 $0xC, v34;
	v43 =	vld.idx.msk [tilespmem:v14+s1+$0x0], $0xffff  }
0x5eb: {  	v4 =	vor.u32 $0x7, v34;
	v7 =	vor.u32 $0xD, v34;
	v9 =	vld.idx.msk [tilespmem:v17+s1+$0x0], $0xffff;
	v17 =	vsub.f32 v49, v12  }
0x5ec: {  	v56 =	vmovc v51;
	v53 =	vmovc v45;
	v35 =	vor.u32 $0xE, v34;
	v45 =	vsub.f32 v15, v18;
	v3 =	vor.u32 $0xB, v34;
	v12 =	vld.idx.msk [tilespmem:v2+s23+$0x0], $0xffff  }
0x5ed: {  	s12 =	sadd.s32 $0xFFFFFFFF, s10;
	p1 =	por $0x1, $0x1;
	s10 =	simm.s32 $0x0;
	v2 =	vor.u32 $0xF, v34;
	v49 =	vadd.f32 v29, v55;
	v55 =	vmovc v48;
	v29 =	vmovc v50;
	v48 =	vmul.f32 v17, v17  }
.LBB2_83:
0x5ee: {  	v14 =	vld.idx.msk [tilespmem:v47+s1+$0x0], $0xffff  }
0x5ef: {  	v18 =	vld.idx.msk [tilespmem:v44+s23+$0x0], $0xffff  }
0x5f0: {  	v50 =	vld.idx.msk [tilespmem:v41+s23+$0x0], $0xffff;
	v15 =	vadd.f32 v20, v49  }
0x5f1: {  	v16 =	vsub.f32 v28, v36;
	v28 =	vld.idx.msk [tilespmem:v42+s23+$0x0], $0xffff  }
0x5f2: {  	v11 =	vld.idx.msk [tilespmem:v11+s23+$0x0], $0xffff;
	v5 =	vmul.f32 v5, v5;
	v15 =	vadd.f32 v48, v15  }
0x5f3: {  	v39 =	vld.idx.msk [tilespmem:v39+s1+$0x0], $0xffff  }
0x5f4: {  	v10 =	vld.idx.msk [tilespmem:v10+s23+$0x0], $0xffff;
	v5 =	vadd.f32 v5, v15;
	v15 =	vmul.f32 v26, v26  }
0x5f5: {  	v51 =	vor.u32 $0x8, v34;
	v6 =	vld.idx.msk [tilespmem:v6+s1+$0x0], $0xffff  }
0x5f6: {  	v17 =	vlaneseq.u32;
	v13 =	vmul.f32 v13, v13;
	v20 =	vld.idx.msk [tilespmem:v46+s1+$0x0], $0xffff;
	v5 =	vadd.f32 v15, v5  }
0x5f7: {  	s10 =	sadd.s32 $0x10, s10;
	v31 =	vmul.f32 v31, v31;
	v25 =	vsub.f32 v25, v33;
	v26 =	vsub.f32 v18, v9;
	v9 =	vld.idx.msk [tilespmem:v40+s23+$0x0], $0xffff  }
0x5f8: {  	v17 =	vor.u32 s10, v17;
	v18 =	vld.idx.msk [tilespmem:v37+s1+$0x0], $0xffff;
	v5 =	vadd.f32 v13, v5;
	v13 =	vmul.f32 v45, v45  }
0x5f9: {  	vm1 =	vlt.s32 v22, v21;
	v22 =	vmov v17;
	v40 =	vld.idx.msk [tilespmem:v34+s23+$0x0], $0xffff;
	v15 =	vor.u32 v63, v23  }
0x5fa: {  	v17 =	vor.u32 v54, v23;
	v28 =	vsub.f32 v28, v43;
	v42 =	vld.idx.msk [tilespmem:v51+s23+$0x0], $0xffff;
	v5 =	vadd.f32 v13, v5  }
0x5fb: {  	v24 =	vsub.f32 v24, v32;
	v11 =	vsub.f32 v11, v14;
	v14 =	vmul.f32 v25, v25;
	v25 =	vld.idx.msk [tilespmem:v7+s23+$0x0], $0xffff  }
0x5fc: {  	v12 =	vsub.f32 v12, v20;
	v20 =	vmul.f32 v28, v28;
	v28 =	vld.idx.msk [tilespmem:v2+s23+$0x0], $0xffff;
	v5 =	vadd.f32 v31, v5  }
0x5fd: {  	v8 =	vsub.f32 v10, v8;
	v43 =	vor.u32 v58, v23;
	v13 =	vld.idx.msk [tilespmem:v38+s23+$0x0], $0xffff  }
0x5fe: {  	v7 =	vor.u32 v56, v23;
	v10 =	vld.idx.msk [tilespmem:v15+s1+$0x0], $0xffff;
	v15 =	vmul.f32 v24, v24;
	v5 =	vadd.f32 v14, v5  }
0x5ff: {  	s11 =	sadd.s32 $0x10, s11;
	v17 =	vld.idx.msk [tilespmem:v17+s1+$0x0], $0xffff  }
0x600: {  	v5 =	vadd.f32 v15, v5;
	v15 =	vmul.f32 v16, v16;
	v16 =	vld [tilespmem:s11+$0x0]  }
0x601: {  	v45 =	vld.idx.msk [tilespmem:v1+s23+$0x0], $0xffff  }
0x602: {  	v51 =	vld.idx.msk [tilespmem:v43+s1+$0x0], $0xffff;
	v14 =	vor.u32 v19, v23  }
0x603: {  	v36 =	vld.idx.msk [tilespmem:v7+s1+$0x0], $0xffff;
	v13 =	vsub.f32 v13, v18;
	v18 =	vor.u32 v61, v23;
	v2 =	vadd.f32 v15, v5  }
0x604: {  	v1 =	vsub.f32 v40, v6;
	v24 =	vld.idx.msk [tilespmem:v35+s23+$0x0], $0xffff  }
0x605: {  	v31 =	vsub.f32 v50, v27;
	v50 =	vld.idx.msk [tilespmem:v3+s23+$0x0], $0xffff;
	v2 =	vnsel vm1, $0x0, v2;
	v3 =	vshrl.u32 v16, $0x3  }
0x606: {  	v35 =	vld.idx.msk [tilespmem:v4+s23+$0x0], $0xffff;
	v29 =	vadd.f32 v2, v29;
	v2 =	vshra.s32 v16, $0xE;
	v3 =	vand.u32 $0x7FF, v3  }
0x607: {  	v32 =	vld.idx.msk [tilespmem:v14+s1+$0x0], $0xffff;
	v2 =	vsub.s32 v2, v57  }
0x608: {  	v9 =	vsub.f32 v9, v39;
	v1 =	vmul.f32 v1, v1;
	v33 =	vld.idx.msk [tilespmem:v18+s1+$0x0], $0xffff;
	vm1 =	vgt.s32 v2, $0x0  }
0x609: {  	v13 =	vmul.f32 v13, v13;
	v4 =	vshll.u32 v16, $0x4;
	v16 =	vld.idx.msk [tilespmem:v30+s1+$0x0], $0xffff;
	v2 =	vnsel vm1, $0x0, v2  }
0x60a: {  	v6 =	vmul.f32 v9, v9;
	v23 =	vand.u32 $0x70, v4;
	v4 =	vld [tilespmem:$0x1FF10];
	v2 =	vmin.u32 v2, $0x3F  }
0x60b: {  	v9 =	vmul.f32 v8, v8;
	v1 =	vadd.f32 v13, v1;
	v34 =	vshll.u32 v2, $0x4;
	v2 =	vld [tilespmem:$0x1FEE0];
	[tilespmem:s1], [sflag:$0x2] =	stream.indirect_vreg.gather [spmem:s4], $0x80, v3, vm0, $0xb8  }
0x60c: {  	v8 =	vmul.f32 v12, v12;
	v15 =	vmul.f32 v11, v11;
	_ =	swait.ge [sflag:s31], $0x800  }
0x60d: {  	v5 =	vsub.f32 v42, v10;
	v1 =	vadd.f32 v6, v1;
	v39 =	vor.u32 v55, v23;
	v3 =	vld [tilespmem:$0x1FF40]  }
0x60e: {  	v13 =	vor.u32 v62, v23;
	v37 =	vor.u32 v0, v23;
	v6 =	vor.u32 v52, v23  }
0x60f: {  	v30 =	vor.u32 v53, v23;
	v18 =	vadd.f32 v8, v1;
	v12 =	vor.u32 v4, v23  }
0x610: {  	v46 =	vor.u32 v59, v23;
	v14 =	vor.u32 v2, v23;
	v2 =	vor.u32 $0x3, v34  }
0x611: {  	v47 =	vor.u32 v60, v23;
	v16 =	vsub.f32 v35, v16;
	v38 =	vor.u32 $0x1, v34;
	[sflag:s31] =	ssyncset.done $0x0  }
0x612: {  	p2 =	sne.s32 s12, $0x1;
	v40 =	vor.u32 $0x2, v34;
	v10 =	vor.u32 $0x4, v34;
	[sflag:s31] =	ssyncadd.s32 $0xFFFFF800;
	v7 =	vor.u32 v3, v23  }
.Ltmp63:
0x613: {  	v11 =	vor.u32 $0x5, v34;
	v42 =	vor.u32 $0x6, v34;
	v27 =	vld.idx.msk [tilespmem:v13+s1+$0x0], $0xffff;
	v13 =	vadd.f32 v9, v18;
	(pc) =	sbr.rel @p2 .LBB2_83-.Ltmp63, $4  }
0x614: {  	v4 =	vor.u32 $0x7, v34;
	v44 =	vor.u32 $0x9, v34;
	v1 =	vor.u32 $0xA, v34;
	v8 =	vld.idx.msk [tilespmem:v12+s1+$0x0], $0xffff  }
0x615: {  	v41 =	vor.u32 $0xC, v34;
	v35 =	vor.u32 $0xE, v34;
	v49 =	vadd.f32 v15, v13;
	v12 =	vld.idx.msk [tilespmem:v2+s23+$0x0], $0xffff  }
0x616: {  	v48 =	vmul.f32 v16, v16;
	v13 =	vsub.f32 v45, v17;
	v45 =	vsub.f32 v50, v51;
	v43 =	vld.idx.msk [tilespmem:v14+s1+$0x0], $0xffff  }
0x617: {  	s12 =	sadd.s32 $0xFFFFFFFF, s12;
	v3 =	vor.u32 $0xB, v34;
	v2 =	vor.u32 $0xF, v34;
	v9 =	vld.idx.msk [tilespmem:v7+s1+$0x0], $0xffff;
	v7 =	vor.u32 $0xD, v34  }
0x618: {  	v60 =	vld [tilespmem:$0x1FF40];
	v61 =	vmov v19;
	v63 =	vmov v54  }
.LBB2_85:
0x619: {  	_ =	sdelay $0x3  }
0x61a: {  	v14 =	vld.idx.msk [tilespmem:v37+s1+$0x0], $0xffff  }
0x61b: {  	v15 =	vld.idx.msk [tilespmem:v34+s23+$0x0], $0xffff  }
0x61c: {  	v16 =	vld.idx.msk [tilespmem:v38+s23+$0x0], $0xffff  }
0x61d: {  	v6 =	vld.idx.msk [tilespmem:v6+s1+$0x0], $0xffff  }
0x61e: {  	v17 =	vld.idx.msk [tilespmem:v39+s1+$0x0], $0xffff  }
0x61f: {  	v18 =	vld.idx.msk [tilespmem:v40+s23+$0x0], $0xffff;
	_ =	sdelay $0x1  }
0x620: {  	v40 =	vld [tilespmem:$0x1FF30]  }
0x621: {  	v57 =	vld.idx.msk [tilespmem:v46+s1+$0x0], $0xffff  }
0x622: {  	v10 =	vld.idx.msk [tilespmem:v10+s23+$0x0], $0xffff;
	v14 =	vsub.f32 v16, v14;
	v6 =	vsub.f32 v15, v6  }
0x623: {  	v15 =	vsub.f32 v18, v17  }
0x624: {  	v11 =	vld.idx.msk [tilespmem:v11+s23+$0x0], $0xffff;
	v17 =	vor.u32 $0x8, v34;
	v14 =	vmul.f32 v14, v14;
	v6 =	vmul.f32 v6, v6  }
0x625: {  	v16 =	vld.idx.msk [tilespmem:v47+s1+$0x0], $0xffff;
	v18 =	vor.u32 v40, v23  }
0x626: {  	v42 =	vld.idx.msk [tilespmem:v42+s23+$0x0], $0xffff;
	v12 =	vsub.f32 v12, v57;
	v15 =	vmul.f32 v15, v15;
	v6 =	vadd.f32 v14, v6  }
0x627: {  	v4 =	vld.idx.msk [tilespmem:v4+s23+$0x0], $0xffff;
	v8 =	vsub.f32 v10, v8  }
0x628: {  	v46 =	vmul.f32 v12, v12;
	v12 =	vld.idx.msk [tilespmem:v30+s1+$0x0], $0xffff;
	v6 =	vadd.f32 v15, v6  }
0x629: {  	v8 =	vmul.f32 v8, v8;
	v14 =	vld.idx.msk [tilespmem:v17+s23+$0x0], $0xffff  }
0x62a: {  	v11 =	vsub.f32 v11, v16;
	v16 =	vld.idx.msk [tilespmem:v18+s1+$0x0], $0xffff;
	v15 =	vor.u32 v63, v23;
	v6 =	vadd.f32 v46, v6  }
0x62b: {  	v47 =	vsub.f32 v42, v43;
	v46 =	vld [tilespmem:$0x1FF80]  }
0x62c: {  	v18 =	vor.u32 v58, v23;
	v11 =	vmul.f32 v11, v11;
	v6 =	vadd.f32 v8, v6  }
0x62d: {  	v17 =	vld.idx.msk [tilespmem:v44+s23+$0x0], $0xffff;
	v4 =	vsub.f32 v4, v12;
	v8 =	vadd.f32 @p1 v20, v49  }
0x62e: {  	v1 =	vld.idx.msk [tilespmem:v1+s23+$0x0], $0xffff;
	v10 =	vmul.f32 v47, v47;
	v6 =	vadd.f32 v11, v6  }
0x62f: {  	v5 =	vmul.f32 @p1 v5, v5;
	v4 =	vmul.f32 v4, v4;
	v12 =	vld.idx.msk [tilespmem:v15+s1+$0x0], $0xffff;
	v8 =	vadd.f32 @p1 v48, v8  }
0x630: {  	v3 =	vld.idx.msk [tilespmem:v3+s23+$0x0], $0xffff;
	v14 =	vsub.f32 v14, v16;
	v50 =	vor.u32 v46, v23;
	v6 =	vadd.f32 v10, v6  }
0x631: {  	v51 =	vld.idx.msk [tilespmem:v18+s1+$0x0], $0xffff;
	v15 =	vor.u32 v61, v23;
	v5 =	vadd.f32 @p1 v5, v8;
	v8 =	vmul.f32 @p1 v26, v26  }
0x632: {  	v7 =	vld.idx.msk [tilespmem:v7+s23+$0x0], $0xffff;
	v9 =	vsub.f32 v17, v9;
	v14 =	vmul.f32 v14, v14;
	v4 =	vadd.f32 v4, v6  }
0x633: {  	v52 =	vor.u32 v56, v23;
	v6 =	vmul.f32 @p1 v13, v13;
	v13 =	vld.idx.msk [tilespmem:v41+s23+$0x0], $0xffff;
	v5 =	vadd.f32 @p1 v8, v5  }
0x634: {  	v9 =	vmul.f32 v9, v9;
	v1 =	vsub.f32 v1, v12;
	v12 =	vld.idx.msk [tilespmem:v35+s23+$0x0], $0xffff;
	v4 =	vadd.f32 v14, v4  }
0x635: {  	v5 =	vadd.f32 @p1 v6, v5;
	v6 =	vmul.f32 @p1 v45, v45;
	v11 =	vld.idx.msk [tilespmem:v50+s1+$0x0], $0xffff  }
0x636: {  	v3 =	vsub.f32 v3, v51;
	v54 =	vld.idx.msk [tilespmem:v15+s1+$0x0], $0xffff;
	v1 =	vmul.f32 v1, v1;
	v4 =	vadd.f32 v9, v4  }
0x637: {  	v2 =	vld.idx.msk [tilespmem:v2+s23+$0x0], $0xffff;
	v10 =	vsub.f32 @p1 v25, v33;
	v9 =	vmul.f32 @p1 v31, v31;
	v5 =	vadd.f32 @p1 v6, v5  }
0x638: {  	v8 =	vld.idx.msk [tilespmem:v52+s1+$0x0], $0xffff;
	v3 =	vmul.f32 v3, v3;
	v13 =	vsub.f32 v13, v27;
	v1 =	vadd.f32 v1, v4  }
0x639: {  	v4 =	vmul.f32 @p1 v10, v10;
	v5 =	vadd.f32 @p1 v9, v5  }
0x63a: {  	v57 =	vmul.f32 v13, v13;
	v7 =	vsub.f32 v7, v11;
	v1 =	vadd.f32 v3, v1  }
0x63b: {  	v6 =	vsub.f32 v12, v54;
	v10 =	vsub.f32 @p1 v24, v32  }
0x63c: {  	v4 =	vadd.f32 @p1 v4, v5;
	v5 =	vmul.f32 v7, v7;
	v1 =	vadd.f32 v57, v1  }
0x63d: {  	v2 =	vsub.f32 v2, v8;
	v6 =	vmul.f32 v6, v6  }
0x63e: {  	v3 =	vsub.f32 @p1 v28, v36;
	v10 =	vmul.f32 @p1 v10, v10;
	v1 =	vadd.f32 v5, v1  }
0x63f: {  	v2 =	vmul.f32 v2, v2  }
0x640: {  	v4 =	vadd.f32 @p1 v10, v4;
	v3 =	vmul.f32 @p1 v3, v3;
	v1 =	vadd.f32 v6, v1;
	_ =	sdelay $0x1  }
0x641: {  	v3 =	vadd.f32 @p1 v3, v4;
	v1 =	vadd.f32 v2, v1;
	v2 =	vld [tilespmem:$0x1FEB0]  }
0x642: {  	s8 =	sadd.s32 @p1 $0x10, s10;
	vm1 =	vlt.s32 @p1 v22, v21  }
0x643: {  	v0 =	vlaneseq.u32;
	s9 =	smov.u32 @p1 s8;
	v3 =	vnsel @p1 vm1, $0x0, v3  }
.Ltmp64:
0x644: {  	v19 =	vld [tilespmem:$0x1FEF0];
	v4 =	vor.u32 s9, v0;
	v3 =	vadd.f32 @p1 v3, v29;
	(pc) =	sbr.rel .LBB2_86-.Ltmp64, $4  }
0x645: {  	v17 =	vld [tilespmem:$0x1FF00];
	vm1 =	vlt.s32 v4, v21  }
0x646: {  	v18 =	vld [tilespmem:$0x1FF10];
	v1 =	vnsel vm1, $0x0, v1;
	v2 =	vpsel p1, v3, v2  }
0x647: {  	v57 =	vld [tilespmem:$0x1FFB0];
	v15 =	vadd.f32 v1, v2  }
0x648: {  	v22 =	vmovc v59;
	v59 =	vmovc v40;
	v44 =	vmov v56;
	v48 =	vmov v55;
	v45 =	vmov v53;
	v3 =	vld [tilespmem:$0x1FFA0]  }
.LBB2_78:
.Ltmp65:
0x649: {  	(pc) =	sbr.rel .LBB2_86-.Ltmp65, $4  }
0x64a: {  	v3 =	vld [tilespmem:$0x1FFA0]  }
0x64b: {  	v46 =	vld [tilespmem:$0x1FF80]  }
0x64c: {  	v57 =	vld [tilespmem:$0x1FFB0]  }
0x64d: {  	v59 =	vld [tilespmem:$0x1FF30];
	v44 =	vmov v51  }
.LBB2_72:
.Ltmp66:
0x64e: {  	(pc) =	sbr.rel .LBB2_77-.Ltmp66, $2  }
0x64f: {  	_ =	sdelay $0x2  }
0x650: {  	v51 =	vmov v44;
	s11 =	simm.s32 $0x0;
	s9 =	simm.s32 $0x0;
	v57 =	vld [tilespmem:$0x1FED0]  }
.LBB2_74:
.Ltmp67:
0x651: {  	(pc) =	sbr.rel .LBB2_77-.Ltmp67, $2  }
0x652: {  	_ =	sdelay $0x2  }
0x653: {  	v51 =	vmov v44;
	s11 =	simm.s32 $0x0;
	s9 =	simm.s32 $0x0  }
.LBB2_80:
.Ltmp68:
0x654: {  	(pc) =	sbr.rel .LBB2_85-.Ltmp68, $2  }
0x655: {  	_ =	sdelay $0x2  }
0x656: {  	v53 =	vmovc v45;
	v60 =	vld [tilespmem:$0x1FF40];
	v55 =	vmov v48;
	s10 =	simm.s32 $0x0;
	v29 =	vmov v15;
	v56 =	vmov v51  }
.LBB2_82:
.Ltmp69:
0x657: {  	(pc) =	sbr.rel .LBB2_85-.Ltmp69, $3  }
0x658: {  	_ =	sdelay $0x1  }
0x659: {  	v60 =	vld [tilespmem:$0x1FF40]  }
0x65a: {  	s10 =	simm.s32 $0x0;
	v29 =	vld [tilespmem:$0x1FEB0];
	v61 =	vmov v19;
	v63 =	vmov v54  }
.LBB2_87:
0x65b: {  	_ =	sfence.sel $0x180000  }
0x65c: {  	[bflag:$0x0] =	sbarrier.arrive $0xFFFF  }
0x65d: {  	_ =	strace $0x90000047  }
0x65e: {  	[bflag:$0x2] =	sbarrier.arrive $0xFFFF  }
0x65f: {  	s0 =	rddreg [dreg:$0x4]  }
0x660: {  	s0 =	sadd.s32 @!p0 $0x100000, s0  }
0x661: {  	[sflag:s0] =	ssyncadd.tile.s32 @!p0 $0x1;
	_ =	shalt  }
.Lfunc_end2:
_tile_overlayer_lowered:
.L_overlay_start_2:
0x662: {  	(tag) =	ssettag $0x2  }
0x663: {  	s0 =	rddreg [dreg:$0x0];
	s2 =	stileid.u32  }
0x664: {  	s1 =	rddreg [dreg:$0x1];
	p0 =	sne.s32 s2, $0x0  }
0x665: {  	s3 =	rddreg [dreg:$0x2];
	[bflag:$0x3] =	sbarrier.arrive $0xFFFF;
	s2 =	simm.s32 @!p0 $0x1C03  }
0x666: {  	[timem:s3], [sflag:s2] =	dma.local @!p0 [hbm:s0], s1  }
0x667: {  	s0 =	simm.s32 @!p0 $0x3  }
0x668: {  	_ =	swait.ge @!p0 [sflag:s0], s1  }
0x669: {  	s1 =	ssub.s32 @!p0 $0x0, s1;
	[sflag:s0] =	ssyncset.done @!p0 $0x0  }
0x66a: {  	[sflag:s0] =	ssyncadd.s32 @!p0 s1  }
0x66b: {  	[bflag:$0x3] =	sbarrier.arrive $0xFFFF  }
0x66c: {  	_ =	shalt  }

</sc_bundles>
